<compile_context>
chip_gen: v7x
topology: tpu7x:2x2x1
jax: 0.10.2.dev20260603
libtpu: 0.0.44.dev20260713+nightly
codegen_flags: <defaults>
</compile_context>

<pallas_src>
import jax
import jax.numpy as jnp
from jax import lax
from jax.experimental import pallas as pl
from jax.experimental.pallas import tpu as pltpu
from jax.experimental.pallas import tpu_sc as plsc

_BATCH = 16384
_D = 3200
_NUM_GROUPS = 10
_NUM_SLICES = 5
_CHUNK = 32
_GROUP_W = _NUM_SLICES * _CHUNK
_READ_W = 1664

_info = plsc.get_sparse_core_info()
_NC = _info.num_cores
_NS = _info.num_subcores
_NW = _NC * _NS
_RPW = _BATCH // _NW
_CR = 8
_NCHUNK = _RPW // _CR


def _body(in_hbm, *rest):
    outs = rest[:_NUM_GROUPS]
    in_bufs = rest[_NUM_GROUPS : _NUM_GROUPS + 2]
    out_bufs = [
        rest[_NUM_GROUPS + 2 + u * _NUM_GROUPS :][:_NUM_GROUPS]
        for u in (0, 1)
    ]
    sems = rest[_NUM_GROUPS + 2 + 2 * _NUM_GROUPS :]
    rsems = sems[0:2]
    wsems = sems[2:4]
    wid = lax.axis_index("s") * _NC + lax.axis_index("c")
    row0 = wid * _RPW

    def read_desc(c, u):
        return pltpu.make_async_copy(
            in_hbm.at[pl.ds(row0 + c * _CR, _CR), pl.ds(0, _READ_W)],
            in_bufs[u],
            rsems[u],
        )

    def write_desc(c, u, g):
        return pltpu.make_async_copy(
            out_bufs[u][g],
            outs[g].at[pl.ds(row0 + c * _CR, _CR), :],
            wsems[u],
        )

    read_desc(0, 0).start()
    read_desc(1, 1).start()

    def chunk_pair(c2, _):
        for u in (0, 1):
            c = c2 * 2 + u
            read_desc(c, u).wait()

            @pl.when(c >= 2)
            def _():
                for g in range(_NUM_GROUPS):
                    write_desc(c - 2, u, g).wait()

            @plsc.parallel_loop(0, _CR, step=1, unroll=2)
            def _(r):
                for g in range(_NUM_GROUPS):
                    for j in range(_NUM_SLICES):
                        src = (j * _NUM_GROUPS + g) * _CHUNK
                        dst = j * _CHUNK
                        for k in (0, 16):
                            out_bufs[u][g][r, pl.ds(dst + k, 16)] = in_bufs[
                                u
                            ][r, pl.ds(src + k, 16)]

            for g in range(_NUM_GROUPS):
                write_desc(c, u, g).start()

            @pl.when(c + 2 < _NCHUNK)
            def _():
                read_desc(c + 2, u).start()

        return 0

    lax.fori_loop(0, _NCHUNK // 2, chunk_pair, 0)

    for u in (0, 1):
        for g in range(_NUM_GROUPS):
            write_desc(_NCHUNK - 2 + u, u, g).wait()


def kernel(input_tensor):
    out_type = [
        jax.ShapeDtypeStruct((_BATCH, _GROUP_W), jnp.float32)
    ] * _NUM_GROUPS
    f = pl.kernel(
        _body,
        out_type=out_type,
        mesh=plsc.VectorSubcoreMesh(core_axis_name="c", subcore_axis_name="s"),
        scratch_types=(
            [pltpu.VMEM((_CR, _READ_W), jnp.float32)] * 2
            + [pltpu.VMEM((_CR, _GROUP_W), jnp.float32)] * (2 * _NUM_GROUPS)
            + [pltpu.SemaphoreType.DMA] * 4
        ),
        compiler_params=pltpu.CompilerParams(use_tc_tiling_on_sc=True),
    )
    return tuple(f(input_tensor))

# --- scband reference (transcript-rebuilt; emitter-appended) ---
"""Pipeline reference for scband-fuse-slice-cat-same-input-module-v2-5720896438285 (READ-ONLY COPY).

The authoritative reference and input builder live on the scoring server;
editing this copy changes nothing except your own understanding.
"""

import jax, jax.numpy as jnp
import numpy as np

BATCH = 16384
D = 3200
MANY_SLICES = [[[(j * 10 + g) * 32, (j * 10 + g) * 32 + 32] for j in range(5)] for g in range(10)]

def _build_indices():
    indices = []
    sizes = []
    for slices in MANY_SLICES:
        s = 0
        for (start, end) in slices:
            indices.extend(range(start, end))
            s += end - start
        sizes.append(s)
    return np.asarray(indices, dtype=np.int32), sizes

INDICES_NP, SIZES = _build_indices()

def setup_inputs(seed: int = 0) -> dict:
    key = jax.random.key(seed)
    input_tensor = jax.random.normal(key, (BATCH, D), dtype=jnp.float32)
    return {"input_tensor": input_tensor}

def reference(input_tensor):
    # fused_slice_cat: gather all requested columns in one pass (column gather on last dim)
    idx = jnp.asarray(INDICES_NP)
    gathered = jnp.take(input_tensor, idx, axis=1)
    # fused_slice_low_v2: split the packed gather back into one output per slice-group
    outs = []
    off = 0
    for s in SIZES:
        outs.append(gathered[:, off:off + s])
        off += s
    return tuple(outs)

if __name__ == "__main__":
    import jax
    _d = setup_inputs()
    print(jax.jit(kernel)(*tuple(_d.values())))

</pallas_src>

<mosaic_0001>
#map = affine_map<(d0, d1) -> (0, 0)>
module attributes {stable_mosaic.version = 14 : i64} {
  func.func @_body(%arg0: i32, %arg1: i32, %arg2: memref<16384x3200xf32, #tpu.memory_space<hbm>>, %arg3: memref<16384x160xf32, #tpu.memory_space<hbm>>, %arg4: memref<16384x160xf32, #tpu.memory_space<hbm>>, %arg5: memref<16384x160xf32, #tpu.memory_space<hbm>>, %arg6: memref<16384x160xf32, #tpu.memory_space<hbm>>, %arg7: memref<16384x160xf32, #tpu.memory_space<hbm>>, %arg8: memref<16384x160xf32, #tpu.memory_space<hbm>>, %arg9: memref<16384x160xf32, #tpu.memory_space<hbm>>, %arg10: memref<16384x160xf32, #tpu.memory_space<hbm>>, %arg11: memref<16384x160xf32, #tpu.memory_space<hbm>>, %arg12: memref<16384x160xf32, #tpu.memory_space<hbm>>, %arg13: memref<8x1664xf32, #tpu.memory_space<vmem>>, %arg14: memref<8x1664xf32, #tpu.memory_space<vmem>>, %arg15: memref<8x160xf32, #tpu.memory_space<vmem>>, %arg16: memref<8x160xf32, #tpu.memory_space<vmem>>, %arg17: memref<8x160xf32, #tpu.memory_space<vmem>>, %arg18: memref<8x160xf32, #tpu.memory_space<vmem>>, %arg19: memref<8x160xf32, #tpu.memory_space<vmem>>, %arg20: memref<8x160xf32, #tpu.memory_space<vmem>>, %arg21: memref<8x160xf32, #tpu.memory_space<vmem>>, %arg22: memref<8x160xf32, #tpu.memory_space<vmem>>, %arg23: memref<8x160xf32, #tpu.memory_space<vmem>>, %arg24: memref<8x160xf32, #tpu.memory_space<vmem>>, %arg25: memref<8x160xf32, #tpu.memory_space<vmem>>, %arg26: memref<8x160xf32, #tpu.memory_space<vmem>>, %arg27: memref<8x160xf32, #tpu.memory_space<vmem>>, %arg28: memref<8x160xf32, #tpu.memory_space<vmem>>, %arg29: memref<8x160xf32, #tpu.memory_space<vmem>>, %arg30: memref<8x160xf32, #tpu.memory_space<vmem>>, %arg31: memref<8x160xf32, #tpu.memory_space<vmem>>, %arg32: memref<8x160xf32, #tpu.memory_space<vmem>>, %arg33: memref<8x160xf32, #tpu.memory_space<vmem>>, %arg34: memref<8x160xf32, #tpu.memory_space<vmem>>, %arg35: memref<!tpu.dma_semaphore, #tpu.memory_space<semaphore_mem>>, %arg36: memref<!tpu.dma_semaphore, #tpu.memory_space<semaphore_mem>>, %arg37: memref<!tpu.dma_semaphore, #tpu.memory_space<semaphore_mem>>, %arg38: memref<!tpu.dma_semaphore, #tpu.memory_space<semaphore_mem>>) attributes {dimension_semantics = [#tpu.dimension_semantics<core_parallel>, #tpu.dimension_semantics<subcore_parallel>], iteration_bounds = array<i64: 2, 16>, scalar_prefetch = 0 : i64, scratch_operands = 26 : i64, tpu.core_type = #tpu.core_type<sc_vector_subcore>, window_params = [{transform_indices = #map}, {transform_indices = #map}, {transform_indices = #map}, {transform_indices = #map}, {transform_indices = #map}, {transform_indices = #map}, {transform_indices = #map}, {transform_indices = #map}, {transform_indices = #map}, {transform_indices = #map}, {transform_indices = #map}]} {
    %mul3A = arith.constant 2 : i32
    %mul3A_0 = arith.muli %arg1, %mul3A : i32
    %add3A = arith.addi %mul3A_0, %arg0 : i32
    %mul3A_1 = arith.constant 512 : i32
    %mul3A_2 = arith.muli %add3A, %mul3A_1 : i32
    %add3A_3 = arith.constant 0 : i32
    %add3A_4 = arith.addi %mul3A_2, %add3A_3 : i32
    %dma_start3A = arith.constant 0 : i32
    %dma_start3A_5 = tpu.memref_slice %arg2[%add3A_4, %dma_start3A] : memref<16384x3200xf32, #tpu.memory_space<hbm>> -> memref<8x1664xf32, #tpu.memory_space<hbm>>
    %dma_start3A_6 = arith.constant 0 : i32
    %dma_start3A_7 = tpu.memref_slice %arg2[%add3A_4, %dma_start3A_6] : memref<16384x3200xf32, #tpu.memory_space<hbm>> -> memref<8x1664xf32, #tpu.memory_space<hbm>>
    tpu.enqueue_dma source(%dma_start3A_7 : memref<8x1664xf32, #tpu.memory_space<hbm>>) target(%arg13 : memref<8x1664xf32, #tpu.memory_space<vmem>>) target_semaphore(%arg35 : memref<!tpu.dma_semaphore, #tpu.memory_space<semaphore_mem>>)
    %add3A_8 = arith.constant 8 : i32
    %add3A_9 = arith.addi %mul3A_2, %add3A_8 : i32
    %dma_start3A_10 = arith.constant 0 : i32
    %dma_start3A_11 = tpu.memref_slice %arg2[%add3A_9, %dma_start3A_10] : memref<16384x3200xf32, #tpu.memory_space<hbm>> -> memref<8x1664xf32, #tpu.memory_space<hbm>>
    %dma_start3A_12 = arith.constant 0 : i32
    %dma_start3A_13 = tpu.memref_slice %arg2[%add3A_9, %dma_start3A_12] : memref<16384x3200xf32, #tpu.memory_space<hbm>> -> memref<8x1664xf32, #tpu.memory_space<hbm>>
    tpu.enqueue_dma source(%dma_start3A_13 : memref<8x1664xf32, #tpu.memory_space<hbm>>) target(%arg14 : memref<8x1664xf32, #tpu.memory_space<vmem>>) target_semaphore(%arg36 : memref<!tpu.dma_semaphore, #tpu.memory_space<semaphore_mem>>)
    %scan3A = arith.constant 0 : i32
    %scan3A_14 = arith.constant 0 : i32
    %scan3A_15 = arith.constant 32 : i32
    %scan3A_16 = arith.addi %scan3A_14, %scan3A_15 : i32
    %scan3A_17 = arith.constant 1 : i32
    %scan3A_18 = scf.for %scan3A_139 = %scan3A_14 to %scan3A_16 step %scan3A_17 iter_args(%scan3A_140 = %scan3A) -> (i32)  : i32 {
      %mul3A_141 = arith.constant 2 : i32
      %mul3A_142 = arith.muli %scan3A_139, %mul3A_141 : i32
      %add3A_143 = arith.constant 0 : i32
      %add3A_144 = arith.addi %mul3A_142, %add3A_143 : i32
      %mul3A_145 = arith.constant 8 : i32
      %mul3A_146 = arith.muli %add3A_144, %mul3A_145 : i32
      %add3A_147 = arith.addi %mul3A_2, %mul3A_146 : i32
      %dma_wait3A_148 = arith.constant 0 : i32
      %dma_wait3A_149 = tpu.memref_slice %arg2[%add3A_147, %dma_wait3A_148] : memref<16384x3200xf32, #tpu.memory_space<hbm>> -> memref<8x1664xf32, #tpu.memory_space<hbm>>
      %dma_wait3A_150 = arith.constant 0 : i32
      %dma_wait3A_151 = tpu.memref_slice %arg2[%add3A_147, %dma_wait3A_150] : memref<16384x3200xf32, #tpu.memory_space<hbm>> -> memref<8x1664xf32, #tpu.memory_space<hbm>>
      tpu.wait_dma2 semaphore(%arg35 : memref<!tpu.dma_semaphore, #tpu.memory_space<semaphore_mem>>) src(%dma_wait3A_151 : memref<8x1664xf32, #tpu.memory_space<hbm>>) dst(%arg13 : memref<8x1664xf32, #tpu.memory_space<vmem>>)
      %ge3A = arith.constant 2 : i32
      %ge3A_152 = arith.cmpi sge, %add3A_144, %ge3A : i32
      %convert_element_type3A = arith.extui %ge3A_152 : i1 to i32
      %cond3A = arith.constant 0 : i32
      %cond3A_153 = arith.cmpi ne, %convert_element_type3A, %cond3A : i32
      scf.if %cond3A_153 {
        %sub3A = arith.constant 2 : i32
        %sub3A_329 = arith.subi %add3A_144, %sub3A : i32
        %mul3A_330 = arith.constant 8 : i32
        %mul3A_331 = arith.muli %sub3A_329, %mul3A_330 : i32
        %add3A_332 = arith.addi %mul3A_2, %mul3A_331 : i32
        %dma_wait3A_333 = arith.constant 0 : i32
        %dma_wait3A_334 = tpu.memref_slice %arg3[%add3A_332, %dma_wait3A_333] : memref<16384x160xf32, #tpu.memory_space<hbm>> -> memref<8x160xf32, #tpu.memory_space<hbm>>
        %dma_wait3A_335 = arith.constant 0 : i32
        %dma_wait3A_336 = tpu.memref_slice %arg3[%add3A_332, %dma_wait3A_335] : memref<16384x160xf32, #tpu.memory_space<hbm>> -> memref<8x160xf32, #tpu.memory_space<hbm>>
        tpu.wait_dma2 semaphore(%arg37 : memref<!tpu.dma_semaphore, #tpu.memory_space<semaphore_mem>>) src(%arg15 : memref<8x160xf32, #tpu.memory_space<vmem>>) dst(%dma_wait3A_336 : memref<8x160xf32, #tpu.memory_space<hbm>>)
        %sub3A_337 = arith.constant 2 : i32
        %sub3A_338 = arith.subi %add3A_144, %sub3A_337 : i32
        %mul3A_339 = arith.constant 8 : i32
        %mul3A_340 = arith.muli %sub3A_338, %mul3A_339 : i32
        %add3A_341 = arith.addi %mul3A_2, %mul3A_340 : i32
        %dma_wait3A_342 = arith.constant 0 : i32
        %dma_wait3A_343 = tpu.memref_slice %arg4[%add3A_341, %dma_wait3A_342] : memref<16384x160xf32, #tpu.memory_space<hbm>> -> memref<8x160xf32, #tpu.memory_space<hbm>>
        %dma_wait3A_344 = arith.constant 0 : i32
        %dma_wait3A_345 = tpu.memref_slice %arg4[%add3A_341, %dma_wait3A_344] : memref<16384x160xf32, #tpu.memory_space<hbm>> -> memref<8x160xf32, #tpu.memory_space<hbm>>
        tpu.wait_dma2 semaphore(%arg37 : memref<!tpu.dma_semaphore, #tpu.memory_space<semaphore_mem>>) src(%arg16 : memref<8x160xf32, #tpu.memory_space<vmem>>) dst(%dma_wait3A_345 : memref<8x160xf32, #tpu.memory_space<hbm>>)
        %sub3A_346 = arith.constant 2 : i32
        %sub3A_347 = arith.subi %add3A_144, %sub3A_346 : i32
        %mul3A_348 = arith.constant 8 : i32
        %mul3A_349 = arith.muli %sub3A_347, %mul3A_348 : i32
        %add3A_350 = arith.addi %mul3A_2, %mul3A_349 : i32
        %dma_wait3A_351 = arith.constant 0 : i32
        %dma_wait3A_352 = tpu.memref_slice %arg5[%add3A_350, %dma_wait3A_351] : memref<16384x160xf32, #tpu.memory_space<hbm>> -> memref<8x160xf32, #tpu.memory_space<hbm>>
        %dma_wait3A_353 = arith.constant 0 : i32
        %dma_wait3A_354 = tpu.memref_slice %arg5[%add3A_350, %dma_wait3A_353] : memref<16384x160xf32, #tpu.memory_space<hbm>> -> memref<8x160xf32, #tpu.memory_space<hbm>>
        tpu.wait_dma2 semaphore(%arg37 : memref<!tpu.dma_semaphore, #tpu.memory_space<semaphore_mem>>) src(%arg17 : memref<8x160xf32, #tpu.memory_space<vmem>>) dst(%dma_wait3A_354 : memref<8x160xf32, #tpu.memory_space<hbm>>)
        %sub3A_355 = arith.constant 2 : i32
        %sub3A_356 = arith.subi %add3A_144, %sub3A_355 : i32
        %mul3A_357 = arith.constant 8 : i32
        %mul3A_358 = arith.muli %sub3A_356, %mul3A_357 : i32
        %add3A_359 = arith.addi %mul3A_2, %mul3A_358 : i32
        %dma_wait3A_360 = arith.constant 0 : i32
        %dma_wait3A_361 = tpu.memref_slice %arg6[%add3A_359, %dma_wait3A_360] : memref<16384x160xf32, #tpu.memory_space<hbm>> -> memref<8x160xf32, #tpu.memory_space<hbm>>
        %dma_wait3A_362 = arith.constant 0 : i32
        %dma_wait3A_363 = tpu.memref_slice %arg6[%add3A_359, %dma_wait3A_362] : memref<16384x160xf32, #tpu.memory_space<hbm>> -> memref<8x160xf32, #tpu.memory_space<hbm>>
        tpu.wait_dma2 semaphore(%arg37 : memref<!tpu.dma_semaphore, #tpu.memory_space<semaphore_mem>>) src(%arg18 : memref<8x160xf32, #tpu.memory_space<vmem>>) dst(%dma_wait3A_363 : memref<8x160xf32, #tpu.memory_space<hbm>>)
        %sub3A_364 = arith.constant 2 : i32
        %sub3A_365 = arith.subi %add3A_144, %sub3A_364 : i32
        %mul3A_366 = arith.constant 8 : i32
        %mul3A_367 = arith.muli %sub3A_365, %mul3A_366 : i32
        %add3A_368 = arith.addi %mul3A_2, %mul3A_367 : i32
        %dma_wait3A_369 = arith.constant 0 : i32
        %dma_wait3A_370 = tpu.memref_slice %arg7[%add3A_368, %dma_wait3A_369] : memref<16384x160xf32, #tpu.memory_space<hbm>> -> memref<8x160xf32, #tpu.memory_space<hbm>>
        %dma_wait3A_371 = arith.constant 0 : i32
        %dma_wait3A_372 = tpu.memref_slice %arg7[%add3A_368, %dma_wait3A_371] : memref<16384x160xf32, #tpu.memory_space<hbm>> -> memref<8x160xf32, #tpu.memory_space<hbm>>
        tpu.wait_dma2 semaphore(%arg37 : memref<!tpu.dma_semaphore, #tpu.memory_space<semaphore_mem>>) src(%arg19 : memref<8x160xf32, #tpu.memory_space<vmem>>) dst(%dma_wait3A_372 : memref<8x160xf32, #tpu.memory_space<hbm>>)
        %sub3A_373 = arith.constant 2 : i32
        %sub3A_374 = arith.subi %add3A_144, %sub3A_373 : i32
        %mul3A_375 = arith.constant 8 : i32
        %mul3A_376 = arith.muli %sub3A_374, %mul3A_375 : i32
        %add3A_377 = arith.addi %mul3A_2, %mul3A_376 : i32
        %dma_wait3A_378 = arith.constant 0 : i32
        %dma_wait3A_379 = tpu.memref_slice %arg8[%add3A_377, %dma_wait3A_378] : memref<16384x160xf32, #tpu.memory_space<hbm>> -> memref<8x160xf32, #tpu.memory_space<hbm>>
        %dma_wait3A_380 = arith.constant 0 : i32
        %dma_wait3A_381 = tpu.memref_slice %arg8[%add3A_377, %dma_wait3A_380] : memref<16384x160xf32, #tpu.memory_space<hbm>> -> memref<8x160xf32, #tpu.memory_space<hbm>>
        tpu.wait_dma2 semaphore(%arg37 : memref<!tpu.dma_semaphore, #tpu.memory_space<semaphore_mem>>) src(%arg20 : memref<8x160xf32, #tpu.memory_space<vmem>>) dst(%dma_wait3A_381 : memref<8x160xf32, #tpu.memory_space<hbm>>)
        %sub3A_382 = arith.constant 2 : i32
        %sub3A_383 = arith.subi %add3A_144, %sub3A_382 : i32
        %mul3A_384 = arith.constant 8 : i32
        %mul3A_385 = arith.muli %sub3A_383, %mul3A_384 : i32
        %add3A_386 = arith.addi %mul3A_2, %mul3A_385 : i32
        %dma_wait3A_387 = arith.constant 0 : i32
        %dma_wait3A_388 = tpu.memref_slice %arg9[%add3A_386, %dma_wait3A_387] : memref<16384x160xf32, #tpu.memory_space<hbm>> -> memref<8x160xf32, #tpu.memory_space<hbm>>
        %dma_wait3A_389 = arith.constant 0 : i32
        %dma_wait3A_390 = tpu.memref_slice %arg9[%add3A_386, %dma_wait3A_389] : memref<16384x160xf32, #tpu.memory_space<hbm>> -> memref<8x160xf32, #tpu.memory_space<hbm>>
        tpu.wait_dma2 semaphore(%arg37 : memref<!tpu.dma_semaphore, #tpu.memory_space<semaphore_mem>>) src(%arg21 : memref<8x160xf32, #tpu.memory_space<vmem>>) dst(%dma_wait3A_390 : memref<8x160xf32, #tpu.memory_space<hbm>>)
        %sub3A_391 = arith.constant 2 : i32
        %sub3A_392 = arith.subi %add3A_144, %sub3A_391 : i32
        %mul3A_393 = arith.constant 8 : i32
        %mul3A_394 = arith.muli %sub3A_392, %mul3A_393 : i32
        %add3A_395 = arith.addi %mul3A_2, %mul3A_394 : i32
        %dma_wait3A_396 = arith.constant 0 : i32
        %dma_wait3A_397 = tpu.memref_slice %arg10[%add3A_395, %dma_wait3A_396] : memref<16384x160xf32, #tpu.memory_space<hbm>> -> memref<8x160xf32, #tpu.memory_space<hbm>>
        %dma_wait3A_398 = arith.constant 0 : i32
        %dma_wait3A_399 = tpu.memref_slice %arg10[%add3A_395, %dma_wait3A_398] : memref<16384x160xf32, #tpu.memory_space<hbm>> -> memref<8x160xf32, #tpu.memory_space<hbm>>
        tpu.wait_dma2 semaphore(%arg37 : memref<!tpu.dma_semaphore, #tpu.memory_space<semaphore_mem>>) src(%arg22 : memref<8x160xf32, #tpu.memory_space<vmem>>) dst(%dma_wait3A_399 : memref<8x160xf32, #tpu.memory_space<hbm>>)
        %sub3A_400 = arith.constant 2 : i32
        %sub3A_401 = arith.subi %add3A_144, %sub3A_400 : i32
        %mul3A_402 = arith.constant 8 : i32
        %mul3A_403 = arith.muli %sub3A_401, %mul3A_402 : i32
        %add3A_404 = arith.addi %mul3A_2, %mul3A_403 : i32
        %dma_wait3A_405 = arith.constant 0 : i32
        %dma_wait3A_406 = tpu.memref_slice %arg11[%add3A_404, %dma_wait3A_405] : memref<16384x160xf32, #tpu.memory_space<hbm>> -> memref<8x160xf32, #tpu.memory_space<hbm>>
        %dma_wait3A_407 = arith.constant 0 : i32
        %dma_wait3A_408 = tpu.memref_slice %arg11[%add3A_404, %dma_wait3A_407] : memref<16384x160xf32, #tpu.memory_space<hbm>> -> memref<8x160xf32, #tpu.memory_space<hbm>>
        tpu.wait_dma2 semaphore(%arg37 : memref<!tpu.dma_semaphore, #tpu.memory_space<semaphore_mem>>) src(%arg23 : memref<8x160xf32, #tpu.memory_space<vmem>>) dst(%dma_wait3A_408 : memref<8x160xf32, #tpu.memory_space<hbm>>)
        %sub3A_409 = arith.constant 2 : i32
        %sub3A_410 = arith.subi %add3A_144, %sub3A_409 : i32
        %mul3A_411 = arith.constant 8 : i32
        %mul3A_412 = arith.muli %sub3A_410, %mul3A_411 : i32
        %add3A_413 = arith.addi %mul3A_2, %mul3A_412 : i32
        %dma_wait3A_414 = arith.constant 0 : i32
        %dma_wait3A_415 = tpu.memref_slice %arg12[%add3A_413, %dma_wait3A_414] : memref<16384x160xf32, #tpu.memory_space<hbm>> -> memref<8x160xf32, #tpu.memory_space<hbm>>
        %dma_wait3A_416 = arith.constant 0 : i32
        %dma_wait3A_417 = tpu.memref_slice %arg12[%add3A_413, %dma_wait3A_416] : memref<16384x160xf32, #tpu.memory_space<hbm>> -> memref<8x160xf32, #tpu.memory_space<hbm>>
        tpu.wait_dma2 semaphore(%arg37 : memref<!tpu.dma_semaphore, #tpu.memory_space<semaphore_mem>>) src(%arg24 : memref<8x160xf32, #tpu.memory_space<vmem>>) dst(%dma_wait3A_417 : memref<8x160xf32, #tpu.memory_space<hbm>>)
      } else {
      }
      %parallel_loop3A = arith.constant 0 : i32
      %parallel_loop3A_154 = arith.constant 8 : i32
      %parallel_loop3A_155 = arith.constant 1 : i32
      scf.for %parallel_loop3A_329 = %parallel_loop3A to %parallel_loop3A_154 step %parallel_loop3A_155  : i32 {
        %parallel_loop3A_330 = arith.index_cast %parallel_loop3A_329 : i32 to index
        %parallel_loop3A_331 = arith.constant 0 : index
        %parallel_loop3A_332 = tpu.vector_load %arg13[%parallel_loop3A_330, %parallel_loop3A_331] {strides = array<i32>} : memref<8x1664xf32, #tpu.memory_space<vmem>>, vector<1x16xf32>,
        %parallel_loop3A_333 = vector.shape_cast %parallel_loop3A_332 : vector<1x16xf32> to vector<16xf32>
        %parallel_loop3A_334 = arith.index_cast %parallel_loop3A_329 : i32 to index
        %parallel_loop3A_335 = arith.constant 0 : index
        %parallel_loop3A_336 = tpu.vector_load %arg15[%parallel_loop3A_334, %parallel_loop3A_335] {strides = array<i32>} : memref<8x160xf32, #tpu.memory_space<vmem>>, vector<1x16xf32>,
        %parallel_loop3A_337 = vector.shape_cast %parallel_loop3A_336 : vector<1x16xf32> to vector<16xf32>
        %parallel_loop3A_338 = vector.shape_cast %parallel_loop3A_333 : vector<16xf32> to vector<1x16xf32>
        tpu.vector_store %arg15[%parallel_loop3A_334, %parallel_loop3A_335], %parallel_loop3A_338 {strides = array<i32>} : memref<8x160xf32, #tpu.memory_space<vmem>>, vector<1x16xf32>,
        %parallel_loop3A_339 = arith.index_cast %parallel_loop3A_329 : i32 to index
        %parallel_loop3A_340 = arith.constant 16 : index
        %parallel_loop3A_341 = tpu.vector_load %arg13[%parallel_loop3A_339, %parallel_loop3A_340] {strides = array<i32>} : memref<8x1664xf32, #tpu.memory_space<vmem>>, vector<1x16xf32>,
        %parallel_loop3A_342 = vector.shape_cast %parallel_loop3A_341 : vector<1x16xf32> to vector<16xf32>
        %parallel_loop3A_343 = arith.index_cast %parallel_loop3A_329 : i32 to index
        %parallel_loop3A_344 = arith.constant 16 : index
        %parallel_loop3A_345 = tpu.vector_load %arg15[%parallel_loop3A_343, %parallel_loop3A_344] {strides = array<i32>} : memref<8x160xf32, #tpu.memory_space<vmem>>, vector<1x16xf32>,
        %parallel_loop3A_346 = vector.shape_cast %parallel_loop3A_345 : vector<1x16xf32> to vector<16xf32>
        %parallel_loop3A_347 = vector.shape_cast %parallel_loop3A_342 : vector<16xf32> to vector<1x16xf32>
        tpu.vector_store %arg15[%parallel_loop3A_343, %parallel_loop3A_344], %parallel_loop3A_347 {strides = array<i32>} : memref<8x160xf32, #tpu.memory_space<vmem>>, vector<1x16xf32>,
        %parallel_loop3A_348 = arith.index_cast %parallel_loop3A_329 : i32 to index
        %parallel_loop3A_349 = arith.constant 320 : index
        %parallel_loop3A_350 = tpu.vector_load %arg13[%parallel_loop3A_348, %parallel_loop3A_349] {strides = array<i32>} : memref<8x1664xf32, #tpu.memory_space<vmem>>, vector<1x16xf32>,
        %parallel_loop3A_351 = vector.shape_cast %parallel_loop3A_350 : vector<1x16xf32> to vector<16xf32>
        %parallel_loop3A_352 = arith.index_cast %parallel_loop3A_329 : i32 to index
        %parallel_loop3A_353 = arith.constant 32 : index
        %parallel_loop3A_354 = tpu.vector_load %arg15[%parallel_loop3A_352, %parallel_loop3A_353] {strides = array<i32>} : memref<8x160xf32, #tpu.memory_space<vmem>>, vector<1x16xf32>,
        %parallel_loop3A_355 = vector.shape_cast %parallel_loop3A_354 : vector<1x16xf32> to vector<16xf32>
        %parallel_loop3A_356 = vector.shape_cast %parallel_loop3A_351 : vector<16xf32> to vector<1x16xf32>
        tpu.vector_store %arg15[%parallel_loop3A_352, %parallel_loop3A_353], %parallel_loop3A_356 {strides = array<i32>} : memref<8x160xf32, #tpu.memory_space<vmem>>, vector<1x16xf32>,
        %parallel_loop3A_357 = arith.index_cast %parallel_loop3A_329 : i32 to index
        %parallel_loop3A_358 = arith.constant 336 : index
        %parallel_loop3A_359 = tpu.vector_load %arg13[%parallel_loop3A_357, %parallel_loop3A_358] {strides = array<i32>} : memref<8x1664xf32, #tpu.memory_space<vmem>>, vector<1x16xf32>,
        %parallel_loop3A_360 = vector.shape_cast %parallel_loop3A_359 : vector<1x16xf32> to vector<16xf32>
        %parallel_loop3A_361 = arith.index_cast %parallel_loop3A_329 : i32 to index
        %parallel_loop3A_362 = arith.constant 48 : index
        %parallel_loop3A_363 = tpu.vector_load %arg15[%parallel_loop3A_361, %parallel_loop3A_362] {strides = array<i32>} : memref<8x160xf32, #tpu.memory_space<vmem>>, vector<1x16xf32>,
        %parallel_loop3A_364 = vector.shape_cast %parallel_loop3A_363 : vector<1x16xf32> to vector<16xf32>
        %parallel_loop3A_365 = vector.shape_cast %parallel_loop3A_360 : vector<16xf32> to vector<1x16xf32>
        tpu.vector_store %arg15[%parallel_loop3A_361, %parallel_loop3A_362], %parallel_loop3A_365 {strides = array<i32>} : memref<8x160xf32, #tpu.memory_space<vmem>>, vector<1x16xf32>,
        %parallel_loop3A_366 = arith.index_cast %parallel_loop3A_329 : i32 to index
        %parallel_loop3A_367 = arith.constant 640 : index
        %parallel_loop3A_368 = tpu.vector_load %arg13[%parallel_loop3A_366, %parallel_loop3A_367] {strides = array<i32>} : memref<8x1664xf32, #tpu.memory_space<vmem>>, vector<1x16xf32>,
        %parallel_loop3A_369 = vector.shape_cast %parallel_loop3A_368 : vector<1x16xf32> to vector<16xf32>
        %parallel_loop3A_370 = arith.index_cast %parallel_loop3A_329 : i32 to index
        %parallel_loop3A_371 = arith.constant 64 : index
        %parallel_loop3A_372 = tpu.vector_load %arg15[%parallel_loop3A_370, %parallel_loop3A_371] {strides = array<i32>} : memref<8x160xf32, #tpu.memory_space<vmem>>, vector<1x16xf32>,
        %parallel_loop3A_373 = vector.shape_cast %parallel_loop3A_372 : vector<1x16xf32> to vector<16xf32>
        %parallel_loop3A_374 = vector.shape_cast %parallel_loop3A_369 : vector<16xf32> to vector<1x16xf32>
        tpu.vector_store %arg15[%parallel_loop3A_370, %parallel_loop3A_371], %parallel_loop3A_374 {strides = array<i32>} : memref<8x160xf32, #tpu.memory_space<vmem>>, vector<1x16xf32>,
        %parallel_loop3A_375 = arith.index_cast %parallel_loop3A_329 : i32 to index
        %parallel_loop3A_376 = arith.constant 656 : index
        %parallel_loop3A_377 = tpu.vector_load %arg13[%parallel_loop3A_375, %parallel_loop3A_376] {strides = array<i32>} : memref<8x1664xf32, #tpu.memory_space<vmem>>, vector<1x16xf32>,
        %parallel_loop3A_378 = vector.shape_cast %parallel_loop3A_377 : vector<1x16xf32> to vector<16xf32>
        %parallel_loop3A_379 = arith.index_cast %parallel_loop3A_329 : i32 to index
        %parallel_loop3A_380 = arith.constant 80 : index
        %parallel_loop3A_381 = tpu.vector_load %arg15[%parallel_loop3A_379, %parallel_loop3A_380] {strides = array<i32>} : memref<8x160xf32, #tpu.memory_space<vmem>>, vector<1x16xf32>,
        %parallel_loop3A_382 = vector.shape_cast %parallel_loop3A_381 : vector<1x16xf32> to vector<16xf32>
        %parallel_loop3A_383 = vector.shape_cast %parallel_loop3A_378 : vector<16xf32> to vector<1x16xf32>
        tpu.vector_store %arg15[%parallel_loop3A_379, %parallel_loop3A_380], %parallel_loop3A_383 {strides = array<i32>} : memref<8x160xf32, #tpu.memory_space<vmem>>, vector<1x16xf32>,
        %parallel_loop3A_384 = arith.index_cast %parallel_loop3A_329 : i32 to index
        %parallel_loop3A_385 = arith.constant 960 : index
        %parallel_loop3A_386 = tpu.vector_load %arg13[%parallel_loop3A_384, %parallel_loop3A_385] {strides = array<i32>} : memref<8x1664xf32, #tpu.memory_space<vmem>>, vector<1x16xf32>,
        %parallel_loop3A_387 = vector.shape_cast %parallel_loop3A_386 : vector<1x16xf32> to vector<16xf32>
        %parallel_loop3A_388 = arith.index_cast %parallel_loop3A_329 : i32 to index
        %parallel_loop3A_389 = arith.constant 96 : index
        %parallel_loop3A_390 = tpu.vector_load %arg15[%parallel_loop3A_388, %parallel_loop3A_389] {strides = array<i32>} : memref<8x160xf32, #tpu.memory_space<vmem>>, vector<1x16xf32>,
        %parallel_loop3A_391 = vector.shape_cast %parallel_loop3A_390 : vector<1x16xf32> to vector<16xf32>
        %parallel_loop3A_392 = vector.shape_cast %parallel_loop3A_387 : vector<16xf32> to vector<1x16xf32>
        tpu.vector_store %arg15[%parallel_loop3A_388, %parallel_loop3A_389], %parallel_loop3A_392 {strides = array<i32>} : memref<8x160xf32, #tpu.memory_space<vmem>>, vector<1x16xf32>,
        %parallel_loop3A_393 = arith.index_cast %parallel_loop3A_329 : i32 to index
        %parallel_loop3A_394 = arith.constant 976 : index
        %parallel_loop3A_395 = tpu.vector_load %arg13[%parallel_loop3A_393, %parallel_loop3A_394] {strides = array<i32>} : memref<8x1664xf32, #tpu.memory_space<vmem>>, vector<1x16xf32>,
        %parallel_loop3A_396 = vector.shape_cast %parallel_loop3A_395 : vector<1x16xf32> to vector<16xf32>
        %parallel_loop3A_397 = arith.index_cast %parallel_loop3A_329 : i32 to index
        %parallel_loop3A_398 = arith.constant 112 : index
        %parallel_loop3A_399 = tpu.vector_load %arg15[%parallel_loop3A_397, %parallel_loop3A_398] {strides = array<i32>} : memref<8x160xf32, #tpu.memory_space<vmem>>, vector<1x16xf32>,
        %parallel_loop3A_400 = vector.shape_cast %parallel_loop3A_399 : vector<1x16xf32> to vector<16xf32>
        %parallel_loop3A_401 = vector.shape_cast %parallel_loop3A_396 : vector<16xf32> to vector<1x16xf32>
        tpu.vector_store %arg15[%parallel_loop3A_397, %parallel_loop3A_398], %parallel_loop3A_401 {strides = array<i32>} : memref<8x160xf32, #tpu.memory_space<vmem>>, vector<1x16xf32>,
        %parallel_loop3A_402 = arith.index_cast %parallel_loop3A_329 : i32 to index
        %parallel_loop3A_403 = arith.constant 1280 : index
        %parallel_loop3A_404 = tpu.vector_load %arg13[%parallel_loop3A_402, %parallel_loop3A_403] {strides = array<i32>} : memref<8x1664xf32, #tpu.memory_space<vmem>>, vector<1x16xf32>,
        %parallel_loop3A_405 = vector.shape_cast %parallel_loop3A_404 : vector<1x16xf32> to vector<16xf32>
        %parallel_loop3A_406 = arith.index_cast %parallel_loop3A_329 : i32 to index
        %parallel_loop3A_407 = arith.constant 128 : index
        %parallel_loop3A_408 = tpu.vector_load %arg15[%parallel_loop3A_406, %parallel_loop3A_407] {strides = array<i32>} : memref<8x160xf32, #tpu.memory_space<vmem>>, vector<1x16xf32>,
        %parallel_loop3A_409 = vector.shape_cast %parallel_loop3A_408 : vector<1x16xf32> to vector<16xf32>
        %parallel_loop3A_410 = vector.shape_cast %parallel_loop3A_405 : vector<16xf32> to vector<1x16xf32>
        tpu.vector_store %arg15[%parallel_loop3A_406, %parallel_loop3A_407], %parallel_loop3A_410 {strides = array<i32>} : memref<8x160xf32, #tpu.memory_space<vmem>>, vector<1x16xf32>,
        %parallel_loop3A_411 = arith.index_cast %parallel_loop3A_329 : i32 to index
        %parallel_loop3A_412 = arith.constant 1296 : index
        %parallel_loop3A_413 = tpu.vector_load %arg13[%parallel_loop3A_411, %parallel_loop3A_412] {strides = array<i32>} : memref<8x1664xf32, #tpu.memory_space<vmem>>, vector<1x16xf32>,
        %parallel_loop3A_414 = vector.shape_cast %parallel_loop3A_413 : vector<1x16xf32> to vector<16xf32>
        %parallel_loop3A_415 = arith.index_cast %parallel_loop3A_329 : i32 to index
        %parallel_loop3A_416 = arith.constant 144 : index
        %parallel_loop3A_417 = tpu.vector_load %arg15[%parallel_loop3A_415, %parallel_loop3A_416] {strides = array<i32>} : memref<8x160xf32, #tpu.memory_space<vmem>>, vector<1x16xf32>,
        %parallel_loop3A_418 = vector.shape_cast %parallel_loop3A_417 : vector<1x16xf32> to vector<16xf32>
        %parallel_loop3A_419 = vector.shape_cast %parallel_loop3A_414 : vector<16xf32> to vector<1x16xf32>
        tpu.vector_store %arg15[%parallel_loop3A_415, %parallel_loop3A_416], %parallel_loop3A_419 {strides = array<i32>} : memref<8x160xf32, #tpu.memory_space<vmem>>, vector<1x16xf32>,
        %parallel_loop3A_420 = arith.index_cast %parallel_loop3A_329 : i32 to index
        %parallel_loop3A_421 = arith.constant 32 : index
        %parallel_loop3A_422 = tpu.vector_load %arg13[%parallel_loop3A_420, %parallel_loop3A_421] {strides = array<i32>} : memref<8x1664xf32, #tpu.memory_space<vmem>>, vector<1x16xf32>,
        %parallel_loop3A_423 = vector.shape_cast %parallel_loop3A_422 : vector<1x16xf32> to vector<16xf32>
        %parallel_loop3A_424 = arith.index_cast %parallel_loop3A_329 : i32 to index
        %parallel_loop3A_425 = arith.constant 0 : index
        %parallel_loop3A_426 = tpu.vector_load %arg16[%parallel_loop3A_424, %parallel_loop3A_425] {strides = array<i32>} : memref<8x160xf32, #tpu.memory_space<vmem>>, vector<1x16xf32>,
        %parallel_loop3A_427 = vector.shape_cast %parallel_loop3A_426 : vector<1x16xf32> to vector<16xf32>
        %parallel_loop3A_428 = vector.shape_cast %parallel_loop3A_423 : vector<16xf32> to vector<1x16xf32>
        tpu.vector_store %arg16[%parallel_loop3A_424, %parallel_loop3A_425], %parallel_loop3A_428 {strides = array<i32>} : memref<8x160xf32, #tpu.memory_space<vmem>>, vector<1x16xf32>,
        %parallel_loop3A_429 = arith.index_cast %parallel_loop3A_329 : i32 to index
        %parallel_loop3A_430 = arith.constant 48 : index
        %parallel_loop3A_431 = tpu.vector_load %arg13[%parallel_loop3A_429, %parallel_loop3A_430] {strides = array<i32>} : memref<8x1664xf32, #tpu.memory_space<vmem>>, vector<1x16xf32>,
        %parallel_loop3A_432 = vector.shape_cast %parallel_loop3A_431 : vector<1x16xf32> to vector<16xf32>
        %parallel_loop3A_433 = arith.index_cast %parallel_loop3A_329 : i32 to index
        %parallel_loop3A_434 = arith.constant 16 : index
        %parallel_loop3A_435 = tpu.vector_load %arg16[%parallel_loop3A_433, %parallel_loop3A_434] {strides = array<i32>} : memref<8x160xf32, #tpu.memory_space<vmem>>, vector<1x16xf32>,
        %parallel_loop3A_436 = vector.shape_cast %parallel_loop3A_435 : vector<1x16xf32> to vector<16xf32>
        %parallel_loop3A_437 = vector.shape_cast %parallel_loop3A_432 : vector<16xf32> to vector<1x16xf32>
        tpu.vector_store %arg16[%parallel_loop3A_433, %parallel_loop3A_434], %parallel_loop3A_437 {strides = array<i32>} : memref<8x160xf32, #tpu.memory_space<vmem>>, vector<1x16xf32>,
        %parallel_loop3A_438 = arith.index_cast %parallel_loop3A_329 : i32 to index
        %parallel_loop3A_439 = arith.constant 352 : index
        %parallel_loop3A_440 = tpu.vector_load %arg13[%parallel_loop3A_438, %parallel_loop3A_439] {strides = array<i32>} : memref<8x1664xf32, #tpu.memory_space<vmem>>, vector<1x16xf32>,
        %parallel_loop3A_441 = vector.shape_cast %parallel_loop3A_440 : vector<1x16xf32> to vector<16xf32>
        %parallel_loop3A_442 = arith.index_cast %parallel_loop3A_329 : i32 to index
        %parallel_loop3A_443 = arith.constant 32 : index
        %parallel_loop3A_444 = tpu.vector_load %arg16[%parallel_loop3A_442, %parallel_loop3A_443] {strides = array<i32>} : memref<8x160xf32, #tpu.memory_space<vmem>>, vector<1x16xf32>,
        %parallel_loop3A_445 = vector.shape_cast %parallel_loop3A_444 : vector<1x16xf32> to vector<16xf32>
        %parallel_loop3A_446 = vector.shape_cast %parallel_loop3A_441 : vector<16xf32> to vector<1x16xf32>
        tpu.vector_store %arg16[%parallel_loop3A_442, %parallel_loop3A_443], %parallel_loop3A_446 {strides = array<i32>} : memref<8x160xf32, #tpu.memory_space<vmem>>, vector<1x16xf32>,
        %parallel_loop3A_447 = arith.index_cast %parallel_loop3A_329 : i32 to index
        %parallel_loop3A_448 = arith.constant 368 : index
        %parallel_loop3A_449 = tpu.vector_load %arg13[%parallel_loop3A_447, %parallel_loop3A_448] {strides = array<i32>} : memref<8x1664xf32, #tpu.memory_space<vmem>>, vector<1x16xf32>,
        %parallel_loop3A_450 = vector.shape_cast %parallel_loop3A_449 : vector<1x16xf32> to vector<16xf32>
        %parallel_loop3A_451 = arith.index_cast %parallel_loop3A_329 : i32 to index
        %parallel_loop3A_452 = arith.constant 48 : index
        %parallel_loop3A_453 = tpu.vector_load %arg16[%parallel_loop3A_451, %parallel_loop3A_452] {strides = array<i32>} : memref<8x160xf32, #tpu.memory_space<vmem>>, vector<1x16xf32>,
        %parallel_loop3A_454 = vector.shape_cast %parallel_loop3A_453 : vector<1x16xf32> to vector<16xf32>
        %parallel_loop3A_455 = vector.shape_cast %parallel_loop3A_450 : vector<16xf32> to vector<1x16xf32>
        tpu.vector_store %arg16[%parallel_loop3A_451, %parallel_loop3A_452], %parallel_loop3A_455 {strides = array<i32>} : memref<8x160xf32, #tpu.memory_space<vmem>>, vector<1x16xf32>,
        %parallel_loop3A_456 = arith.index_cast %parallel_loop3A_329 : i32 to index
        %parallel_loop3A_457 = arith.constant 672 : index
        %parallel_loop3A_458 = tpu.vector_load %arg13[%parallel_loop3A_456, %parallel_loop3A_457] {strides = array<i32>} : memref<8x1664xf32, #tpu.memory_space<vmem>>, vector<1x16xf32>,
        %parallel_loop3A_459 = vector.shape_cast %parallel_loop3A_458 : vector<1x16xf32> to vector<16xf32>
        %parallel_loop3A_460 = arith.index_cast %parallel_loop3A_329 : i32 to index
        %parallel_loop3A_461 = arith.constant 64 : index
        %parallel_loop3A_462 = tpu.vector_load %arg16[%parallel_loop3A_460, %parallel_loop3A_461] {strides = array<i32>} : memref<8x160xf32, #tpu.memory_space<vmem>>, vector<1x16xf32>,
        %parallel_loop3A_463 = vector.shape_cast %parallel_loop3A_462 : vector<1x16xf32> to vector<16xf32>
        %parallel_loop3A_464 = vector.shape_cast %parallel_loop3A_459 : vector<16xf32> to vector<1x16xf32>
        tpu.vector_store %arg16[%parallel_loop3A_460, %parallel_loop3A_461], %parallel_loop3A_464 {strides = array<i32>} : memref<8x160xf32, #tpu.memory_space<vmem>>, vector<1x16xf32>,
        %parallel_loop3A_465 = arith.index_cast %parallel_loop3A_329 : i32 to index
        %parallel_loop3A_466 = arith.constant 688 : index
        %parallel_loop3A_467 = tpu.vector_load %arg13[%parallel_loop3A_465, %parallel_loop3A_466] {strides = array<i32>} : memref<8x1664xf32, #tpu.memory_space<vmem>>, vector<1x16xf32>,
        %parallel_loop3A_468 = vector.shape_cast %parallel_loop3A_467 : vector<1x16xf32> to vector<16xf32>
        %parallel_loop3A_469 = arith.index_cast %parallel_loop3A_329 : i32 to index
        %parallel_loop3A_470 = arith.constant 80 : index
        %parallel_loop3A_471 = tpu.vector_load %arg16[%parallel_loop3A_469, %parallel_loop3A_470] {strides = array<i32>} : memref<8x160xf32, #tpu.memory_space<vmem>>, vector<1x16xf32>,
        %parallel_loop3A_472 = vector.shape_cast %parallel_loop3A_471 : vector<1x16xf32> to vector<16xf32>
        %parallel_loop3A_473 = vector.shape_cast %parallel_loop3A_468 : vector<16xf32> to vector<1x16xf32>
        tpu.vector_store %arg16[%parallel_loop3A_469, %parallel_loop3A_470], %parallel_loop3A_473 {strides = array<i32>} : memref<8x160xf32, #tpu.memory_space<vmem>>, vector<1x16xf32>,
        %parallel_loop3A_474 = arith.index_cast %parallel_loop3A_329 : i32 to index
        %parallel_loop3A_475 = arith.constant 992 : index
        %parallel_loop3A_476 = tpu.vector_load %arg13[%parallel_loop3A_474, %parallel_loop3A_475] {strides = array<i32>} : memref<8x1664xf32, #tpu.memory_space<vmem>>, vector<1x16xf32>,
        %parallel_loop3A_477 = vector.shape_cast %parallel_loop3A_476 : vector<1x16xf32> to vector<16xf32>
        %parallel_loop3A_478 = arith.index_cast %parallel_loop3A_329 : i32 to index
        %parallel_loop3A_479 = arith.constant 96 : index
        %parallel_loop3A_480 = tpu.vector_load %arg16[%parallel_loop3A_478, %parallel_loop3A_479] {strides = array<i32>} : memref<8x160xf32, #tpu.memory_space<vmem>>, vector<1x16xf32>,
        %parallel_loop3A_481 = vector.shape_cast %parallel_loop3A_480 : vector<1x16xf32> to vector<16xf32>
        %parallel_loop3A_482 = vector.shape_cast %parallel_loop3A_477 : vector<16xf32> to vector<1x16xf32>
        tpu.vector_store %arg16[%parallel_loop3A_478, %parallel_loop3A_479], %parallel_loop3A_482 {strides = array<i32>} : memref<8x160xf32, #tpu.memory_space<vmem>>, vector<1x16xf32>,
        %parallel_loop3A_483 = arith.index_cast %parallel_loop3A_329 : i32 to index
        %parallel_loop3A_484 = arith.constant 1008 : index
        %parallel_loop3A_485 = tpu.vector_load %arg13[%parallel_loop3A_483, %parallel_loop3A_484] {strides = array<i32>} : memref<8x1664xf32, #tpu.memory_space<vmem>>, vector<1x16xf32>,
        %parallel_loop3A_486 = vector.shape_cast %parallel_loop3A_485 : vector<1x16xf32> to vector<16xf32>
        %parallel_loop3A_487 = arith.index_cast %parallel_loop3A_329 : i32 to index
        %parallel_loop3A_488 = arith.constant 112 : index
        %parallel_loop3A_489 = tpu.vector_load %arg16[%parallel_loop3A_487, %parallel_loop3A_488] {strides = array<i32>} : memref<8x160xf32, #tpu.memory_space<vmem>>, vector<1x16xf32>,
        %parallel_loop3A_490 = vector.shape_cast %parallel_loop3A_489 : vector<1x16xf32> to vector<16xf32>
        %parallel_loop3A_491 = vector.shape_cast %parallel_loop3A_486 : vector<16xf32> to vector<1x16xf32>
        tpu.vector_store %arg16[%parallel_loop3A_487, %parallel_loop3A_488], %parallel_loop3A_491 {strides = array<i32>} : memref<8x160xf32, #tpu.memory_space<vmem>>, vector<1x16xf32>,
        %parallel_loop3A_492 = arith.index_cast %parallel_loop3A_329 : i32 to index
        %parallel_loop3A_493 = arith.constant 1312 : index
        %parallel_loop3A_494 = tpu.vector_load %arg13[%parallel_loop3A_492, %parallel_loop3A_493] {strides = array<i32>} : memref<8x1664xf32, #tpu.memory_space<vmem>>, vector<1x16xf32>,
        %parallel_loop3A_495 = vector.shape_cast %parallel_loop3A_494 : vector<1x16xf32> to vector<16xf32>
        %parallel_loop3A_496 = arith.index_cast %parallel_loop3A_329 : i32 to index
        %parallel_loop3A_497 = arith.constant 128 : index
        %parallel_loop3A_498 = tpu.vector_load %arg16[%parallel_loop3A_496, %parallel_loop3A_497] {strides = array<i32>} : memref<8x160xf32, #tpu.memory_space<vmem>>, vector<1x16xf32>,
        %parallel_loop3A_499 = vector.shape_cast %parallel_loop3A_498 : vector<1x16xf32> to vector<16xf32>
        %parallel_loop3A_500 = vector.shape_cast %parallel_loop3A_495 : vector<16xf32> to vector<1x16xf32>
        tpu.vector_store %arg16[%parallel_loop3A_496, %parallel_loop3A_497], %parallel_loop3A_500 {strides = array<i32>} : memref<8x160xf32, #tpu.memory_space<vmem>>, vector<1x16xf32>,
        %parallel_loop3A_501 = arith.index_cast %parallel_loop3A_329 : i32 to index
        %parallel_loop3A_502 = arith.constant 1328 : index
        %parallel_loop3A_503 = tpu.vector_load %arg13[%parallel_loop3A_501, %parallel_loop3A_502] {strides = array<i32>} : memref<8x1664xf32, #tpu.memory_space<vmem>>, vector<1x16xf32>,
        %parallel_loop3A_504 = vector.shape_cast %parallel_loop3A_503 : vector<1x16xf32> to vector<16xf32>
        %parallel_loop3A_505 = arith.index_cast %parallel_loop3A_329 : i32 to index
        %parallel_loop3A_506 = arith.constant 144 : index
        %parallel_loop3A_507 = tpu.vector_load %arg16[%parallel_loop3A_505, %parallel_loop3A_506] {strides = array<i32>} : memref<8x160xf32, #tpu.memory_space<vmem>>, vector<1x16xf32>,
        %parallel_loop3A_508 = vector.shape_cast %parallel_loop3A_507 : vector<1x16xf32> to vector<16xf32>
        %parallel_loop3A_509 = vector.shape_cast %parallel_loop3A_504 : vector<16xf32> to vector<1x16xf32>
        tpu.vector_store %arg16[%parallel_loop3A_505, %parallel_loop3A_506], %parallel_loop3A_509 {strides = array<i32>} : memref<8x160xf32, #tpu.memory_space<vmem>>, vector<1x16xf32>,
        %parallel_loop3A_510 = arith.index_cast %parallel_loop3A_329 : i32 to index
        %parallel_loop3A_511 = arith.constant 64 : index
        %parallel_loop3A_512 = tpu.vector_load %arg13[%parallel_loop3A_510, %parallel_loop3A_511] {strides = array<i32>} : memref<8x1664xf32, #tpu.memory_space<vmem>>, vector<1x16xf32>,
        %parallel_loop3A_513 = vector.shape_cast %parallel_loop3A_512 : vector<1x16xf32> to vector<16xf32>
        %parallel_loop3A_514 = arith.index_cast %parallel_loop3A_329 : i32 to index
        %parallel_loop3A_515 = arith.constant 0 : index
        %parallel_loop3A_516 = tpu.vector_load %arg17[%parallel_loop3A_514, %parallel_loop3A_515] {strides = array<i32>} : memref<8x160xf32, #tpu.memory_space<vmem>>, vector<1x16xf32>,
        %parallel_loop3A_517 = vector.shape_cast %parallel_loop3A_516 : vector<1x16xf32> to vector<16xf32>
        %parallel_loop3A_518 = vector.shape_cast %parallel_loop3A_513 : vector<16xf32> to vector<1x16xf32>
        tpu.vector_store %arg17[%parallel_loop3A_514, %parallel_loop3A_515], %parallel_loop3A_518 {strides = array<i32>} : memref<8x160xf32, #tpu.memory_space<vmem>>, vector<1x16xf32>,
        %parallel_loop3A_519 = arith.index_cast %parallel_loop3A_329 : i32 to index
        %parallel_loop3A_520 = arith.constant 80 : index
        %parallel_loop3A_521 = tpu.vector_load %arg13[%parallel_loop3A_519, %parallel_loop3A_520] {strides = array<i32>} : memref<8x1664xf32, #tpu.memory_space<vmem>>, vector<1x16xf32>,
        %parallel_loop3A_522 = vector.shape_cast %parallel_loop3A_521 : vector<1x16xf32> to vector<16xf32>
        %parallel_loop3A_523 = arith.index_cast %parallel_loop3A_329 : i32 to index
        %parallel_loop3A_524 = arith.constant 16 : index
        %parallel_loop3A_525 = tpu.vector_load %arg17[%parallel_loop3A_523, %parallel_loop3A_524] {strides = array<i32>} : memref<8x160xf32, #tpu.memory_space<vmem>>, vector<1x16xf32>,
        %parallel_loop3A_526 = vector.shape_cast %parallel_loop3A_525 : vector<1x16xf32> to vector<16xf32>
        %parallel_loop3A_527 = vector.shape_cast %parallel_loop3A_522 : vector<16xf32> to vector<1x16xf32>
        tpu.vector_store %arg17[%parallel_loop3A_523, %parallel_loop3A_524], %parallel_loop3A_527 {strides = array<i32>} : memref<8x160xf32, #tpu.memory_space<vmem>>, vector<1x16xf32>,
        %parallel_loop3A_528 = arith.index_cast %parallel_loop3A_329 : i32 to index
        %parallel_loop3A_529 = arith.constant 384 : index
        %parallel_loop3A_530 = tpu.vector_load %arg13[%parallel_loop3A_528, %parallel_loop3A_529] {strides = array<i32>} : memref<8x1664xf32, #tpu.memory_space<vmem>>, vector<1x16xf32>,
        %parallel_loop3A_531 = vector.shape_cast %parallel_loop3A_530 : vector<1x16xf32> to vector<16xf32>
        %parallel_loop3A_532 = arith.index_cast %parallel_loop3A_329 : i32 to index
        %parallel_loop3A_533 = arith.constant 32 : index
        %parallel_loop3A_534 = tpu.vector_load %arg17[%parallel_loop3A_532, %parallel_loop3A_533] {strides = array<i32>} : memref<8x160xf32, #tpu.memory_space<vmem>>, vector<1x16xf32>,
        %parallel_loop3A_535 = vector.shape_cast %parallel_loop3A_534 : vector<1x16xf32> to vector<16xf32>
        %parallel_loop3A_536 = vector.shape_cast %parallel_loop3A_531 : vector<16xf32> to vector<1x16xf32>
        tpu.vector_store %arg17[%parallel_loop3A_532, %parallel_loop3A_533], %parallel_loop3A_536 {strides = array<i32>} : memref<8x160xf32, #tpu.memory_space<vmem>>, vector<1x16xf32>,
        %parallel_loop3A_537 = arith.index_cast %parallel_loop3A_329 : i32 to index
        %parallel_loop3A_538 = arith.constant 400 : index
        %parallel_loop3A_539 = tpu.vector_load %arg13[%parallel_loop3A_537, %parallel_loop3A_538] {strides = array<i32>} : memref<8x1664xf32, #tpu.memory_space<vmem>>, vector<1x16xf32>,
        %parallel_loop3A_540 = vector.shape_cast %parallel_loop3A_539 : vector<1x16xf32> to vector<16xf32>
        %parallel_loop3A_541 = arith.index_cast %parallel_loop3A_329 : i32 to index
        %parallel_loop3A_542 = arith.constant 48 : index
        %parallel_loop3A_543 = tpu.vector_load %arg17[%parallel_loop3A_541, %parallel_loop3A_542] {strides = array<i32>} : memref<8x160xf32, #tpu.memory_space<vmem>>, vector<1x16xf32>,
        %parallel_loop3A_544 = vector.shape_cast %parallel_loop3A_543 : vector<1x16xf32> to vector<16xf32>
        %parallel_loop3A_545 = vector.shape_cast %parallel_loop3A_540 : vector<16xf32> to vector<1x16xf32>
        tpu.vector_store %arg17[%parallel_loop3A_541, %parallel_loop3A_542], %parallel_loop3A_545 {strides = array<i32>} : memref<8x160xf32, #tpu.memory_space<vmem>>, vector<1x16xf32>,
        %parallel_loop3A_546 = arith.index_cast %parallel_loop3A_329 : i32 to index
        %parallel_loop3A_547 = arith.constant 704 : index
        %parallel_loop3A_548 = tpu.vector_load %arg13[%parallel_loop3A_546, %parallel_loop3A_547] {strides = array<i32>} : memref<8x1664xf32, #tpu.memory_space<vmem>>, vector<1x16xf32>,
        %parallel_loop3A_549 = vector.shape_cast %parallel_loop3A_548 : vector<1x16xf32> to vector<16xf32>
        %parallel_loop3A_550 = arith.index_cast %parallel_loop3A_329 : i32 to index
        %parallel_loop3A_551 = arith.constant 64 : index
        %parallel_loop3A_552 = tpu.vector_load %arg17[%parallel_loop3A_550, %parallel_loop3A_551] {strides = array<i32>} : memref<8x160xf32, #tpu.memory_space<vmem>>, vector<1x16xf32>,
        %parallel_loop3A_553 = vector.shape_cast %parallel_loop3A_552 : vector<1x16xf32> to vector<16xf32>
        %parallel_loop3A_554 = vector.shape_cast %parallel_loop3A_549 : vector<16xf32> to vector<1x16xf32>
        tpu.vector_store %arg17[%parallel_loop3A_550, %parallel_loop3A_551], %parallel_loop3A_554 {strides = array<i32>} : memref<8x160xf32, #tpu.memory_space<vmem>>, vector<1x16xf32>,
        %parallel_loop3A_555 = arith.index_cast %parallel_loop3A_329 : i32 to index
        %parallel_loop3A_556 = arith.constant 720 : index
        %parallel_loop3A_557 = tpu.vector_load %arg13[%parallel_loop3A_555, %parallel_loop3A_556] {strides = array<i32>} : memref<8x1664xf32, #tpu.memory_space<vmem>>, vector<1x16xf32>,
        %parallel_loop3A_558 = vector.shape_cast %parallel_loop3A_557 : vector<1x16xf32> to vector<16xf32>
        %parallel_loop3A_559 = arith.index_cast %parallel_loop3A_329 : i32 to index
        %parallel_loop3A_560 = arith.constant 80 : index
        %parallel_loop3A_561 = tpu.vector_load %arg17[%parallel_loop3A_559, %parallel_loop3A_560] {strides = array<i32>} : memref<8x160xf32, #tpu.memory_space<vmem>>, vector<1x16xf32>,
        %parallel_loop3A_562 = vector.shape_cast %parallel_loop3A_561 : vector<1x16xf32> to vector<16xf32>
        %parallel_loop3A_563 = vector.shape_cast %parallel_loop3A_558 : vector<16xf32> to vector<1x16xf32>
        tpu.vector_store %arg17[%parallel_loop3A_559, %parallel_loop3A_560], %parallel_loop3A_563 {strides = array<i32>} : memref<8x160xf32, #tpu.memory_space<vmem>>, vector<1x16xf32>,
        %parallel_loop3A_564 = arith.index_cast %parallel_loop3A_329 : i32 to index
        %parallel_loop3A_565 = arith.constant 1024 : index
        %parallel_loop3A_566 = tpu.vector_load %arg13[%parallel_loop3A_564, %parallel_loop3A_565] {strides = array<i32>} : memref<8x1664xf32, #tpu.memory_space<vmem>>, vector<1x16xf32>,
        %parallel_loop3A_567 = vector.shape_cast %parallel_loop3A_566 : vector<1x16xf32> to vector<16xf32>
        %parallel_loop3A_568 = arith.index_cast %parallel_loop3A_329 : i32 to index
        %parallel_loop3A_569 = arith.constant 96 : index
        %parallel_loop3A_570 = tpu.vector_load %arg17[%parallel_loop3A_568, %parallel_loop3A_569] {strides = array<i32>} : memref<8x160xf32, #tpu.memory_space<vmem>>, vector<1x16xf32>,
        %parallel_loop3A_571 = vector.shape_cast %parallel_loop3A_570 : vector<1x16xf32> to vector<16xf32>
        %parallel_loop3A_572 = vector.shape_cast %parallel_loop3A_567 : vector<16xf32> to vector<1x16xf32>
        tpu.vector_store %arg17[%parallel_loop3A_568, %parallel_loop3A_569], %parallel_loop3A_572 {strides = array<i32>} : memref<8x160xf32, #tpu.memory_space<vmem>>, vector<1x16xf32>,
        %parallel_loop3A_573 = arith.index_cast %parallel_loop3A_329 : i32 to index
        %parallel_loop3A_574 = arith.constant 1040 : index
        %parallel_loop3A_575 = tpu.vector_load %arg13[%parallel_loop3A_573, %parallel_loop3A_574] {strides = array<i32>} : memref<8x1664xf32, #tpu.memory_space<vmem>>, vector<1x16xf32>,
        %parallel_loop3A_576 = vector.shape_cast %parallel_loop3A_575 : vector<1x16xf32> to vector<16xf32>
        %parallel_loop3A_577 = arith.index_cast %parallel_loop3A_329 : i32 to index
        %parallel_loop3A_578 = arith.constant 112 : index
        %parallel_loop3A_579 = tpu.vector_load %arg17[%parallel_loop3A_577, %parallel_loop3A_578] {strides = array<i32>} : memref<8x160xf32, #tpu.memory_space<vmem>>, vector<1x16xf32>,
        %parallel_loop3A_580 = vector.shape_cast %parallel_loop3A_579 : vector<1x16xf32> to vector<16xf32>
        %parallel_loop3A_581 = vector.shape_cast %parallel_loop3A_576 : vector<16xf32> to vector<1x16xf32>
        tpu.vector_store %arg17[%parallel_loop3A_577, %parallel_loop3A_578], %parallel_loop3A_581 {strides = array<i32>} : memref<8x160xf32, #tpu.memory_space<vmem>>, vector<1x16xf32>,
        %parallel_loop3A_582 = arith.index_cast %parallel_loop3A_329 : i32 to index
        %parallel_loop3A_583 = arith.constant 1344 : index
        %parallel_loop3A_584 = tpu.vector_load %arg13[%parallel_loop3A_582, %parallel_loop3A_583] {strides = array<i32>} : memref<8x1664xf32, #tpu.memory_space<vmem>>, vector<1x16xf32>,
        %parallel_loop3A_585 = vector.shape_cast %parallel_loop3A_584 : vector<1x16xf32> to vector<16xf32>
        %parallel_loop3A_586 = arith.index_cast %parallel_loop3A_329 : i32 to index
        %parallel_loop3A_587 = arith.constant 128 : index
        %parallel_loop3A_588 = tpu.vector_load %arg17[%parallel_loop3A_586, %parallel_loop3A_587] {strides = array<i32>} : memref<8x160xf32, #tpu.memory_space<vmem>>, vector<1x16xf32>,
        %parallel_loop3A_589 = vector.shape_cast %parallel_loop3A_588 : vector<1x16xf32> to vector<16xf32>
        %parallel_loop3A_590 = vector.shape_cast %parallel_loop3A_585 : vector<16xf32> to vector<1x16xf32>
        tpu.vector_store %arg17[%parallel_loop3A_586, %parallel_loop3A_587], %parallel_loop3A_590 {strides = array<i32>} : memref<8x160xf32, #tpu.memory_space<vmem>>, vector<1x16xf32>,
        %parallel_loop3A_591 = arith.index_cast %parallel_loop3A_329 : i32 to index
        %parallel_loop3A_592 = arith.constant 1360 : index
        %parallel_loop3A_593 = tpu.vector_load %arg13[%parallel_loop3A_591, %parallel_loop3A_592] {strides = array<i32>} : memref<8x1664xf32, #tpu.memory_space<vmem>>, vector<1x16xf32>,
        %parallel_loop3A_594 = vector.shape_cast %parallel_loop3A_593 : vector<1x16xf32> to vector<16xf32>
        %parallel_loop3A_595 = arith.index_cast %parallel_loop3A_329 : i32 to index
        %parallel_loop3A_596 = arith.constant 144 : index
        %parallel_loop3A_597 = tpu.vector_load %arg17[%parallel_loop3A_595, %parallel_loop3A_596] {strides = array<i32>} : memref<8x160xf32, #tpu.memory_space<vmem>>, vector<1x16xf32>,
        %parallel_loop3A_598 = vector.shape_cast %parallel_loop3A_597 : vector<1x16xf32> to vector<16xf32>
        %parallel_loop3A_599 = vector.shape_cast %parallel_loop3A_594 : vector<16xf32> to vector<1x16xf32>
        tpu.vector_store %arg17[%parallel_loop3A_595, %parallel_loop3A_596], %parallel_loop3A_599 {strides = array<i32>} : memref<8x160xf32, #tpu.memory_space<vmem>>, vector<1x16xf32>,
        %parallel_loop3A_600 = arith.index_cast %parallel_loop3A_329 : i32 to index
        %parallel_loop3A_601 = arith.constant 96 : index
        %parallel_loop3A_602 = tpu.vector_load %arg13[%parallel_loop3A_600, %parallel_loop3A_601] {strides = array<i32>} : memref<8x1664xf32, #tpu.memory_space<vmem>>, vector<1x16xf32>,
        %parallel_loop3A_603 = vector.shape_cast %parallel_loop3A_602 : vector<1x16xf32> to vector<16xf32>
        %parallel_loop3A_604 = arith.index_cast %parallel_loop3A_329 : i32 to index
        %parallel_loop3A_605 = arith.constant 0 : index
        %parallel_loop3A_606 = tpu.vector_load %arg18[%parallel_loop3A_604, %parallel_loop3A_605] {strides = array<i32>} : memref<8x160xf32, #tpu.memory_space<vmem>>, vector<1x16xf32>,
        %parallel_loop3A_607 = vector.shape_cast %parallel_loop3A_606 : vector<1x16xf32> to vector<16xf32>
        %parallel_loop3A_608 = vector.shape_cast %parallel_loop3A_603 : vector<16xf32> to vector<1x16xf32>
        tpu.vector_store %arg18[%parallel_loop3A_604, %parallel_loop3A_605], %parallel_loop3A_608 {strides = array<i32>} : memref<8x160xf32, #tpu.memory_space<vmem>>, vector<1x16xf32>,
        %parallel_loop3A_609 = arith.index_cast %parallel_loop3A_329 : i32 to index
        %parallel_loop3A_610 = arith.constant 112 : index
        %parallel_loop3A_611 = tpu.vector_load %arg13[%parallel_loop3A_609, %parallel_loop3A_610] {strides = array<i32>} : memref<8x1664xf32, #tpu.memory_space<vmem>>, vector<1x16xf32>,
        %parallel_loop3A_612 = vector.shape_cast %parallel_loop3A_611 : vector<1x16xf32> to vector<16xf32>
        %parallel_loop3A_613 = arith.index_cast %parallel_loop3A_329 : i32 to index
        %parallel_loop3A_614 = arith.constant 16 : index
        %parallel_loop3A_615 = tpu.vector_load %arg18[%parallel_loop3A_613, %parallel_loop3A_614] {strides = array<i32>} : memref<8x160xf32, #tpu.memory_space<vmem>>, vector<1x16xf32>,
        %parallel_loop3A_616 = vector.shape_cast %parallel_loop3A_615 : vector<1x16xf32> to vector<16xf32>
        %parallel_loop3A_617 = vector.shape_cast %parallel_loop3A_612 : vector<16xf32> to vector<1x16xf32>
        tpu.vector_store %arg18[%parallel_loop3A_613, %parallel_loop3A_614], %parallel_loop3A_617 {strides = array<i32>} : memref<8x160xf32, #tpu.memory_space<vmem>>, vector<1x16xf32>,
        %parallel_loop3A_618 = arith.index_cast %parallel_loop3A_329 : i32 to index
        %parallel_loop3A_619 = arith.constant 416 : index
        %parallel_loop3A_620 = tpu.vector_load %arg13[%parallel_loop3A_618, %parallel_loop3A_619] {strides = array<i32>} : memref<8x1664xf32, #tpu.memory_space<vmem>>, vector<1x16xf32>,
        %parallel_loop3A_621 = vector.shape_cast %parallel_loop3A_620 : vector<1x16xf32> to vector<16xf32>
        %parallel_loop3A_622 = arith.index_cast %parallel_loop3A_329 : i32 to index
        %parallel_loop3A_623 = arith.constant 32 : index
        %parallel_loop3A_624 = tpu.vector_load %arg18[%parallel_loop3A_622, %parallel_loop3A_623] {strides = array<i32>} : memref<8x160xf32, #tpu.memory_space<vmem>>, vector<1x16xf32>,
        %parallel_loop3A_625 = vector.shape_cast %parallel_loop3A_624 : vector<1x16xf32> to vector<16xf32>
        %parallel_loop3A_626 = vector.shape_cast %parallel_loop3A_621 : vector<16xf32> to vector<1x16xf32>
        tpu.vector_store %arg18[%parallel_loop3A_622, %parallel_loop3A_623], %parallel_loop3A_626 {strides = array<i32>} : memref<8x160xf32, #tpu.memory_space<vmem>>, vector<1x16xf32>,
        %parallel_loop3A_627 = arith.index_cast %parallel_loop3A_329 : i32 to index
        %parallel_loop3A_628 = arith.constant 432 : index
        %parallel_loop3A_629 = tpu.vector_load %arg13[%parallel_loop3A_627, %parallel_loop3A_628] {strides = array<i32>} : memref<8x1664xf32, #tpu.memory_space<vmem>>, vector<1x16xf32>,
        %parallel_loop3A_630 = vector.shape_cast %parallel_loop3A_629 : vector<1x16xf32> to vector<16xf32>
        %parallel_loop3A_631 = arith.index_cast %parallel_loop3A_329 : i32 to index
        %parallel_loop3A_632 = arith.constant 48 : index
        %parallel_loop3A_633 = tpu.vector_load %arg18[%parallel_loop3A_631, %parallel_loop3A_632] {strides = array<i32>} : memref<8x160xf32, #tpu.memory_space<vmem>>, vector<1x16xf32>,
        %parallel_loop3A_634 = vector.shape_cast %parallel_loop3A_633 : vector<1x16xf32> to vector<16xf32>
        %parallel_loop3A_635 = vector.shape_cast %parallel_loop3A_630 : vector<16xf32> to vector<1x16xf32>
        tpu.vector_store %arg18[%parallel_loop3A_631, %parallel_loop3A_632], %parallel_loop3A_635 {strides = array<i32>} : memref<8x160xf32, #tpu.memory_space<vmem>>, vector<1x16xf32>,
        %parallel_loop3A_636 = arith.index_cast %parallel_loop3A_329 : i32 to index
        %parallel_loop3A_637 = arith.constant 736 : index
        %parallel_loop3A_638 = tpu.vector_load %arg13[%parallel_loop3A_636, %parallel_loop3A_637] {strides = array<i32>} : memref<8x1664xf32, #tpu.memory_space<vmem>>, vector<1x16xf32>,
        %parallel_loop3A_639 = vector.shape_cast %parallel_loop3A_638 : vector<1x16xf32> to vector<16xf32>
        %parallel_loop3A_640 = arith.index_cast %parallel_loop3A_329 : i32 to index
        %parallel_loop3A_641 = arith.constant 64 : index
        %parallel_loop3A_642 = tpu.vector_load %arg18[%parallel_loop3A_640, %parallel_loop3A_641] {strides = array<i32>} : memref<8x160xf32, #tpu.memory_space<vmem>>, vector<1x16xf32>,
        %parallel_loop3A_643 = vector.shape_cast %parallel_loop3A_642 : vector<1x16xf32> to vector<16xf32>
        %parallel_loop3A_644 = vector.shape_cast %parallel_loop3A_639 : vector<16xf32> to vector<1x16xf32>
        tpu.vector_store %arg18[%parallel_loop3A_640, %parallel_loop3A_641], %parallel_loop3A_644 {strides = array<i32>} : memref<8x160xf32, #tpu.memory_space<vmem>>, vector<1x16xf32>,
        %parallel_loop3A_645 = arith.index_cast %parallel_loop3A_329 : i32 to index
        %parallel_loop3A_646 = arith.constant 752 : index
        %parallel_loop3A_647 = tpu.vector_load %arg13[%parallel_loop3A_645, %parallel_loop3A_646] {strides = array<i32>} : memref<8x1664xf32, #tpu.memory_space<vmem>>, vector<1x16xf32>,
        %parallel_loop3A_648 = vector.shape_cast %parallel_loop3A_647 : vector<1x16xf32> to vector<16xf32>
        %parallel_loop3A_649 = arith.index_cast %parallel_loop3A_329 : i32 to index
        %parallel_loop3A_650 = arith.constant 80 : index
        %parallel_loop3A_651 = tpu.vector_load %arg18[%parallel_loop3A_649, %parallel_loop3A_650] {strides = array<i32>} : memref<8x160xf32, #tpu.memory_space<vmem>>, vector<1x16xf32>,
        %parallel_loop3A_652 = vector.shape_cast %parallel_loop3A_651 : vector<1x16xf32> to vector<16xf32>
        %parallel_loop3A_653 = vector.shape_cast %parallel_loop3A_648 : vector<16xf32> to vector<1x16xf32>
        tpu.vector_store %arg18[%parallel_loop3A_649, %parallel_loop3A_650], %parallel_loop3A_653 {strides = array<i32>} : memref<8x160xf32, #tpu.memory_space<vmem>>, vector<1x16xf32>,
        %parallel_loop3A_654 = arith.index_cast %parallel_loop3A_329 : i32 to index
        %parallel_loop3A_655 = arith.constant 1056 : index
        %parallel_loop3A_656 = tpu.vector_load %arg13[%parallel_loop3A_654, %parallel_loop3A_655] {strides = array<i32>} : memref<8x1664xf32, #tpu.memory_space<vmem>>, vector<1x16xf32>,
        %parallel_loop3A_657 = vector.shape_cast %parallel_loop3A_656 : vector<1x16xf32> to vector<16xf32>
        %parallel_loop3A_658 = arith.index_cast %parallel_loop3A_329 : i32 to index
        %parallel_loop3A_659 = arith.constant 96 : index
        %parallel_loop3A_660 = tpu.vector_load %arg18[%parallel_loop3A_658, %parallel_loop3A_659] {strides = array<i32>} : memref<8x160xf32, #tpu.memory_space<vmem>>, vector<1x16xf32>,
        %parallel_loop3A_661 = vector.shape_cast %parallel_loop3A_660 : vector<1x16xf32> to vector<16xf32>
        %parallel_loop3A_662 = vector.shape_cast %parallel_loop3A_657 : vector<16xf32> to vector<1x16xf32>
        tpu.vector_store %arg18[%parallel_loop3A_658, %parallel_loop3A_659], %parallel_loop3A_662 {strides = array<i32>} : memref<8x160xf32, #tpu.memory_space<vmem>>, vector<1x16xf32>,
        %parallel_loop3A_663 = arith.index_cast %parallel_loop3A_329 : i32 to index
        %parallel_loop3A_664 = arith.constant 1072 : index
        %parallel_loop3A_665 = tpu.vector_load %arg13[%parallel_loop3A_663, %parallel_loop3A_664] {strides = array<i32>} : memref<8x1664xf32, #tpu.memory_space<vmem>>, vector<1x16xf32>,
        %parallel_loop3A_666 = vector.shape_cast %parallel_loop3A_665 : vector<1x16xf32> to vector<16xf32>
        %parallel_loop3A_667 = arith.index_cast %parallel_loop3A_329 : i32 to index
        %parallel_loop3A_668 = arith.constant 112 : index
        %parallel_loop3A_669 = tpu.vector_load %arg18[%parallel_loop3A_667, %parallel_loop3A_668] {strides = array<i32>} : memref<8x160xf32, #tpu.memory_space<vmem>>, vector<1x16xf32>,
        %parallel_loop3A_670 = vector.shape_cast %parallel_loop3A_669 : vector<1x16xf32> to vector<16xf32>
        %parallel_loop3A_671 = vector.shape_cast %parallel_loop3A_666 : vector<16xf32> to vector<1x16xf32>
        tpu.vector_store %arg18[%parallel_loop3A_667, %parallel_loop3A_668], %parallel_loop3A_671 {strides = array<i32>} : memref<8x160xf32, #tpu.memory_space<vmem>>, vector<1x16xf32>,
        %parallel_loop3A_672 = arith.index_cast %parallel_loop3A_329 : i32 to index
        %parallel_loop3A_673 = arith.constant 1376 : index
        %parallel_loop3A_674 = tpu.vector_load %arg13[%parallel_loop3A_672, %parallel_loop3A_673] {strides = array<i32>} : memref<8x1664xf32, #tpu.memory_space<vmem>>, vector<1x16xf32>,
        %parallel_loop3A_675 = vector.shape_cast %parallel_loop3A_674 : vector<1x16xf32> to vector<16xf32>
        %parallel_loop3A_676 = arith.index_cast %parallel_loop3A_329 : i32 to index
        %parallel_loop3A_677 = arith.constant 128 : index
        %parallel_loop3A_678 = tpu.vector_load %arg18[%parallel_loop3A_676, %parallel_loop3A_677] {strides = array<i32>} : memref<8x160xf32, #tpu.memory_space<vmem>>, vector<1x16xf32>,
        %parallel_loop3A_679 = vector.shape_cast %parallel_loop3A_678 : vector<1x16xf32> to vector<16xf32>
        %parallel_loop3A_680 = vector.shape_cast %parallel_loop3A_675 : vector<16xf32> to vector<1x16xf32>
        tpu.vector_store %arg18[%parallel_loop3A_676, %parallel_loop3A_677], %parallel_loop3A_680 {strides = array<i32>} : memref<8x160xf32, #tpu.memory_space<vmem>>, vector<1x16xf32>,
        %parallel_loop3A_681 = arith.index_cast %parallel_loop3A_329 : i32 to index
        %parallel_loop3A_682 = arith.constant 1392 : index
        %parallel_loop3A_683 = tpu.vector_load %arg13[%parallel_loop3A_681, %parallel_loop3A_682] {strides = array<i32>} : memref<8x1664xf32, #tpu.memory_space<vmem>>, vector<1x16xf32>,
        %parallel_loop3A_684 = vector.shape_cast %parallel_loop3A_683 : vector<1x16xf32> to vector<16xf32>
        %parallel_loop3A_685 = arith.index_cast %parallel_loop3A_329 : i32 to index
        %parallel_loop3A_686 = arith.constant 144 : index
        %parallel_loop3A_687 = tpu.vector_load %arg18[%parallel_loop3A_685, %parallel_loop3A_686] {strides = array<i32>} : memref<8x160xf32, #tpu.memory_space<vmem>>, vector<1x16xf32>,
        %parallel_loop3A_688 = vector.shape_cast %parallel_loop3A_687 : vector<1x16xf32> to vector<16xf32>
        %parallel_loop3A_689 = vector.shape_cast %parallel_loop3A_684 : vector<16xf32> to vector<1x16xf32>
        tpu.vector_store %arg18[%parallel_loop3A_685, %parallel_loop3A_686], %parallel_loop3A_689 {strides = array<i32>} : memref<8x160xf32, #tpu.memory_space<vmem>>, vector<1x16xf32>,
        %parallel_loop3A_690 = arith.index_cast %parallel_loop3A_329 : i32 to index
        %parallel_loop3A_691 = arith.constant 128 : index
        %parallel_loop3A_692 = tpu.vector_load %arg13[%parallel_loop3A_690, %parallel_loop3A_691] {strides = array<i32>} : memref<8x1664xf32, #tpu.memory_space<vmem>>, vector<1x16xf32>,
        %parallel_loop3A_693 = vector.shape_cast %parallel_loop3A_692 : vector<1x16xf32> to vector<16xf32>
        %parallel_loop3A_694 = arith.index_cast %parallel_loop3A_329 : i32 to index
        %parallel_loop3A_695 = arith.constant 0 : index
        %parallel_loop3A_696 = tpu.vector_load %arg19[%parallel_loop3A_694, %parallel_loop3A_695] {strides = array<i32>} : memref<8x160xf32, #tpu.memory_space<vmem>>, vector<1x16xf32>,
        %parallel_loop3A_697 = vector.shape_cast %parallel_loop3A_696 : vector<1x16xf32> to vector<16xf32>
        %parallel_loop3A_698 = vector.shape_cast %parallel_loop3A_693 : vector<16xf32> to vector<1x16xf32>
        tpu.vector_store %arg19[%parallel_loop3A_694, %parallel_loop3A_695], %parallel_loop3A_698 {strides = array<i32>} : memref<8x160xf32, #tpu.memory_space<vmem>>, vector<1x16xf32>,
        %parallel_loop3A_699 = arith.index_cast %parallel_loop3A_329 : i32 to index
        %parallel_loop3A_700 = arith.constant 144 : index
        %parallel_loop3A_701 = tpu.vector_load %arg13[%parallel_loop3A_699, %parallel_loop3A_700] {strides = array<i32>} : memref<8x1664xf32, #tpu.memory_space<vmem>>, vector<1x16xf32>,
        %parallel_loop3A_702 = vector.shape_cast %parallel_loop3A_701 : vector<1x16xf32> to vector<16xf32>
        %parallel_loop3A_703 = arith.index_cast %parallel_loop3A_329 : i32 to index
        %parallel_loop3A_704 = arith.constant 16 : index
        %parallel_loop3A_705 = tpu.vector_load %arg19[%parallel_loop3A_703, %parallel_loop3A_704] {strides = array<i32>} : memref<8x160xf32, #tpu.memory_space<vmem>>, vector<1x16xf32>,
        %parallel_loop3A_706 = vector.shape_cast %parallel_loop3A_705 : vector<1x16xf32> to vector<16xf32>
        %parallel_loop3A_707 = vector.shape_cast %parallel_loop3A_702 : vector<16xf32> to vector<1x16xf32>
        tpu.vector_store %arg19[%parallel_loop3A_703, %parallel_loop3A_704], %parallel_loop3A_707 {strides = array<i32>} : memref<8x160xf32, #tpu.memory_space<vmem>>, vector<1x16xf32>,
        %parallel_loop3A_708 = arith.index_cast %parallel_loop3A_329 : i32 to index
        %parallel_loop3A_709 = arith.constant 448 : index
        %parallel_loop3A_710 = tpu.vector_load %arg13[%parallel_loop3A_708, %parallel_loop3A_709] {strides = array<i32>} : memref<8x1664xf32, #tpu.memory_space<vmem>>, vector<1x16xf32>,
        %parallel_loop3A_711 = vector.shape_cast %parallel_loop3A_710 : vector<1x16xf32> to vector<16xf32>
        %parallel_loop3A_712 = arith.index_cast %parallel_loop3A_329 : i32 to index
        %parallel_loop3A_713 = arith.constant 32 : index
        %parallel_loop3A_714 = tpu.vector_load %arg19[%parallel_loop3A_712, %parallel_loop3A_713] {strides = array<i32>} : memref<8x160xf32, #tpu.memory_space<vmem>>, vector<1x16xf32>,
        %parallel_loop3A_715 = vector.shape_cast %parallel_loop3A_714 : vector<1x16xf32> to vector<16xf32>
        %parallel_loop3A_716 = vector.shape_cast %parallel_loop3A_711 : vector<16xf32> to vector<1x16xf32>
        tpu.vector_store %arg19[%parallel_loop3A_712, %parallel_loop3A_713], %parallel_loop3A_716 {strides = array<i32>} : memref<8x160xf32, #tpu.memory_space<vmem>>, vector<1x16xf32>,
        %parallel_loop3A_717 = arith.index_cast %parallel_loop3A_329 : i32 to index
        %parallel_loop3A_718 = arith.constant 464 : index
        %parallel_loop3A_719 = tpu.vector_load %arg13[%parallel_loop3A_717, %parallel_loop3A_718] {strides = array<i32>} : memref<8x1664xf32, #tpu.memory_space<vmem>>, vector<1x16xf32>,
        %parallel_loop3A_720 = vector.shape_cast %parallel_loop3A_719 : vector<1x16xf32> to vector<16xf32>
        %parallel_loop3A_721 = arith.index_cast %parallel_loop3A_329 : i32 to index
        %parallel_loop3A_722 = arith.constant 48 : index
        %parallel_loop3A_723 = tpu.vector_load %arg19[%parallel_loop3A_721, %parallel_loop3A_722] {strides = array<i32>} : memref<8x160xf32, #tpu.memory_space<vmem>>, vector<1x16xf32>,
        %parallel_loop3A_724 = vector.shape_cast %parallel_loop3A_723 : vector<1x16xf32> to vector<16xf32>
        %parallel_loop3A_725 = vector.shape_cast %parallel_loop3A_720 : vector<16xf32> to vector<1x16xf32>
        tpu.vector_store %arg19[%parallel_loop3A_721, %parallel_loop3A_722], %parallel_loop3A_725 {strides = array<i32>} : memref<8x160xf32, #tpu.memory_space<vmem>>, vector<1x16xf32>,
        %parallel_loop3A_726 = arith.index_cast %parallel_loop3A_329 : i32 to index
        %parallel_loop3A_727 = arith.constant 768 : index
        %parallel_loop3A_728 = tpu.vector_load %arg13[%parallel_loop3A_726, %parallel_loop3A_727] {strides = array<i32>} : memref<8x1664xf32, #tpu.memory_space<vmem>>, vector<1x16xf32>,
        %parallel_loop3A_729 = vector.shape_cast %parallel_loop3A_728 : vector<1x16xf32> to vector<16xf32>
        %parallel_loop3A_730 = arith.index_cast %parallel_loop3A_329 : i32 to index
        %parallel_loop3A_731 = arith.constant 64 : index
        %parallel_loop3A_732 = tpu.vector_load %arg19[%parallel_loop3A_730, %parallel_loop3A_731] {strides = array<i32>} : memref<8x160xf32, #tpu.memory_space<vmem>>, vector<1x16xf32>,
        %parallel_loop3A_733 = vector.shape_cast %parallel_loop3A_732 : vector<1x16xf32> to vector<16xf32>
        %parallel_loop3A_734 = vector.shape_cast %parallel_loop3A_729 : vector<16xf32> to vector<1x16xf32>
        tpu.vector_store %arg19[%parallel_loop3A_730, %parallel_loop3A_731], %parallel_loop3A_734 {strides = array<i32>} : memref<8x160xf32, #tpu.memory_space<vmem>>, vector<1x16xf32>,
        %parallel_loop3A_735 = arith.index_cast %parallel_loop3A_329 : i32 to index
        %parallel_loop3A_736 = arith.constant 784 : index
        %parallel_loop3A_737 = tpu.vector_load %arg13[%parallel_loop3A_735, %parallel_loop3A_736] {strides = array<i32>} : memref<8x1664xf32, #tpu.memory_space<vmem>>, vector<1x16xf32>,
        %parallel_loop3A_738 = vector.shape_cast %parallel_loop3A_737 : vector<1x16xf32> to vector<16xf32>
        %parallel_loop3A_739 = arith.index_cast %parallel_loop3A_329 : i32 to index
        %parallel_loop3A_740 = arith.constant 80 : index
        %parallel_loop3A_741 = tpu.vector_load %arg19[%parallel_loop3A_739, %parallel_loop3A_740] {strides = array<i32>} : memref<8x160xf32, #tpu.memory_space<vmem>>, vector<1x16xf32>,
        %parallel_loop3A_742 = vector.shape_cast %parallel_loop3A_741 : vector<1x16xf32> to vector<16xf32>
        %parallel_loop3A_743 = vector.shape_cast %parallel_loop3A_738 : vector<16xf32> to vector<1x16xf32>
        tpu.vector_store %arg19[%parallel_loop3A_739, %parallel_loop3A_740], %parallel_loop3A_743 {strides = array<i32>} : memref<8x160xf32, #tpu.memory_space<vmem>>, vector<1x16xf32>,
        %parallel_loop3A_744 = arith.index_cast %parallel_loop3A_329 : i32 to index
        %parallel_loop3A_745 = arith.constant 1088 : index
        %parallel_loop3A_746 = tpu.vector_load %arg13[%parallel_loop3A_744, %parallel_loop3A_745] {strides = array<i32>} : memref<8x1664xf32, #tpu.memory_space<vmem>>, vector<1x16xf32>,
        %parallel_loop3A_747 = vector.shape_cast %parallel_loop3A_746 : vector<1x16xf32> to vector<16xf32>
        %parallel_loop3A_748 = arith.index_cast %parallel_loop3A_329 : i32 to index
        %parallel_loop3A_749 = arith.constant 96 : index
        %parallel_loop3A_750 = tpu.vector_load %arg19[%parallel_loop3A_748, %parallel_loop3A_749] {strides = array<i32>} : memref<8x160xf32, #tpu.memory_space<vmem>>, vector<1x16xf32>,
        %parallel_loop3A_751 = vector.shape_cast %parallel_loop3A_750 : vector<1x16xf32> to vector<16xf32>
        %parallel_loop3A_752 = vector.shape_cast %parallel_loop3A_747 : vector<16xf32> to vector<1x16xf32>
        tpu.vector_store %arg19[%parallel_loop3A_748, %parallel_loop3A_749], %parallel_loop3A_752 {strides = array<i32>} : memref<8x160xf32, #tpu.memory_space<vmem>>, vector<1x16xf32>,
        %parallel_loop3A_753 = arith.index_cast %parallel_loop3A_329 : i32 to index
        %parallel_loop3A_754 = arith.constant 1104 : index
        %parallel_loop3A_755 = tpu.vector_load %arg13[%parallel_loop3A_753, %parallel_loop3A_754] {strides = array<i32>} : memref<8x1664xf32, #tpu.memory_space<vmem>>, vector<1x16xf32>,
        %parallel_loop3A_756 = vector.shape_cast %parallel_loop3A_755 : vector<1x16xf32> to vector<16xf32>
        %parallel_loop3A_757 = arith.index_cast %parallel_loop3A_329 : i32 to index
        %parallel_loop3A_758 = arith.constant 112 : index
        %parallel_loop3A_759 = tpu.vector_load %arg19[%parallel_loop3A_757, %parallel_loop3A_758] {strides = array<i32>} : memref<8x160xf32, #tpu.memory_space<vmem>>, vector<1x16xf32>,
        %parallel_loop3A_760 = vector.shape_cast %parallel_loop3A_759 : vector<1x16xf32> to vector<16xf32>
        %parallel_loop3A_761 = vector.shape_cast %parallel_loop3A_756 : vector<16xf32> to vector<1x16xf32>
        tpu.vector_store %arg19[%parallel_loop3A_757, %parallel_loop3A_758], %parallel_loop3A_761 {strides = array<i32>} : memref<8x160xf32, #tpu.memory_space<vmem>>, vector<1x16xf32>,
        %parallel_loop3A_762 = arith.index_cast %parallel_loop3A_329 : i32 to index
        %parallel_loop3A_763 = arith.constant 1408 : index
        %parallel_loop3A_764 = tpu.vector_load %arg13[%parallel_loop3A_762, %parallel_loop3A_763] {strides = array<i32>} : memref<8x1664xf32, #tpu.memory_space<vmem>>, vector<1x16xf32>,
        %parallel_loop3A_765 = vector.shape_cast %parallel_loop3A_764 : vector<1x16xf32> to vector<16xf32>
        %parallel_loop3A_766 = arith.index_cast %parallel_loop3A_329 : i32 to index
        %parallel_loop3A_767 = arith.constant 128 : index
        %parallel_loop3A_768 = tpu.vector_load %arg19[%parallel_loop3A_766, %parallel_loop3A_767] {strides = array<i32>} : memref<8x160xf32, #tpu.memory_space<vmem>>, vector<1x16xf32>,
        %parallel_loop3A_769 = vector.shape_cast %parallel_loop3A_768 : vector<1x16xf32> to vector<16xf32>
        %parallel_loop3A_770 = vector.shape_cast %parallel_loop3A_765 : vector<16xf32> to vector<1x16xf32>
        tpu.vector_store %arg19[%parallel_loop3A_766, %parallel_loop3A_767], %parallel_loop3A_770 {strides = array<i32>} : memref<8x160xf32, #tpu.memory_space<vmem>>, vector<1x16xf32>,
        %parallel_loop3A_771 = arith.index_cast %parallel_loop3A_329 : i32 to index
        %parallel_loop3A_772 = arith.constant 1424 : index
        %parallel_loop3A_773 = tpu.vector_load %arg13[%parallel_loop3A_771, %parallel_loop3A_772] {strides = array<i32>} : memref<8x1664xf32, #tpu.memory_space<vmem>>, vector<1x16xf32>,
        %parallel_loop3A_774 = vector.shape_cast %parallel_loop3A_773 : vector<1x16xf32> to vector<16xf32>
        %parallel_loop3A_775 = arith.index_cast %parallel_loop3A_329 : i32 to index
        %parallel_loop3A_776 = arith.constant 144 : index
        %parallel_loop3A_777 = tpu.vector_load %arg19[%parallel_loop3A_775, %parallel_loop3A_776] {strides = array<i32>} : memref<8x160xf32, #tpu.memory_space<vmem>>, vector<1x16xf32>,
        %parallel_loop3A_778 = vector.shape_cast %parallel_loop3A_777 : vector<1x16xf32> to vector<16xf32>
        %parallel_loop3A_779 = vector.shape_cast %parallel_loop3A_774 : vector<16xf32> to vector<1x16xf32>
        tpu.vector_store %arg19[%parallel_loop3A_775, %parallel_loop3A_776], %parallel_loop3A_779 {strides = array<i32>} : memref<8x160xf32, #tpu.memory_space<vmem>>, vector<1x16xf32>,
        %parallel_loop3A_780 = arith.index_cast %parallel_loop3A_329 : i32 to index
        %parallel_loop3A_781 = arith.constant 160 : index
        %parallel_loop3A_782 = tpu.vector_load %arg13[%parallel_loop3A_780, %parallel_loop3A_781] {strides = array<i32>} : memref<8x1664xf32, #tpu.memory_space<vmem>>, vector<1x16xf32>,
        %parallel_loop3A_783 = vector.shape_cast %parallel_loop3A_782 : vector<1x16xf32> to vector<16xf32>
        %parallel_loop3A_784 = arith.index_cast %parallel_loop3A_329 : i32 to index
        %parallel_loop3A_785 = arith.constant 0 : index
        %parallel_loop3A_786 = tpu.vector_load %arg20[%parallel_loop3A_784, %parallel_loop3A_785] {strides = array<i32>} : memref<8x160xf32, #tpu.memory_space<vmem>>, vector<1x16xf32>,
        %parallel_loop3A_787 = vector.shape_cast %parallel_loop3A_786 : vector<1x16xf32> to vector<16xf32>
        %parallel_loop3A_788 = vector.shape_cast %parallel_loop3A_783 : vector<16xf32> to vector<1x16xf32>
        tpu.vector_store %arg20[%parallel_loop3A_784, %parallel_loop3A_785], %parallel_loop3A_788 {strides = array<i32>} : memref<8x160xf32, #tpu.memory_space<vmem>>, vector<1x16xf32>,
        %parallel_loop3A_789 = arith.index_cast %parallel_loop3A_329 : i32 to index
        %parallel_loop3A_790 = arith.constant 176 : index
        %parallel_loop3A_791 = tpu.vector_load %arg13[%parallel_loop3A_789, %parallel_loop3A_790] {strides = array<i32>} : memref<8x1664xf32, #tpu.memory_space<vmem>>, vector<1x16xf32>,
        %parallel_loop3A_792 = vector.shape_cast %parallel_loop3A_791 : vector<1x16xf32> to vector<16xf32>
        %parallel_loop3A_793 = arith.index_cast %parallel_loop3A_329 : i32 to index
        %parallel_loop3A_794 = arith.constant 16 : index
        %parallel_loop3A_795 = tpu.vector_load %arg20[%parallel_loop3A_793, %parallel_loop3A_794] {strides = array<i32>} : memref<8x160xf32, #tpu.memory_space<vmem>>, vector<1x16xf32>,
        %parallel_loop3A_796 = vector.shape_cast %parallel_loop3A_795 : vector<1x16xf32> to vector<16xf32>
        %parallel_loop3A_797 = vector.shape_cast %parallel_loop3A_792 : vector<16xf32> to vector<1x16xf32>
        tpu.vector_store %arg20[%parallel_loop3A_793, %parallel_loop3A_794], %parallel_loop3A_797 {strides = array<i32>} : memref<8x160xf32, #tpu.memory_space<vmem>>, vector<1x16xf32>,
        %parallel_loop3A_798 = arith.index_cast %parallel_loop3A_329 : i32 to index
        %parallel_loop3A_799 = arith.constant 480 : index
        %parallel_loop3A_800 = tpu.vector_load %arg13[%parallel_loop3A_798, %parallel_loop3A_799] {strides = array<i32>} : memref<8x1664xf32, #tpu.memory_space<vmem>>, vector<1x16xf32>,
        %parallel_loop3A_801 = vector.shape_cast %parallel_loop3A_800 : vector<1x16xf32> to vector<16xf32>
        %parallel_loop3A_802 = arith.index_cast %parallel_loop3A_329 : i32 to index
        %parallel_loop3A_803 = arith.constant 32 : index
        %parallel_loop3A_804 = tpu.vector_load %arg20[%parallel_loop3A_802, %parallel_loop3A_803] {strides = array<i32>} : memref<8x160xf32, #tpu.memory_space<vmem>>, vector<1x16xf32>,
        %parallel_loop3A_805 = vector.shape_cast %parallel_loop3A_804 : vector<1x16xf32> to vector<16xf32>
        %parallel_loop3A_806 = vector.shape_cast %parallel_loop3A_801 : vector<16xf32> to vector<1x16xf32>
        tpu.vector_store %arg20[%parallel_loop3A_802, %parallel_loop3A_803], %parallel_loop3A_806 {strides = array<i32>} : memref<8x160xf32, #tpu.memory_space<vmem>>, vector<1x16xf32>,
        %parallel_loop3A_807 = arith.index_cast %parallel_loop3A_329 : i32 to index
        %parallel_loop3A_808 = arith.constant 496 : index
        %parallel_loop3A_809 = tpu.vector_load %arg13[%parallel_loop3A_807, %parallel_loop3A_808] {strides = array<i32>} : memref<8x1664xf32, #tpu.memory_space<vmem>>, vector<1x16xf32>,
        %parallel_loop3A_810 = vector.shape_cast %parallel_loop3A_809 : vector<1x16xf32> to vector<16xf32>
        %parallel_loop3A_811 = arith.index_cast %parallel_loop3A_329 : i32 to index
        %parallel_loop3A_812 = arith.constant 48 : index
        %parallel_loop3A_813 = tpu.vector_load %arg20[%parallel_loop3A_811, %parallel_loop3A_812] {strides = array<i32>} : memref<8x160xf32, #tpu.memory_space<vmem>>, vector<1x16xf32>,
        %parallel_loop3A_814 = vector.shape_cast %parallel_loop3A_813 : vector<1x16xf32> to vector<16xf32>
        %parallel_loop3A_815 = vector.shape_cast %parallel_loop3A_810 : vector<16xf32> to vector<1x16xf32>
        tpu.vector_store %arg20[%parallel_loop3A_811, %parallel_loop3A_812], %parallel_loop3A_815 {strides = array<i32>} : memref<8x160xf32, #tpu.memory_space<vmem>>, vector<1x16xf32>,
        %parallel_loop3A_816 = arith.index_cast %parallel_loop3A_329 : i32 to index
        %parallel_loop3A_817 = arith.constant 800 : index
        %parallel_loop3A_818 = tpu.vector_load %arg13[%parallel_loop3A_816, %parallel_loop3A_817] {strides = array<i32>} : memref<8x1664xf32, #tpu.memory_space<vmem>>, vector<1x16xf32>,
        %parallel_loop3A_819 = vector.shape_cast %parallel_loop3A_818 : vector<1x16xf32> to vector<16xf32>
        %parallel_loop3A_820 = arith.index_cast %parallel_loop3A_329 : i32 to index
        %parallel_loop3A_821 = arith.constant 64 : index
        %parallel_loop3A_822 = tpu.vector_load %arg20[%parallel_loop3A_820, %parallel_loop3A_821] {strides = array<i32>} : memref<8x160xf32, #tpu.memory_space<vmem>>, vector<1x16xf32>,
        %parallel_loop3A_823 = vector.shape_cast %parallel_loop3A_822 : vector<1x16xf32> to vector<16xf32>
        %parallel_loop3A_824 = vector.shape_cast %parallel_loop3A_819 : vector<16xf32> to vector<1x16xf32>
        tpu.vector_store %arg20[%parallel_loop3A_820, %parallel_loop3A_821], %parallel_loop3A_824 {strides = array<i32>} : memref<8x160xf32, #tpu.memory_space<vmem>>, vector<1x16xf32>,
        %parallel_loop3A_825 = arith.index_cast %parallel_loop3A_329 : i32 to index
        %parallel_loop3A_826 = arith.constant 816 : index
        %parallel_loop3A_827 = tpu.vector_load %arg13[%parallel_loop3A_825, %parallel_loop3A_826] {strides = array<i32>} : memref<8x1664xf32, #tpu.memory_space<vmem>>, vector<1x16xf32>,
        %parallel_loop3A_828 = vector.shape_cast %parallel_loop3A_827 : vector<1x16xf32> to vector<16xf32>
        %parallel_loop3A_829 = arith.index_cast %parallel_loop3A_329 : i32 to index
        %parallel_loop3A_830 = arith.constant 80 : index
        %parallel_loop3A_831 = tpu.vector_load %arg20[%parallel_loop3A_829, %parallel_loop3A_830] {strides = array<i32>} : memref<8x160xf32, #tpu.memory_space<vmem>>, vector<1x16xf32>,
        %parallel_loop3A_832 = vector.shape_cast %parallel_loop3A_831 : vector<1x16xf32> to vector<16xf32>
        %parallel_loop3A_833 = vector.shape_cast %parallel_loop3A_828 : vector<16xf32> to vector<1x16xf32>
        tpu.vector_store %arg20[%parallel_loop3A_829, %parallel_loop3A_830], %parallel_loop3A_833 {strides = array<i32>} : memref<8x160xf32, #tpu.memory_space<vmem>>, vector<1x16xf32>,
        %parallel_loop3A_834 = arith.index_cast %parallel_loop3A_329 : i32 to index
        %parallel_loop3A_835 = arith.constant 1120 : index
        %parallel_loop3A_836 = tpu.vector_load %arg13[%parallel_loop3A_834, %parallel_loop3A_835] {strides = array<i32>} : memref<8x1664xf32, #tpu.memory_space<vmem>>, vector<1x16xf32>,
        %parallel_loop3A_837 = vector.shape_cast %parallel_loop3A_836 : vector<1x16xf32> to vector<16xf32>
        %parallel_loop3A_838 = arith.index_cast %parallel_loop3A_329 : i32 to index
        %parallel_loop3A_839 = arith.constant 96 : index
        %parallel_loop3A_840 = tpu.vector_load %arg20[%parallel_loop3A_838, %parallel_loop3A_839] {strides = array<i32>} : memref<8x160xf32, #tpu.memory_space<vmem>>, vector<1x16xf32>,
        %parallel_loop3A_841 = vector.shape_cast %parallel_loop3A_840 : vector<1x16xf32> to vector<16xf32>
        %parallel_loop3A_842 = vector.shape_cast %parallel_loop3A_837 : vector<16xf32> to vector<1x16xf32>
        tpu.vector_store %arg20[%parallel_loop3A_838, %parallel_loop3A_839], %parallel_loop3A_842 {strides = array<i32>} : memref<8x160xf32, #tpu.memory_space<vmem>>, vector<1x16xf32>,
        %parallel_loop3A_843 = arith.index_cast %parallel_loop3A_329 : i32 to index
        %parallel_loop3A_844 = arith.constant 1136 : index
        %parallel_loop3A_845 = tpu.vector_load %arg13[%parallel_loop3A_843, %parallel_loop3A_844] {strides = array<i32>} : memref<8x1664xf32, #tpu.memory_space<vmem>>, vector<1x16xf32>,
        %parallel_loop3A_846 = vector.shape_cast %parallel_loop3A_845 : vector<1x16xf32> to vector<16xf32>
        %parallel_loop3A_847 = arith.index_cast %parallel_loop3A_329 : i32 to index
        %parallel_loop3A_848 = arith.constant 112 : index
        %parallel_loop3A_849 = tpu.vector_load %arg20[%parallel_loop3A_847, %parallel_loop3A_848] {strides = array<i32>} : memref<8x160xf32, #tpu.memory_space<vmem>>, vector<1x16xf32>,
        %parallel_loop3A_850 = vector.shape_cast %parallel_loop3A_849 : vector<1x16xf32> to vector<16xf32>
        %parallel_loop3A_851 = vector.shape_cast %parallel_loop3A_846 : vector<16xf32> to vector<1x16xf32>
        tpu.vector_store %arg20[%parallel_loop3A_847, %parallel_loop3A_848], %parallel_loop3A_851 {strides = array<i32>} : memref<8x160xf32, #tpu.memory_space<vmem>>, vector<1x16xf32>,
        %parallel_loop3A_852 = arith.index_cast %parallel_loop3A_329 : i32 to index
        %parallel_loop3A_853 = arith.constant 1440 : index
        %parallel_loop3A_854 = tpu.vector_load %arg13[%parallel_loop3A_852, %parallel_loop3A_853] {strides = array<i32>} : memref<8x1664xf32, #tpu.memory_space<vmem>>, vector<1x16xf32>,
        %parallel_loop3A_855 = vector.shape_cast %parallel_loop3A_854 : vector<1x16xf32> to vector<16xf32>
        %parallel_loop3A_856 = arith.index_cast %parallel_loop3A_329 : i32 to index
        %parallel_loop3A_857 = arith.constant 128 : index
        %parallel_loop3A_858 = tpu.vector_load %arg20[%parallel_loop3A_856, %parallel_loop3A_857] {strides = array<i32>} : memref<8x160xf32, #tpu.memory_space<vmem>>, vector<1x16xf32>,
        %parallel_loop3A_859 = vector.shape_cast %parallel_loop3A_858 : vector<1x16xf32> to vector<16xf32>
        %parallel_loop3A_860 = vector.shape_cast %parallel_loop3A_855 : vector<16xf32> to vector<1x16xf32>
        tpu.vector_store %arg20[%parallel_loop3A_856, %parallel_loop3A_857], %parallel_loop3A_860 {strides = array<i32>} : memref<8x160xf32, #tpu.memory_space<vmem>>, vector<1x16xf32>,
        %parallel_loop3A_861 = arith.index_cast %parallel_loop3A_329 : i32 to index
        %parallel_loop3A_862 = arith.constant 1456 : index
        %parallel_loop3A_863 = tpu.vector_load %arg13[%parallel_loop3A_861, %parallel_loop3A_862] {strides = array<i32>} : memref<8x1664xf32, #tpu.memory_space<vmem>>, vector<1x16xf32>,
        %parallel_loop3A_864 = vector.shape_cast %parallel_loop3A_863 : vector<1x16xf32> to vector<16xf32>
        %parallel_loop3A_865 = arith.index_cast %parallel_loop3A_329 : i32 to index
        %parallel_loop3A_866 = arith.constant 144 : index
        %parallel_loop3A_867 = tpu.vector_load %arg20[%parallel_loop3A_865, %parallel_loop3A_866] {strides = array<i32>} : memref<8x160xf32, #tpu.memory_space<vmem>>, vector<1x16xf32>,
        %parallel_loop3A_868 = vector.shape_cast %parallel_loop3A_867 : vector<1x16xf32> to vector<16xf32>
        %parallel_loop3A_869 = vector.shape_cast %parallel_loop3A_864 : vector<16xf32> to vector<1x16xf32>
        tpu.vector_store %arg20[%parallel_loop3A_865, %parallel_loop3A_866], %parallel_loop3A_869 {strides = array<i32>} : memref<8x160xf32, #tpu.memory_space<vmem>>, vector<1x16xf32>,
        %parallel_loop3A_870 = arith.index_cast %parallel_loop3A_329 : i32 to index
        %parallel_loop3A_871 = arith.constant 192 : index
        %parallel_loop3A_872 = tpu.vector_load %arg13[%parallel_loop3A_870, %parallel_loop3A_871] {strides = array<i32>} : memref<8x1664xf32, #tpu.memory_space<vmem>>, vector<1x16xf32>,
        %parallel_loop3A_873 = vector.shape_cast %parallel_loop3A_872 : vector<1x16xf32> to vector<16xf32>
        %parallel_loop3A_874 = arith.index_cast %parallel_loop3A_329 : i32 to index
        %parallel_loop3A_875 = arith.constant 0 : index
        %parallel_loop3A_876 = tpu.vector_load %arg21[%parallel_loop3A_874, %parallel_loop3A_875] {strides = array<i32>} : memref<8x160xf32, #tpu.memory_space<vmem>>, vector<1x16xf32>,
        %parallel_loop3A_877 = vector.shape_cast %parallel_loop3A_876 : vector<1x16xf32> to vector<16xf32>
        %parallel_loop3A_878 = vector.shape_cast %parallel_loop3A_873 : vector<16xf32> to vector<1x16xf32>
        tpu.vector_store %arg21[%parallel_loop3A_874, %parallel_loop3A_875], %parallel_loop3A_878 {strides = array<i32>} : memref<8x160xf32, #tpu.memory_space<vmem>>, vector<1x16xf32>,
        %parallel_loop3A_879 = arith.index_cast %parallel_loop3A_329 : i32 to index
        %parallel_loop3A_880 = arith.constant 208 : index
        %parallel_loop3A_881 = tpu.vector_load %arg13[%parallel_loop3A_879, %parallel_loop3A_880] {strides = array<i32>} : memref<8x1664xf32, #tpu.memory_space<vmem>>, vector<1x16xf32>,
        %parallel_loop3A_882 = vector.shape_cast %parallel_loop3A_881 : vector<1x16xf32> to vector<16xf32>
        %parallel_loop3A_883 = arith.index_cast %parallel_loop3A_329 : i32 to index
        %parallel_loop3A_884 = arith.constant 16 : index
        %parallel_loop3A_885 = tpu.vector_load %arg21[%parallel_loop3A_883, %parallel_loop3A_884] {strides = array<i32>} : memref<8x160xf32, #tpu.memory_space<vmem>>, vector<1x16xf32>,
        %parallel_loop3A_886 = vector.shape_cast %parallel_loop3A_885 : vector<1x16xf32> to vector<16xf32>
        %parallel_loop3A_887 = vector.shape_cast %parallel_loop3A_882 : vector<16xf32> to vector<1x16xf32>
        tpu.vector_store %arg21[%parallel_loop3A_883, %parallel_loop3A_884], %parallel_loop3A_887 {strides = array<i32>} : memref<8x160xf32, #tpu.memory_space<vmem>>, vector<1x16xf32>,
        %parallel_loop3A_888 = arith.index_cast %parallel_loop3A_329 : i32 to index
        %parallel_loop3A_889 = arith.constant 512 : index
        %parallel_loop3A_890 = tpu.vector_load %arg13[%parallel_loop3A_888, %parallel_loop3A_889] {strides = array<i32>} : memref<8x1664xf32, #tpu.memory_space<vmem>>, vector<1x16xf32>,
        %parallel_loop3A_891 = vector.shape_cast %parallel_loop3A_890 : vector<1x16xf32> to vector<16xf32>
        %parallel_loop3A_892 = arith.index_cast %parallel_loop3A_329 : i32 to index
        %parallel_loop3A_893 = arith.constant 32 : index
        %parallel_loop3A_894 = tpu.vector_load %arg21[%parallel_loop3A_892, %parallel_loop3A_893] {strides = array<i32>} : memref<8x160xf32, #tpu.memory_space<vmem>>, vector<1x16xf32>,
        %parallel_loop3A_895 = vector.shape_cast %parallel_loop3A_894 : vector<1x16xf32> to vector<16xf32>
        %parallel_loop3A_896 = vector.shape_cast %parallel_loop3A_891 : vector<16xf32> to vector<1x16xf32>
        tpu.vector_store %arg21[%parallel_loop3A_892, %parallel_loop3A_893], %parallel_loop3A_896 {strides = array<i32>} : memref<8x160xf32, #tpu.memory_space<vmem>>, vector<1x16xf32>,
        %parallel_loop3A_897 = arith.index_cast %parallel_loop3A_329 : i32 to index
        %parallel_loop3A_898 = arith.constant 528 : index
        %parallel_loop3A_899 = tpu.vector_load %arg13[%parallel_loop3A_897, %parallel_loop3A_898] {strides = array<i32>} : memref<8x1664xf32, #tpu.memory_space<vmem>>, vector<1x16xf32>,
        %parallel_loop3A_900 = vector.shape_cast %parallel_loop3A_899 : vector<1x16xf32> to vector<16xf32>
        %parallel_loop3A_901 = arith.index_cast %parallel_loop3A_329 : i32 to index
        %parallel_loop3A_902 = arith.constant 48 : index
        %parallel_loop3A_903 = tpu.vector_load %arg21[%parallel_loop3A_901, %parallel_loop3A_902] {strides = array<i32>} : memref<8x160xf32, #tpu.memory_space<vmem>>, vector<1x16xf32>,
        %parallel_loop3A_904 = vector.shape_cast %parallel_loop3A_903 : vector<1x16xf32> to vector<16xf32>
        %parallel_loop3A_905 = vector.shape_cast %parallel_loop3A_900 : vector<16xf32> to vector<1x16xf32>
        tpu.vector_store %arg21[%parallel_loop3A_901, %parallel_loop3A_902], %parallel_loop3A_905 {strides = array<i32>} : memref<8x160xf32, #tpu.memory_space<vmem>>, vector<1x16xf32>,
        %parallel_loop3A_906 = arith.index_cast %parallel_loop3A_329 : i32 to index
        %parallel_loop3A_907 = arith.constant 832 : index
        %parallel_loop3A_908 = tpu.vector_load %arg13[%parallel_loop3A_906, %parallel_loop3A_907] {strides = array<i32>} : memref<8x1664xf32, #tpu.memory_space<vmem>>, vector<1x16xf32>,
        %parallel_loop3A_909 = vector.shape_cast %parallel_loop3A_908 : vector<1x16xf32> to vector<16xf32>
        %parallel_loop3A_910 = arith.index_cast %parallel_loop3A_329 : i32 to index
        %parallel_loop3A_911 = arith.constant 64 : index
        %parallel_loop3A_912 = tpu.vector_load %arg21[%parallel_loop3A_910, %parallel_loop3A_911] {strides = array<i32>} : memref<8x160xf32, #tpu.memory_space<vmem>>, vector<1x16xf32>,
        %parallel_loop3A_913 = vector.shape_cast %parallel_loop3A_912 : vector<1x16xf32> to vector<16xf32>
        %parallel_loop3A_914 = vector.shape_cast %parallel_loop3A_909 : vector<16xf32> to vector<1x16xf32>
        tpu.vector_store %arg21[%parallel_loop3A_910, %parallel_loop3A_911], %parallel_loop3A_914 {strides = array<i32>} : memref<8x160xf32, #tpu.memory_space<vmem>>, vector<1x16xf32>,
        %parallel_loop3A_915 = arith.index_cast %parallel_loop3A_329 : i32 to index
        %parallel_loop3A_916 = arith.constant 848 : index
        %parallel_loop3A_917 = tpu.vector_load %arg13[%parallel_loop3A_915, %parallel_loop3A_916] {strides = array<i32>} : memref<8x1664xf32, #tpu.memory_space<vmem>>, vector<1x16xf32>,
        %parallel_loop3A_918 = vector.shape_cast %parallel_loop3A_917 : vector<1x16xf32> to vector<16xf32>
        %parallel_loop3A_919 = arith.index_cast %parallel_loop3A_329 : i32 to index
        %parallel_loop3A_920 = arith.constant 80 : index
        %parallel_loop3A_921 = tpu.vector_load %arg21[%parallel_loop3A_919, %parallel_loop3A_920] {strides = array<i32>} : memref<8x160xf32, #tpu.memory_space<vmem>>, vector<1x16xf32>,
        %parallel_loop3A_922 = vector.shape_cast %parallel_loop3A_921 : vector<1x16xf32> to vector<16xf32>
        %parallel_loop3A_923 = vector.shape_cast %parallel_loop3A_918 : vector<16xf32> to vector<1x16xf32>
        tpu.vector_store %arg21[%parallel_loop3A_919, %parallel_loop3A_920], %parallel_loop3A_923 {strides = array<i32>} : memref<8x160xf32, #tpu.memory_space<vmem>>, vector<1x16xf32>,
        %parallel_loop3A_924 = arith.index_cast %parallel_loop3A_329 : i32 to index
        %parallel_loop3A_925 = arith.constant 1152 : index
        %parallel_loop3A_926 = tpu.vector_load %arg13[%parallel_loop3A_924, %parallel_loop3A_925] {strides = array<i32>} : memref<8x1664xf32, #tpu.memory_space<vmem>>, vector<1x16xf32>,
        %parallel_loop3A_927 = vector.shape_cast %parallel_loop3A_926 : vector<1x16xf32> to vector<16xf32>
        %parallel_loop3A_928 = arith.index_cast %parallel_loop3A_329 : i32 to index
        %parallel_loop3A_929 = arith.constant 96 : index
        %parallel_loop3A_930 = tpu.vector_load %arg21[%parallel_loop3A_928, %parallel_loop3A_929] {strides = array<i32>} : memref<8x160xf32, #tpu.memory_space<vmem>>, vector<1x16xf32>,
        %parallel_loop3A_931 = vector.shape_cast %parallel_loop3A_930 : vector<1x16xf32> to vector<16xf32>
        %parallel_loop3A_932 = vector.shape_cast %parallel_loop3A_927 : vector<16xf32> to vector<1x16xf32>
        tpu.vector_store %arg21[%parallel_loop3A_928, %parallel_loop3A_929], %parallel_loop3A_932 {strides = array<i32>} : memref<8x160xf32, #tpu.memory_space<vmem>>, vector<1x16xf32>,
        %parallel_loop3A_933 = arith.index_cast %parallel_loop3A_329 : i32 to index
        %parallel_loop3A_934 = arith.constant 1168 : index
        %parallel_loop3A_935 = tpu.vector_load %arg13[%parallel_loop3A_933, %parallel_loop3A_934] {strides = array<i32>} : memref<8x1664xf32, #tpu.memory_space<vmem>>, vector<1x16xf32>,
        %parallel_loop3A_936 = vector.shape_cast %parallel_loop3A_935 : vector<1x16xf32> to vector<16xf32>
        %parallel_loop3A_937 = arith.index_cast %parallel_loop3A_329 : i32 to index
        %parallel_loop3A_938 = arith.constant 112 : index
        %parallel_loop3A_939 = tpu.vector_load %arg21[%parallel_loop3A_937, %parallel_loop3A_938] {strides = array<i32>} : memref<8x160xf32, #tpu.memory_space<vmem>>, vector<1x16xf32>,
        %parallel_loop3A_940 = vector.shape_cast %parallel_loop3A_939 : vector<1x16xf32> to vector<16xf32>
        %parallel_loop3A_941 = vector.shape_cast %parallel_loop3A_936 : vector<16xf32> to vector<1x16xf32>
        tpu.vector_store %arg21[%parallel_loop3A_937, %parallel_loop3A_938], %parallel_loop3A_941 {strides = array<i32>} : memref<8x160xf32, #tpu.memory_space<vmem>>, vector<1x16xf32>,
        %parallel_loop3A_942 = arith.index_cast %parallel_loop3A_329 : i32 to index
        %parallel_loop3A_943 = arith.constant 1472 : index
        %parallel_loop3A_944 = tpu.vector_load %arg13[%parallel_loop3A_942, %parallel_loop3A_943] {strides = array<i32>} : memref<8x1664xf32, #tpu.memory_space<vmem>>, vector<1x16xf32>,
        %parallel_loop3A_945 = vector.shape_cast %parallel_loop3A_944 : vector<1x16xf32> to vector<16xf32>
        %parallel_loop3A_946 = arith.index_cast %parallel_loop3A_329 : i32 to index
        %parallel_loop3A_947 = arith.constant 128 : index
        %parallel_loop3A_948 = tpu.vector_load %arg21[%parallel_loop3A_946, %parallel_loop3A_947] {strides = array<i32>} : memref<8x160xf32, #tpu.memory_space<vmem>>, vector<1x16xf32>,
        %parallel_loop3A_949 = vector.shape_cast %parallel_loop3A_948 : vector<1x16xf32> to vector<16xf32>
        %parallel_loop3A_950 = vector.shape_cast %parallel_loop3A_945 : vector<16xf32> to vector<1x16xf32>
        tpu.vector_store %arg21[%parallel_loop3A_946, %parallel_loop3A_947], %parallel_loop3A_950 {strides = array<i32>} : memref<8x160xf32, #tpu.memory_space<vmem>>, vector<1x16xf32>,
        %parallel_loop3A_951 = arith.index_cast %parallel_loop3A_329 : i32 to index
        %parallel_loop3A_952 = arith.constant 1488 : index
        %parallel_loop3A_953 = tpu.vector_load %arg13[%parallel_loop3A_951, %parallel_loop3A_952] {strides = array<i32>} : memref<8x1664xf32, #tpu.memory_space<vmem>>, vector<1x16xf32>,
        %parallel_loop3A_954 = vector.shape_cast %parallel_loop3A_953 : vector<1x16xf32> to vector<16xf32>
        %parallel_loop3A_955 = arith.index_cast %parallel_loop3A_329 : i32 to index
        %parallel_loop3A_956 = arith.constant 144 : index
        %parallel_loop3A_957 = tpu.vector_load %arg21[%parallel_loop3A_955, %parallel_loop3A_956] {strides = array<i32>} : memref<8x160xf32, #tpu.memory_space<vmem>>, vector<1x16xf32>,
        %parallel_loop3A_958 = vector.shape_cast %parallel_loop3A_957 : vector<1x16xf32> to vector<16xf32>
        %parallel_loop3A_959 = vector.shape_cast %parallel_loop3A_954 : vector<16xf32> to vector<1x16xf32>
        tpu.vector_store %arg21[%parallel_loop3A_955, %parallel_loop3A_956], %parallel_loop3A_959 {strides = array<i32>} : memref<8x160xf32, #tpu.memory_space<vmem>>, vector<1x16xf32>,
        %parallel_loop3A_960 = arith.index_cast %parallel_loop3A_329 : i32 to index
        %parallel_loop3A_961 = arith.constant 224 : index
        %parallel_loop3A_962 = tpu.vector_load %arg13[%parallel_loop3A_960, %parallel_loop3A_961] {strides = array<i32>} : memref<8x1664xf32, #tpu.memory_space<vmem>>, vector<1x16xf32>,
        %parallel_loop3A_963 = vector.shape_cast %parallel_loop3A_962 : vector<1x16xf32> to vector<16xf32>
        %parallel_loop3A_964 = arith.index_cast %parallel_loop3A_329 : i32 to index
        %parallel_loop3A_965 = arith.constant 0 : index
        %parallel_loop3A_966 = tpu.vector_load %arg22[%parallel_loop3A_964, %parallel_loop3A_965] {strides = array<i32>} : memref<8x160xf32, #tpu.memory_space<vmem>>, vector<1x16xf32>,
        %parallel_loop3A_967 = vector.shape_cast %parallel_loop3A_966 : vector<1x16xf32> to vector<16xf32>
        %parallel_loop3A_968 = vector.shape_cast %parallel_loop3A_963 : vector<16xf32> to vector<1x16xf32>
        tpu.vector_store %arg22[%parallel_loop3A_964, %parallel_loop3A_965], %parallel_loop3A_968 {strides = array<i32>} : memref<8x160xf32, #tpu.memory_space<vmem>>, vector<1x16xf32>,
        %parallel_loop3A_969 = arith.index_cast %parallel_loop3A_329 : i32 to index
        %parallel_loop3A_970 = arith.constant 240 : index
        %parallel_loop3A_971 = tpu.vector_load %arg13[%parallel_loop3A_969, %parallel_loop3A_970] {strides = array<i32>} : memref<8x1664xf32, #tpu.memory_space<vmem>>, vector<1x16xf32>,
        %parallel_loop3A_972 = vector.shape_cast %parallel_loop3A_971 : vector<1x16xf32> to vector<16xf32>
        %parallel_loop3A_973 = arith.index_cast %parallel_loop3A_329 : i32 to index
        %parallel_loop3A_974 = arith.constant 16 : index
        %parallel_loop3A_975 = tpu.vector_load %arg22[%parallel_loop3A_973, %parallel_loop3A_974] {strides = array<i32>} : memref<8x160xf32, #tpu.memory_space<vmem>>, vector<1x16xf32>,
        %parallel_loop3A_976 = vector.shape_cast %parallel_loop3A_975 : vector<1x16xf32> to vector<16xf32>
        %parallel_loop3A_977 = vector.shape_cast %parallel_loop3A_972 : vector<16xf32> to vector<1x16xf32>
        tpu.vector_store %arg22[%parallel_loop3A_973, %parallel_loop3A_974], %parallel_loop3A_977 {strides = array<i32>} : memref<8x160xf32, #tpu.memory_space<vmem>>, vector<1x16xf32>,
        %parallel_loop3A_978 = arith.index_cast %parallel_loop3A_329 : i32 to index
        %parallel_loop3A_979 = arith.constant 544 : index
        %parallel_loop3A_980 = tpu.vector_load %arg13[%parallel_loop3A_978, %parallel_loop3A_979] {strides = array<i32>} : memref<8x1664xf32, #tpu.memory_space<vmem>>, vector<1x16xf32>,
        %parallel_loop3A_981 = vector.shape_cast %parallel_loop3A_980 : vector<1x16xf32> to vector<16xf32>
        %parallel_loop3A_982 = arith.index_cast %parallel_loop3A_329 : i32 to index
        %parallel_loop3A_983 = arith.constant 32 : index
        %parallel_loop3A_984 = tpu.vector_load %arg22[%parallel_loop3A_982, %parallel_loop3A_983] {strides = array<i32>} : memref<8x160xf32, #tpu.memory_space<vmem>>, vector<1x16xf32>,
        %parallel_loop3A_985 = vector.shape_cast %parallel_loop3A_984 : vector<1x16xf32> to vector<16xf32>
        %parallel_loop3A_986 = vector.shape_cast %parallel_loop3A_981 : vector<16xf32> to vector<1x16xf32>
        tpu.vector_store %arg22[%parallel_loop3A_982, %parallel_loop3A_983], %parallel_loop3A_986 {strides = array<i32>} : memref<8x160xf32, #tpu.memory_space<vmem>>, vector<1x16xf32>,
        %parallel_loop3A_987 = arith.index_cast %parallel_loop3A_329 : i32 to index
        %parallel_loop3A_988 = arith.constant 560 : index
        %parallel_loop3A_989 = tpu.vector_load %arg13[%parallel_loop3A_987, %parallel_loop3A_988] {strides = array<i32>} : memref<8x1664xf32, #tpu.memory_space<vmem>>, vector<1x16xf32>,
        %parallel_loop3A_990 = vector.shape_cast %parallel_loop3A_989 : vector<1x16xf32> to vector<16xf32>
        %parallel_loop3A_991 = arith.index_cast %parallel_loop3A_329 : i32 to index
        %parallel_loop3A_992 = arith.constant 48 : index
        %parallel_loop3A_993 = tpu.vector_load %arg22[%parallel_loop3A_991, %parallel_loop3A_992] {strides = array<i32>} : memref<8x160xf32, #tpu.memory_space<vmem>>, vector<1x16xf32>,
        %parallel_loop3A_994 = vector.shape_cast %parallel_loop3A_993 : vector<1x16xf32> to vector<16xf32>
        %parallel_loop3A_995 = vector.shape_cast %parallel_loop3A_990 : vector<16xf32> to vector<1x16xf32>
        tpu.vector_store %arg22[%parallel_loop3A_991, %parallel_loop3A_992], %parallel_loop3A_995 {strides = array<i32>} : memref<8x160xf32, #tpu.memory_space<vmem>>, vector<1x16xf32>,
        %parallel_loop3A_996 = arith.index_cast %parallel_loop3A_329 : i32 to index
        %parallel_loop3A_997 = arith.constant 864 : index
        %parallel_loop3A_998 = tpu.vector_load %arg13[%parallel_loop3A_996, %parallel_loop3A_997] {strides = array<i32>} : memref<8x1664xf32, #tpu.memory_space<vmem>>, vector<1x16xf32>,
        %parallel_loop3A_999 = vector.shape_cast %parallel_loop3A_998 : vector<1x16xf32> to vector<16xf32>
        %parallel_loop3A_1000 = arith.index_cast %parallel_loop3A_329 : i32 to index
        %parallel_loop3A_1001 = arith.constant 64 : index
        %parallel_loop3A_1002 = tpu.vector_load %arg22[%parallel_loop3A_1000, %parallel_loop3A_1001] {strides = array<i32>} : memref<8x160xf32, #tpu.memory_space<vmem>>, vector<1x16xf32>,
        %parallel_loop3A_1003 = vector.shape_cast %parallel_loop3A_1002 : vector<1x16xf32> to vector<16xf32>
        %parallel_loop3A_1004 = vector.shape_cast %parallel_loop3A_999 : vector<16xf32> to vector<1x16xf32>
        tpu.vector_store %arg22[%parallel_loop3A_1000, %parallel_loop3A_1001], %parallel_loop3A_1004 {strides = array<i32>} : memref<8x160xf32, #tpu.memory_space<vmem>>, vector<1x16xf32>,
        %parallel_loop3A_1005 = arith.index_cast %parallel_loop3A_329 : i32 to index
        %parallel_loop3A_1006 = arith.constant 880 : index
        %parallel_loop3A_1007 = tpu.vector_load %arg13[%parallel_loop3A_1005, %parallel_loop3A_1006] {strides = array<i32>} : memref<8x1664xf32, #tpu.memory_space<vmem>>, vector<1x16xf32>,
        %parallel_loop3A_1008 = vector.shape_cast %parallel_loop3A_1007 : vector<1x16xf32> to vector<16xf32>
        %parallel_loop3A_1009 = arith.index_cast %parallel_loop3A_329 : i32 to index
        %parallel_loop3A_1010 = arith.constant 80 : index
        %parallel_loop3A_1011 = tpu.vector_load %arg22[%parallel_loop3A_1009, %parallel_loop3A_1010] {strides = array<i32>} : memref<8x160xf32, #tpu.memory_space<vmem>>, vector<1x16xf32>,
        %parallel_loop3A_1012 = vector.shape_cast %parallel_loop3A_1011 : vector<1x16xf32> to vector<16xf32>
        %parallel_loop3A_1013 = vector.shape_cast %parallel_loop3A_1008 : vector<16xf32> to vector<1x16xf32>
        tpu.vector_store %arg22[%parallel_loop3A_1009, %parallel_loop3A_1010], %parallel_loop3A_1013 {strides = array<i32>} : memref<8x160xf32, #tpu.memory_space<vmem>>, vector<1x16xf32>,
        %parallel_loop3A_1014 = arith.index_cast %parallel_loop3A_329 : i32 to index
        %parallel_loop3A_1015 = arith.constant 1184 : index
        %parallel_loop3A_1016 = tpu.vector_load %arg13[%parallel_loop3A_1014, %parallel_loop3A_1015] {strides = array<i32>} : memref<8x1664xf32, #tpu.memory_space<vmem>>, vector<1x16xf32>,
        %parallel_loop3A_1017 = vector.shape_cast %parallel_loop3A_1016 : vector<1x16xf32> to vector<16xf32>
        %parallel_loop3A_1018 = arith.index_cast %parallel_loop3A_329 : i32 to index
        %parallel_loop3A_1019 = arith.constant 96 : index
        %parallel_loop3A_1020 = tpu.vector_load %arg22[%parallel_loop3A_1018, %parallel_loop3A_1019] {strides = array<i32>} : memref<8x160xf32, #tpu.memory_space<vmem>>, vector<1x16xf32>,
        %parallel_loop3A_1021 = vector.shape_cast %parallel_loop3A_1020 : vector<1x16xf32> to vector<16xf32>
        %parallel_loop3A_1022 = vector.shape_cast %parallel_loop3A_1017 : vector<16xf32> to vector<1x16xf32>
        tpu.vector_store %arg22[%parallel_loop3A_1018, %parallel_loop3A_1019], %parallel_loop3A_1022 {strides = array<i32>} : memref<8x160xf32, #tpu.memory_space<vmem>>, vector<1x16xf32>,
        %parallel_loop3A_1023 = arith.index_cast %parallel_loop3A_329 : i32 to index
        %parallel_loop3A_1024 = arith.constant 1200 : index
        %parallel_loop3A_1025 = tpu.vector_load %arg13[%parallel_loop3A_1023, %parallel_loop3A_1024] {strides = array<i32>} : memref<8x1664xf32, #tpu.memory_space<vmem>>, vector<1x16xf32>,
        %parallel_loop3A_1026 = vector.shape_cast %parallel_loop3A_1025 : vector<1x16xf32> to vector<16xf32>
        %parallel_loop3A_1027 = arith.index_cast %parallel_loop3A_329 : i32 to index
        %parallel_loop3A_1028 = arith.constant 112 : index
        %parallel_loop3A_1029 = tpu.vector_load %arg22[%parallel_loop3A_1027, %parallel_loop3A_1028] {strides = array<i32>} : memref<8x160xf32, #tpu.memory_space<vmem>>, vector<1x16xf32>,
        %parallel_loop3A_1030 = vector.shape_cast %parallel_loop3A_1029 : vector<1x16xf32> to vector<16xf32>
        %parallel_loop3A_1031 = vector.shape_cast %parallel_loop3A_1026 : vector<16xf32> to vector<1x16xf32>
        tpu.vector_store %arg22[%parallel_loop3A_1027, %parallel_loop3A_1028], %parallel_loop3A_1031 {strides = array<i32>} : memref<8x160xf32, #tpu.memory_space<vmem>>, vector<1x16xf32>,
        %parallel_loop3A_1032 = arith.index_cast %parallel_loop3A_329 : i32 to index
        %parallel_loop3A_1033 = arith.constant 1504 : index
        %parallel_loop3A_1034 = tpu.vector_load %arg13[%parallel_loop3A_1032, %parallel_loop3A_1033] {strides = array<i32>} : memref<8x1664xf32, #tpu.memory_space<vmem>>, vector<1x16xf32>,
        %parallel_loop3A_1035 = vector.shape_cast %parallel_loop3A_1034 : vector<1x16xf32> to vector<16xf32>
        %parallel_loop3A_1036 = arith.index_cast %parallel_loop3A_329 : i32 to index
        %parallel_loop3A_1037 = arith.constant 128 : index
        %parallel_loop3A_1038 = tpu.vector_load %arg22[%parallel_loop3A_1036, %parallel_loop3A_1037] {strides = array<i32>} : memref<8x160xf32, #tpu.memory_space<vmem>>, vector<1x16xf32>,
        %parallel_loop3A_1039 = vector.shape_cast %parallel_loop3A_1038 : vector<1x16xf32> to vector<16xf32>
        %parallel_loop3A_1040 = vector.shape_cast %parallel_loop3A_1035 : vector<16xf32> to vector<1x16xf32>
        tpu.vector_store %arg22[%parallel_loop3A_1036, %parallel_loop3A_1037], %parallel_loop3A_1040 {strides = array<i32>} : memref<8x160xf32, #tpu.memory_space<vmem>>, vector<1x16xf32>,
        %parallel_loop3A_1041 = arith.index_cast %parallel_loop3A_329 : i32 to index
        %parallel_loop3A_1042 = arith.constant 1520 : index
        %parallel_loop3A_1043 = tpu.vector_load %arg13[%parallel_loop3A_1041, %parallel_loop3A_1042] {strides = array<i32>} : memref<8x1664xf32, #tpu.memory_space<vmem>>, vector<1x16xf32>,
        %parallel_loop3A_1044 = vector.shape_cast %parallel_loop3A_1043 : vector<1x16xf32> to vector<16xf32>
        %parallel_loop3A_1045 = arith.index_cast %parallel_loop3A_329 : i32 to index
        %parallel_loop3A_1046 = arith.constant 144 : index
        %parallel_loop3A_1047 = tpu.vector_load %arg22[%parallel_loop3A_1045, %parallel_loop3A_1046] {strides = array<i32>} : memref<8x160xf32, #tpu.memory_space<vmem>>, vector<1x16xf32>,
        %parallel_loop3A_1048 = vector.shape_cast %parallel_loop3A_1047 : vector<1x16xf32> to vector<16xf32>
        %parallel_loop3A_1049 = vector.shape_cast %parallel_loop3A_1044 : vector<16xf32> to vector<1x16xf32>
        tpu.vector_store %arg22[%parallel_loop3A_1045, %parallel_loop3A_1046], %parallel_loop3A_1049 {strides = array<i32>} : memref<8x160xf32, #tpu.memory_space<vmem>>, vector<1x16xf32>,
        %parallel_loop3A_1050 = arith.index_cast %parallel_loop3A_329 : i32 to index
        %parallel_loop3A_1051 = arith.constant 256 : index
        %parallel_loop3A_1052 = tpu.vector_load %arg13[%parallel_loop3A_1050, %parallel_loop3A_1051] {strides = array<i32>} : memref<8x1664xf32, #tpu.memory_space<vmem>>, vector<1x16xf32>,
        %parallel_loop3A_1053 = vector.shape_cast %parallel_loop3A_1052 : vector<1x16xf32> to vector<16xf32>
        %parallel_loop3A_1054 = arith.index_cast %parallel_loop3A_329 : i32 to index
        %parallel_loop3A_1055 = arith.constant 0 : index
        %parallel_loop3A_1056 = tpu.vector_load %arg23[%parallel_loop3A_1054, %parallel_loop3A_1055] {strides = array<i32>} : memref<8x160xf32, #tpu.memory_space<vmem>>, vector<1x16xf32>,
        %parallel_loop3A_1057 = vector.shape_cast %parallel_loop3A_1056 : vector<1x16xf32> to vector<16xf32>
        %parallel_loop3A_1058 = vector.shape_cast %parallel_loop3A_1053 : vector<16xf32> to vector<1x16xf32>
        tpu.vector_store %arg23[%parallel_loop3A_1054, %parallel_loop3A_1055], %parallel_loop3A_1058 {strides = array<i32>} : memref<8x160xf32, #tpu.memory_space<vmem>>, vector<1x16xf32>,
        %parallel_loop3A_1059 = arith.index_cast %parallel_loop3A_329 : i32 to index
        %parallel_loop3A_1060 = arith.constant 272 : index
        %parallel_loop3A_1061 = tpu.vector_load %arg13[%parallel_loop3A_1059, %parallel_loop3A_1060] {strides = array<i32>} : memref<8x1664xf32, #tpu.memory_space<vmem>>, vector<1x16xf32>,
        %parallel_loop3A_1062 = vector.shape_cast %parallel_loop3A_1061 : vector<1x16xf32> to vector<16xf32>
        %parallel_loop3A_1063 = arith.index_cast %parallel_loop3A_329 : i32 to index
        %parallel_loop3A_1064 = arith.constant 16 : index
        %parallel_loop3A_1065 = tpu.vector_load %arg23[%parallel_loop3A_1063, %parallel_loop3A_1064] {strides = array<i32>} : memref<8x160xf32, #tpu.memory_space<vmem>>, vector<1x16xf32>,
        %parallel_loop3A_1066 = vector.shape_cast %parallel_loop3A_1065 : vector<1x16xf32> to vector<16xf32>
        %parallel_loop3A_1067 = vector.shape_cast %parallel_loop3A_1062 : vector<16xf32> to vector<1x16xf32>
        tpu.vector_store %arg23[%parallel_loop3A_1063, %parallel_loop3A_1064], %parallel_loop3A_1067 {strides = array<i32>} : memref<8x160xf32, #tpu.memory_space<vmem>>, vector<1x16xf32>,
        %parallel_loop3A_1068 = arith.index_cast %parallel_loop3A_329 : i32 to index
        %parallel_loop3A_1069 = arith.constant 576 : index
        %parallel_loop3A_1070 = tpu.vector_load %arg13[%parallel_loop3A_1068, %parallel_loop3A_1069] {strides = array<i32>} : memref<8x1664xf32, #tpu.memory_space<vmem>>, vector<1x16xf32>,
        %parallel_loop3A_1071 = vector.shape_cast %parallel_loop3A_1070 : vector<1x16xf32> to vector<16xf32>
        %parallel_loop3A_1072 = arith.index_cast %parallel_loop3A_329 : i32 to index
        %parallel_loop3A_1073 = arith.constant 32 : index
        %parallel_loop3A_1074 = tpu.vector_load %arg23[%parallel_loop3A_1072, %parallel_loop3A_1073] {strides = array<i32>} : memref<8x160xf32, #tpu.memory_space<vmem>>, vector<1x16xf32>,
        %parallel_loop3A_1075 = vector.shape_cast %parallel_loop3A_1074 : vector<1x16xf32> to vector<16xf32>
        %parallel_loop3A_1076 = vector.shape_cast %parallel_loop3A_1071 : vector<16xf32> to vector<1x16xf32>
        tpu.vector_store %arg23[%parallel_loop3A_1072, %parallel_loop3A_1073], %parallel_loop3A_1076 {strides = array<i32>} : memref<8x160xf32, #tpu.memory_space<vmem>>, vector<1x16xf32>,
        %parallel_loop3A_1077 = arith.index_cast %parallel_loop3A_329 : i32 to index
        %parallel_loop3A_1078 = arith.constant 592 : index
        %parallel_loop3A_1079 = tpu.vector_load %arg13[%parallel_loop3A_1077, %parallel_loop3A_1078] {strides = array<i32>} : memref<8x1664xf32, #tpu.memory_space<vmem>>, vector<1x16xf32>,
        %parallel_loop3A_1080 = vector.shape_cast %parallel_loop3A_1079 : vector<1x16xf32> to vector<16xf32>
        %parallel_loop3A_1081 = arith.index_cast %parallel_loop3A_329 : i32 to index
        %parallel_loop3A_1082 = arith.constant 48 : index
        %parallel_loop3A_1083 = tpu.vector_load %arg23[%parallel_loop3A_1081, %parallel_loop3A_1082] {strides = array<i32>} : memref<8x160xf32, #tpu.memory_space<vmem>>, vector<1x16xf32>,
        %parallel_loop3A_1084 = vector.shape_cast %parallel_loop3A_1083 : vector<1x16xf32> to vector<16xf32>
        %parallel_loop3A_1085 = vector.shape_cast %parallel_loop3A_1080 : vector<16xf32> to vector<1x16xf32>
        tpu.vector_store %arg23[%parallel_loop3A_1081, %parallel_loop3A_1082], %parallel_loop3A_1085 {strides = array<i32>} : memref<8x160xf32, #tpu.memory_space<vmem>>, vector<1x16xf32>,
        %parallel_loop3A_1086 = arith.index_cast %parallel_loop3A_329 : i32 to index
        %parallel_loop3A_1087 = arith.constant 896 : index
        %parallel_loop3A_1088 = tpu.vector_load %arg13[%parallel_loop3A_1086, %parallel_loop3A_1087] {strides = array<i32>} : memref<8x1664xf32, #tpu.memory_space<vmem>>, vector<1x16xf32>,
        %parallel_loop3A_1089 = vector.shape_cast %parallel_loop3A_1088 : vector<1x16xf32> to vector<16xf32>
        %parallel_loop3A_1090 = arith.index_cast %parallel_loop3A_329 : i32 to index
        %parallel_loop3A_1091 = arith.constant 64 : index
        %parallel_loop3A_1092 = tpu.vector_load %arg23[%parallel_loop3A_1090, %parallel_loop3A_1091] {strides = array<i32>} : memref<8x160xf32, #tpu.memory_space<vmem>>, vector<1x16xf32>,
        %parallel_loop3A_1093 = vector.shape_cast %parallel_loop3A_1092 : vector<1x16xf32> to vector<16xf32>
        %parallel_loop3A_1094 = vector.shape_cast %parallel_loop3A_1089 : vector<16xf32> to vector<1x16xf32>
        tpu.vector_store %arg23[%parallel_loop3A_1090, %parallel_loop3A_1091], %parallel_loop3A_1094 {strides = array<i32>} : memref<8x160xf32, #tpu.memory_space<vmem>>, vector<1x16xf32>,
        %parallel_loop3A_1095 = arith.index_cast %parallel_loop3A_329 : i32 to index
        %parallel_loop3A_1096 = arith.constant 912 : index
        %parallel_loop3A_1097 = tpu.vector_load %arg13[%parallel_loop3A_1095, %parallel_loop3A_1096] {strides = array<i32>} : memref<8x1664xf32, #tpu.memory_space<vmem>>, vector<1x16xf32>,
        %parallel_loop3A_1098 = vector.shape_cast %parallel_loop3A_1097 : vector<1x16xf32> to vector<16xf32>
        %parallel_loop3A_1099 = arith.index_cast %parallel_loop3A_329 : i32 to index
        %parallel_loop3A_1100 = arith.constant 80 : index
        %parallel_loop3A_1101 = tpu.vector_load %arg23[%parallel_loop3A_1099, %parallel_loop3A_1100] {strides = array<i32>} : memref<8x160xf32, #tpu.memory_space<vmem>>, vector<1x16xf32>,
        %parallel_loop3A_1102 = vector.shape_cast %parallel_loop3A_1101 : vector<1x16xf32> to vector<16xf32>
        %parallel_loop3A_1103 = vector.shape_cast %parallel_loop3A_1098 : vector<16xf32> to vector<1x16xf32>
        tpu.vector_store %arg23[%parallel_loop3A_1099, %parallel_loop3A_1100], %parallel_loop3A_1103 {strides = array<i32>} : memref<8x160xf32, #tpu.memory_space<vmem>>, vector<1x16xf32>,
        %parallel_loop3A_1104 = arith.index_cast %parallel_loop3A_329 : i32 to index
        %parallel_loop3A_1105 = arith.constant 1216 : index
        %parallel_loop3A_1106 = tpu.vector_load %arg13[%parallel_loop3A_1104, %parallel_loop3A_1105] {strides = array<i32>} : memref<8x1664xf32, #tpu.memory_space<vmem>>, vector<1x16xf32>,
        %parallel_loop3A_1107 = vector.shape_cast %parallel_loop3A_1106 : vector<1x16xf32> to vector<16xf32>
        %parallel_loop3A_1108 = arith.index_cast %parallel_loop3A_329 : i32 to index
        %parallel_loop3A_1109 = arith.constant 96 : index
        %parallel_loop3A_1110 = tpu.vector_load %arg23[%parallel_loop3A_1108, %parallel_loop3A_1109] {strides = array<i32>} : memref<8x160xf32, #tpu.memory_space<vmem>>, vector<1x16xf32>,
        %parallel_loop3A_1111 = vector.shape_cast %parallel_loop3A_1110 : vector<1x16xf32> to vector<16xf32>
        %parallel_loop3A_1112 = vector.shape_cast %parallel_loop3A_1107 : vector<16xf32> to vector<1x16xf32>
        tpu.vector_store %arg23[%parallel_loop3A_1108, %parallel_loop3A_1109], %parallel_loop3A_1112 {strides = array<i32>} : memref<8x160xf32, #tpu.memory_space<vmem>>, vector<1x16xf32>,
        %parallel_loop3A_1113 = arith.index_cast %parallel_loop3A_329 : i32 to index
        %parallel_loop3A_1114 = arith.constant 1232 : index
        %parallel_loop3A_1115 = tpu.vector_load %arg13[%parallel_loop3A_1113, %parallel_loop3A_1114] {strides = array<i32>} : memref<8x1664xf32, #tpu.memory_space<vmem>>, vector<1x16xf32>,
        %parallel_loop3A_1116 = vector.shape_cast %parallel_loop3A_1115 : vector<1x16xf32> to vector<16xf32>
        %parallel_loop3A_1117 = arith.index_cast %parallel_loop3A_329 : i32 to index
        %parallel_loop3A_1118 = arith.constant 112 : index
        %parallel_loop3A_1119 = tpu.vector_load %arg23[%parallel_loop3A_1117, %parallel_loop3A_1118] {strides = array<i32>} : memref<8x160xf32, #tpu.memory_space<vmem>>, vector<1x16xf32>,
        %parallel_loop3A_1120 = vector.shape_cast %parallel_loop3A_1119 : vector<1x16xf32> to vector<16xf32>
        %parallel_loop3A_1121 = vector.shape_cast %parallel_loop3A_1116 : vector<16xf32> to vector<1x16xf32>
        tpu.vector_store %arg23[%parallel_loop3A_1117, %parallel_loop3A_1118], %parallel_loop3A_1121 {strides = array<i32>} : memref<8x160xf32, #tpu.memory_space<vmem>>, vector<1x16xf32>,
        %parallel_loop3A_1122 = arith.index_cast %parallel_loop3A_329 : i32 to index
        %parallel_loop3A_1123 = arith.constant 1536 : index
        %parallel_loop3A_1124 = tpu.vector_load %arg13[%parallel_loop3A_1122, %parallel_loop3A_1123] {strides = array<i32>} : memref<8x1664xf32, #tpu.memory_space<vmem>>, vector<1x16xf32>,
        %parallel_loop3A_1125 = vector.shape_cast %parallel_loop3A_1124 : vector<1x16xf32> to vector<16xf32>
        %parallel_loop3A_1126 = arith.index_cast %parallel_loop3A_329 : i32 to index
        %parallel_loop3A_1127 = arith.constant 128 : index
        %parallel_loop3A_1128 = tpu.vector_load %arg23[%parallel_loop3A_1126, %parallel_loop3A_1127] {strides = array<i32>} : memref<8x160xf32, #tpu.memory_space<vmem>>, vector<1x16xf32>,
        %parallel_loop3A_1129 = vector.shape_cast %parallel_loop3A_1128 : vector<1x16xf32> to vector<16xf32>
        %parallel_loop3A_1130 = vector.shape_cast %parallel_loop3A_1125 : vector<16xf32> to vector<1x16xf32>
        tpu.vector_store %arg23[%parallel_loop3A_1126, %parallel_loop3A_1127], %parallel_loop3A_1130 {strides = array<i32>} : memref<8x160xf32, #tpu.memory_space<vmem>>, vector<1x16xf32>,
        %parallel_loop3A_1131 = arith.index_cast %parallel_loop3A_329 : i32 to index
        %parallel_loop3A_1132 = arith.constant 1552 : index
        %parallel_loop3A_1133 = tpu.vector_load %arg13[%parallel_loop3A_1131, %parallel_loop3A_1132] {strides = array<i32>} : memref<8x1664xf32, #tpu.memory_space<vmem>>, vector<1x16xf32>,
        %parallel_loop3A_1134 = vector.shape_cast %parallel_loop3A_1133 : vector<1x16xf32> to vector<16xf32>
        %parallel_loop3A_1135 = arith.index_cast %parallel_loop3A_329 : i32 to index
        %parallel_loop3A_1136 = arith.constant 144 : index
        %parallel_loop3A_1137 = tpu.vector_load %arg23[%parallel_loop3A_1135, %parallel_loop3A_1136] {strides = array<i32>} : memref<8x160xf32, #tpu.memory_space<vmem>>, vector<1x16xf32>,
        %parallel_loop3A_1138 = vector.shape_cast %parallel_loop3A_1137 : vector<1x16xf32> to vector<16xf32>
        %parallel_loop3A_1139 = vector.shape_cast %parallel_loop3A_1134 : vector<16xf32> to vector<1x16xf32>
        tpu.vector_store %arg23[%parallel_loop3A_1135, %parallel_loop3A_1136], %parallel_loop3A_1139 {strides = array<i32>} : memref<8x160xf32, #tpu.memory_space<vmem>>, vector<1x16xf32>,
        %parallel_loop3A_1140 = arith.index_cast %parallel_loop3A_329 : i32 to index
        %parallel_loop3A_1141 = arith.constant 288 : index
        %parallel_loop3A_1142 = tpu.vector_load %arg13[%parallel_loop3A_1140, %parallel_loop3A_1141] {strides = array<i32>} : memref<8x1664xf32, #tpu.memory_space<vmem>>, vector<1x16xf32>,
        %parallel_loop3A_1143 = vector.shape_cast %parallel_loop3A_1142 : vector<1x16xf32> to vector<16xf32>
        %parallel_loop3A_1144 = arith.index_cast %parallel_loop3A_329 : i32 to index
        %parallel_loop3A_1145 = arith.constant 0 : index
        %parallel_loop3A_1146 = tpu.vector_load %arg24[%parallel_loop3A_1144, %parallel_loop3A_1145] {strides = array<i32>} : memref<8x160xf32, #tpu.memory_space<vmem>>, vector<1x16xf32>,
        %parallel_loop3A_1147 = vector.shape_cast %parallel_loop3A_1146 : vector<1x16xf32> to vector<16xf32>
        %parallel_loop3A_1148 = vector.shape_cast %parallel_loop3A_1143 : vector<16xf32> to vector<1x16xf32>
        tpu.vector_store %arg24[%parallel_loop3A_1144, %parallel_loop3A_1145], %parallel_loop3A_1148 {strides = array<i32>} : memref<8x160xf32, #tpu.memory_space<vmem>>, vector<1x16xf32>,
        %parallel_loop3A_1149 = arith.index_cast %parallel_loop3A_329 : i32 to index
        %parallel_loop3A_1150 = arith.constant 304 : index
        %parallel_loop3A_1151 = tpu.vector_load %arg13[%parallel_loop3A_1149, %parallel_loop3A_1150] {strides = array<i32>} : memref<8x1664xf32, #tpu.memory_space<vmem>>, vector<1x16xf32>,
        %parallel_loop3A_1152 = vector.shape_cast %parallel_loop3A_1151 : vector<1x16xf32> to vector<16xf32>
        %parallel_loop3A_1153 = arith.index_cast %parallel_loop3A_329 : i32 to index
        %parallel_loop3A_1154 = arith.constant 16 : index
        %parallel_loop3A_1155 = tpu.vector_load %arg24[%parallel_loop3A_1153, %parallel_loop3A_1154] {strides = array<i32>} : memref<8x160xf32, #tpu.memory_space<vmem>>, vector<1x16xf32>,
        %parallel_loop3A_1156 = vector.shape_cast %parallel_loop3A_1155 : vector<1x16xf32> to vector<16xf32>
        %parallel_loop3A_1157 = vector.shape_cast %parallel_loop3A_1152 : vector<16xf32> to vector<1x16xf32>
        tpu.vector_store %arg24[%parallel_loop3A_1153, %parallel_loop3A_1154], %parallel_loop3A_1157 {strides = array<i32>} : memref<8x160xf32, #tpu.memory_space<vmem>>, vector<1x16xf32>,
        %parallel_loop3A_1158 = arith.index_cast %parallel_loop3A_329 : i32 to index
        %parallel_loop3A_1159 = arith.constant 608 : index
        %parallel_loop3A_1160 = tpu.vector_load %arg13[%parallel_loop3A_1158, %parallel_loop3A_1159] {strides = array<i32>} : memref<8x1664xf32, #tpu.memory_space<vmem>>, vector<1x16xf32>,
        %parallel_loop3A_1161 = vector.shape_cast %parallel_loop3A_1160 : vector<1x16xf32> to vector<16xf32>
        %parallel_loop3A_1162 = arith.index_cast %parallel_loop3A_329 : i32 to index
        %parallel_loop3A_1163 = arith.constant 32 : index
        %parallel_loop3A_1164 = tpu.vector_load %arg24[%parallel_loop3A_1162, %parallel_loop3A_1163] {strides = array<i32>} : memref<8x160xf32, #tpu.memory_space<vmem>>, vector<1x16xf32>,
        %parallel_loop3A_1165 = vector.shape_cast %parallel_loop3A_1164 : vector<1x16xf32> to vector<16xf32>
        %parallel_loop3A_1166 = vector.shape_cast %parallel_loop3A_1161 : vector<16xf32> to vector<1x16xf32>
        tpu.vector_store %arg24[%parallel_loop3A_1162, %parallel_loop3A_1163], %parallel_loop3A_1166 {strides = array<i32>} : memref<8x160xf32, #tpu.memory_space<vmem>>, vector<1x16xf32>,
        %parallel_loop3A_1167 = arith.index_cast %parallel_loop3A_329 : i32 to index
        %parallel_loop3A_1168 = arith.constant 624 : index
        %parallel_loop3A_1169 = tpu.vector_load %arg13[%parallel_loop3A_1167, %parallel_loop3A_1168] {strides = array<i32>} : memref<8x1664xf32, #tpu.memory_space<vmem>>, vector<1x16xf32>,
        %parallel_loop3A_1170 = vector.shape_cast %parallel_loop3A_1169 : vector<1x16xf32> to vector<16xf32>
        %parallel_loop3A_1171 = arith.index_cast %parallel_loop3A_329 : i32 to index
        %parallel_loop3A_1172 = arith.constant 48 : index
        %parallel_loop3A_1173 = tpu.vector_load %arg24[%parallel_loop3A_1171, %parallel_loop3A_1172] {strides = array<i32>} : memref<8x160xf32, #tpu.memory_space<vmem>>, vector<1x16xf32>,
        %parallel_loop3A_1174 = vector.shape_cast %parallel_loop3A_1173 : vector<1x16xf32> to vector<16xf32>
        %parallel_loop3A_1175 = vector.shape_cast %parallel_loop3A_1170 : vector<16xf32> to vector<1x16xf32>
        tpu.vector_store %arg24[%parallel_loop3A_1171, %parallel_loop3A_1172], %parallel_loop3A_1175 {strides = array<i32>} : memref<8x160xf32, #tpu.memory_space<vmem>>, vector<1x16xf32>,
        %parallel_loop3A_1176 = arith.index_cast %parallel_loop3A_329 : i32 to index
        %parallel_loop3A_1177 = arith.constant 928 : index
        %parallel_loop3A_1178 = tpu.vector_load %arg13[%parallel_loop3A_1176, %parallel_loop3A_1177] {strides = array<i32>} : memref<8x1664xf32, #tpu.memory_space<vmem>>, vector<1x16xf32>,
        %parallel_loop3A_1179 = vector.shape_cast %parallel_loop3A_1178 : vector<1x16xf32> to vector<16xf32>
        %parallel_loop3A_1180 = arith.index_cast %parallel_loop3A_329 : i32 to index
        %parallel_loop3A_1181 = arith.constant 64 : index
        %parallel_loop3A_1182 = tpu.vector_load %arg24[%parallel_loop3A_1180, %parallel_loop3A_1181] {strides = array<i32>} : memref<8x160xf32, #tpu.memory_space<vmem>>, vector<1x16xf32>,
        %parallel_loop3A_1183 = vector.shape_cast %parallel_loop3A_1182 : vector<1x16xf32> to vector<16xf32>
        %parallel_loop3A_1184 = vector.shape_cast %parallel_loop3A_1179 : vector<16xf32> to vector<1x16xf32>
        tpu.vector_store %arg24[%parallel_loop3A_1180, %parallel_loop3A_1181], %parallel_loop3A_1184 {strides = array<i32>} : memref<8x160xf32, #tpu.memory_space<vmem>>, vector<1x16xf32>,
        %parallel_loop3A_1185 = arith.index_cast %parallel_loop3A_329 : i32 to index
        %parallel_loop3A_1186 = arith.constant 944 : index
        %parallel_loop3A_1187 = tpu.vector_load %arg13[%parallel_loop3A_1185, %parallel_loop3A_1186] {strides = array<i32>} : memref<8x1664xf32, #tpu.memory_space<vmem>>, vector<1x16xf32>,
        %parallel_loop3A_1188 = vector.shape_cast %parallel_loop3A_1187 : vector<1x16xf32> to vector<16xf32>
        %parallel_loop3A_1189 = arith.index_cast %parallel_loop3A_329 : i32 to index
        %parallel_loop3A_1190 = arith.constant 80 : index
        %parallel_loop3A_1191 = tpu.vector_load %arg24[%parallel_loop3A_1189, %parallel_loop3A_1190] {strides = array<i32>} : memref<8x160xf32, #tpu.memory_space<vmem>>, vector<1x16xf32>,
        %parallel_loop3A_1192 = vector.shape_cast %parallel_loop3A_1191 : vector<1x16xf32> to vector<16xf32>
        %parallel_loop3A_1193 = vector.shape_cast %parallel_loop3A_1188 : vector<16xf32> to vector<1x16xf32>
        tpu.vector_store %arg24[%parallel_loop3A_1189, %parallel_loop3A_1190], %parallel_loop3A_1193 {strides = array<i32>} : memref<8x160xf32, #tpu.memory_space<vmem>>, vector<1x16xf32>,
        %parallel_loop3A_1194 = arith.index_cast %parallel_loop3A_329 : i32 to index
        %parallel_loop3A_1195 = arith.constant 1248 : index
        %parallel_loop3A_1196 = tpu.vector_load %arg13[%parallel_loop3A_1194, %parallel_loop3A_1195] {strides = array<i32>} : memref<8x1664xf32, #tpu.memory_space<vmem>>, vector<1x16xf32>,
        %parallel_loop3A_1197 = vector.shape_cast %parallel_loop3A_1196 : vector<1x16xf32> to vector<16xf32>
        %parallel_loop3A_1198 = arith.index_cast %parallel_loop3A_329 : i32 to index
        %parallel_loop3A_1199 = arith.constant 96 : index
        %parallel_loop3A_1200 = tpu.vector_load %arg24[%parallel_loop3A_1198, %parallel_loop3A_1199] {strides = array<i32>} : memref<8x160xf32, #tpu.memory_space<vmem>>, vector<1x16xf32>,
        %parallel_loop3A_1201 = vector.shape_cast %parallel_loop3A_1200 : vector<1x16xf32> to vector<16xf32>
        %parallel_loop3A_1202 = vector.shape_cast %parallel_loop3A_1197 : vector<16xf32> to vector<1x16xf32>
        tpu.vector_store %arg24[%parallel_loop3A_1198, %parallel_loop3A_1199], %parallel_loop3A_1202 {strides = array<i32>} : memref<8x160xf32, #tpu.memory_space<vmem>>, vector<1x16xf32>,
        %parallel_loop3A_1203 = arith.index_cast %parallel_loop3A_329 : i32 to index
        %parallel_loop3A_1204 = arith.constant 1264 : index
        %parallel_loop3A_1205 = tpu.vector_load %arg13[%parallel_loop3A_1203, %parallel_loop3A_1204] {strides = array<i32>} : memref<8x1664xf32, #tpu.memory_space<vmem>>, vector<1x16xf32>,
        %parallel_loop3A_1206 = vector.shape_cast %parallel_loop3A_1205 : vector<1x16xf32> to vector<16xf32>
        %parallel_loop3A_1207 = arith.index_cast %parallel_loop3A_329 : i32 to index
        %parallel_loop3A_1208 = arith.constant 112 : index
        %parallel_loop3A_1209 = tpu.vector_load %arg24[%parallel_loop3A_1207, %parallel_loop3A_1208] {strides = array<i32>} : memref<8x160xf32, #tpu.memory_space<vmem>>, vector<1x16xf32>,
        %parallel_loop3A_1210 = vector.shape_cast %parallel_loop3A_1209 : vector<1x16xf32> to vector<16xf32>
        %parallel_loop3A_1211 = vector.shape_cast %parallel_loop3A_1206 : vector<16xf32> to vector<1x16xf32>
        tpu.vector_store %arg24[%parallel_loop3A_1207, %parallel_loop3A_1208], %parallel_loop3A_1211 {strides = array<i32>} : memref<8x160xf32, #tpu.memory_space<vmem>>, vector<1x16xf32>,
        %parallel_loop3A_1212 = arith.index_cast %parallel_loop3A_329 : i32 to index
        %parallel_loop3A_1213 = arith.constant 1568 : index
        %parallel_loop3A_1214 = tpu.vector_load %arg13[%parallel_loop3A_1212, %parallel_loop3A_1213] {strides = array<i32>} : memref<8x1664xf32, #tpu.memory_space<vmem>>, vector<1x16xf32>,
        %parallel_loop3A_1215 = vector.shape_cast %parallel_loop3A_1214 : vector<1x16xf32> to vector<16xf32>
        %parallel_loop3A_1216 = arith.index_cast %parallel_loop3A_329 : i32 to index
        %parallel_loop3A_1217 = arith.constant 128 : index
        %parallel_loop3A_1218 = tpu.vector_load %arg24[%parallel_loop3A_1216, %parallel_loop3A_1217] {strides = array<i32>} : memref<8x160xf32, #tpu.memory_space<vmem>>, vector<1x16xf32>,
        %parallel_loop3A_1219 = vector.shape_cast %parallel_loop3A_1218 : vector<1x16xf32> to vector<16xf32>
        %parallel_loop3A_1220 = vector.shape_cast %parallel_loop3A_1215 : vector<16xf32> to vector<1x16xf32>
        tpu.vector_store %arg24[%parallel_loop3A_1216, %parallel_loop3A_1217], %parallel_loop3A_1220 {strides = array<i32>} : memref<8x160xf32, #tpu.memory_space<vmem>>, vector<1x16xf32>,
        %parallel_loop3A_1221 = arith.index_cast %parallel_loop3A_329 : i32 to index
        %parallel_loop3A_1222 = arith.constant 1584 : index
        %parallel_loop3A_1223 = tpu.vector_load %arg13[%parallel_loop3A_1221, %parallel_loop3A_1222] {strides = array<i32>} : memref<8x1664xf32, #tpu.memory_space<vmem>>, vector<1x16xf32>,
        %parallel_loop3A_1224 = vector.shape_cast %parallel_loop3A_1223 : vector<1x16xf32> to vector<16xf32>
        %parallel_loop3A_1225 = arith.index_cast %parallel_loop3A_329 : i32 to index
        %parallel_loop3A_1226 = arith.constant 144 : index
        %parallel_loop3A_1227 = tpu.vector_load %arg24[%parallel_loop3A_1225, %parallel_loop3A_1226] {strides = array<i32>} : memref<8x160xf32, #tpu.memory_space<vmem>>, vector<1x16xf32>,
        %parallel_loop3A_1228 = vector.shape_cast %parallel_loop3A_1227 : vector<1x16xf32> to vector<16xf32>
        %parallel_loop3A_1229 = vector.shape_cast %parallel_loop3A_1224 : vector<16xf32> to vector<1x16xf32>
        tpu.vector_store %arg24[%parallel_loop3A_1225, %parallel_loop3A_1226], %parallel_loop3A_1229 {strides = array<i32>} : memref<8x160xf32, #tpu.memory_space<vmem>>, vector<1x16xf32>,
      } {sc.loop_unroll_factor = 2 : i64, sc.parallel_access}
      %mul3A_156 = arith.constant 8 : i32
      %mul3A_157 = arith.muli %add3A_144, %mul3A_156 : i32
      %add3A_158 = arith.addi %mul3A_2, %mul3A_157 : i32
      %dma_start3A_159 = arith.constant 0 : i32
      %dma_start3A_160 = tpu.memref_slice %arg3[%add3A_158, %dma_start3A_159] : memref<16384x160xf32, #tpu.memory_space<hbm>> -> memref<8x160xf32, #tpu.memory_space<hbm>>
      %dma_start3A_161 = arith.constant 0 : i32
      %dma_start3A_162 = tpu.memref_slice %arg3[%add3A_158, %dma_start3A_161] : memref<16384x160xf32, #tpu.memory_space<hbm>> -> memref<8x160xf32, #tpu.memory_space<hbm>>
      tpu.enqueue_dma source(%arg15 : memref<8x160xf32, #tpu.memory_space<vmem>>) target(%dma_start3A_162 : memref<8x160xf32, #tpu.memory_space<hbm>>) target_semaphore(%arg37 : memref<!tpu.dma_semaphore, #tpu.memory_space<semaphore_mem>>)
      %mul3A_163 = arith.constant 8 : i32
      %mul3A_164 = arith.muli %add3A_144, %mul3A_163 : i32
      %add3A_165 = arith.addi %mul3A_2, %mul3A_164 : i32
      %dma_start3A_166 = arith.constant 0 : i32
      %dma_start3A_167 = tpu.memref_slice %arg4[%add3A_165, %dma_start3A_166] : memref<16384x160xf32, #tpu.memory_space<hbm>> -> memref<8x160xf32, #tpu.memory_space<hbm>>
      %dma_start3A_168 = arith.constant 0 : i32
      %dma_start3A_169 = tpu.memref_slice %arg4[%add3A_165, %dma_start3A_168] : memref<16384x160xf32, #tpu.memory_space<hbm>> -> memref<8x160xf32, #tpu.memory_space<hbm>>
      tpu.enqueue_dma source(%arg16 : memref<8x160xf32, #tpu.memory_space<vmem>>) target(%dma_start3A_169 : memref<8x160xf32, #tpu.memory_space<hbm>>) target_semaphore(%arg37 : memref<!tpu.dma_semaphore, #tpu.memory_space<semaphore_mem>>)
      %mul3A_170 = arith.constant 8 : i32
      %mul3A_171 = arith.muli %add3A_144, %mul3A_170 : i32
      %add3A_172 = arith.addi %mul3A_2, %mul3A_171 : i32
      %dma_start3A_173 = arith.constant 0 : i32
      %dma_start3A_174 = tpu.memref_slice %arg5[%add3A_172, %dma_start3A_173] : memref<16384x160xf32, #tpu.memory_space<hbm>> -> memref<8x160xf32, #tpu.memory_space<hbm>>
      %dma_start3A_175 = arith.constant 0 : i32
      %dma_start3A_176 = tpu.memref_slice %arg5[%add3A_172, %dma_start3A_175] : memref<16384x160xf32, #tpu.memory_space<hbm>> -> memref<8x160xf32, #tpu.memory_space<hbm>>
      tpu.enqueue_dma source(%arg17 : memref<8x160xf32, #tpu.memory_space<vmem>>) target(%dma_start3A_176 : memref<8x160xf32, #tpu.memory_space<hbm>>) target_semaphore(%arg37 : memref<!tpu.dma_semaphore, #tpu.memory_space<semaphore_mem>>)
      %mul3A_177 = arith.constant 8 : i32
      %mul3A_178 = arith.muli %add3A_144, %mul3A_177 : i32
      %add3A_179 = arith.addi %mul3A_2, %mul3A_178 : i32
      %dma_start3A_180 = arith.constant 0 : i32
      %dma_start3A_181 = tpu.memref_slice %arg6[%add3A_179, %dma_start3A_180] : memref<16384x160xf32, #tpu.memory_space<hbm>> -> memref<8x160xf32, #tpu.memory_space<hbm>>
      %dma_start3A_182 = arith.constant 0 : i32
      %dma_start3A_183 = tpu.memref_slice %arg6[%add3A_179, %dma_start3A_182] : memref<16384x160xf32, #tpu.memory_space<hbm>> -> memref<8x160xf32, #tpu.memory_space<hbm>>
      tpu.enqueue_dma source(%arg18 : memref<8x160xf32, #tpu.memory_space<vmem>>) target(%dma_start3A_183 : memref<8x160xf32, #tpu.memory_space<hbm>>) target_semaphore(%arg37 : memref<!tpu.dma_semaphore, #tpu.memory_space<semaphore_mem>>)
      %mul3A_184 = arith.constant 8 : i32
      %mul3A_185 = arith.muli %add3A_144, %mul3A_184 : i32
      %add3A_186 = arith.addi %mul3A_2, %mul3A_185 : i32
      %dma_start3A_187 = arith.constant 0 : i32
      %dma_start3A_188 = tpu.memref_slice %arg7[%add3A_186, %dma_start3A_187] : memref<16384x160xf32, #tpu.memory_space<hbm>> -> memref<8x160xf32, #tpu.memory_space<hbm>>
      %dma_start3A_189 = arith.constant 0 : i32
      %dma_start3A_190 = tpu.memref_slice %arg7[%add3A_186, %dma_start3A_189] : memref<16384x160xf32, #tpu.memory_space<hbm>> -> memref<8x160xf32, #tpu.memory_space<hbm>>
      tpu.enqueue_dma source(%arg19 : memref<8x160xf32, #tpu.memory_space<vmem>>) target(%dma_start3A_190 : memref<8x160xf32, #tpu.memory_space<hbm>>) target_semaphore(%arg37 : memref<!tpu.dma_semaphore, #tpu.memory_space<semaphore_mem>>)
      %mul3A_191 = arith.constant 8 : i32
      %mul3A_192 = arith.muli %add3A_144, %mul3A_191 : i32
      %add3A_193 = arith.addi %mul3A_2, %mul3A_192 : i32
      %dma_start3A_194 = arith.constant 0 : i32
      %dma_start3A_195 = tpu.memref_slice %arg8[%add3A_193, %dma_start3A_194] : memref<16384x160xf32, #tpu.memory_space<hbm>> -> memref<8x160xf32, #tpu.memory_space<hbm>>
      %dma_start3A_196 = arith.constant 0 : i32
      %dma_start3A_197 = tpu.memref_slice %arg8[%add3A_193, %dma_start3A_196] : memref<16384x160xf32, #tpu.memory_space<hbm>> -> memref<8x160xf32, #tpu.memory_space<hbm>>
      tpu.enqueue_dma source(%arg20 : memref<8x160xf32, #tpu.memory_space<vmem>>) target(%dma_start3A_197 : memref<8x160xf32, #tpu.memory_space<hbm>>) target_semaphore(%arg37 : memref<!tpu.dma_semaphore, #tpu.memory_space<semaphore_mem>>)
      %mul3A_198 = arith.constant 8 : i32
      %mul3A_199 = arith.muli %add3A_144, %mul3A_198 : i32
      %add3A_200 = arith.addi %mul3A_2, %mul3A_199 : i32
      %dma_start3A_201 = arith.constant 0 : i32
      %dma_start3A_202 = tpu.memref_slice %arg9[%add3A_200, %dma_start3A_201] : memref<16384x160xf32, #tpu.memory_space<hbm>> -> memref<8x160xf32, #tpu.memory_space<hbm>>
      %dma_start3A_203 = arith.constant 0 : i32
      %dma_start3A_204 = tpu.memref_slice %arg9[%add3A_200, %dma_start3A_203] : memref<16384x160xf32, #tpu.memory_space<hbm>> -> memref<8x160xf32, #tpu.memory_space<hbm>>
      tpu.enqueue_dma source(%arg21 : memref<8x160xf32, #tpu.memory_space<vmem>>) target(%dma_start3A_204 : memref<8x160xf32, #tpu.memory_space<hbm>>) target_semaphore(%arg37 : memref<!tpu.dma_semaphore, #tpu.memory_space<semaphore_mem>>)
      %mul3A_205 = arith.constant 8 : i32
      %mul3A_206 = arith.muli %add3A_144, %mul3A_205 : i32
      %add3A_207 = arith.addi %mul3A_2, %mul3A_206 : i32
      %dma_start3A_208 = arith.constant 0 : i32
      %dma_start3A_209 = tpu.memref_slice %arg10[%add3A_207, %dma_start3A_208] : memref<16384x160xf32, #tpu.memory_space<hbm>> -> memref<8x160xf32, #tpu.memory_space<hbm>>
      %dma_start3A_210 = arith.constant 0 : i32
      %dma_start3A_211 = tpu.memref_slice %arg10[%add3A_207, %dma_start3A_210] : memref<16384x160xf32, #tpu.memory_space<hbm>> -> memref<8x160xf32, #tpu.memory_space<hbm>>
      tpu.enqueue_dma source(%arg22 : memref<8x160xf32, #tpu.memory_space<vmem>>) target(%dma_start3A_211 : memref<8x160xf32, #tpu.memory_space<hbm>>) target_semaphore(%arg37 : memref<!tpu.dma_semaphore, #tpu.memory_space<semaphore_mem>>)
      %mul3A_212 = arith.constant 8 : i32
      %mul3A_213 = arith.muli %add3A_144, %mul3A_212 : i32
      %add3A_214 = arith.addi %mul3A_2, %mul3A_213 : i32
      %dma_start3A_215 = arith.constant 0 : i32
      %dma_start3A_216 = tpu.memref_slice %arg11[%add3A_214, %dma_start3A_215] : memref<16384x160xf32, #tpu.memory_space<hbm>> -> memref<8x160xf32, #tpu.memory_space<hbm>>
      %dma_start3A_217 = arith.constant 0 : i32
      %dma_start3A_218 = tpu.memref_slice %arg11[%add3A_214, %dma_start3A_217] : memref<16384x160xf32, #tpu.memory_space<hbm>> -> memref<8x160xf32, #tpu.memory_space<hbm>>
      tpu.enqueue_dma source(%arg23 : memref<8x160xf32, #tpu.memory_space<vmem>>) target(%dma_start3A_218 : memref<8x160xf32, #tpu.memory_space<hbm>>) target_semaphore(%arg37 : memref<!tpu.dma_semaphore, #tpu.memory_space<semaphore_mem>>)
      %mul3A_219 = arith.constant 8 : i32
      %mul3A_220 = arith.muli %add3A_144, %mul3A_219 : i32
      %add3A_221 = arith.addi %mul3A_2, %mul3A_220 : i32
      %dma_start3A_222 = arith.constant 0 : i32
      %dma_start3A_223 = tpu.memref_slice %arg12[%add3A_221, %dma_start3A_222] : memref<16384x160xf32, #tpu.memory_space<hbm>> -> memref<8x160xf32, #tpu.memory_space<hbm>>
      %dma_start3A_224 = arith.constant 0 : i32
      %dma_start3A_225 = tpu.memref_slice %arg12[%add3A_221, %dma_start3A_224] : memref<16384x160xf32, #tpu.memory_space<hbm>> -> memref<8x160xf32, #tpu.memory_space<hbm>>
      tpu.enqueue_dma source(%arg24 : memref<8x160xf32, #tpu.memory_space<vmem>>) target(%dma_start3A_225 : memref<8x160xf32, #tpu.memory_space<hbm>>) target_semaphore(%arg37 : memref<!tpu.dma_semaphore, #tpu.memory_space<semaphore_mem>>)
      %add3A_226 = arith.constant 2 : i32
      %add3A_227 = arith.addi %add3A_144, %add3A_226 : i32
      %lt3A = arith.constant 64 : i32
      %lt3A_228 = arith.cmpi slt, %add3A_227, %lt3A : i32
      %convert_element_type3A_229 = arith.extui %lt3A_228 : i1 to i32
      %cond3A_230 = arith.constant 0 : i32
      %cond3A_231 = arith.cmpi ne, %convert_element_type3A_229, %cond3A_230 : i32
      scf.if %cond3A_231 {
        %add3A_329 = arith.constant 2 : i32
        %add3A_330 = arith.addi %add3A_144, %add3A_329 : i32
        %mul3A_331 = arith.constant 8 : i32
        %mul3A_332 = arith.muli %add3A_330, %mul3A_331 : i32
        %add3A_333 = arith.addi %mul3A_2, %mul3A_332 : i32
        %dma_start3A_334 = arith.constant 0 : i32
        %dma_start3A_335 = tpu.memref_slice %arg2[%add3A_333, %dma_start3A_334] : memref<16384x3200xf32, #tpu.memory_space<hbm>> -> memref<8x1664xf32, #tpu.memory_space<hbm>>
        %dma_start3A_336 = arith.constant 0 : i32
        %dma_start3A_337 = tpu.memref_slice %arg2[%add3A_333, %dma_start3A_336] : memref<16384x3200xf32, #tpu.memory_space<hbm>> -> memref<8x1664xf32, #tpu.memory_space<hbm>>
        tpu.enqueue_dma source(%dma_start3A_337 : memref<8x1664xf32, #tpu.memory_space<hbm>>) target(%arg13 : memref<8x1664xf32, #tpu.memory_space<vmem>>) target_semaphore(%arg35 : memref<!tpu.dma_semaphore, #tpu.memory_space<semaphore_mem>>)
      } else {
      }
      %mul3A_232 = arith.constant 2 : i32
      %mul3A_233 = arith.muli %scan3A_139, %mul3A_232 : i32
      %add3A_234 = arith.constant 1 : i32
      %add3A_235 = arith.addi %mul3A_233, %add3A_234 : i32
      %mul3A_236 = arith.constant 8 : i32
      %mul3A_237 = arith.muli %add3A_235, %mul3A_236 : i32
      %add3A_238 = arith.addi %mul3A_2, %mul3A_237 : i32
      %dma_wait3A_239 = arith.constant 0 : i32
      %dma_wait3A_240 = tpu.memref_slice %arg2[%add3A_238, %dma_wait3A_239] : memref<16384x3200xf32, #tpu.memory_space<hbm>> -> memref<8x1664xf32, #tpu.memory_space<hbm>>
      %dma_wait3A_241 = arith.constant 0 : i32
      %dma_wait3A_242 = tpu.memref_slice %arg2[%add3A_238, %dma_wait3A_241] : memref<16384x3200xf32, #tpu.memory_space<hbm>> -> memref<8x1664xf32, #tpu.memory_space<hbm>>
      tpu.wait_dma2 semaphore(%arg36 : memref<!tpu.dma_semaphore, #tpu.memory_space<semaphore_mem>>) src(%dma_wait3A_242 : memref<8x1664xf32, #tpu.memory_space<hbm>>) dst(%arg14 : memref<8x1664xf32, #tpu.memory_space<vmem>>)
      %ge3A_243 = arith.constant 2 : i32
      %ge3A_244 = arith.cmpi sge, %add3A_235, %ge3A_243 : i32
      %convert_element_type3A_245 = arith.extui %ge3A_244 : i1 to i32
      %cond3A_246 = arith.constant 0 : i32
      %cond3A_247 = arith.cmpi ne, %convert_element_type3A_245, %cond3A_246 : i32
      scf.if %cond3A_247 {
        %sub3A = arith.constant 2 : i32
        %sub3A_329 = arith.subi %add3A_235, %sub3A : i32
        %mul3A_330 = arith.constant 8 : i32
        %mul3A_331 = arith.muli %sub3A_329, %mul3A_330 : i32
        %add3A_332 = arith.addi %mul3A_2, %mul3A_331 : i32
        %dma_wait3A_333 = arith.constant 0 : i32
        %dma_wait3A_334 = tpu.memref_slice %arg3[%add3A_332, %dma_wait3A_333] : memref<16384x160xf32, #tpu.memory_space<hbm>> -> memref<8x160xf32, #tpu.memory_space<hbm>>
        %dma_wait3A_335 = arith.constant 0 : i32
        %dma_wait3A_336 = tpu.memref_slice %arg3[%add3A_332, %dma_wait3A_335] : memref<16384x160xf32, #tpu.memory_space<hbm>> -> memref<8x160xf32, #tpu.memory_space<hbm>>
        tpu.wait_dma2 semaphore(%arg38 : memref<!tpu.dma_semaphore, #tpu.memory_space<semaphore_mem>>) src(%arg25 : memref<8x160xf32, #tpu.memory_space<vmem>>) dst(%dma_wait3A_336 : memref<8x160xf32, #tpu.memory_space<hbm>>)
        %sub3A_337 = arith.constant 2 : i32
        %sub3A_338 = arith.subi %add3A_235, %sub3A_337 : i32
        %mul3A_339 = arith.constant 8 : i32
        %mul3A_340 = arith.muli %sub3A_338, %mul3A_339 : i32
        %add3A_341 = arith.addi %mul3A_2, %mul3A_340 : i32
        %dma_wait3A_342 = arith.constant 0 : i32
        %dma_wait3A_343 = tpu.memref_slice %arg4[%add3A_341, %dma_wait3A_342] : memref<16384x160xf32, #tpu.memory_space<hbm>> -> memref<8x160xf32, #tpu.memory_space<hbm>>
        %dma_wait3A_344 = arith.constant 0 : i32
        %dma_wait3A_345 = tpu.memref_slice %arg4[%add3A_341, %dma_wait3A_344] : memref<16384x160xf32, #tpu.memory_space<hbm>> -> memref<8x160xf32, #tpu.memory_space<hbm>>
        tpu.wait_dma2 semaphore(%arg38 : memref<!tpu.dma_semaphore, #tpu.memory_space<semaphore_mem>>) src(%arg26 : memref<8x160xf32, #tpu.memory_space<vmem>>) dst(%dma_wait3A_345 : memref<8x160xf32, #tpu.memory_space<hbm>>)
        %sub3A_346 = arith.constant 2 : i32
        %sub3A_347 = arith.subi %add3A_235, %sub3A_346 : i32
        %mul3A_348 = arith.constant 8 : i32
        %mul3A_349 = arith.muli %sub3A_347, %mul3A_348 : i32
        %add3A_350 = arith.addi %mul3A_2, %mul3A_349 : i32
        %dma_wait3A_351 = arith.constant 0 : i32
        %dma_wait3A_352 = tpu.memref_slice %arg5[%add3A_350, %dma_wait3A_351] : memref<16384x160xf32, #tpu.memory_space<hbm>> -> memref<8x160xf32, #tpu.memory_space<hbm>>
        %dma_wait3A_353 = arith.constant 0 : i32
        %dma_wait3A_354 = tpu.memref_slice %arg5[%add3A_350, %dma_wait3A_353] : memref<16384x160xf32, #tpu.memory_space<hbm>> -> memref<8x160xf32, #tpu.memory_space<hbm>>
        tpu.wait_dma2 semaphore(%arg38 : memref<!tpu.dma_semaphore, #tpu.memory_space<semaphore_mem>>) src(%arg27 : memref<8x160xf32, #tpu.memory_space<vmem>>) dst(%dma_wait3A_354 : memref<8x160xf32, #tpu.memory_space<hbm>>)
        %sub3A_355 = arith.constant 2 : i32
        %sub3A_356 = arith.subi %add3A_235, %sub3A_355 : i32
        %mul3A_357 = arith.constant 8 : i32
        %mul3A_358 = arith.muli %sub3A_356, %mul3A_357 : i32
        %add3A_359 = arith.addi %mul3A_2, %mul3A_358 : i32
        %dma_wait3A_360 = arith.constant 0 : i32
        %dma_wait3A_361 = tpu.memref_slice %arg6[%add3A_359, %dma_wait3A_360] : memref<16384x160xf32, #tpu.memory_space<hbm>> -> memref<8x160xf32, #tpu.memory_space<hbm>>
        %dma_wait3A_362 = arith.constant 0 : i32
        %dma_wait3A_363 = tpu.memref_slice %arg6[%add3A_359, %dma_wait3A_362] : memref<16384x160xf32, #tpu.memory_space<hbm>> -> memref<8x160xf32, #tpu.memory_space<hbm>>
        tpu.wait_dma2 semaphore(%arg38 : memref<!tpu.dma_semaphore, #tpu.memory_space<semaphore_mem>>) src(%arg28 : memref<8x160xf32, #tpu.memory_space<vmem>>) dst(%dma_wait3A_363 : memref<8x160xf32, #tpu.memory_space<hbm>>)
        %sub3A_364 = arith.constant 2 : i32
        %sub3A_365 = arith.subi %add3A_235, %sub3A_364 : i32
        %mul3A_366 = arith.constant 8 : i32
        %mul3A_367 = arith.muli %sub3A_365, %mul3A_366 : i32
        %add3A_368 = arith.addi %mul3A_2, %mul3A_367 : i32
        %dma_wait3A_369 = arith.constant 0 : i32
        %dma_wait3A_370 = tpu.memref_slice %arg7[%add3A_368, %dma_wait3A_369] : memref<16384x160xf32, #tpu.memory_space<hbm>> -> memref<8x160xf32, #tpu.memory_space<hbm>>
        %dma_wait3A_371 = arith.constant 0 : i32
        %dma_wait3A_372 = tpu.memref_slice %arg7[%add3A_368, %dma_wait3A_371] : memref<16384x160xf32, #tpu.memory_space<hbm>> -> memref<8x160xf32, #tpu.memory_space<hbm>>
        tpu.wait_dma2 semaphore(%arg38 : memref<!tpu.dma_semaphore, #tpu.memory_space<semaphore_mem>>) src(%arg29 : memref<8x160xf32, #tpu.memory_space<vmem>>) dst(%dma_wait3A_372 : memref<8x160xf32, #tpu.memory_space<hbm>>)
        %sub3A_373 = arith.constant 2 : i32
        %sub3A_374 = arith.subi %add3A_235, %sub3A_373 : i32
        %mul3A_375 = arith.constant 8 : i32
        %mul3A_376 = arith.muli %sub3A_374, %mul3A_375 : i32
        %add3A_377 = arith.addi %mul3A_2, %mul3A_376 : i32
        %dma_wait3A_378 = arith.constant 0 : i32
        %dma_wait3A_379 = tpu.memref_slice %arg8[%add3A_377, %dma_wait3A_378] : memref<16384x160xf32, #tpu.memory_space<hbm>> -> memref<8x160xf32, #tpu.memory_space<hbm>>
        %dma_wait3A_380 = arith.constant 0 : i32
        %dma_wait3A_381 = tpu.memref_slice %arg8[%add3A_377, %dma_wait3A_380] : memref<16384x160xf32, #tpu.memory_space<hbm>> -> memref<8x160xf32, #tpu.memory_space<hbm>>
        tpu.wait_dma2 semaphore(%arg38 : memref<!tpu.dma_semaphore, #tpu.memory_space<semaphore_mem>>) src(%arg30 : memref<8x160xf32, #tpu.memory_space<vmem>>) dst(%dma_wait3A_381 : memref<8x160xf32, #tpu.memory_space<hbm>>)
        %sub3A_382 = arith.constant 2 : i32
        %sub3A_383 = arith.subi %add3A_235, %sub3A_382 : i32
        %mul3A_384 = arith.constant 8 : i32
        %mul3A_385 = arith.muli %sub3A_383, %mul3A_384 : i32
        %add3A_386 = arith.addi %mul3A_2, %mul3A_385 : i32
        %dma_wait3A_387 = arith.constant 0 : i32
        %dma_wait3A_388 = tpu.memref_slice %arg9[%add3A_386, %dma_wait3A_387] : memref<16384x160xf32, #tpu.memory_space<hbm>> -> memref<8x160xf32, #tpu.memory_space<hbm>>
        %dma_wait3A_389 = arith.constant 0 : i32
        %dma_wait3A_390 = tpu.memref_slice %arg9[%add3A_386, %dma_wait3A_389] : memref<16384x160xf32, #tpu.memory_space<hbm>> -> memref<8x160xf32, #tpu.memory_space<hbm>>
        tpu.wait_dma2 semaphore(%arg38 : memref<!tpu.dma_semaphore, #tpu.memory_space<semaphore_mem>>) src(%arg31 : memref<8x160xf32, #tpu.memory_space<vmem>>) dst(%dma_wait3A_390 : memref<8x160xf32, #tpu.memory_space<hbm>>)
        %sub3A_391 = arith.constant 2 : i32
        %sub3A_392 = arith.subi %add3A_235, %sub3A_391 : i32
        %mul3A_393 = arith.constant 8 : i32
        %mul3A_394 = arith.muli %sub3A_392, %mul3A_393 : i32
        %add3A_395 = arith.addi %mul3A_2, %mul3A_394 : i32
        %dma_wait3A_396 = arith.constant 0 : i32
        %dma_wait3A_397 = tpu.memref_slice %arg10[%add3A_395, %dma_wait3A_396] : memref<16384x160xf32, #tpu.memory_space<hbm>> -> memref<8x160xf32, #tpu.memory_space<hbm>>
        %dma_wait3A_398 = arith.constant 0 : i32
        %dma_wait3A_399 = tpu.memref_slice %arg10[%add3A_395, %dma_wait3A_398] : memref<16384x160xf32, #tpu.memory_space<hbm>> -> memref<8x160xf32, #tpu.memory_space<hbm>>
        tpu.wait_dma2 semaphore(%arg38 : memref<!tpu.dma_semaphore, #tpu.memory_space<semaphore_mem>>) src(%arg32 : memref<8x160xf32, #tpu.memory_space<vmem>>) dst(%dma_wait3A_399 : memref<8x160xf32, #tpu.memory_space<hbm>>)
        %sub3A_400 = arith.constant 2 : i32
        %sub3A_401 = arith.subi %add3A_235, %sub3A_400 : i32
        %mul3A_402 = arith.constant 8 : i32
        %mul3A_403 = arith.muli %sub3A_401, %mul3A_402 : i32
        %add3A_404 = arith.addi %mul3A_2, %mul3A_403 : i32
        %dma_wait3A_405 = arith.constant 0 : i32
        %dma_wait3A_406 = tpu.memref_slice %arg11[%add3A_404, %dma_wait3A_405] : memref<16384x160xf32, #tpu.memory_space<hbm>> -> memref<8x160xf32, #tpu.memory_space<hbm>>
        %dma_wait3A_407 = arith.constant 0 : i32
        %dma_wait3A_408 = tpu.memref_slice %arg11[%add3A_404, %dma_wait3A_407] : memref<16384x160xf32, #tpu.memory_space<hbm>> -> memref<8x160xf32, #tpu.memory_space<hbm>>
        tpu.wait_dma2 semaphore(%arg38 : memref<!tpu.dma_semaphore, #tpu.memory_space<semaphore_mem>>) src(%arg33 : memref<8x160xf32, #tpu.memory_space<vmem>>) dst(%dma_wait3A_408 : memref<8x160xf32, #tpu.memory_space<hbm>>)
        %sub3A_409 = arith.constant 2 : i32
        %sub3A_410 = arith.subi %add3A_235, %sub3A_409 : i32
        %mul3A_411 = arith.constant 8 : i32
        %mul3A_412 = arith.muli %sub3A_410, %mul3A_411 : i32
        %add3A_413 = arith.addi %mul3A_2, %mul3A_412 : i32
        %dma_wait3A_414 = arith.constant 0 : i32
        %dma_wait3A_415 = tpu.memref_slice %arg12[%add3A_413, %dma_wait3A_414] : memref<16384x160xf32, #tpu.memory_space<hbm>> -> memref<8x160xf32, #tpu.memory_space<hbm>>
        %dma_wait3A_416 = arith.constant 0 : i32
        %dma_wait3A_417 = tpu.memref_slice %arg12[%add3A_413, %dma_wait3A_416] : memref<16384x160xf32, #tpu.memory_space<hbm>> -> memref<8x160xf32, #tpu.memory_space<hbm>>
        tpu.wait_dma2 semaphore(%arg38 : memref<!tpu.dma_semaphore, #tpu.memory_space<semaphore_mem>>) src(%arg34 : memref<8x160xf32, #tpu.memory_space<vmem>>) dst(%dma_wait3A_417 : memref<8x160xf32, #tpu.memory_space<hbm>>)
      } else {
      }
      %parallel_loop3A_248 = arith.constant 0 : i32
      %parallel_loop3A_249 = arith.constant 8 : i32
      %parallel_loop3A_250 = arith.constant 1 : i32
      scf.for %parallel_loop3A_329 = %parallel_loop3A_248 to %parallel_loop3A_249 step %parallel_loop3A_250  : i32 {
        %parallel_loop3A_330 = arith.index_cast %parallel_loop3A_329 : i32 to index
        %parallel_loop3A_331 = arith.constant 0 : index
        %parallel_loop3A_332 = tpu.vector_load %arg14[%parallel_loop3A_330, %parallel_loop3A_331] {strides = array<i32>} : memref<8x1664xf32, #tpu.memory_space<vmem>>, vector<1x16xf32>,
        %parallel_loop3A_333 = vector.shape_cast %parallel_loop3A_332 : vector<1x16xf32> to vector<16xf32>
        %parallel_loop3A_334 = arith.index_cast %parallel_loop3A_329 : i32 to index
        %parallel_loop3A_335 = arith.constant 0 : index
        %parallel_loop3A_336 = tpu.vector_load %arg25[%parallel_loop3A_334, %parallel_loop3A_335] {strides = array<i32>} : memref<8x160xf32, #tpu.memory_space<vmem>>, vector<1x16xf32>,
        %parallel_loop3A_337 = vector.shape_cast %parallel_loop3A_336 : vector<1x16xf32> to vector<16xf32>
        %parallel_loop3A_338 = vector.shape_cast %parallel_loop3A_333 : vector<16xf32> to vector<1x16xf32>
        tpu.vector_store %arg25[%parallel_loop3A_334, %parallel_loop3A_335], %parallel_loop3A_338 {strides = array<i32>} : memref<8x160xf32, #tpu.memory_space<vmem>>, vector<1x16xf32>,
        %parallel_loop3A_339 = arith.index_cast %parallel_loop3A_329 : i32 to index
        %parallel_loop3A_340 = arith.constant 16 : index
        %parallel_loop3A_341 = tpu.vector_load %arg14[%parallel_loop3A_339, %parallel_loop3A_340] {strides = array<i32>} : memref<8x1664xf32, #tpu.memory_space<vmem>>, vector<1x16xf32>,
        %parallel_loop3A_342 = vector.shape_cast %parallel_loop3A_341 : vector<1x16xf32> to vector<16xf32>
        %parallel_loop3A_343 = arith.index_cast %parallel_loop3A_329 : i32 to index
        %parallel_loop3A_344 = arith.constant 16 : index
        %parallel_loop3A_345 = tpu.vector_load %arg25[%parallel_loop3A_343, %parallel_loop3A_344] {strides = array<i32>} : memref<8x160xf32, #tpu.memory_space<vmem>>, vector<1x16xf32>,
        %parallel_loop3A_346 = vector.shape_cast %parallel_loop3A_345 : vector<1x16xf32> to vector<16xf32>
        %parallel_loop3A_347 = vector.shape_cast %parallel_loop3A_342 : vector<16xf32> to vector<1x16xf32>
        tpu.vector_store %arg25[%parallel_loop3A_343, %parallel_loop3A_344], %parallel_loop3A_347 {strides = array<i32>} : memref<8x160xf32, #tpu.memory_space<vmem>>, vector<1x16xf32>,
        %parallel_loop3A_348 = arith.index_cast %parallel_loop3A_329 : i32 to index
        %parallel_loop3A_349 = arith.constant 320 : index
        %parallel_loop3A_350 = tpu.vector_load %arg14[%parallel_loop3A_348, %parallel_loop3A_349] {strides = array<i32>} : memref<8x1664xf32, #tpu.memory_space<vmem>>, vector<1x16xf32>,
        %parallel_loop3A_351 = vector.shape_cast %parallel_loop3A_350 : vector<1x16xf32> to vector<16xf32>
        %parallel_loop3A_352 = arith.index_cast %parallel_loop3A_329 : i32 to index
        %parallel_loop3A_353 = arith.constant 32 : index
        %parallel_loop3A_354 = tpu.vector_load %arg25[%parallel_loop3A_352, %parallel_loop3A_353] {strides = array<i32>} : memref<8x160xf32, #tpu.memory_space<vmem>>, vector<1x16xf32>,
        %parallel_loop3A_355 = vector.shape_cast %parallel_loop3A_354 : vector<1x16xf32> to vector<16xf32>
        %parallel_loop3A_356 = vector.shape_cast %parallel_loop3A_351 : vector<16xf32> to vector<1x16xf32>
        tpu.vector_store %arg25[%parallel_loop3A_352, %parallel_loop3A_353], %parallel_loop3A_356 {strides = array<i32>} : memref<8x160xf32, #tpu.memory_space<vmem>>, vector<1x16xf32>,
        %parallel_loop3A_357 = arith.index_cast %parallel_loop3A_329 : i32 to index
        %parallel_loop3A_358 = arith.constant 336 : index
        %parallel_loop3A_359 = tpu.vector_load %arg14[%parallel_loop3A_357, %parallel_loop3A_358] {strides = array<i32>} : memref<8x1664xf32, #tpu.memory_space<vmem>>, vector<1x16xf32>,
        %parallel_loop3A_360 = vector.shape_cast %parallel_loop3A_359 : vector<1x16xf32> to vector<16xf32>
        %parallel_loop3A_361 = arith.index_cast %parallel_loop3A_329 : i32 to index
        %parallel_loop3A_362 = arith.constant 48 : index
        %parallel_loop3A_363 = tpu.vector_load %arg25[%parallel_loop3A_361, %parallel_loop3A_362] {strides = array<i32>} : memref<8x160xf32, #tpu.memory_space<vmem>>, vector<1x16xf32>,
        %parallel_loop3A_364 = vector.shape_cast %parallel_loop3A_363 : vector<1x16xf32> to vector<16xf32>
        %parallel_loop3A_365 = vector.shape_cast %parallel_loop3A_360 : vector<16xf32> to vector<1x16xf32>
        tpu.vector_store %arg25[%parallel_loop3A_361, %parallel_loop3A_362], %parallel_loop3A_365 {strides = array<i32>} : memref<8x160xf32, #tpu.memory_space<vmem>>, vector<1x16xf32>,
        %parallel_loop3A_366 = arith.index_cast %parallel_loop3A_329 : i32 to index
        %parallel_loop3A_367 = arith.constant 640 : index
        %parallel_loop3A_368 = tpu.vector_load %arg14[%parallel_loop3A_366, %parallel_loop3A_367] {strides = array<i32>} : memref<8x1664xf32, #tpu.memory_space<vmem>>, vector<1x16xf32>,
        %parallel_loop3A_369 = vector.shape_cast %parallel_loop3A_368 : vector<1x16xf32> to vector<16xf32>
        %parallel_loop3A_370 = arith.index_cast %parallel_loop3A_329 : i32 to index
        %parallel_loop3A_371 = arith.constant 64 : index
        %parallel_loop3A_372 = tpu.vector_load %arg25[%parallel_loop3A_370, %parallel_loop3A_371] {strides = array<i32>} : memref<8x160xf32, #tpu.memory_space<vmem>>, vector<1x16xf32>,
        %parallel_loop3A_373 = vector.shape_cast %parallel_loop3A_372 : vector<1x16xf32> to vector<16xf32>
        %parallel_loop3A_374 = vector.shape_cast %parallel_loop3A_369 : vector<16xf32> to vector<1x16xf32>
        tpu.vector_store %arg25[%parallel_loop3A_370, %parallel_loop3A_371], %parallel_loop3A_374 {strides = array<i32>} : memref<8x160xf32, #tpu.memory_space<vmem>>, vector<1x16xf32>,
        %parallel_loop3A_375 = arith.index_cast %parallel_loop3A_329 : i32 to index
        %parallel_loop3A_376 = arith.constant 656 : index
        %parallel_loop3A_377 = tpu.vector_load %arg14[%parallel_loop3A_375, %parallel_loop3A_376] {strides = array<i32>} : memref<8x1664xf32, #tpu.memory_space<vmem>>, vector<1x16xf32>,
        %parallel_loop3A_378 = vector.shape_cast %parallel_loop3A_377 : vector<1x16xf32> to vector<16xf32>
        %parallel_loop3A_379 = arith.index_cast %parallel_loop3A_329 : i32 to index
        %parallel_loop3A_380 = arith.constant 80 : index
        %parallel_loop3A_381 = tpu.vector_load %arg25[%parallel_loop3A_379, %parallel_loop3A_380] {strides = array<i32>} : memref<8x160xf32, #tpu.memory_space<vmem>>, vector<1x16xf32>,
        %parallel_loop3A_382 = vector.shape_cast %parallel_loop3A_381 : vector<1x16xf32> to vector<16xf32>
        %parallel_loop3A_383 = vector.shape_cast %parallel_loop3A_378 : vector<16xf32> to vector<1x16xf32>
        tpu.vector_store %arg25[%parallel_loop3A_379, %parallel_loop3A_380], %parallel_loop3A_383 {strides = array<i32>} : memref<8x160xf32, #tpu.memory_space<vmem>>, vector<1x16xf32>,
        %parallel_loop3A_384 = arith.index_cast %parallel_loop3A_329 : i32 to index
        %parallel_loop3A_385 = arith.constant 960 : index
        %parallel_loop3A_386 = tpu.vector_load %arg14[%parallel_loop3A_384, %parallel_loop3A_385] {strides = array<i32>} : memref<8x1664xf32, #tpu.memory_space<vmem>>, vector<1x16xf32>,
        %parallel_loop3A_387 = vector.shape_cast %parallel_loop3A_386 : vector<1x16xf32> to vector<16xf32>
        %parallel_loop3A_388 = arith.index_cast %parallel_loop3A_329 : i32 to index
        %parallel_loop3A_389 = arith.constant 96 : index
        %parallel_loop3A_390 = tpu.vector_load %arg25[%parallel_loop3A_388, %parallel_loop3A_389] {strides = array<i32>} : memref<8x160xf32, #tpu.memory_space<vmem>>, vector<1x16xf32>,
        %parallel_loop3A_391 = vector.shape_cast %parallel_loop3A_390 : vector<1x16xf32> to vector<16xf32>
        %parallel_loop3A_392 = vector.shape_cast %parallel_loop3A_387 : vector<16xf32> to vector<1x16xf32>
        tpu.vector_store %arg25[%parallel_loop3A_388, %parallel_loop3A_389], %parallel_loop3A_392 {strides = array<i32>} : memref<8x160xf32, #tpu.memory_space<vmem>>, vector<1x16xf32>,
        %parallel_loop3A_393 = arith.index_cast %parallel_loop3A_329 : i32 to index
        %parallel_loop3A_394 = arith.constant 976 : index
        %parallel_loop3A_395 = tpu.vector_load %arg14[%parallel_loop3A_393, %parallel_loop3A_394] {strides = array<i32>} : memref<8x1664xf32, #tpu.memory_space<vmem>>, vector<1x16xf32>,
        %parallel_loop3A_396 = vector.shape_cast %parallel_loop3A_395 : vector<1x16xf32> to vector<16xf32>
        %parallel_loop3A_397 = arith.index_cast %parallel_loop3A_329 : i32 to index
        %parallel_loop3A_398 = arith.constant 112 : index
        %parallel_loop3A_399 = tpu.vector_load %arg25[%parallel_loop3A_397, %parallel_loop3A_398] {strides = array<i32>} : memref<8x160xf32, #tpu.memory_space<vmem>>, vector<1x16xf32>,
        %parallel_loop3A_400 = vector.shape_cast %parallel_loop3A_399 : vector<1x16xf32> to vector<16xf32>
        %parallel_loop3A_401 = vector.shape_cast %parallel_loop3A_396 : vector<16xf32> to vector<1x16xf32>
        tpu.vector_store %arg25[%parallel_loop3A_397, %parallel_loop3A_398], %parallel_loop3A_401 {strides = array<i32>} : memref<8x160xf32, #tpu.memory_space<vmem>>, vector<1x16xf32>,
        %parallel_loop3A_402 = arith.index_cast %parallel_loop3A_329 : i32 to index
        %parallel_loop3A_403 = arith.constant 1280 : index
        %parallel_loop3A_404 = tpu.vector_load %arg14[%parallel_loop3A_402, %parallel_loop3A_403] {strides = array<i32>} : memref<8x1664xf32, #tpu.memory_space<vmem>>, vector<1x16xf32>,
        %parallel_loop3A_405 = vector.shape_cast %parallel_loop3A_404 : vector<1x16xf32> to vector<16xf32>
        %parallel_loop3A_406 = arith.index_cast %parallel_loop3A_329 : i32 to index
        %parallel_loop3A_407 = arith.constant 128 : index
        %parallel_loop3A_408 = tpu.vector_load %arg25[%parallel_loop3A_406, %parallel_loop3A_407] {strides = array<i32>} : memref<8x160xf32, #tpu.memory_space<vmem>>, vector<1x16xf32>,
        %parallel_loop3A_409 = vector.shape_cast %parallel_loop3A_408 : vector<1x16xf32> to vector<16xf32>
        %parallel_loop3A_410 = vector.shape_cast %parallel_loop3A_405 : vector<16xf32> to vector<1x16xf32>
        tpu.vector_store %arg25[%parallel_loop3A_406, %parallel_loop3A_407], %parallel_loop3A_410 {strides = array<i32>} : memref<8x160xf32, #tpu.memory_space<vmem>>, vector<1x16xf32>,
        %parallel_loop3A_411 = arith.index_cast %parallel_loop3A_329 : i32 to index
        %parallel_loop3A_412 = arith.constant 1296 : index
        %parallel_loop3A_413 = tpu.vector_load %arg14[%parallel_loop3A_411, %parallel_loop3A_412] {strides = array<i32>} : memref<8x1664xf32, #tpu.memory_space<vmem>>, vector<1x16xf32>,
        %parallel_loop3A_414 = vector.shape_cast %parallel_loop3A_413 : vector<1x16xf32> to vector<16xf32>
        %parallel_loop3A_415 = arith.index_cast %parallel_loop3A_329 : i32 to index
        %parallel_loop3A_416 = arith.constant 144 : index
        %parallel_loop3A_417 = tpu.vector_load %arg25[%parallel_loop3A_415, %parallel_loop3A_416] {strides = array<i32>} : memref<8x160xf32, #tpu.memory_space<vmem>>, vector<1x16xf32>,
        %parallel_loop3A_418 = vector.shape_cast %parallel_loop3A_417 : vector<1x16xf32> to vector<16xf32>
        %parallel_loop3A_419 = vector.shape_cast %parallel_loop3A_414 : vector<16xf32> to vector<1x16xf32>
        tpu.vector_store %arg25[%parallel_loop3A_415, %parallel_loop3A_416], %parallel_loop3A_419 {strides = array<i32>} : memref<8x160xf32, #tpu.memory_space<vmem>>, vector<1x16xf32>,
        %parallel_loop3A_420 = arith.index_cast %parallel_loop3A_329 : i32 to index
        %parallel_loop3A_421 = arith.constant 32 : index
        %parallel_loop3A_422 = tpu.vector_load %arg14[%parallel_loop3A_420, %parallel_loop3A_421] {strides = array<i32>} : memref<8x1664xf32, #tpu.memory_space<vmem>>, vector<1x16xf32>,
        %parallel_loop3A_423 = vector.shape_cast %parallel_loop3A_422 : vector<1x16xf32> to vector<16xf32>
        %parallel_loop3A_424 = arith.index_cast %parallel_loop3A_329 : i32 to index
        %parallel_loop3A_425 = arith.constant 0 : index
        %parallel_loop3A_426 = tpu.vector_load %arg26[%parallel_loop3A_424, %parallel_loop3A_425] {strides = array<i32>} : memref<8x160xf32, #tpu.memory_space<vmem>>, vector<1x16xf32>,
        %parallel_loop3A_427 = vector.shape_cast %parallel_loop3A_426 : vector<1x16xf32> to vector<16xf32>
        %parallel_loop3A_428 = vector.shape_cast %parallel_loop3A_423 : vector<16xf32> to vector<1x16xf32>
        tpu.vector_store %arg26[%parallel_loop3A_424, %parallel_loop3A_425], %parallel_loop3A_428 {strides = array<i32>} : memref<8x160xf32, #tpu.memory_space<vmem>>, vector<1x16xf32>,
        %parallel_loop3A_429 = arith.index_cast %parallel_loop3A_329 : i32 to index
        %parallel_loop3A_430 = arith.constant 48 : index
        %parallel_loop3A_431 = tpu.vector_load %arg14[%parallel_loop3A_429, %parallel_loop3A_430] {strides = array<i32>} : memref<8x1664xf32, #tpu.memory_space<vmem>>, vector<1x16xf32>,
        %parallel_loop3A_432 = vector.shape_cast %parallel_loop3A_431 : vector<1x16xf32> to vector<16xf32>
        %parallel_loop3A_433 = arith.index_cast %parallel_loop3A_329 : i32 to index
        %parallel_loop3A_434 = arith.constant 16 : index
        %parallel_loop3A_435 = tpu.vector_load %arg26[%parallel_loop3A_433, %parallel_loop3A_434] {strides = array<i32>} : memref<8x160xf32, #tpu.memory_space<vmem>>, vector<1x16xf32>,
        %parallel_loop3A_436 = vector.shape_cast %parallel_loop3A_435 : vector<1x16xf32> to vector<16xf32>
        %parallel_loop3A_437 = vector.shape_cast %parallel_loop3A_432 : vector<16xf32> to vector<1x16xf32>
        tpu.vector_store %arg26[%parallel_loop3A_433, %parallel_loop3A_434], %parallel_loop3A_437 {strides = array<i32>} : memref<8x160xf32, #tpu.memory_space<vmem>>, vector<1x16xf32>,
        %parallel_loop3A_438 = arith.index_cast %parallel_loop3A_329 : i32 to index
        %parallel_loop3A_439 = arith.constant 352 : index
        %parallel_loop3A_440 = tpu.vector_load %arg14[%parallel_loop3A_438, %parallel_loop3A_439] {strides = array<i32>} : memref<8x1664xf32, #tpu.memory_space<vmem>>, vector<1x16xf32>,
        %parallel_loop3A_441 = vector.shape_cast %parallel_loop3A_440 : vector<1x16xf32> to vector<16xf32>
        %parallel_loop3A_442 = arith.index_cast %parallel_loop3A_329 : i32 to index
        %parallel_loop3A_443 = arith.constant 32 : index
        %parallel_loop3A_444 = tpu.vector_load %arg26[%parallel_loop3A_442, %parallel_loop3A_443] {strides = array<i32>} : memref<8x160xf32, #tpu.memory_space<vmem>>, vector<1x16xf32>,
        %parallel_loop3A_445 = vector.shape_cast %parallel_loop3A_444 : vector<1x16xf32> to vector<16xf32>
        %parallel_loop3A_446 = vector.shape_cast %parallel_loop3A_441 : vector<16xf32> to vector<1x16xf32>
        tpu.vector_store %arg26[%parallel_loop3A_442, %parallel_loop3A_443], %parallel_loop3A_446 {strides = array<i32>} : memref<8x160xf32, #tpu.memory_space<vmem>>, vector<1x16xf32>,
        %parallel_loop3A_447 = arith.index_cast %parallel_loop3A_329 : i32 to index
        %parallel_loop3A_448 = arith.constant 368 : index
        %parallel_loop3A_449 = tpu.vector_load %arg14[%parallel_loop3A_447, %parallel_loop3A_448] {strides = array<i32>} : memref<8x1664xf32, #tpu.memory_space<vmem>>, vector<1x16xf32>,
        %parallel_loop3A_450 = vector.shape_cast %parallel_loop3A_449 : vector<1x16xf32> to vector<16xf32>
        %parallel_loop3A_451 = arith.index_cast %parallel_loop3A_329 : i32 to index
        %parallel_loop3A_452 = arith.constant 48 : index
        %parallel_loop3A_453 = tpu.vector_load %arg26[%parallel_loop3A_451, %parallel_loop3A_452] {strides = array<i32>} : memref<8x160xf32, #tpu.memory_space<vmem>>, vector<1x16xf32>,
        %parallel_loop3A_454 = vector.shape_cast %parallel_loop3A_453 : vector<1x16xf32> to vector<16xf32>
        %parallel_loop3A_455 = vector.shape_cast %parallel_loop3A_450 : vector<16xf32> to vector<1x16xf32>
        tpu.vector_store %arg26[%parallel_loop3A_451, %parallel_loop3A_452], %parallel_loop3A_455 {strides = array<i32>} : memref<8x160xf32, #tpu.memory_space<vmem>>, vector<1x16xf32>,
        %parallel_loop3A_456 = arith.index_cast %parallel_loop3A_329 : i32 to index
        %parallel_loop3A_457 = arith.constant 672 : index
        %parallel_loop3A_458 = tpu.vector_load %arg14[%parallel_loop3A_456, %parallel_loop3A_457] {strides = array<i32>} : memref<8x1664xf32, #tpu.memory_space<vmem>>, vector<1x16xf32>,
        %parallel_loop3A_459 = vector.shape_cast %parallel_loop3A_458 : vector<1x16xf32> to vector<16xf32>
        %parallel_loop3A_460 = arith.index_cast %parallel_loop3A_329 : i32 to index
        %parallel_loop3A_461 = arith.constant 64 : index
        %parallel_loop3A_462 = tpu.vector_load %arg26[%parallel_loop3A_460, %parallel_loop3A_461] {strides = array<i32>} : memref<8x160xf32, #tpu.memory_space<vmem>>, vector<1x16xf32>,
        %parallel_loop3A_463 = vector.shape_cast %parallel_loop3A_462 : vector<1x16xf32> to vector<16xf32>
        %parallel_loop3A_464 = vector.shape_cast %parallel_loop3A_459 : vector<16xf32> to vector<1x16xf32>
        tpu.vector_store %arg26[%parallel_loop3A_460, %parallel_loop3A_461], %parallel_loop3A_464 {strides = array<i32>} : memref<8x160xf32, #tpu.memory_space<vmem>>, vector<1x16xf32>,
        %parallel_loop3A_465 = arith.index_cast %parallel_loop3A_329 : i32 to index
        %parallel_loop3A_466 = arith.constant 688 : index
        %parallel_loop3A_467 = tpu.vector_load %arg14[%parallel_loop3A_465, %parallel_loop3A_466] {strides = array<i32>} : memref<8x1664xf32, #tpu.memory_space<vmem>>, vector<1x16xf32>,
        %parallel_loop3A_468 = vector.shape_cast %parallel_loop3A_467 : vector<1x16xf32> to vector<16xf32>
        %parallel_loop3A_469 = arith.index_cast %parallel_loop3A_329 : i32 to index
        %parallel_loop3A_470 = arith.constant 80 : index
        %parallel_loop3A_471 = tpu.vector_load %arg26[%parallel_loop3A_469, %parallel_loop3A_470] {strides = array<i32>} : memref<8x160xf32, #tpu.memory_space<vmem>>, vector<1x16xf32>,
        %parallel_loop3A_472 = vector.shape_cast %parallel_loop3A_471 : vector<1x16xf32> to vector<16xf32>
        %parallel_loop3A_473 = vector.shape_cast %parallel_loop3A_468 : vector<16xf32> to vector<1x16xf32>
        tpu.vector_store %arg26[%parallel_loop3A_469, %parallel_loop3A_470], %parallel_loop3A_473 {strides = array<i32>} : memref<8x160xf32, #tpu.memory_space<vmem>>, vector<1x16xf32>,
        %parallel_loop3A_474 = arith.index_cast %parallel_loop3A_329 : i32 to index
        %parallel_loop3A_475 = arith.constant 992 : index
        %parallel_loop3A_476 = tpu.vector_load %arg14[%parallel_loop3A_474, %parallel_loop3A_475] {strides = array<i32>} : memref<8x1664xf32, #tpu.memory_space<vmem>>, vector<1x16xf32>,
        %parallel_loop3A_477 = vector.shape_cast %parallel_loop3A_476 : vector<1x16xf32> to vector<16xf32>
        %parallel_loop3A_478 = arith.index_cast %parallel_loop3A_329 : i32 to index
        %parallel_loop3A_479 = arith.constant 96 : index
        %parallel_loop3A_480 = tpu.vector_load %arg26[%parallel_loop3A_478, %parallel_loop3A_479] {strides = array<i32>} : memref<8x160xf32, #tpu.memory_space<vmem>>, vector<1x16xf32>,
        %parallel_loop3A_481 = vector.shape_cast %parallel_loop3A_480 : vector<1x16xf32> to vector<16xf32>
        %parallel_loop3A_482 = vector.shape_cast %parallel_loop3A_477 : vector<16xf32> to vector<1x16xf32>
        tpu.vector_store %arg26[%parallel_loop3A_478, %parallel_loop3A_479], %parallel_loop3A_482 {strides = array<i32>} : memref<8x160xf32, #tpu.memory_space<vmem>>, vector<1x16xf32>,
        %parallel_loop3A_483 = arith.index_cast %parallel_loop3A_329 : i32 to index
        %parallel_loop3A_484 = arith.constant 1008 : index
        %parallel_loop3A_485 = tpu.vector_load %arg14[%parallel_loop3A_483, %parallel_loop3A_484] {strides = array<i32>} : memref<8x1664xf32, #tpu.memory_space<vmem>>, vector<1x16xf32>,
        %parallel_loop3A_486 = vector.shape_cast %parallel_loop3A_485 : vector<1x16xf32> to vector<16xf32>
        %parallel_loop3A_487 = arith.index_cast %parallel_loop3A_329 : i32 to index
        %parallel_loop3A_488 = arith.constant 112 : index
        %parallel_loop3A_489 = tpu.vector_load %arg26[%parallel_loop3A_487, %parallel_loop3A_488] {strides = array<i32>} : memref<8x160xf32, #tpu.memory_space<vmem>>, vector<1x16xf32>,
        %parallel_loop3A_490 = vector.shape_cast %parallel_loop3A_489 : vector<1x16xf32> to vector<16xf32>
        %parallel_loop3A_491 = vector.shape_cast %parallel_loop3A_486 : vector<16xf32> to vector<1x16xf32>
        tpu.vector_store %arg26[%parallel_loop3A_487, %parallel_loop3A_488], %parallel_loop3A_491 {strides = array<i32>} : memref<8x160xf32, #tpu.memory_space<vmem>>, vector<1x16xf32>,
        %parallel_loop3A_492 = arith.index_cast %parallel_loop3A_329 : i32 to index
        %parallel_loop3A_493 = arith.constant 1312 : index
        %parallel_loop3A_494 = tpu.vector_load %arg14[%parallel_loop3A_492, %parallel_loop3A_493] {strides = array<i32>} : memref<8x1664xf32, #tpu.memory_space<vmem>>, vector<1x16xf32>,
        %parallel_loop3A_495 = vector.shape_cast %parallel_loop3A_494 : vector<1x16xf32> to vector<16xf32>
        %parallel_loop3A_496 = arith.index_cast %parallel_loop3A_329 : i32 to index
        %parallel_loop3A_497 = arith.constant 128 : index
        %parallel_loop3A_498 = tpu.vector_load %arg26[%parallel_loop3A_496, %parallel_loop3A_497] {strides = array<i32>} : memref<8x160xf32, #tpu.memory_space<vmem>>, vector<1x16xf32>,
        %parallel_loop3A_499 = vector.shape_cast %parallel_loop3A_498 : vector<1x16xf32> to vector<16xf32>
        %parallel_loop3A_500 = vector.shape_cast %parallel_loop3A_495 : vector<16xf32> to vector<1x16xf32>
        tpu.vector_store %arg26[%parallel_loop3A_496, %parallel_loop3A_497], %parallel_loop3A_500 {strides = array<i32>} : memref<8x160xf32, #tpu.memory_space<vmem>>, vector<1x16xf32>,
        %parallel_loop3A_501 = arith.index_cast %parallel_loop3A_329 : i32 to index
        %parallel_loop3A_502 = arith.constant 1328 : index
        %parallel_loop3A_503 = tpu.vector_load %arg14[%parallel_loop3A_501, %parallel_loop3A_502] {strides = array<i32>} : memref<8x1664xf32, #tpu.memory_space<vmem>>, vector<1x16xf32>,
        %parallel_loop3A_504 = vector.shape_cast %parallel_loop3A_503 : vector<1x16xf32> to vector<16xf32>
        %parallel_loop3A_505 = arith.index_cast %parallel_loop3A_329 : i32 to index
        %parallel_loop3A_506 = arith.constant 144 : index
        %parallel_loop3A_507 = tpu.vector_load %arg26[%parallel_loop3A_505, %parallel_loop3A_506] {strides = array<i32>} : memref<8x160xf32, #tpu.memory_space<vmem>>, vector<1x16xf32>,
        %parallel_loop3A_508 = vector.shape_cast %parallel_loop3A_507 : vector<1x16xf32> to vector<16xf32>
        %parallel_loop3A_509 = vector.shape_cast %parallel_loop3A_504 : vector<16xf32> to vector<1x16xf32>
        tpu.vector_store %arg26[%parallel_loop3A_505, %parallel_loop3A_506], %parallel_loop3A_509 {strides = array<i32>} : memref<8x160xf32, #tpu.memory_space<vmem>>, vector<1x16xf32>,
        %parallel_loop3A_510 = arith.index_cast %parallel_loop3A_329 : i32 to index
        %parallel_loop3A_511 = arith.constant 64 : index
        %parallel_loop3A_512 = tpu.vector_load %arg14[%parallel_loop3A_510, %parallel_loop3A_511] {strides = array<i32>} : memref<8x1664xf32, #tpu.memory_space<vmem>>, vector<1x16xf32>,
        %parallel_loop3A_513 = vector.shape_cast %parallel_loop3A_512 : vector<1x16xf32> to vector<16xf32>
        %parallel_loop3A_514 = arith.index_cast %parallel_loop3A_329 : i32 to index
        %parallel_loop3A_515 = arith.constant 0 : index
        %parallel_loop3A_516 = tpu.vector_load %arg27[%parallel_loop3A_514, %parallel_loop3A_515] {strides = array<i32>} : memref<8x160xf32, #tpu.memory_space<vmem>>, vector<1x16xf32>,
        %parallel_loop3A_517 = vector.shape_cast %parallel_loop3A_516 : vector<1x16xf32> to vector<16xf32>
        %parallel_loop3A_518 = vector.shape_cast %parallel_loop3A_513 : vector<16xf32> to vector<1x16xf32>
        tpu.vector_store %arg27[%parallel_loop3A_514, %parallel_loop3A_515], %parallel_loop3A_518 {strides = array<i32>} : memref<8x160xf32, #tpu.memory_space<vmem>>, vector<1x16xf32>,
        %parallel_loop3A_519 = arith.index_cast %parallel_loop3A_329 : i32 to index
        %parallel_loop3A_520 = arith.constant 80 : index
        %parallel_loop3A_521 = tpu.vector_load %arg14[%parallel_loop3A_519, %parallel_loop3A_520] {strides = array<i32>} : memref<8x1664xf32, #tpu.memory_space<vmem>>, vector<1x16xf32>,
        %parallel_loop3A_522 = vector.shape_cast %parallel_loop3A_521 : vector<1x16xf32> to vector<16xf32>
        %parallel_loop3A_523 = arith.index_cast %parallel_loop3A_329 : i32 to index
        %parallel_loop3A_524 = arith.constant 16 : index
        %parallel_loop3A_525 = tpu.vector_load %arg27[%parallel_loop3A_523, %parallel_loop3A_524] {strides = array<i32>} : memref<8x160xf32, #tpu.memory_space<vmem>>, vector<1x16xf32>,
        %parallel_loop3A_526 = vector.shape_cast %parallel_loop3A_525 : vector<1x16xf32> to vector<16xf32>
        %parallel_loop3A_527 = vector.shape_cast %parallel_loop3A_522 : vector<16xf32> to vector<1x16xf32>
        tpu.vector_store %arg27[%parallel_loop3A_523, %parallel_loop3A_524], %parallel_loop3A_527 {strides = array<i32>} : memref<8x160xf32, #tpu.memory_space<vmem>>, vector<1x16xf32>,
        %parallel_loop3A_528 = arith.index_cast %parallel_loop3A_329 : i32 to index
        %parallel_loop3A_529 = arith.constant 384 : index
        %parallel_loop3A_530 = tpu.vector_load %arg14[%parallel_loop3A_528, %parallel_loop3A_529] {strides = array<i32>} : memref<8x1664xf32, #tpu.memory_space<vmem>>, vector<1x16xf32>,
        %parallel_loop3A_531 = vector.shape_cast %parallel_loop3A_530 : vector<1x16xf32> to vector<16xf32>
        %parallel_loop3A_532 = arith.index_cast %parallel_loop3A_329 : i32 to index
        %parallel_loop3A_533 = arith.constant 32 : index
        %parallel_loop3A_534 = tpu.vector_load %arg27[%parallel_loop3A_532, %parallel_loop3A_533] {strides = array<i32>} : memref<8x160xf32, #tpu.memory_space<vmem>>, vector<1x16xf32>,
        %parallel_loop3A_535 = vector.shape_cast %parallel_loop3A_534 : vector<1x16xf32> to vector<16xf32>
        %parallel_loop3A_536 = vector.shape_cast %parallel_loop3A_531 : vector<16xf32> to vector<1x16xf32>
        tpu.vector_store %arg27[%parallel_loop3A_532, %parallel_loop3A_533], %parallel_loop3A_536 {strides = array<i32>} : memref<8x160xf32, #tpu.memory_space<vmem>>, vector<1x16xf32>,
        %parallel_loop3A_537 = arith.index_cast %parallel_loop3A_329 : i32 to index
        %parallel_loop3A_538 = arith.constant 400 : index
        %parallel_loop3A_539 = tpu.vector_load %arg14[%parallel_loop3A_537, %parallel_loop3A_538] {strides = array<i32>} : memref<8x1664xf32, #tpu.memory_space<vmem>>, vector<1x16xf32>,
        %parallel_loop3A_540 = vector.shape_cast %parallel_loop3A_539 : vector<1x16xf32> to vector<16xf32>
        %parallel_loop3A_541 = arith.index_cast %parallel_loop3A_329 : i32 to index
        %parallel_loop3A_542 = arith.constant 48 : index
        %parallel_loop3A_543 = tpu.vector_load %arg27[%parallel_loop3A_541, %parallel_loop3A_542] {strides = array<i32>} : memref<8x160xf32, #tpu.memory_space<vmem>>, vector<1x16xf32>,
        %parallel_loop3A_544 = vector.shape_cast %parallel_loop3A_543 : vector<1x16xf32> to vector<16xf32>
        %parallel_loop3A_545 = vector.shape_cast %parallel_loop3A_540 : vector<16xf32> to vector<1x16xf32>
        tpu.vector_store %arg27[%parallel_loop3A_541, %parallel_loop3A_542], %parallel_loop3A_545 {strides = array<i32>} : memref<8x160xf32, #tpu.memory_space<vmem>>, vector<1x16xf32>,
        %parallel_loop3A_546 = arith.index_cast %parallel_loop3A_329 : i32 to index
        %parallel_loop3A_547 = arith.constant 704 : index
        %parallel_loop3A_548 = tpu.vector_load %arg14[%parallel_loop3A_546, %parallel_loop3A_547] {strides = array<i32>} : memref<8x1664xf32, #tpu.memory_space<vmem>>, vector<1x16xf32>,
        %parallel_loop3A_549 = vector.shape_cast %parallel_loop3A_548 : vector<1x16xf32> to vector<16xf32>
        %parallel_loop3A_550 = arith.index_cast %parallel_loop3A_329 : i32 to index
        %parallel_loop3A_551 = arith.constant 64 : index
        %parallel_loop3A_552 = tpu.vector_load %arg27[%parallel_loop3A_550, %parallel_loop3A_551] {strides = array<i32>} : memref<8x160xf32, #tpu.memory_space<vmem>>, vector<1x16xf32>,
        %parallel_loop3A_553 = vector.shape_cast %parallel_loop3A_552 : vector<1x16xf32> to vector<16xf32>
        %parallel_loop3A_554 = vector.shape_cast %parallel_loop3A_549 : vector<16xf32> to vector<1x16xf32>
        tpu.vector_store %arg27[%parallel_loop3A_550, %parallel_loop3A_551], %parallel_loop3A_554 {strides = array<i32>} : memref<8x160xf32, #tpu.memory_space<vmem>>, vector<1x16xf32>,
        %parallel_loop3A_555 = arith.index_cast %parallel_loop3A_329 : i32 to index
        %parallel_loop3A_556 = arith.constant 720 : index
        %parallel_loop3A_557 = tpu.vector_load %arg14[%parallel_loop3A_555, %parallel_loop3A_556] {strides = array<i32>} : memref<8x1664xf32, #tpu.memory_space<vmem>>, vector<1x16xf32>,
        %parallel_loop3A_558 = vector.shape_cast %parallel_loop3A_557 : vector<1x16xf32> to vector<16xf32>
        %parallel_loop3A_559 = arith.index_cast %parallel_loop3A_329 : i32 to index
        %parallel_loop3A_560 = arith.constant 80 : index
        %parallel_loop3A_561 = tpu.vector_load %arg27[%parallel_loop3A_559, %parallel_loop3A_560] {strides = array<i32>} : memref<8x160xf32, #tpu.memory_space<vmem>>, vector<1x16xf32>,
        %parallel_loop3A_562 = vector.shape_cast %parallel_loop3A_561 : vector<1x16xf32> to vector<16xf32>
        %parallel_loop3A_563 = vector.shape_cast %parallel_loop3A_558 : vector<16xf32> to vector<1x16xf32>
        tpu.vector_store %arg27[%parallel_loop3A_559, %parallel_loop3A_560], %parallel_loop3A_563 {strides = array<i32>} : memref<8x160xf32, #tpu.memory_space<vmem>>, vector<1x16xf32>,
        %parallel_loop3A_564 = arith.index_cast %parallel_loop3A_329 : i32 to index
        %parallel_loop3A_565 = arith.constant 1024 : index
        %parallel_loop3A_566 = tpu.vector_load %arg14[%parallel_loop3A_564, %parallel_loop3A_565] {strides = array<i32>} : memref<8x1664xf32, #tpu.memory_space<vmem>>, vector<1x16xf32>,
        %parallel_loop3A_567 = vector.shape_cast %parallel_loop3A_566 : vector<1x16xf32> to vector<16xf32>
        %parallel_loop3A_568 = arith.index_cast %parallel_loop3A_329 : i32 to index
        %parallel_loop3A_569 = arith.constant 96 : index
        %parallel_loop3A_570 = tpu.vector_load %arg27[%parallel_loop3A_568, %parallel_loop3A_569] {strides = array<i32>} : memref<8x160xf32, #tpu.memory_space<vmem>>, vector<1x16xf32>,
        %parallel_loop3A_571 = vector.shape_cast %parallel_loop3A_570 : vector<1x16xf32> to vector<16xf32>
        %parallel_loop3A_572 = vector.shape_cast %parallel_loop3A_567 : vector<16xf32> to vector<1x16xf32>
        tpu.vector_store %arg27[%parallel_loop3A_568, %parallel_loop3A_569], %parallel_loop3A_572 {strides = array<i32>} : memref<8x160xf32, #tpu.memory_space<vmem>>, vector<1x16xf32>,
        %parallel_loop3A_573 = arith.index_cast %parallel_loop3A_329 : i32 to index
        %parallel_loop3A_574 = arith.constant 1040 : index
        %parallel_loop3A_575 = tpu.vector_load %arg14[%parallel_loop3A_573, %parallel_loop3A_574] {strides = array<i32>} : memref<8x1664xf32, #tpu.memory_space<vmem>>, vector<1x16xf32>,
        %parallel_loop3A_576 = vector.shape_cast %parallel_loop3A_575 : vector<1x16xf32> to vector<16xf32>
        %parallel_loop3A_577 = arith.index_cast %parallel_loop3A_329 : i32 to index
        %parallel_loop3A_578 = arith.constant 112 : index
        %parallel_loop3A_579 = tpu.vector_load %arg27[%parallel_loop3A_577, %parallel_loop3A_578] {strides = array<i32>} : memref<8x160xf32, #tpu.memory_space<vmem>>, vector<1x16xf32>,
        %parallel_loop3A_580 = vector.shape_cast %parallel_loop3A_579 : vector<1x16xf32> to vector<16xf32>
        %parallel_loop3A_581 = vector.shape_cast %parallel_loop3A_576 : vector<16xf32> to vector<1x16xf32>
        tpu.vector_store %arg27[%parallel_loop3A_577, %parallel_loop3A_578], %parallel_loop3A_581 {strides = array<i32>} : memref<8x160xf32, #tpu.memory_space<vmem>>, vector<1x16xf32>,
        %parallel_loop3A_582 = arith.index_cast %parallel_loop3A_329 : i32 to index
        %parallel_loop3A_583 = arith.constant 1344 : index
        %parallel_loop3A_584 = tpu.vector_load %arg14[%parallel_loop3A_582, %parallel_loop3A_583] {strides = array<i32>} : memref<8x1664xf32, #tpu.memory_space<vmem>>, vector<1x16xf32>,
        %parallel_loop3A_585 = vector.shape_cast %parallel_loop3A_584 : vector<1x16xf32> to vector<16xf32>
        %parallel_loop3A_586 = arith.index_cast %parallel_loop3A_329 : i32 to index
        %parallel_loop3A_587 = arith.constant 128 : index
        %parallel_loop3A_588 = tpu.vector_load %arg27[%parallel_loop3A_586, %parallel_loop3A_587] {strides = array<i32>} : memref<8x160xf32, #tpu.memory_space<vmem>>, vector<1x16xf32>,
        %parallel_loop3A_589 = vector.shape_cast %parallel_loop3A_588 : vector<1x16xf32> to vector<16xf32>
        %parallel_loop3A_590 = vector.shape_cast %parallel_loop3A_585 : vector<16xf32> to vector<1x16xf32>
        tpu.vector_store %arg27[%parallel_loop3A_586, %parallel_loop3A_587], %parallel_loop3A_590 {strides = array<i32>} : memref<8x160xf32, #tpu.memory_space<vmem>>, vector<1x16xf32>,
        %parallel_loop3A_591 = arith.index_cast %parallel_loop3A_329 : i32 to index
        %parallel_loop3A_592 = arith.constant 1360 : index
        %parallel_loop3A_593 = tpu.vector_load %arg14[%parallel_loop3A_591, %parallel_loop3A_592] {strides = array<i32>} : memref<8x1664xf32, #tpu.memory_space<vmem>>, vector<1x16xf32>,
        %parallel_loop3A_594 = vector.shape_cast %parallel_loop3A_593 : vector<1x16xf32> to vector<16xf32>
        %parallel_loop3A_595 = arith.index_cast %parallel_loop3A_329 : i32 to index
        %parallel_loop3A_596 = arith.constant 144 : index
        %parallel_loop3A_597 = tpu.vector_load %arg27[%parallel_loop3A_595, %parallel_loop3A_596] {strides = array<i32>} : memref<8x160xf32, #tpu.memory_space<vmem>>, vector<1x16xf32>,
        %parallel_loop3A_598 = vector.shape_cast %parallel_loop3A_597 : vector<1x16xf32> to vector<16xf32>
        %parallel_loop3A_599 = vector.shape_cast %parallel_loop3A_594 : vector<16xf32> to vector<1x16xf32>
        tpu.vector_store %arg27[%parallel_loop3A_595, %parallel_loop3A_596], %parallel_loop3A_599 {strides = array<i32>} : memref<8x160xf32, #tpu.memory_space<vmem>>, vector<1x16xf32>,
        %parallel_loop3A_600 = arith.index_cast %parallel_loop3A_329 : i32 to index
        %parallel_loop3A_601 = arith.constant 96 : index
        %parallel_loop3A_602 = tpu.vector_load %arg14[%parallel_loop3A_600, %parallel_loop3A_601] {strides = array<i32>} : memref<8x1664xf32, #tpu.memory_space<vmem>>, vector<1x16xf32>,
        %parallel_loop3A_603 = vector.shape_cast %parallel_loop3A_602 : vector<1x16xf32> to vector<16xf32>
        %parallel_loop3A_604 = arith.index_cast %parallel_loop3A_329 : i32 to index
        %parallel_loop3A_605 = arith.constant 0 : index
        %parallel_loop3A_606 = tpu.vector_load %arg28[%parallel_loop3A_604, %parallel_loop3A_605] {strides = array<i32>} : memref<8x160xf32, #tpu.memory_space<vmem>>, vector<1x16xf32>,
        %parallel_loop3A_607 = vector.shape_cast %parallel_loop3A_606 : vector<1x16xf32> to vector<16xf32>
        %parallel_loop3A_608 = vector.shape_cast %parallel_loop3A_603 : vector<16xf32> to vector<1x16xf32>
        tpu.vector_store %arg28[%parallel_loop3A_604, %parallel_loop3A_605], %parallel_loop3A_608 {strides = array<i32>} : memref<8x160xf32, #tpu.memory_space<vmem>>, vector<1x16xf32>,
        %parallel_loop3A_609 = arith.index_cast %parallel_loop3A_329 : i32 to index
        %parallel_loop3A_610 = arith.constant 112 : index
        %parallel_loop3A_611 = tpu.vector_load %arg14[%parallel_loop3A_609, %parallel_loop3A_610] {strides = array<i32>} : memref<8x1664xf32, #tpu.memory_space<vmem>>, vector<1x16xf32>,
        %parallel_loop3A_612 = vector.shape_cast %parallel_loop3A_611 : vector<1x16xf32> to vector<16xf32>
        %parallel_loop3A_613 = arith.index_cast %parallel_loop3A_329 : i32 to index
        %parallel_loop3A_614 = arith.constant 16 : index
        %parallel_loop3A_615 = tpu.vector_load %arg28[%parallel_loop3A_613, %parallel_loop3A_614] {strides = array<i32>} : memref<8x160xf32, #tpu.memory_space<vmem>>, vector<1x16xf32>,
        %parallel_loop3A_616 = vector.shape_cast %parallel_loop3A_615 : vector<1x16xf32> to vector<16xf32>
        %parallel_loop3A_617 = vector.shape_cast %parallel_loop3A_612 : vector<16xf32> to vector<1x16xf32>
        tpu.vector_store %arg28[%parallel_loop3A_613, %parallel_loop3A_614], %parallel_loop3A_617 {strides = array<i32>} : memref<8x160xf32, #tpu.memory_space<vmem>>, vector<1x16xf32>,
        %parallel_loop3A_618 = arith.index_cast %parallel_loop3A_329 : i32 to index
        %parallel_loop3A_619 = arith.constant 416 : index
        %parallel_loop3A_620 = tpu.vector_load %arg14[%parallel_loop3A_618, %parallel_loop3A_619] {strides = array<i32>} : memref<8x1664xf32, #tpu.memory_space<vmem>>, vector<1x16xf32>,
        %parallel_loop3A_621 = vector.shape_cast %parallel_loop3A_620 : vector<1x16xf32> to vector<16xf32>
        %parallel_loop3A_622 = arith.index_cast %parallel_loop3A_329 : i32 to index
        %parallel_loop3A_623 = arith.constant 32 : index
        %parallel_loop3A_624 = tpu.vector_load %arg28[%parallel_loop3A_622, %parallel_loop3A_623] {strides = array<i32>} : memref<8x160xf32, #tpu.memory_space<vmem>>, vector<1x16xf32>,
        %parallel_loop3A_625 = vector.shape_cast %parallel_loop3A_624 : vector<1x16xf32> to vector<16xf32>
        %parallel_loop3A_626 = vector.shape_cast %parallel_loop3A_621 : vector<16xf32> to vector<1x16xf32>
        tpu.vector_store %arg28[%parallel_loop3A_622, %parallel_loop3A_623], %parallel_loop3A_626 {strides = array<i32>} : memref<8x160xf32, #tpu.memory_space<vmem>>, vector<1x16xf32>,
        %parallel_loop3A_627 = arith.index_cast %parallel_loop3A_329 : i32 to index
        %parallel_loop3A_628 = arith.constant 432 : index
        %parallel_loop3A_629 = tpu.vector_load %arg14[%parallel_loop3A_627, %parallel_loop3A_628] {strides = array<i32>} : memref<8x1664xf32, #tpu.memory_space<vmem>>, vector<1x16xf32>,
        %parallel_loop3A_630 = vector.shape_cast %parallel_loop3A_629 : vector<1x16xf32> to vector<16xf32>
        %parallel_loop3A_631 = arith.index_cast %parallel_loop3A_329 : i32 to index
        %parallel_loop3A_632 = arith.constant 48 : index
        %parallel_loop3A_633 = tpu.vector_load %arg28[%parallel_loop3A_631, %parallel_loop3A_632] {strides = array<i32>} : memref<8x160xf32, #tpu.memory_space<vmem>>, vector<1x16xf32>,
        %parallel_loop3A_634 = vector.shape_cast %parallel_loop3A_633 : vector<1x16xf32> to vector<16xf32>
        %parallel_loop3A_635 = vector.shape_cast %parallel_loop3A_630 : vector<16xf32> to vector<1x16xf32>
        tpu.vector_store %arg28[%parallel_loop3A_631, %parallel_loop3A_632], %parallel_loop3A_635 {strides = array<i32>} : memref<8x160xf32, #tpu.memory_space<vmem>>, vector<1x16xf32>,
        %parallel_loop3A_636 = arith.index_cast %parallel_loop3A_329 : i32 to index
        %parallel_loop3A_637 = arith.constant 736 : index
        %parallel_loop3A_638 = tpu.vector_load %arg14[%parallel_loop3A_636, %parallel_loop3A_637] {strides = array<i32>} : memref<8x1664xf32, #tpu.memory_space<vmem>>, vector<1x16xf32>,
        %parallel_loop3A_639 = vector.shape_cast %parallel_loop3A_638 : vector<1x16xf32> to vector<16xf32>
        %parallel_loop3A_640 = arith.index_cast %parallel_loop3A_329 : i32 to index
        %parallel_loop3A_641 = arith.constant 64 : index
        %parallel_loop3A_642 = tpu.vector_load %arg28[%parallel_loop3A_640, %parallel_loop3A_641] {strides = array<i32>} : memref<8x160xf32, #tpu.memory_space<vmem>>, vector<1x16xf32>,
        %parallel_loop3A_643 = vector.shape_cast %parallel_loop3A_642 : vector<1x16xf32> to vector<16xf32>
        %parallel_loop3A_644 = vector.shape_cast %parallel_loop3A_639 : vector<16xf32> to vector<1x16xf32>
        tpu.vector_store %arg28[%parallel_loop3A_640, %parallel_loop3A_641], %parallel_loop3A_644 {strides = array<i32>} : memref<8x160xf32, #tpu.memory_space<vmem>>, vector<1x16xf32>,
        %parallel_loop3A_645 = arith.index_cast %parallel_loop3A_329 : i32 to index
        %parallel_loop3A_646 = arith.constant 752 : index
        %parallel_loop3A_647 = tpu.vector_load %arg14[%parallel_loop3A_645, %parallel_loop3A_646] {strides = array<i32>} : memref<8x1664xf32, #tpu.memory_space<vmem>>, vector<1x16xf32>,
        %parallel_loop3A_648 = vector.shape_cast %parallel_loop3A_647 : vector<1x16xf32> to vector<16xf32>
        %parallel_loop3A_649 = arith.index_cast %parallel_loop3A_329 : i32 to index
        %parallel_loop3A_650 = arith.constant 80 : index
        %parallel_loop3A_651 = tpu.vector_load %arg28[%parallel_loop3A_649, %parallel_loop3A_650] {strides = array<i32>} : memref<8x160xf32, #tpu.memory_space<vmem>>, vector<1x16xf32>,
        %parallel_loop3A_652 = vector.shape_cast %parallel_loop3A_651 : vector<1x16xf32> to vector<16xf32>
        %parallel_loop3A_653 = vector.shape_cast %parallel_loop3A_648 : vector<16xf32> to vector<1x16xf32>
        tpu.vector_store %arg28[%parallel_loop3A_649, %parallel_loop3A_650], %parallel_loop3A_653 {strides = array<i32>} : memref<8x160xf32, #tpu.memory_space<vmem>>, vector<1x16xf32>,
        %parallel_loop3A_654 = arith.index_cast %parallel_loop3A_329 : i32 to index
        %parallel_loop3A_655 = arith.constant 1056 : index
        %parallel_loop3A_656 = tpu.vector_load %arg14[%parallel_loop3A_654, %parallel_loop3A_655] {strides = array<i32>} : memref<8x1664xf32, #tpu.memory_space<vmem>>, vector<1x16xf32>,
        %parallel_loop3A_657 = vector.shape_cast %parallel_loop3A_656 : vector<1x16xf32> to vector<16xf32>
        %parallel_loop3A_658 = arith.index_cast %parallel_loop3A_329 : i32 to index
        %parallel_loop3A_659 = arith.constant 96 : index
        %parallel_loop3A_660 = tpu.vector_load %arg28[%parallel_loop3A_658, %parallel_loop3A_659] {strides = array<i32>} : memref<8x160xf32, #tpu.memory_space<vmem>>, vector<1x16xf32>,
        %parallel_loop3A_661 = vector.shape_cast %parallel_loop3A_660 : vector<1x16xf32> to vector<16xf32>
        %parallel_loop3A_662 = vector.shape_cast %parallel_loop3A_657 : vector<16xf32> to vector<1x16xf32>
        tpu.vector_store %arg28[%parallel_loop3A_658, %parallel_loop3A_659], %parallel_loop3A_662 {strides = array<i32>} : memref<8x160xf32, #tpu.memory_space<vmem>>, vector<1x16xf32>,
        %parallel_loop3A_663 = arith.index_cast %parallel_loop3A_329 : i32 to index
        %parallel_loop3A_664 = arith.constant 1072 : index
        %parallel_loop3A_665 = tpu.vector_load %arg14[%parallel_loop3A_663, %parallel_loop3A_664] {strides = array<i32>} : memref<8x1664xf32, #tpu.memory_space<vmem>>, vector<1x16xf32>,
        %parallel_loop3A_666 = vector.shape_cast %parallel_loop3A_665 : vector<1x16xf32> to vector<16xf32>
        %parallel_loop3A_667 = arith.index_cast %parallel_loop3A_329 : i32 to index
        %parallel_loop3A_668 = arith.constant 112 : index
        %parallel_loop3A_669 = tpu.vector_load %arg28[%parallel_loop3A_667, %parallel_loop3A_668] {strides = array<i32>} : memref<8x160xf32, #tpu.memory_space<vmem>>, vector<1x16xf32>,
        %parallel_loop3A_670 = vector.shape_cast %parallel_loop3A_669 : vector<1x16xf32> to vector<16xf32>
        %parallel_loop3A_671 = vector.shape_cast %parallel_loop3A_666 : vector<16xf32> to vector<1x16xf32>
        tpu.vector_store %arg28[%parallel_loop3A_667, %parallel_loop3A_668], %parallel_loop3A_671 {strides = array<i32>} : memref<8x160xf32, #tpu.memory_space<vmem>>, vector<1x16xf32>,
        %parallel_loop3A_672 = arith.index_cast %parallel_loop3A_329 : i32 to index
        %parallel_loop3A_673 = arith.constant 1376 : index
        %parallel_loop3A_674 = tpu.vector_load %arg14[%parallel_loop3A_672, %parallel_loop3A_673] {strides = array<i32>} : memref<8x1664xf32, #tpu.memory_space<vmem>>, vector<1x16xf32>,
        %parallel_loop3A_675 = vector.shape_cast %parallel_loop3A_674 : vector<1x16xf32> to vector<16xf32>
        %parallel_loop3A_676 = arith.index_cast %parallel_loop3A_329 : i32 to index
        %parallel_loop3A_677 = arith.constant 128 : index
        %parallel_loop3A_678 = tpu.vector_load %arg28[%parallel_loop3A_676, %parallel_loop3A_677] {strides = array<i32>} : memref<8x160xf32, #tpu.memory_space<vmem>>, vector<1x16xf32>,
        %parallel_loop3A_679 = vector.shape_cast %parallel_loop3A_678 : vector<1x16xf32> to vector<16xf32>
        %parallel_loop3A_680 = vector.shape_cast %parallel_loop3A_675 : vector<16xf32> to vector<1x16xf32>
        tpu.vector_store %arg28[%parallel_loop3A_676, %parallel_loop3A_677], %parallel_loop3A_680 {strides = array<i32>} : memref<8x160xf32, #tpu.memory_space<vmem>>, vector<1x16xf32>,
        %parallel_loop3A_681 = arith.index_cast %parallel_loop3A_329 : i32 to index
        %parallel_loop3A_682 = arith.constant 1392 : index
        %parallel_loop3A_683 = tpu.vector_load %arg14[%parallel_loop3A_681, %parallel_loop3A_682] {strides = array<i32>} : memref<8x1664xf32, #tpu.memory_space<vmem>>, vector<1x16xf32>,
        %parallel_loop3A_684 = vector.shape_cast %parallel_loop3A_683 : vector<1x16xf32> to vector<16xf32>
        %parallel_loop3A_685 = arith.index_cast %parallel_loop3A_329 : i32 to index
        %parallel_loop3A_686 = arith.constant 144 : index
        %parallel_loop3A_687 = tpu.vector_load %arg28[%parallel_loop3A_685, %parallel_loop3A_686] {strides = array<i32>} : memref<8x160xf32, #tpu.memory_space<vmem>>, vector<1x16xf32>,
        %parallel_loop3A_688 = vector.shape_cast %parallel_loop3A_687 : vector<1x16xf32> to vector<16xf32>
        %parallel_loop3A_689 = vector.shape_cast %parallel_loop3A_684 : vector<16xf32> to vector<1x16xf32>
        tpu.vector_store %arg28[%parallel_loop3A_685, %parallel_loop3A_686], %parallel_loop3A_689 {strides = array<i32>} : memref<8x160xf32, #tpu.memory_space<vmem>>, vector<1x16xf32>,
        %parallel_loop3A_690 = arith.index_cast %parallel_loop3A_329 : i32 to index
        %parallel_loop3A_691 = arith.constant 128 : index
        %parallel_loop3A_692 = tpu.vector_load %arg14[%parallel_loop3A_690, %parallel_loop3A_691] {strides = array<i32>} : memref<8x1664xf32, #tpu.memory_space<vmem>>, vector<1x16xf32>,
        %parallel_loop3A_693 = vector.shape_cast %parallel_loop3A_692 : vector<1x16xf32> to vector<16xf32>
        %parallel_loop3A_694 = arith.index_cast %parallel_loop3A_329 : i32 to index
        %parallel_loop3A_695 = arith.constant 0 : index
        %parallel_loop3A_696 = tpu.vector_load %arg29[%parallel_loop3A_694, %parallel_loop3A_695] {strides = array<i32>} : memref<8x160xf32, #tpu.memory_space<vmem>>, vector<1x16xf32>,
        %parallel_loop3A_697 = vector.shape_cast %parallel_loop3A_696 : vector<1x16xf32> to vector<16xf32>
        %parallel_loop3A_698 = vector.shape_cast %parallel_loop3A_693 : vector<16xf32> to vector<1x16xf32>
        tpu.vector_store %arg29[%parallel_loop3A_694, %parallel_loop3A_695], %parallel_loop3A_698 {strides = array<i32>} : memref<8x160xf32, #tpu.memory_space<vmem>>, vector<1x16xf32>,
        %parallel_loop3A_699 = arith.index_cast %parallel_loop3A_329 : i32 to index
        %parallel_loop3A_700 = arith.constant 144 : index
        %parallel_loop3A_701 = tpu.vector_load %arg14[%parallel_loop3A_699, %parallel_loop3A_700] {strides = array<i32>} : memref<8x1664xf32, #tpu.memory_space<vmem>>, vector<1x16xf32>,
        %parallel_loop3A_702 = vector.shape_cast %parallel_loop3A_701 : vector<1x16xf32> to vector<16xf32>
        %parallel_loop3A_703 = arith.index_cast %parallel_loop3A_329 : i32 to index
        %parallel_loop3A_704 = arith.constant 16 : index
        %parallel_loop3A_705 = tpu.vector_load %arg29[%parallel_loop3A_703, %parallel_loop3A_704] {strides = array<i32>} : memref<8x160xf32, #tpu.memory_space<vmem>>, vector<1x16xf32>,
        %parallel_loop3A_706 = vector.shape_cast %parallel_loop3A_705 : vector<1x16xf32> to vector<16xf32>
        %parallel_loop3A_707 = vector.shape_cast %parallel_loop3A_702 : vector<16xf32> to vector<1x16xf32>
        tpu.vector_store %arg29[%parallel_loop3A_703, %parallel_loop3A_704], %parallel_loop3A_707 {strides = array<i32>} : memref<8x160xf32, #tpu.memory_space<vmem>>, vector<1x16xf32>,
        %parallel_loop3A_708 = arith.index_cast %parallel_loop3A_329 : i32 to index
        %parallel_loop3A_709 = arith.constant 448 : index
        %parallel_loop3A_710 = tpu.vector_load %arg14[%parallel_loop3A_708, %parallel_loop3A_709] {strides = array<i32>} : memref<8x1664xf32, #tpu.memory_space<vmem>>, vector<1x16xf32>,
        %parallel_loop3A_711 = vector.shape_cast %parallel_loop3A_710 : vector<1x16xf32> to vector<16xf32>
        %parallel_loop3A_712 = arith.index_cast %parallel_loop3A_329 : i32 to index
        %parallel_loop3A_713 = arith.constant 32 : index
        %parallel_loop3A_714 = tpu.vector_load %arg29[%parallel_loop3A_712, %parallel_loop3A_713] {strides = array<i32>} : memref<8x160xf32, #tpu.memory_space<vmem>>, vector<1x16xf32>,
        %parallel_loop3A_715 = vector.shape_cast %parallel_loop3A_714 : vector<1x16xf32> to vector<16xf32>
        %parallel_loop3A_716 = vector.shape_cast %parallel_loop3A_711 : vector<16xf32> to vector<1x16xf32>
        tpu.vector_store %arg29[%parallel_loop3A_712, %parallel_loop3A_713], %parallel_loop3A_716 {strides = array<i32>} : memref<8x160xf32, #tpu.memory_space<vmem>>, vector<1x16xf32>,
        %parallel_loop3A_717 = arith.index_cast %parallel_loop3A_329 : i32 to index
        %parallel_loop3A_718 = arith.constant 464 : index
        %parallel_loop3A_719 = tpu.vector_load %arg14[%parallel_loop3A_717, %parallel_loop3A_718] {strides = array<i32>} : memref<8x1664xf32, #tpu.memory_space<vmem>>, vector<1x16xf32>,
        %parallel_loop3A_720 = vector.shape_cast %parallel_loop3A_719 : vector<1x16xf32> to vector<16xf32>
        %parallel_loop3A_721 = arith.index_cast %parallel_loop3A_329 : i32 to index
        %parallel_loop3A_722 = arith.constant 48 : index
        %parallel_loop3A_723 = tpu.vector_load %arg29[%parallel_loop3A_721, %parallel_loop3A_722] {strides = array<i32>} : memref<8x160xf32, #tpu.memory_space<vmem>>, vector<1x16xf32>,
        %parallel_loop3A_724 = vector.shape_cast %parallel_loop3A_723 : vector<1x16xf32> to vector<16xf32>
        %parallel_loop3A_725 = vector.shape_cast %parallel_loop3A_720 : vector<16xf32> to vector<1x16xf32>
        tpu.vector_store %arg29[%parallel_loop3A_721, %parallel_loop3A_722], %parallel_loop3A_725 {strides = array<i32>} : memref<8x160xf32, #tpu.memory_space<vmem>>, vector<1x16xf32>,
        %parallel_loop3A_726 = arith.index_cast %parallel_loop3A_329 : i32 to index
        %parallel_loop3A_727 = arith.constant 768 : index
        %parallel_loop3A_728 = tpu.vector_load %arg14[%parallel_loop3A_726, %parallel_loop3A_727] {strides = array<i32>} : memref<8x1664xf32, #tpu.memory_space<vmem>>, vector<1x16xf32>,
        %parallel_loop3A_729 = vector.shape_cast %parallel_loop3A_728 : vector<1x16xf32> to vector<16xf32>
        %parallel_loop3A_730 = arith.index_cast %parallel_loop3A_329 : i32 to index
        %parallel_loop3A_731 = arith.constant 64 : index
        %parallel_loop3A_732 = tpu.vector_load %arg29[%parallel_loop3A_730, %parallel_loop3A_731] {strides = array<i32>} : memref<8x160xf32, #tpu.memory_space<vmem>>, vector<1x16xf32>,
        %parallel_loop3A_733 = vector.shape_cast %parallel_loop3A_732 : vector<1x16xf32> to vector<16xf32>
        %parallel_loop3A_734 = vector.shape_cast %parallel_loop3A_729 : vector<16xf32> to vector<1x16xf32>
        tpu.vector_store %arg29[%parallel_loop3A_730, %parallel_loop3A_731], %parallel_loop3A_734 {strides = array<i32>} : memref<8x160xf32, #tpu.memory_space<vmem>>, vector<1x16xf32>,
        %parallel_loop3A_735 = arith.index_cast %parallel_loop3A_329 : i32 to index
        %parallel_loop3A_736 = arith.constant 784 : index
        %parallel_loop3A_737 = tpu.vector_load %arg14[%parallel_loop3A_735, %parallel_loop3A_736] {strides = array<i32>} : memref<8x1664xf32, #tpu.memory_space<vmem>>, vector<1x16xf32>,
        %parallel_loop3A_738 = vector.shape_cast %parallel_loop3A_737 : vector<1x16xf32> to vector<16xf32>
        %parallel_loop3A_739 = arith.index_cast %parallel_loop3A_329 : i32 to index
        %parallel_loop3A_740 = arith.constant 80 : index
        %parallel_loop3A_741 = tpu.vector_load %arg29[%parallel_loop3A_739, %parallel_loop3A_740] {strides = array<i32>} : memref<8x160xf32, #tpu.memory_space<vmem>>, vector<1x16xf32>,
        %parallel_loop3A_742 = vector.shape_cast %parallel_loop3A_741 : vector<1x16xf32> to vector<16xf32>
        %parallel_loop3A_743 = vector.shape_cast %parallel_loop3A_738 : vector<16xf32> to vector<1x16xf32>
        tpu.vector_store %arg29[%parallel_loop3A_739, %parallel_loop3A_740], %parallel_loop3A_743 {strides = array<i32>} : memref<8x160xf32, #tpu.memory_space<vmem>>, vector<1x16xf32>,
        %parallel_loop3A_744 = arith.index_cast %parallel_loop3A_329 : i32 to index
        %parallel_loop3A_745 = arith.constant 1088 : index
        %parallel_loop3A_746 = tpu.vector_load %arg14[%parallel_loop3A_744, %parallel_loop3A_745] {strides = array<i32>} : memref<8x1664xf32, #tpu.memory_space<vmem>>, vector<1x16xf32>,
        %parallel_loop3A_747 = vector.shape_cast %parallel_loop3A_746 : vector<1x16xf32> to vector<16xf32>
        %parallel_loop3A_748 = arith.index_cast %parallel_loop3A_329 : i32 to index
        %parallel_loop3A_749 = arith.constant 96 : index
        %parallel_loop3A_750 = tpu.vector_load %arg29[%parallel_loop3A_748, %parallel_loop3A_749] {strides = array<i32>} : memref<8x160xf32, #tpu.memory_space<vmem>>, vector<1x16xf32>,
        %parallel_loop3A_751 = vector.shape_cast %parallel_loop3A_750 : vector<1x16xf32> to vector<16xf32>
        %parallel_loop3A_752 = vector.shape_cast %parallel_loop3A_747 : vector<16xf32> to vector<1x16xf32>
        tpu.vector_store %arg29[%parallel_loop3A_748, %parallel_loop3A_749], %parallel_loop3A_752 {strides = array<i32>} : memref<8x160xf32, #tpu.memory_space<vmem>>, vector<1x16xf32>,
        %parallel_loop3A_753 = arith.index_cast %parallel_loop3A_329 : i32 to index
        %parallel_loop3A_754 = arith.constant 1104 : index
        %parallel_loop3A_755 = tpu.vector_load %arg14[%parallel_loop3A_753, %parallel_loop3A_754] {strides = array<i32>} : memref<8x1664xf32, #tpu.memory_space<vmem>>, vector<1x16xf32>,
        %parallel_loop3A_756 = vector.shape_cast %parallel_loop3A_755 : vector<1x16xf32> to vector<16xf32>
        %parallel_loop3A_757 = arith.index_cast %parallel_loop3A_329 : i32 to index
        %parallel_loop3A_758 = arith.constant 112 : index
        %parallel_loop3A_759 = tpu.vector_load %arg29[%parallel_loop3A_757, %parallel_loop3A_758] {strides = array<i32>} : memref<8x160xf32, #tpu.memory_space<vmem>>, vector<1x16xf32>,
        %parallel_loop3A_760 = vector.shape_cast %parallel_loop3A_759 : vector<1x16xf32> to vector<16xf32>
        %parallel_loop3A_761 = vector.shape_cast %parallel_loop3A_756 : vector<16xf32> to vector<1x16xf32>
        tpu.vector_store %arg29[%parallel_loop3A_757, %parallel_loop3A_758], %parallel_loop3A_761 {strides = array<i32>} : memref<8x160xf32, #tpu.memory_space<vmem>>, vector<1x16xf32>,
        %parallel_loop3A_762 = arith.index_cast %parallel_loop3A_329 : i32 to index
        %parallel_loop3A_763 = arith.constant 1408 : index
        %parallel_loop3A_764 = tpu.vector_load %arg14[%parallel_loop3A_762, %parallel_loop3A_763] {strides = array<i32>} : memref<8x1664xf32, #tpu.memory_space<vmem>>, vector<1x16xf32>,
        %parallel_loop3A_765 = vector.shape_cast %parallel_loop3A_764 : vector<1x16xf32> to vector<16xf32>
        %parallel_loop3A_766 = arith.index_cast %parallel_loop3A_329 : i32 to index
        %parallel_loop3A_767 = arith.constant 128 : index
        %parallel_loop3A_768 = tpu.vector_load %arg29[%parallel_loop3A_766, %parallel_loop3A_767] {strides = array<i32>} : memref<8x160xf32, #tpu.memory_space<vmem>>, vector<1x16xf32>,
        %parallel_loop3A_769 = vector.shape_cast %parallel_loop3A_768 : vector<1x16xf32> to vector<16xf32>
        %parallel_loop3A_770 = vector.shape_cast %parallel_loop3A_765 : vector<16xf32> to vector<1x16xf32>
        tpu.vector_store %arg29[%parallel_loop3A_766, %parallel_loop3A_767], %parallel_loop3A_770 {strides = array<i32>} : memref<8x160xf32, #tpu.memory_space<vmem>>, vector<1x16xf32>,
        %parallel_loop3A_771 = arith.index_cast %parallel_loop3A_329 : i32 to index
        %parallel_loop3A_772 = arith.constant 1424 : index
        %parallel_loop3A_773 = tpu.vector_load %arg14[%parallel_loop3A_771, %parallel_loop3A_772] {strides = array<i32>} : memref<8x1664xf32, #tpu.memory_space<vmem>>, vector<1x16xf32>,
        %parallel_loop3A_774 = vector.shape_cast %parallel_loop3A_773 : vector<1x16xf32> to vector<16xf32>
        %parallel_loop3A_775 = arith.index_cast %parallel_loop3A_329 : i32 to index
        %parallel_loop3A_776 = arith.constant 144 : index
        %parallel_loop3A_777 = tpu.vector_load %arg29[%parallel_loop3A_775, %parallel_loop3A_776] {strides = array<i32>} : memref<8x160xf32, #tpu.memory_space<vmem>>, vector<1x16xf32>,
        %parallel_loop3A_778 = vector.shape_cast %parallel_loop3A_777 : vector<1x16xf32> to vector<16xf32>
        %parallel_loop3A_779 = vector.shape_cast %parallel_loop3A_774 : vector<16xf32> to vector<1x16xf32>
        tpu.vector_store %arg29[%parallel_loop3A_775, %parallel_loop3A_776], %parallel_loop3A_779 {strides = array<i32>} : memref<8x160xf32, #tpu.memory_space<vmem>>, vector<1x16xf32>,
        %parallel_loop3A_780 = arith.index_cast %parallel_loop3A_329 : i32 to index
        %parallel_loop3A_781 = arith.constant 160 : index
        %parallel_loop3A_782 = tpu.vector_load %arg14[%parallel_loop3A_780, %parallel_loop3A_781] {strides = array<i32>} : memref<8x1664xf32, #tpu.memory_space<vmem>>, vector<1x16xf32>,
        %parallel_loop3A_783 = vector.shape_cast %parallel_loop3A_782 : vector<1x16xf32> to vector<16xf32>
        %parallel_loop3A_784 = arith.index_cast %parallel_loop3A_329 : i32 to index
        %parallel_loop3A_785 = arith.constant 0 : index
        %parallel_loop3A_786 = tpu.vector_load %arg30[%parallel_loop3A_784, %parallel_loop3A_785] {strides = array<i32>} : memref<8x160xf32, #tpu.memory_space<vmem>>, vector<1x16xf32>,
        %parallel_loop3A_787 = vector.shape_cast %parallel_loop3A_786 : vector<1x16xf32> to vector<16xf32>
        %parallel_loop3A_788 = vector.shape_cast %parallel_loop3A_783 : vector<16xf32> to vector<1x16xf32>
        tpu.vector_store %arg30[%parallel_loop3A_784, %parallel_loop3A_785], %parallel_loop3A_788 {strides = array<i32>} : memref<8x160xf32, #tpu.memory_space<vmem>>, vector<1x16xf32>,
        %parallel_loop3A_789 = arith.index_cast %parallel_loop3A_329 : i32 to index
        %parallel_loop3A_790 = arith.constant 176 : index
        %parallel_loop3A_791 = tpu.vector_load %arg14[%parallel_loop3A_789, %parallel_loop3A_790] {strides = array<i32>} : memref<8x1664xf32, #tpu.memory_space<vmem>>, vector<1x16xf32>,
        %parallel_loop3A_792 = vector.shape_cast %parallel_loop3A_791 : vector<1x16xf32> to vector<16xf32>
        %parallel_loop3A_793 = arith.index_cast %parallel_loop3A_329 : i32 to index
        %parallel_loop3A_794 = arith.constant 16 : index
        %parallel_loop3A_795 = tpu.vector_load %arg30[%parallel_loop3A_793, %parallel_loop3A_794] {strides = array<i32>} : memref<8x160xf32, #tpu.memory_space<vmem>>, vector<1x16xf32>,
        %parallel_loop3A_796 = vector.shape_cast %parallel_loop3A_795 : vector<1x16xf32> to vector<16xf32>
        %parallel_loop3A_797 = vector.shape_cast %parallel_loop3A_792 : vector<16xf32> to vector<1x16xf32>
        tpu.vector_store %arg30[%parallel_loop3A_793, %parallel_loop3A_794], %parallel_loop3A_797 {strides = array<i32>} : memref<8x160xf32, #tpu.memory_space<vmem>>, vector<1x16xf32>,
        %parallel_loop3A_798 = arith.index_cast %parallel_loop3A_329 : i32 to index
        %parallel_loop3A_799 = arith.constant 480 : index
        %parallel_loop3A_800 = tpu.vector_load %arg14[%parallel_loop3A_798, %parallel_loop3A_799] {strides = array<i32>} : memref<8x1664xf32, #tpu.memory_space<vmem>>, vector<1x16xf32>,
        %parallel_loop3A_801 = vector.shape_cast %parallel_loop3A_800 : vector<1x16xf32> to vector<16xf32>
        %parallel_loop3A_802 = arith.index_cast %parallel_loop3A_329 : i32 to index
        %parallel_loop3A_803 = arith.constant 32 : index
        %parallel_loop3A_804 = tpu.vector_load %arg30[%parallel_loop3A_802, %parallel_loop3A_803] {strides = array<i32>} : memref<8x160xf32, #tpu.memory_space<vmem>>, vector<1x16xf32>,
        %parallel_loop3A_805 = vector.shape_cast %parallel_loop3A_804 : vector<1x16xf32> to vector<16xf32>
        %parallel_loop3A_806 = vector.shape_cast %parallel_loop3A_801 : vector<16xf32> to vector<1x16xf32>
        tpu.vector_store %arg30[%parallel_loop3A_802, %parallel_loop3A_803], %parallel_loop3A_806 {strides = array<i32>} : memref<8x160xf32, #tpu.memory_space<vmem>>, vector<1x16xf32>,
        %parallel_loop3A_807 = arith.index_cast %parallel_loop3A_329 : i32 to index
        %parallel_loop3A_808 = arith.constant 496 : index
        %parallel_loop3A_809 = tpu.vector_load %arg14[%parallel_loop3A_807, %parallel_loop3A_808] {strides = array<i32>} : memref<8x1664xf32, #tpu.memory_space<vmem>>, vector<1x16xf32>,
        %parallel_loop3A_810 = vector.shape_cast %parallel_loop3A_809 : vector<1x16xf32> to vector<16xf32>
        %parallel_loop3A_811 = arith.index_cast %parallel_loop3A_329 : i32 to index
        %parallel_loop3A_812 = arith.constant 48 : index
        %parallel_loop3A_813 = tpu.vector_load %arg30[%parallel_loop3A_811, %parallel_loop3A_812] {strides = array<i32>} : memref<8x160xf32, #tpu.memory_space<vmem>>, vector<1x16xf32>,
        %parallel_loop3A_814 = vector.shape_cast %parallel_loop3A_813 : vector<1x16xf32> to vector<16xf32>
        %parallel_loop3A_815 = vector.shape_cast %parallel_loop3A_810 : vector<16xf32> to vector<1x16xf32>
        tpu.vector_store %arg30[%parallel_loop3A_811, %parallel_loop3A_812], %parallel_loop3A_815 {strides = array<i32>} : memref<8x160xf32, #tpu.memory_space<vmem>>, vector<1x16xf32>,
        %parallel_loop3A_816 = arith.index_cast %parallel_loop3A_329 : i32 to index
        %parallel_loop3A_817 = arith.constant 800 : index
        %parallel_loop3A_818 = tpu.vector_load %arg14[%parallel_loop3A_816, %parallel_loop3A_817] {strides = array<i32>} : memref<8x1664xf32, #tpu.memory_space<vmem>>, vector<1x16xf32>,
        %parallel_loop3A_819 = vector.shape_cast %parallel_loop3A_818 : vector<1x16xf32> to vector<16xf32>
        %parallel_loop3A_820 = arith.index_cast %parallel_loop3A_329 : i32 to index
        %parallel_loop3A_821 = arith.constant 64 : index
        %parallel_loop3A_822 = tpu.vector_load %arg30[%parallel_loop3A_820, %parallel_loop3A_821] {strides = array<i32>} : memref<8x160xf32, #tpu.memory_space<vmem>>, vector<1x16xf32>,
        %parallel_loop3A_823 = vector.shape_cast %parallel_loop3A_822 : vector<1x16xf32> to vector<16xf32>
        %parallel_loop3A_824 = vector.shape_cast %parallel_loop3A_819 : vector<16xf32> to vector<1x16xf32>
        tpu.vector_store %arg30[%parallel_loop3A_820, %parallel_loop3A_821], %parallel_loop3A_824 {strides = array<i32>} : memref<8x160xf32, #tpu.memory_space<vmem>>, vector<1x16xf32>,
        %parallel_loop3A_825 = arith.index_cast %parallel_loop3A_329 : i32 to index
        %parallel_loop3A_826 = arith.constant 816 : index
        %parallel_loop3A_827 = tpu.vector_load %arg14[%parallel_loop3A_825, %parallel_loop3A_826] {strides = array<i32>} : memref<8x1664xf32, #tpu.memory_space<vmem>>, vector<1x16xf32>,
        %parallel_loop3A_828 = vector.shape_cast %parallel_loop3A_827 : vector<1x16xf32> to vector<16xf32>
        %parallel_loop3A_829 = arith.index_cast %parallel_loop3A_329 : i32 to index
        %parallel_loop3A_830 = arith.constant 80 : index
        %parallel_loop3A_831 = tpu.vector_load %arg30[%parallel_loop3A_829, %parallel_loop3A_830] {strides = array<i32>} : memref<8x160xf32, #tpu.memory_space<vmem>>, vector<1x16xf32>,
        %parallel_loop3A_832 = vector.shape_cast %parallel_loop3A_831 : vector<1x16xf32> to vector<16xf32>
        %parallel_loop3A_833 = vector.shape_cast %parallel_loop3A_828 : vector<16xf32> to vector<1x16xf32>
        tpu.vector_store %arg30[%parallel_loop3A_829, %parallel_loop3A_830], %parallel_loop3A_833 {strides = array<i32>} : memref<8x160xf32, #tpu.memory_space<vmem>>, vector<1x16xf32>,
        %parallel_loop3A_834 = arith.index_cast %parallel_loop3A_329 : i32 to index
        %parallel_loop3A_835 = arith.constant 1120 : index
        %parallel_loop3A_836 = tpu.vector_load %arg14[%parallel_loop3A_834, %parallel_loop3A_835] {strides = array<i32>} : memref<8x1664xf32, #tpu.memory_space<vmem>>, vector<1x16xf32>,
        %parallel_loop3A_837 = vector.shape_cast %parallel_loop3A_836 : vector<1x16xf32> to vector<16xf32>
        %parallel_loop3A_838 = arith.index_cast %parallel_loop3A_329 : i32 to index
        %parallel_loop3A_839 = arith.constant 96 : index
        %parallel_loop3A_840 = tpu.vector_load %arg30[%parallel_loop3A_838, %parallel_loop3A_839] {strides = array<i32>} : memref<8x160xf32, #tpu.memory_space<vmem>>, vector<1x16xf32>,
        %parallel_loop3A_841 = vector.shape_cast %parallel_loop3A_840 : vector<1x16xf32> to vector<16xf32>
        %parallel_loop3A_842 = vector.shape_cast %parallel_loop3A_837 : vector<16xf32> to vector<1x16xf32>
        tpu.vector_store %arg30[%parallel_loop3A_838, %parallel_loop3A_839], %parallel_loop3A_842 {strides = array<i32>} : memref<8x160xf32, #tpu.memory_space<vmem>>, vector<1x16xf32>,
        %parallel_loop3A_843 = arith.index_cast %parallel_loop3A_329 : i32 to index
        %parallel_loop3A_844 = arith.constant 1136 : index
        %parallel_loop3A_845 = tpu.vector_load %arg14[%parallel_loop3A_843, %parallel_loop3A_844] {strides = array<i32>} : memref<8x1664xf32, #tpu.memory_space<vmem>>, vector<1x16xf32>,
        %parallel_loop3A_846 = vector.shape_cast %parallel_loop3A_845 : vector<1x16xf32> to vector<16xf32>
        %parallel_loop3A_847 = arith.index_cast %parallel_loop3A_329 : i32 to index
        %parallel_loop3A_848 = arith.constant 112 : index
        %parallel_loop3A_849 = tpu.vector_load %arg30[%parallel_loop3A_847, %parallel_loop3A_848] {strides = array<i32>} : memref<8x160xf32, #tpu.memory_space<vmem>>, vector<1x16xf32>,
        %parallel_loop3A_850 = vector.shape_cast %parallel_loop3A_849 : vector<1x16xf32> to vector<16xf32>
        %parallel_loop3A_851 = vector.shape_cast %parallel_loop3A_846 : vector<16xf32> to vector<1x16xf32>
        tpu.vector_store %arg30[%parallel_loop3A_847, %parallel_loop3A_848], %parallel_loop3A_851 {strides = array<i32>} : memref<8x160xf32, #tpu.memory_space<vmem>>, vector<1x16xf32>,
        %parallel_loop3A_852 = arith.index_cast %parallel_loop3A_329 : i32 to index
        %parallel_loop3A_853 = arith.constant 1440 : index
        %parallel_loop3A_854 = tpu.vector_load %arg14[%parallel_loop3A_852, %parallel_loop3A_853] {strides = array<i32>} : memref<8x1664xf32, #tpu.memory_space<vmem>>, vector<1x16xf32>,
        %parallel_loop3A_855 = vector.shape_cast %parallel_loop3A_854 : vector<1x16xf32> to vector<16xf32>
        %parallel_loop3A_856 = arith.index_cast %parallel_loop3A_329 : i32 to index
        %parallel_loop3A_857 = arith.constant 128 : index
        %parallel_loop3A_858 = tpu.vector_load %arg30[%parallel_loop3A_856, %parallel_loop3A_857] {strides = array<i32>} : memref<8x160xf32, #tpu.memory_space<vmem>>, vector<1x16xf32>,
        %parallel_loop3A_859 = vector.shape_cast %parallel_loop3A_858 : vector<1x16xf32> to vector<16xf32>
        %parallel_loop3A_860 = vector.shape_cast %parallel_loop3A_855 : vector<16xf32> to vector<1x16xf32>
        tpu.vector_store %arg30[%parallel_loop3A_856, %parallel_loop3A_857], %parallel_loop3A_860 {strides = array<i32>} : memref<8x160xf32, #tpu.memory_space<vmem>>, vector<1x16xf32>,
        %parallel_loop3A_861 = arith.index_cast %parallel_loop3A_329 : i32 to index
        %parallel_loop3A_862 = arith.constant 1456 : index
        %parallel_loop3A_863 = tpu.vector_load %arg14[%parallel_loop3A_861, %parallel_loop3A_862] {strides = array<i32>} : memref<8x1664xf32, #tpu.memory_space<vmem>>, vector<1x16xf32>,
        %parallel_loop3A_864 = vector.shape_cast %parallel_loop3A_863 : vector<1x16xf32> to vector<16xf32>
        %parallel_loop3A_865 = arith.index_cast %parallel_loop3A_329 : i32 to index
        %parallel_loop3A_866 = arith.constant 144 : index
        %parallel_loop3A_867 = tpu.vector_load %arg30[%parallel_loop3A_865, %parallel_loop3A_866] {strides = array<i32>} : memref<8x160xf32, #tpu.memory_space<vmem>>, vector<1x16xf32>,
        %parallel_loop3A_868 = vector.shape_cast %parallel_loop3A_867 : vector<1x16xf32> to vector<16xf32>
        %parallel_loop3A_869 = vector.shape_cast %parallel_loop3A_864 : vector<16xf32> to vector<1x16xf32>
        tpu.vector_store %arg30[%parallel_loop3A_865, %parallel_loop3A_866], %parallel_loop3A_869 {strides = array<i32>} : memref<8x160xf32, #tpu.memory_space<vmem>>, vector<1x16xf32>,
        %parallel_loop3A_870 = arith.index_cast %parallel_loop3A_329 : i32 to index
        %parallel_loop3A_871 = arith.constant 192 : index
        %parallel_loop3A_872 = tpu.vector_load %arg14[%parallel_loop3A_870, %parallel_loop3A_871] {strides = array<i32>} : memref<8x1664xf32, #tpu.memory_space<vmem>>, vector<1x16xf32>,
        %parallel_loop3A_873 = vector.shape_cast %parallel_loop3A_872 : vector<1x16xf32> to vector<16xf32>
        %parallel_loop3A_874 = arith.index_cast %parallel_loop3A_329 : i32 to index
        %parallel_loop3A_875 = arith.constant 0 : index
        %parallel_loop3A_876 = tpu.vector_load %arg31[%parallel_loop3A_874, %parallel_loop3A_875] {strides = array<i32>} : memref<8x160xf32, #tpu.memory_space<vmem>>, vector<1x16xf32>,
        %parallel_loop3A_877 = vector.shape_cast %parallel_loop3A_876 : vector<1x16xf32> to vector<16xf32>
        %parallel_loop3A_878 = vector.shape_cast %parallel_loop3A_873 : vector<16xf32> to vector<1x16xf32>
        tpu.vector_store %arg31[%parallel_loop3A_874, %parallel_loop3A_875], %parallel_loop3A_878 {strides = array<i32>} : memref<8x160xf32, #tpu.memory_space<vmem>>, vector<1x16xf32>,
        %parallel_loop3A_879 = arith.index_cast %parallel_loop3A_329 : i32 to index
        %parallel_loop3A_880 = arith.constant 208 : index
        %parallel_loop3A_881 = tpu.vector_load %arg14[%parallel_loop3A_879, %parallel_loop3A_880] {strides = array<i32>} : memref<8x1664xf32, #tpu.memory_space<vmem>>, vector<1x16xf32>,
        %parallel_loop3A_882 = vector.shape_cast %parallel_loop3A_881 : vector<1x16xf32> to vector<16xf32>
        %parallel_loop3A_883 = arith.index_cast %parallel_loop3A_329 : i32 to index
        %parallel_loop3A_884 = arith.constant 16 : index
        %parallel_loop3A_885 = tpu.vector_load %arg31[%parallel_loop3A_883, %parallel_loop3A_884] {strides = array<i32>} : memref<8x160xf32, #tpu.memory_space<vmem>>, vector<1x16xf32>,
        %parallel_loop3A_886 = vector.shape_cast %parallel_loop3A_885 : vector<1x16xf32> to vector<16xf32>
        %parallel_loop3A_887 = vector.shape_cast %parallel_loop3A_882 : vector<16xf32> to vector<1x16xf32>
        tpu.vector_store %arg31[%parallel_loop3A_883, %parallel_loop3A_884], %parallel_loop3A_887 {strides = array<i32>} : memref<8x160xf32, #tpu.memory_space<vmem>>, vector<1x16xf32>,
        %parallel_loop3A_888 = arith.index_cast %parallel_loop3A_329 : i32 to index
        %parallel_loop3A_889 = arith.constant 512 : index
        %parallel_loop3A_890 = tpu.vector_load %arg14[%parallel_loop3A_888, %parallel_loop3A_889] {strides = array<i32>} : memref<8x1664xf32, #tpu.memory_space<vmem>>, vector<1x16xf32>,
        %parallel_loop3A_891 = vector.shape_cast %parallel_loop3A_890 : vector<1x16xf32> to vector<16xf32>
        %parallel_loop3A_892 = arith.index_cast %parallel_loop3A_329 : i32 to index
        %parallel_loop3A_893 = arith.constant 32 : index
        %parallel_loop3A_894 = tpu.vector_load %arg31[%parallel_loop3A_892, %parallel_loop3A_893] {strides = array<i32>} : memref<8x160xf32, #tpu.memory_space<vmem>>, vector<1x16xf32>,
        %parallel_loop3A_895 = vector.shape_cast %parallel_loop3A_894 : vector<1x16xf32> to vector<16xf32>
        %parallel_loop3A_896 = vector.shape_cast %parallel_loop3A_891 : vector<16xf32> to vector<1x16xf32>
        tpu.vector_store %arg31[%parallel_loop3A_892, %parallel_loop3A_893], %parallel_loop3A_896 {strides = array<i32>} : memref<8x160xf32, #tpu.memory_space<vmem>>, vector<1x16xf32>,
        %parallel_loop3A_897 = arith.index_cast %parallel_loop3A_329 : i32 to index
        %parallel_loop3A_898 = arith.constant 528 : index
        %parallel_loop3A_899 = tpu.vector_load %arg14[%parallel_loop3A_897, %parallel_loop3A_898] {strides = array<i32>} : memref<8x1664xf32, #tpu.memory_space<vmem>>, vector<1x16xf32>,
        %parallel_loop3A_900 = vector.shape_cast %parallel_loop3A_899 : vector<1x16xf32> to vector<16xf32>
        %parallel_loop3A_901 = arith.index_cast %parallel_loop3A_329 : i32 to index
        %parallel_loop3A_902 = arith.constant 48 : index
        %parallel_loop3A_903 = tpu.vector_load %arg31[%parallel_loop3A_901, %parallel_loop3A_902] {strides = array<i32>} : memref<8x160xf32, #tpu.memory_space<vmem>>, vector<1x16xf32>,
        %parallel_loop3A_904 = vector.shape_cast %parallel_loop3A_903 : vector<1x16xf32> to vector<16xf32>
        %parallel_loop3A_905 = vector.shape_cast %parallel_loop3A_900 : vector<16xf32> to vector<1x16xf32>
        tpu.vector_store %arg31[%parallel_loop3A_901, %parallel_loop3A_902], %parallel_loop3A_905 {strides = array<i32>} : memref<8x160xf32, #tpu.memory_space<vmem>>, vector<1x16xf32>,
        %parallel_loop3A_906 = arith.index_cast %parallel_loop3A_329 : i32 to index
        %parallel_loop3A_907 = arith.constant 832 : index
        %parallel_loop3A_908 = tpu.vector_load %arg14[%parallel_loop3A_906, %parallel_loop3A_907] {strides = array<i32>} : memref<8x1664xf32, #tpu.memory_space<vmem>>, vector<1x16xf32>,
        %parallel_loop3A_909 = vector.shape_cast %parallel_loop3A_908 : vector<1x16xf32> to vector<16xf32>
        %parallel_loop3A_910 = arith.index_cast %parallel_loop3A_329 : i32 to index
        %parallel_loop3A_911 = arith.constant 64 : index
        %parallel_loop3A_912 = tpu.vector_load %arg31[%parallel_loop3A_910, %parallel_loop3A_911] {strides = array<i32>} : memref<8x160xf32, #tpu.memory_space<vmem>>, vector<1x16xf32>,
        %parallel_loop3A_913 = vector.shape_cast %parallel_loop3A_912 : vector<1x16xf32> to vector<16xf32>
        %parallel_loop3A_914 = vector.shape_cast %parallel_loop3A_909 : vector<16xf32> to vector<1x16xf32>
        tpu.vector_store %arg31[%parallel_loop3A_910, %parallel_loop3A_911], %parallel_loop3A_914 {strides = array<i32>} : memref<8x160xf32, #tpu.memory_space<vmem>>, vector<1x16xf32>,
        %parallel_loop3A_915 = arith.index_cast %parallel_loop3A_329 : i32 to index
        %parallel_loop3A_916 = arith.constant 848 : index
        %parallel_loop3A_917 = tpu.vector_load %arg14[%parallel_loop3A_915, %parallel_loop3A_916] {strides = array<i32>} : memref<8x1664xf32, #tpu.memory_space<vmem>>, vector<1x16xf32>,
        %parallel_loop3A_918 = vector.shape_cast %parallel_loop3A_917 : vector<1x16xf32> to vector<16xf32>
        %parallel_loop3A_919 = arith.index_cast %parallel_loop3A_329 : i32 to index
        %parallel_loop3A_920 = arith.constant 80 : index
        %parallel_loop3A_921 = tpu.vector_load %arg31[%parallel_loop3A_919, %parallel_loop3A_920] {strides = array<i32>} : memref<8x160xf32, #tpu.memory_space<vmem>>, vector<1x16xf32>,
        %parallel_loop3A_922 = vector.shape_cast %parallel_loop3A_921 : vector<1x16xf32> to vector<16xf32>
        %parallel_loop3A_923 = vector.shape_cast %parallel_loop3A_918 : vector<16xf32> to vector<1x16xf32>
        tpu.vector_store %arg31[%parallel_loop3A_919, %parallel_loop3A_920], %parallel_loop3A_923 {strides = array<i32>} : memref<8x160xf32, #tpu.memory_space<vmem>>, vector<1x16xf32>,
        %parallel_loop3A_924 = arith.index_cast %parallel_loop3A_329 : i32 to index
        %parallel_loop3A_925 = arith.constant 1152 : index
        %parallel_loop3A_926 = tpu.vector_load %arg14[%parallel_loop3A_924, %parallel_loop3A_925] {strides = array<i32>} : memref<8x1664xf32, #tpu.memory_space<vmem>>, vector<1x16xf32>,
        %parallel_loop3A_927 = vector.shape_cast %parallel_loop3A_926 : vector<1x16xf32> to vector<16xf32>
        %parallel_loop3A_928 = arith.index_cast %parallel_loop3A_329 : i32 to index
        %parallel_loop3A_929 = arith.constant 96 : index
        %parallel_loop3A_930 = tpu.vector_load %arg31[%parallel_loop3A_928, %parallel_loop3A_929] {strides = array<i32>} : memref<8x160xf32, #tpu.memory_space<vmem>>, vector<1x16xf32>,
        %parallel_loop3A_931 = vector.shape_cast %parallel_loop3A_930 : vector<1x16xf32> to vector<16xf32>
        %parallel_loop3A_932 = vector.shape_cast %parallel_loop3A_927 : vector<16xf32> to vector<1x16xf32>
        tpu.vector_store %arg31[%parallel_loop3A_928, %parallel_loop3A_929], %parallel_loop3A_932 {strides = array<i32>} : memref<8x160xf32, #tpu.memory_space<vmem>>, vector<1x16xf32>,
        %parallel_loop3A_933 = arith.index_cast %parallel_loop3A_329 : i32 to index
        %parallel_loop3A_934 = arith.constant 1168 : index
        %parallel_loop3A_935 = tpu.vector_load %arg14[%parallel_loop3A_933, %parallel_loop3A_934] {strides = array<i32>} : memref<8x1664xf32, #tpu.memory_space<vmem>>, vector<1x16xf32>,
        %parallel_loop3A_936 = vector.shape_cast %parallel_loop3A_935 : vector<1x16xf32> to vector<16xf32>
        %parallel_loop3A_937 = arith.index_cast %parallel_loop3A_329 : i32 to index
        %parallel_loop3A_938 = arith.constant 112 : index
        %parallel_loop3A_939 = tpu.vector_load %arg31[%parallel_loop3A_937, %parallel_loop3A_938] {strides = array<i32>} : memref<8x160xf32, #tpu.memory_space<vmem>>, vector<1x16xf32>,
        %parallel_loop3A_940 = vector.shape_cast %parallel_loop3A_939 : vector<1x16xf32> to vector<16xf32>
        %parallel_loop3A_941 = vector.shape_cast %parallel_loop3A_936 : vector<16xf32> to vector<1x16xf32>
        tpu.vector_store %arg31[%parallel_loop3A_937, %parallel_loop3A_938], %parallel_loop3A_941 {strides = array<i32>} : memref<8x160xf32, #tpu.memory_space<vmem>>, vector<1x16xf32>,
        %parallel_loop3A_942 = arith.index_cast %parallel_loop3A_329 : i32 to index
        %parallel_loop3A_943 = arith.constant 1472 : index
        %parallel_loop3A_944 = tpu.vector_load %arg14[%parallel_loop3A_942, %parallel_loop3A_943] {strides = array<i32>} : memref<8x1664xf32, #tpu.memory_space<vmem>>, vector<1x16xf32>,
        %parallel_loop3A_945 = vector.shape_cast %parallel_loop3A_944 : vector<1x16xf32> to vector<16xf32>
        %parallel_loop3A_946 = arith.index_cast %parallel_loop3A_329 : i32 to index
        %parallel_loop3A_947 = arith.constant 128 : index
        %parallel_loop3A_948 = tpu.vector_load %arg31[%parallel_loop3A_946, %parallel_loop3A_947] {strides = array<i32>} : memref<8x160xf32, #tpu.memory_space<vmem>>, vector<1x16xf32>,
        %parallel_loop3A_949 = vector.shape_cast %parallel_loop3A_948 : vector<1x16xf32> to vector<16xf32>
        %parallel_loop3A_950 = vector.shape_cast %parallel_loop3A_945 : vector<16xf32> to vector<1x16xf32>
        tpu.vector_store %arg31[%parallel_loop3A_946, %parallel_loop3A_947], %parallel_loop3A_950 {strides = array<i32>} : memref<8x160xf32, #tpu.memory_space<vmem>>, vector<1x16xf32>,
        %parallel_loop3A_951 = arith.index_cast %parallel_loop3A_329 : i32 to index
        %parallel_loop3A_952 = arith.constant 1488 : index
        %parallel_loop3A_953 = tpu.vector_load %arg14[%parallel_loop3A_951, %parallel_loop3A_952] {strides = array<i32>} : memref<8x1664xf32, #tpu.memory_space<vmem>>, vector<1x16xf32>,
        %parallel_loop3A_954 = vector.shape_cast %parallel_loop3A_953 : vector<1x16xf32> to vector<16xf32>
        %parallel_loop3A_955 = arith.index_cast %parallel_loop3A_329 : i32 to index
        %parallel_loop3A_956 = arith.constant 144 : index
        %parallel_loop3A_957 = tpu.vector_load %arg31[%parallel_loop3A_955, %parallel_loop3A_956] {strides = array<i32>} : memref<8x160xf32, #tpu.memory_space<vmem>>, vector<1x16xf32>,
        %parallel_loop3A_958 = vector.shape_cast %parallel_loop3A_957 : vector<1x16xf32> to vector<16xf32>
        %parallel_loop3A_959 = vector.shape_cast %parallel_loop3A_954 : vector<16xf32> to vector<1x16xf32>
        tpu.vector_store %arg31[%parallel_loop3A_955, %parallel_loop3A_956], %parallel_loop3A_959 {strides = array<i32>} : memref<8x160xf32, #tpu.memory_space<vmem>>, vector<1x16xf32>,
        %parallel_loop3A_960 = arith.index_cast %parallel_loop3A_329 : i32 to index
        %parallel_loop3A_961 = arith.constant 224 : index
        %parallel_loop3A_962 = tpu.vector_load %arg14[%parallel_loop3A_960, %parallel_loop3A_961] {strides = array<i32>} : memref<8x1664xf32, #tpu.memory_space<vmem>>, vector<1x16xf32>,
        %parallel_loop3A_963 = vector.shape_cast %parallel_loop3A_962 : vector<1x16xf32> to vector<16xf32>
        %parallel_loop3A_964 = arith.index_cast %parallel_loop3A_329 : i32 to index
        %parallel_loop3A_965 = arith.constant 0 : index
        %parallel_loop3A_966 = tpu.vector_load %arg32[%parallel_loop3A_964, %parallel_loop3A_965] {strides = array<i32>} : memref<8x160xf32, #tpu.memory_space<vmem>>, vector<1x16xf32>,
        %parallel_loop3A_967 = vector.shape_cast %parallel_loop3A_966 : vector<1x16xf32> to vector<16xf32>
        %parallel_loop3A_968 = vector.shape_cast %parallel_loop3A_963 : vector<16xf32> to vector<1x16xf32>
        tpu.vector_store %arg32[%parallel_loop3A_964, %parallel_loop3A_965], %parallel_loop3A_968 {strides = array<i32>} : memref<8x160xf32, #tpu.memory_space<vmem>>, vector<1x16xf32>,
        %parallel_loop3A_969 = arith.index_cast %parallel_loop3A_329 : i32 to index
        %parallel_loop3A_970 = arith.constant 240 : index
        %parallel_loop3A_971 = tpu.vector_load %arg14[%parallel_loop3A_969, %parallel_loop3A_970] {strides = array<i32>} : memref<8x1664xf32, #tpu.memory_space<vmem>>, vector<1x16xf32>,
        %parallel_loop3A_972 = vector.shape_cast %parallel_loop3A_971 : vector<1x16xf32> to vector<16xf32>
        %parallel_loop3A_973 = arith.index_cast %parallel_loop3A_329 : i32 to index
        %parallel_loop3A_974 = arith.constant 16 : index
        %parallel_loop3A_975 = tpu.vector_load %arg32[%parallel_loop3A_973, %parallel_loop3A_974] {strides = array<i32>} : memref<8x160xf32, #tpu.memory_space<vmem>>, vector<1x16xf32>,
        %parallel_loop3A_976 = vector.shape_cast %parallel_loop3A_975 : vector<1x16xf32> to vector<16xf32>
        %parallel_loop3A_977 = vector.shape_cast %parallel_loop3A_972 : vector<16xf32> to vector<1x16xf32>
        tpu.vector_store %arg32[%parallel_loop3A_973, %parallel_loop3A_974], %parallel_loop3A_977 {strides = array<i32>} : memref<8x160xf32, #tpu.memory_space<vmem>>, vector<1x16xf32>,
        %parallel_loop3A_978 = arith.index_cast %parallel_loop3A_329 : i32 to index
        %parallel_loop3A_979 = arith.constant 544 : index
        %parallel_loop3A_980 = tpu.vector_load %arg14[%parallel_loop3A_978, %parallel_loop3A_979] {strides = array<i32>} : memref<8x1664xf32, #tpu.memory_space<vmem>>, vector<1x16xf32>,
        %parallel_loop3A_981 = vector.shape_cast %parallel_loop3A_980 : vector<1x16xf32> to vector<16xf32>
        %parallel_loop3A_982 = arith.index_cast %parallel_loop3A_329 : i32 to index
        %parallel_loop3A_983 = arith.constant 32 : index
        %parallel_loop3A_984 = tpu.vector_load %arg32[%parallel_loop3A_982, %parallel_loop3A_983] {strides = array<i32>} : memref<8x160xf32, #tpu.memory_space<vmem>>, vector<1x16xf32>,
        %parallel_loop3A_985 = vector.shape_cast %parallel_loop3A_984 : vector<1x16xf32> to vector<16xf32>
        %parallel_loop3A_986 = vector.shape_cast %parallel_loop3A_981 : vector<16xf32> to vector<1x16xf32>
        tpu.vector_store %arg32[%parallel_loop3A_982, %parallel_loop3A_983], %parallel_loop3A_986 {strides = array<i32>} : memref<8x160xf32, #tpu.memory_space<vmem>>, vector<1x16xf32>,
        %parallel_loop3A_987 = arith.index_cast %parallel_loop3A_329 : i32 to index
        %parallel_loop3A_988 = arith.constant 560 : index
        %parallel_loop3A_989 = tpu.vector_load %arg14[%parallel_loop3A_987, %parallel_loop3A_988] {strides = array<i32>} : memref<8x1664xf32, #tpu.memory_space<vmem>>, vector<1x16xf32>,
        %parallel_loop3A_990 = vector.shape_cast %parallel_loop3A_989 : vector<1x16xf32> to vector<16xf32>
        %parallel_loop3A_991 = arith.index_cast %parallel_loop3A_329 : i32 to index
        %parallel_loop3A_992 = arith.constant 48 : index
        %parallel_loop3A_993 = tpu.vector_load %arg32[%parallel_loop3A_991, %parallel_loop3A_992] {strides = array<i32>} : memref<8x160xf32, #tpu.memory_space<vmem>>, vector<1x16xf32>,
        %parallel_loop3A_994 = vector.shape_cast %parallel_loop3A_993 : vector<1x16xf32> to vector<16xf32>
        %parallel_loop3A_995 = vector.shape_cast %parallel_loop3A_990 : vector<16xf32> to vector<1x16xf32>
        tpu.vector_store %arg32[%parallel_loop3A_991, %parallel_loop3A_992], %parallel_loop3A_995 {strides = array<i32>} : memref<8x160xf32, #tpu.memory_space<vmem>>, vector<1x16xf32>,
        %parallel_loop3A_996 = arith.index_cast %parallel_loop3A_329 : i32 to index
        %parallel_loop3A_997 = arith.constant 864 : index
        %parallel_loop3A_998 = tpu.vector_load %arg14[%parallel_loop3A_996, %parallel_loop3A_997] {strides = array<i32>} : memref<8x1664xf32, #tpu.memory_space<vmem>>, vector<1x16xf32>,
        %parallel_loop3A_999 = vector.shape_cast %parallel_loop3A_998 : vector<1x16xf32> to vector<16xf32>
        %parallel_loop3A_1000 = arith.index_cast %parallel_loop3A_329 : i32 to index
        %parallel_loop3A_1001 = arith.constant 64 : index
        %parallel_loop3A_1002 = tpu.vector_load %arg32[%parallel_loop3A_1000, %parallel_loop3A_1001] {strides = array<i32>} : memref<8x160xf32, #tpu.memory_space<vmem>>, vector<1x16xf32>,
        %parallel_loop3A_1003 = vector.shape_cast %parallel_loop3A_1002 : vector<1x16xf32> to vector<16xf32>
        %parallel_loop3A_1004 = vector.shape_cast %parallel_loop3A_999 : vector<16xf32> to vector<1x16xf32>
        tpu.vector_store %arg32[%parallel_loop3A_1000, %parallel_loop3A_1001], %parallel_loop3A_1004 {strides = array<i32>} : memref<8x160xf32, #tpu.memory_space<vmem>>, vector<1x16xf32>,
        %parallel_loop3A_1005 = arith.index_cast %parallel_loop3A_329 : i32 to index
        %parallel_loop3A_1006 = arith.constant 880 : index
        %parallel_loop3A_1007 = tpu.vector_load %arg14[%parallel_loop3A_1005, %parallel_loop3A_1006] {strides = array<i32>} : memref<8x1664xf32, #tpu.memory_space<vmem>>, vector<1x16xf32>,
        %parallel_loop3A_1008 = vector.shape_cast %parallel_loop3A_1007 : vector<1x16xf32> to vector<16xf32>
        %parallel_loop3A_1009 = arith.index_cast %parallel_loop3A_329 : i32 to index
        %parallel_loop3A_1010 = arith.constant 80 : index
        %parallel_loop3A_1011 = tpu.vector_load %arg32[%parallel_loop3A_1009, %parallel_loop3A_1010] {strides = array<i32>} : memref<8x160xf32, #tpu.memory_space<vmem>>, vector<1x16xf32>,
        %parallel_loop3A_1012 = vector.shape_cast %parallel_loop3A_1011 : vector<1x16xf32> to vector<16xf32>
        %parallel_loop3A_1013 = vector.shape_cast %parallel_loop3A_1008 : vector<16xf32> to vector<1x16xf32>
        tpu.vector_store %arg32[%parallel_loop3A_1009, %parallel_loop3A_1010], %parallel_loop3A_1013 {strides = array<i32>} : memref<8x160xf32, #tpu.memory_space<vmem>>, vector<1x16xf32>,
        %parallel_loop3A_1014 = arith.index_cast %parallel_loop3A_329 : i32 to index
        %parallel_loop3A_1015 = arith.constant 1184 : index
        %parallel_loop3A_1016 = tpu.vector_load %arg14[%parallel_loop3A_1014, %parallel_loop3A_1015] {strides = array<i32>} : memref<8x1664xf32, #tpu.memory_space<vmem>>, vector<1x16xf32>,
        %parallel_loop3A_1017 = vector.shape_cast %parallel_loop3A_1016 : vector<1x16xf32> to vector<16xf32>
        %parallel_loop3A_1018 = arith.index_cast %parallel_loop3A_329 : i32 to index
        %parallel_loop3A_1019 = arith.constant 96 : index
        %parallel_loop3A_1020 = tpu.vector_load %arg32[%parallel_loop3A_1018, %parallel_loop3A_1019] {strides = array<i32>} : memref<8x160xf32, #tpu.memory_space<vmem>>, vector<1x16xf32>,
        %parallel_loop3A_1021 = vector.shape_cast %parallel_loop3A_1020 : vector<1x16xf32> to vector<16xf32>
        %parallel_loop3A_1022 = vector.shape_cast %parallel_loop3A_1017 : vector<16xf32> to vector<1x16xf32>
        tpu.vector_store %arg32[%parallel_loop3A_1018, %parallel_loop3A_1019], %parallel_loop3A_1022 {strides = array<i32>} : memref<8x160xf32, #tpu.memory_space<vmem>>, vector<1x16xf32>,
        %parallel_loop3A_1023 = arith.index_cast %parallel_loop3A_329 : i32 to index
        %parallel_loop3A_1024 = arith.constant 1200 : index
        %parallel_loop3A_1025 = tpu.vector_load %arg14[%parallel_loop3A_1023, %parallel_loop3A_1024] {strides = array<i32>} : memref<8x1664xf32, #tpu.memory_space<vmem>>, vector<1x16xf32>,
        %parallel_loop3A_1026 = vector.shape_cast %parallel_loop3A_1025 : vector<1x16xf32> to vector<16xf32>
        %parallel_loop3A_1027 = arith.index_cast %parallel_loop3A_329 : i32 to index
        %parallel_loop3A_1028 = arith.constant 112 : index
        %parallel_loop3A_1029 = tpu.vector_load %arg32[%parallel_loop3A_1027, %parallel_loop3A_1028] {strides = array<i32>} : memref<8x160xf32, #tpu.memory_space<vmem>>, vector<1x16xf32>,
        %parallel_loop3A_1030 = vector.shape_cast %parallel_loop3A_1029 : vector<1x16xf32> to vector<16xf32>
        %parallel_loop3A_1031 = vector.shape_cast %parallel_loop3A_1026 : vector<16xf32> to vector<1x16xf32>
        tpu.vector_store %arg32[%parallel_loop3A_1027, %parallel_loop3A_1028], %parallel_loop3A_1031 {strides = array<i32>} : memref<8x160xf32, #tpu.memory_space<vmem>>, vector<1x16xf32>,
        %parallel_loop3A_1032 = arith.index_cast %parallel_loop3A_329 : i32 to index
        %parallel_loop3A_1033 = arith.constant 1504 : index
        %parallel_loop3A_1034 = tpu.vector_load %arg14[%parallel_loop3A_1032, %parallel_loop3A_1033] {strides = array<i32>} : memref<8x1664xf32, #tpu.memory_space<vmem>>, vector<1x16xf32>,
        %parallel_loop3A_1035 = vector.shape_cast %parallel_loop3A_1034 : vector<1x16xf32> to vector<16xf32>
        %parallel_loop3A_1036 = arith.index_cast %parallel_loop3A_329 : i32 to index
        %parallel_loop3A_1037 = arith.constant 128 : index
        %parallel_loop3A_1038 = tpu.vector_load %arg32[%parallel_loop3A_1036, %parallel_loop3A_1037] {strides = array<i32>} : memref<8x160xf32, #tpu.memory_space<vmem>>, vector<1x16xf32>,
        %parallel_loop3A_1039 = vector.shape_cast %parallel_loop3A_1038 : vector<1x16xf32> to vector<16xf32>
        %parallel_loop3A_1040 = vector.shape_cast %parallel_loop3A_1035 : vector<16xf32> to vector<1x16xf32>
        tpu.vector_store %arg32[%parallel_loop3A_1036, %parallel_loop3A_1037], %parallel_loop3A_1040 {strides = array<i32>} : memref<8x160xf32, #tpu.memory_space<vmem>>, vector<1x16xf32>,
        %parallel_loop3A_1041 = arith.index_cast %parallel_loop3A_329 : i32 to index
        %parallel_loop3A_1042 = arith.constant 1520 : index
        %parallel_loop3A_1043 = tpu.vector_load %arg14[%parallel_loop3A_1041, %parallel_loop3A_1042] {strides = array<i32>} : memref<8x1664xf32, #tpu.memory_space<vmem>>, vector<1x16xf32>,
        %parallel_loop3A_1044 = vector.shape_cast %parallel_loop3A_1043 : vector<1x16xf32> to vector<16xf32>
        %parallel_loop3A_1045 = arith.index_cast %parallel_loop3A_329 : i32 to index
        %parallel_loop3A_1046 = arith.constant 144 : index
        %parallel_loop3A_1047 = tpu.vector_load %arg32[%parallel_loop3A_1045, %parallel_loop3A_1046] {strides = array<i32>} : memref<8x160xf32, #tpu.memory_space<vmem>>, vector<1x16xf32>,
        %parallel_loop3A_1048 = vector.shape_cast %parallel_loop3A_1047 : vector<1x16xf32> to vector<16xf32>
        %parallel_loop3A_1049 = vector.shape_cast %parallel_loop3A_1044 : vector<16xf32> to vector<1x16xf32>
        tpu.vector_store %arg32[%parallel_loop3A_1045, %parallel_loop3A_1046], %parallel_loop3A_1049 {strides = array<i32>} : memref<8x160xf32, #tpu.memory_space<vmem>>, vector<1x16xf32>,
        %parallel_loop3A_1050 = arith.index_cast %parallel_loop3A_329 : i32 to index
        %parallel_loop3A_1051 = arith.constant 256 : index
        %parallel_loop3A_1052 = tpu.vector_load %arg14[%parallel_loop3A_1050, %parallel_loop3A_1051] {strides = array<i32>} : memref<8x1664xf32, #tpu.memory_space<vmem>>, vector<1x16xf32>,
        %parallel_loop3A_1053 = vector.shape_cast %parallel_loop3A_1052 : vector<1x16xf32> to vector<16xf32>
        %parallel_loop3A_1054 = arith.index_cast %parallel_loop3A_329 : i32 to index
        %parallel_loop3A_1055 = arith.constant 0 : index
        %parallel_loop3A_1056 = tpu.vector_load %arg33[%parallel_loop3A_1054, %parallel_loop3A_1055] {strides = array<i32>} : memref<8x160xf32, #tpu.memory_space<vmem>>, vector<1x16xf32>,
        %parallel_loop3A_1057 = vector.shape_cast %parallel_loop3A_1056 : vector<1x16xf32> to vector<16xf32>
        %parallel_loop3A_1058 = vector.shape_cast %parallel_loop3A_1053 : vector<16xf32> to vector<1x16xf32>
        tpu.vector_store %arg33[%parallel_loop3A_1054, %parallel_loop3A_1055], %parallel_loop3A_1058 {strides = array<i32>} : memref<8x160xf32, #tpu.memory_space<vmem>>, vector<1x16xf32>,
        %parallel_loop3A_1059 = arith.index_cast %parallel_loop3A_329 : i32 to index
        %parallel_loop3A_1060 = arith.constant 272 : index
        %parallel_loop3A_1061 = tpu.vector_load %arg14[%parallel_loop3A_1059, %parallel_loop3A_1060] {strides = array<i32>} : memref<8x1664xf32, #tpu.memory_space<vmem>>, vector<1x16xf32>,
        %parallel_loop3A_1062 = vector.shape_cast %parallel_loop3A_1061 : vector<1x16xf32> to vector<16xf32>
        %parallel_loop3A_1063 = arith.index_cast %parallel_loop3A_329 : i32 to index
        %parallel_loop3A_1064 = arith.constant 16 : index
        %parallel_loop3A_1065 = tpu.vector_load %arg33[%parallel_loop3A_1063, %parallel_loop3A_1064] {strides = array<i32>} : memref<8x160xf32, #tpu.memory_space<vmem>>, vector<1x16xf32>,
        %parallel_loop3A_1066 = vector.shape_cast %parallel_loop3A_1065 : vector<1x16xf32> to vector<16xf32>
        %parallel_loop3A_1067 = vector.shape_cast %parallel_loop3A_1062 : vector<16xf32> to vector<1x16xf32>
        tpu.vector_store %arg33[%parallel_loop3A_1063, %parallel_loop3A_1064], %parallel_loop3A_1067 {strides = array<i32>} : memref<8x160xf32, #tpu.memory_space<vmem>>, vector<1x16xf32>,
        %parallel_loop3A_1068 = arith.index_cast %parallel_loop3A_329 : i32 to index
        %parallel_loop3A_1069 = arith.constant 576 : index
        %parallel_loop3A_1070 = tpu.vector_load %arg14[%parallel_loop3A_1068, %parallel_loop3A_1069] {strides = array<i32>} : memref<8x1664xf32, #tpu.memory_space<vmem>>, vector<1x16xf32>,
        %parallel_loop3A_1071 = vector.shape_cast %parallel_loop3A_1070 : vector<1x16xf32> to vector<16xf32>
        %parallel_loop3A_1072 = arith.index_cast %parallel_loop3A_329 : i32 to index
        %parallel_loop3A_1073 = arith.constant 32 : index
        %parallel_loop3A_1074 = tpu.vector_load %arg33[%parallel_loop3A_1072, %parallel_loop3A_1073] {strides = array<i32>} : memref<8x160xf32, #tpu.memory_space<vmem>>, vector<1x16xf32>,
        %parallel_loop3A_1075 = vector.shape_cast %parallel_loop3A_1074 : vector<1x16xf32> to vector<16xf32>
        %parallel_loop3A_1076 = vector.shape_cast %parallel_loop3A_1071 : vector<16xf32> to vector<1x16xf32>
        tpu.vector_store %arg33[%parallel_loop3A_1072, %parallel_loop3A_1073], %parallel_loop3A_1076 {strides = array<i32>} : memref<8x160xf32, #tpu.memory_space<vmem>>, vector<1x16xf32>,
        %parallel_loop3A_1077 = arith.index_cast %parallel_loop3A_329 : i32 to index
        %parallel_loop3A_1078 = arith.constant 592 : index
        %parallel_loop3A_1079 = tpu.vector_load %arg14[%parallel_loop3A_1077, %parallel_loop3A_1078] {strides = array<i32>} : memref<8x1664xf32, #tpu.memory_space<vmem>>, vector<1x16xf32>,
        %parallel_loop3A_1080 = vector.shape_cast %parallel_loop3A_1079 : vector<1x16xf32> to vector<16xf32>
        %parallel_loop3A_1081 = arith.index_cast %parallel_loop3A_329 : i32 to index
        %parallel_loop3A_1082 = arith.constant 48 : index
        %parallel_loop3A_1083 = tpu.vector_load %arg33[%parallel_loop3A_1081, %parallel_loop3A_1082] {strides = array<i32>} : memref<8x160xf32, #tpu.memory_space<vmem>>, vector<1x16xf32>,
        %parallel_loop3A_1084 = vector.shape_cast %parallel_loop3A_1083 : vector<1x16xf32> to vector<16xf32>
        %parallel_loop3A_1085 = vector.shape_cast %parallel_loop3A_1080 : vector<16xf32> to vector<1x16xf32>
        tpu.vector_store %arg33[%parallel_loop3A_1081, %parallel_loop3A_1082], %parallel_loop3A_1085 {strides = array<i32>} : memref<8x160xf32, #tpu.memory_space<vmem>>, vector<1x16xf32>,
        %parallel_loop3A_1086 = arith.index_cast %parallel_loop3A_329 : i32 to index
        %parallel_loop3A_1087 = arith.constant 896 : index
        %parallel_loop3A_1088 = tpu.vector_load %arg14[%parallel_loop3A_1086, %parallel_loop3A_1087] {strides = array<i32>} : memref<8x1664xf32, #tpu.memory_space<vmem>>, vector<1x16xf32>,
        %parallel_loop3A_1089 = vector.shape_cast %parallel_loop3A_1088 : vector<1x16xf32> to vector<16xf32>
        %parallel_loop3A_1090 = arith.index_cast %parallel_loop3A_329 : i32 to index
        %parallel_loop3A_1091 = arith.constant 64 : index
        %parallel_loop3A_1092 = tpu.vector_load %arg33[%parallel_loop3A_1090, %parallel_loop3A_1091] {strides = array<i32>} : memref<8x160xf32, #tpu.memory_space<vmem>>, vector<1x16xf32>,
        %parallel_loop3A_1093 = vector.shape_cast %parallel_loop3A_1092 : vector<1x16xf32> to vector<16xf32>
        %parallel_loop3A_1094 = vector.shape_cast %parallel_loop3A_1089 : vector<16xf32> to vector<1x16xf32>
        tpu.vector_store %arg33[%parallel_loop3A_1090, %parallel_loop3A_1091], %parallel_loop3A_1094 {strides = array<i32>} : memref<8x160xf32, #tpu.memory_space<vmem>>, vector<1x16xf32>,
        %parallel_loop3A_1095 = arith.index_cast %parallel_loop3A_329 : i32 to index
        %parallel_loop3A_1096 = arith.constant 912 : index
        %parallel_loop3A_1097 = tpu.vector_load %arg14[%parallel_loop3A_1095, %parallel_loop3A_1096] {strides = array<i32>} : memref<8x1664xf32, #tpu.memory_space<vmem>>, vector<1x16xf32>,
        %parallel_loop3A_1098 = vector.shape_cast %parallel_loop3A_1097 : vector<1x16xf32> to vector<16xf32>
        %parallel_loop3A_1099 = arith.index_cast %parallel_loop3A_329 : i32 to index
        %parallel_loop3A_1100 = arith.constant 80 : index
        %parallel_loop3A_1101 = tpu.vector_load %arg33[%parallel_loop3A_1099, %parallel_loop3A_1100] {strides = array<i32>} : memref<8x160xf32, #tpu.memory_space<vmem>>, vector<1x16xf32>,
        %parallel_loop3A_1102 = vector.shape_cast %parallel_loop3A_1101 : vector<1x16xf32> to vector<16xf32>
        %parallel_loop3A_1103 = vector.shape_cast %parallel_loop3A_1098 : vector<16xf32> to vector<1x16xf32>
        tpu.vector_store %arg33[%parallel_loop3A_1099, %parallel_loop3A_1100], %parallel_loop3A_1103 {strides = array<i32>} : memref<8x160xf32, #tpu.memory_space<vmem>>, vector<1x16xf32>,
        %parallel_loop3A_1104 = arith.index_cast %parallel_loop3A_329 : i32 to index
        %parallel_loop3A_1105 = arith.constant 1216 : index
        %parallel_loop3A_1106 = tpu.vector_load %arg14[%parallel_loop3A_1104, %parallel_loop3A_1105] {strides = array<i32>} : memref<8x1664xf32, #tpu.memory_space<vmem>>, vector<1x16xf32>,
        %parallel_loop3A_1107 = vector.shape_cast %parallel_loop3A_1106 : vector<1x16xf32> to vector<16xf32>
        %parallel_loop3A_1108 = arith.index_cast %parallel_loop3A_329 : i32 to index
        %parallel_loop3A_1109 = arith.constant 96 : index
        %parallel_loop3A_1110 = tpu.vector_load %arg33[%parallel_loop3A_1108, %parallel_loop3A_1109] {strides = array<i32>} : memref<8x160xf32, #tpu.memory_space<vmem>>, vector<1x16xf32>,
        %parallel_loop3A_1111 = vector.shape_cast %parallel_loop3A_1110 : vector<1x16xf32> to vector<16xf32>
        %parallel_loop3A_1112 = vector.shape_cast %parallel_loop3A_1107 : vector<16xf32> to vector<1x16xf32>
        tpu.vector_store %arg33[%parallel_loop3A_1108, %parallel_loop3A_1109], %parallel_loop3A_1112 {strides = array<i32>} : memref<8x160xf32, #tpu.memory_space<vmem>>, vector<1x16xf32>,
        %parallel_loop3A_1113 = arith.index_cast %parallel_loop3A_329 : i32 to index
        %parallel_loop3A_1114 = arith.constant 1232 : index
        %parallel_loop3A_1115 = tpu.vector_load %arg14[%parallel_loop3A_1113, %parallel_loop3A_1114] {strides = array<i32>} : memref<8x1664xf32, #tpu.memory_space<vmem>>, vector<1x16xf32>,
        %parallel_loop3A_1116 = vector.shape_cast %parallel_loop3A_1115 : vector<1x16xf32> to vector<16xf32>
        %parallel_loop3A_1117 = arith.index_cast %parallel_loop3A_329 : i32 to index
        %parallel_loop3A_1118 = arith.constant 112 : index
        %parallel_loop3A_1119 = tpu.vector_load %arg33[%parallel_loop3A_1117, %parallel_loop3A_1118] {strides = array<i32>} : memref<8x160xf32, #tpu.memory_space<vmem>>, vector<1x16xf32>,
        %parallel_loop3A_1120 = vector.shape_cast %parallel_loop3A_1119 : vector<1x16xf32> to vector<16xf32>
        %parallel_loop3A_1121 = vector.shape_cast %parallel_loop3A_1116 : vector<16xf32> to vector<1x16xf32>
        tpu.vector_store %arg33[%parallel_loop3A_1117, %parallel_loop3A_1118], %parallel_loop3A_1121 {strides = array<i32>} : memref<8x160xf32, #tpu.memory_space<vmem>>, vector<1x16xf32>,
        %parallel_loop3A_1122 = arith.index_cast %parallel_loop3A_329 : i32 to index
        %parallel_loop3A_1123 = arith.constant 1536 : index
        %parallel_loop3A_1124 = tpu.vector_load %arg14[%parallel_loop3A_1122, %parallel_loop3A_1123] {strides = array<i32>} : memref<8x1664xf32, #tpu.memory_space<vmem>>, vector<1x16xf32>,
        %parallel_loop3A_1125 = vector.shape_cast %parallel_loop3A_1124 : vector<1x16xf32> to vector<16xf32>
        %parallel_loop3A_1126 = arith.index_cast %parallel_loop3A_329 : i32 to index
        %parallel_loop3A_1127 = arith.constant 128 : index
        %parallel_loop3A_1128 = tpu.vector_load %arg33[%parallel_loop3A_1126, %parallel_loop3A_1127] {strides = array<i32>} : memref<8x160xf32, #tpu.memory_space<vmem>>, vector<1x16xf32>,
        %parallel_loop3A_1129 = vector.shape_cast %parallel_loop3A_1128 : vector<1x16xf32> to vector<16xf32>
        %parallel_loop3A_1130 = vector.shape_cast %parallel_loop3A_1125 : vector<16xf32> to vector<1x16xf32>
        tpu.vector_store %arg33[%parallel_loop3A_1126, %parallel_loop3A_1127], %parallel_loop3A_1130 {strides = array<i32>} : memref<8x160xf32, #tpu.memory_space<vmem>>, vector<1x16xf32>,
        %parallel_loop3A_1131 = arith.index_cast %parallel_loop3A_329 : i32 to index
        %parallel_loop3A_1132 = arith.constant 1552 : index
        %parallel_loop3A_1133 = tpu.vector_load %arg14[%parallel_loop3A_1131, %parallel_loop3A_1132] {strides = array<i32>} : memref<8x1664xf32, #tpu.memory_space<vmem>>, vector<1x16xf32>,
        %parallel_loop3A_1134 = vector.shape_cast %parallel_loop3A_1133 : vector<1x16xf32> to vector<16xf32>
        %parallel_loop3A_1135 = arith.index_cast %parallel_loop3A_329 : i32 to index
        %parallel_loop3A_1136 = arith.constant 144 : index
        %parallel_loop3A_1137 = tpu.vector_load %arg33[%parallel_loop3A_1135, %parallel_loop3A_1136] {strides = array<i32>} : memref<8x160xf32, #tpu.memory_space<vmem>>, vector<1x16xf32>,
        %parallel_loop3A_1138 = vector.shape_cast %parallel_loop3A_1137 : vector<1x16xf32> to vector<16xf32>
        %parallel_loop3A_1139 = vector.shape_cast %parallel_loop3A_1134 : vector<16xf32> to vector<1x16xf32>
        tpu.vector_store %arg33[%parallel_loop3A_1135, %parallel_loop3A_1136], %parallel_loop3A_1139 {strides = array<i32>} : memref<8x160xf32, #tpu.memory_space<vmem>>, vector<1x16xf32>,
        %parallel_loop3A_1140 = arith.index_cast %parallel_loop3A_329 : i32 to index
        %parallel_loop3A_1141 = arith.constant 288 : index
        %parallel_loop3A_1142 = tpu.vector_load %arg14[%parallel_loop3A_1140, %parallel_loop3A_1141] {strides = array<i32>} : memref<8x1664xf32, #tpu.memory_space<vmem>>, vector<1x16xf32>,
        %parallel_loop3A_1143 = vector.shape_cast %parallel_loop3A_1142 : vector<1x16xf32> to vector<16xf32>
        %parallel_loop3A_1144 = arith.index_cast %parallel_loop3A_329 : i32 to index
        %parallel_loop3A_1145 = arith.constant 0 : index
        %parallel_loop3A_1146 = tpu.vector_load %arg34[%parallel_loop3A_1144, %parallel_loop3A_1145] {strides = array<i32>} : memref<8x160xf32, #tpu.memory_space<vmem>>, vector<1x16xf32>,
        %parallel_loop3A_1147 = vector.shape_cast %parallel_loop3A_1146 : vector<1x16xf32> to vector<16xf32>
        %parallel_loop3A_1148 = vector.shape_cast %parallel_loop3A_1143 : vector<16xf32> to vector<1x16xf32>
        tpu.vector_store %arg34[%parallel_loop3A_1144, %parallel_loop3A_1145], %parallel_loop3A_1148 {strides = array<i32>} : memref<8x160xf32, #tpu.memory_space<vmem>>, vector<1x16xf32>,
        %parallel_loop3A_1149 = arith.index_cast %parallel_loop3A_329 : i32 to index
        %parallel_loop3A_1150 = arith.constant 304 : index
        %parallel_loop3A_1151 = tpu.vector_load %arg14[%parallel_loop3A_1149, %parallel_loop3A_1150] {strides = array<i32>} : memref<8x1664xf32, #tpu.memory_space<vmem>>, vector<1x16xf32>,
        %parallel_loop3A_1152 = vector.shape_cast %parallel_loop3A_1151 : vector<1x16xf32> to vector<16xf32>
        %parallel_loop3A_1153 = arith.index_cast %parallel_loop3A_329 : i32 to index
        %parallel_loop3A_1154 = arith.constant 16 : index
        %parallel_loop3A_1155 = tpu.vector_load %arg34[%parallel_loop3A_1153, %parallel_loop3A_1154] {strides = array<i32>} : memref<8x160xf32, #tpu.memory_space<vmem>>, vector<1x16xf32>,
        %parallel_loop3A_1156 = vector.shape_cast %parallel_loop3A_1155 : vector<1x16xf32> to vector<16xf32>
        %parallel_loop3A_1157 = vector.shape_cast %parallel_loop3A_1152 : vector<16xf32> to vector<1x16xf32>
        tpu.vector_store %arg34[%parallel_loop3A_1153, %parallel_loop3A_1154], %parallel_loop3A_1157 {strides = array<i32>} : memref<8x160xf32, #tpu.memory_space<vmem>>, vector<1x16xf32>,
        %parallel_loop3A_1158 = arith.index_cast %parallel_loop3A_329 : i32 to index
        %parallel_loop3A_1159 = arith.constant 608 : index
        %parallel_loop3A_1160 = tpu.vector_load %arg14[%parallel_loop3A_1158, %parallel_loop3A_1159] {strides = array<i32>} : memref<8x1664xf32, #tpu.memory_space<vmem>>, vector<1x16xf32>,
        %parallel_loop3A_1161 = vector.shape_cast %parallel_loop3A_1160 : vector<1x16xf32> to vector<16xf32>
        %parallel_loop3A_1162 = arith.index_cast %parallel_loop3A_329 : i32 to index
        %parallel_loop3A_1163 = arith.constant 32 : index
        %parallel_loop3A_1164 = tpu.vector_load %arg34[%parallel_loop3A_1162, %parallel_loop3A_1163] {strides = array<i32>} : memref<8x160xf32, #tpu.memory_space<vmem>>, vector<1x16xf32>,
        %parallel_loop3A_1165 = vector.shape_cast %parallel_loop3A_1164 : vector<1x16xf32> to vector<16xf32>
        %parallel_loop3A_1166 = vector.shape_cast %parallel_loop3A_1161 : vector<16xf32> to vector<1x16xf32>
        tpu.vector_store %arg34[%parallel_loop3A_1162, %parallel_loop3A_1163], %parallel_loop3A_1166 {strides = array<i32>} : memref<8x160xf32, #tpu.memory_space<vmem>>, vector<1x16xf32>,
        %parallel_loop3A_1167 = arith.index_cast %parallel_loop3A_329 : i32 to index
        %parallel_loop3A_1168 = arith.constant 624 : index
        %parallel_loop3A_1169 = tpu.vector_load %arg14[%parallel_loop3A_1167, %parallel_loop3A_1168] {strides = array<i32>} : memref<8x1664xf32, #tpu.memory_space<vmem>>, vector<1x16xf32>,
        %parallel_loop3A_1170 = vector.shape_cast %parallel_loop3A_1169 : vector<1x16xf32> to vector<16xf32>
        %parallel_loop3A_1171 = arith.index_cast %parallel_loop3A_329 : i32 to index
        %parallel_loop3A_1172 = arith.constant 48 : index
        %parallel_loop3A_1173 = tpu.vector_load %arg34[%parallel_loop3A_1171, %parallel_loop3A_1172] {strides = array<i32>} : memref<8x160xf32, #tpu.memory_space<vmem>>, vector<1x16xf32>,
        %parallel_loop3A_1174 = vector.shape_cast %parallel_loop3A_1173 : vector<1x16xf32> to vector<16xf32>
        %parallel_loop3A_1175 = vector.shape_cast %parallel_loop3A_1170 : vector<16xf32> to vector<1x16xf32>
        tpu.vector_store %arg34[%parallel_loop3A_1171, %parallel_loop3A_1172], %parallel_loop3A_1175 {strides = array<i32>} : memref<8x160xf32, #tpu.memory_space<vmem>>, vector<1x16xf32>,
        %parallel_loop3A_1176 = arith.index_cast %parallel_loop3A_329 : i32 to index
        %parallel_loop3A_1177 = arith.constant 928 : index
        %parallel_loop3A_1178 = tpu.vector_load %arg14[%parallel_loop3A_1176, %parallel_loop3A_1177] {strides = array<i32>} : memref<8x1664xf32, #tpu.memory_space<vmem>>, vector<1x16xf32>,
        %parallel_loop3A_1179 = vector.shape_cast %parallel_loop3A_1178 : vector<1x16xf32> to vector<16xf32>
        %parallel_loop3A_1180 = arith.index_cast %parallel_loop3A_329 : i32 to index
        %parallel_loop3A_1181 = arith.constant 64 : index
        %parallel_loop3A_1182 = tpu.vector_load %arg34[%parallel_loop3A_1180, %parallel_loop3A_1181] {strides = array<i32>} : memref<8x160xf32, #tpu.memory_space<vmem>>, vector<1x16xf32>,
        %parallel_loop3A_1183 = vector.shape_cast %parallel_loop3A_1182 : vector<1x16xf32> to vector<16xf32>
        %parallel_loop3A_1184 = vector.shape_cast %parallel_loop3A_1179 : vector<16xf32> to vector<1x16xf32>
        tpu.vector_store %arg34[%parallel_loop3A_1180, %parallel_loop3A_1181], %parallel_loop3A_1184 {strides = array<i32>} : memref<8x160xf32, #tpu.memory_space<vmem>>, vector<1x16xf32>,
        %parallel_loop3A_1185 = arith.index_cast %parallel_loop3A_329 : i32 to index
        %parallel_loop3A_1186 = arith.constant 944 : index
        %parallel_loop3A_1187 = tpu.vector_load %arg14[%parallel_loop3A_1185, %parallel_loop3A_1186] {strides = array<i32>} : memref<8x1664xf32, #tpu.memory_space<vmem>>, vector<1x16xf32>,
        %parallel_loop3A_1188 = vector.shape_cast %parallel_loop3A_1187 : vector<1x16xf32> to vector<16xf32>
        %parallel_loop3A_1189 = arith.index_cast %parallel_loop3A_329 : i32 to index
        %parallel_loop3A_1190 = arith.constant 80 : index
        %parallel_loop3A_1191 = tpu.vector_load %arg34[%parallel_loop3A_1189, %parallel_loop3A_1190] {strides = array<i32>} : memref<8x160xf32, #tpu.memory_space<vmem>>, vector<1x16xf32>,
        %parallel_loop3A_1192 = vector.shape_cast %parallel_loop3A_1191 : vector<1x16xf32> to vector<16xf32>
        %parallel_loop3A_1193 = vector.shape_cast %parallel_loop3A_1188 : vector<16xf32> to vector<1x16xf32>
        tpu.vector_store %arg34[%parallel_loop3A_1189, %parallel_loop3A_1190], %parallel_loop3A_1193 {strides = array<i32>} : memref<8x160xf32, #tpu.memory_space<vmem>>, vector<1x16xf32>,
        %parallel_loop3A_1194 = arith.index_cast %parallel_loop3A_329 : i32 to index
        %parallel_loop3A_1195 = arith.constant 1248 : index
        %parallel_loop3A_1196 = tpu.vector_load %arg14[%parallel_loop3A_1194, %parallel_loop3A_1195] {strides = array<i32>} : memref<8x1664xf32, #tpu.memory_space<vmem>>, vector<1x16xf32>,
        %parallel_loop3A_1197 = vector.shape_cast %parallel_loop3A_1196 : vector<1x16xf32> to vector<16xf32>
        %parallel_loop3A_1198 = arith.index_cast %parallel_loop3A_329 : i32 to index
        %parallel_loop3A_1199 = arith.constant 96 : index
        %parallel_loop3A_1200 = tpu.vector_load %arg34[%parallel_loop3A_1198, %parallel_loop3A_1199] {strides = array<i32>} : memref<8x160xf32, #tpu.memory_space<vmem>>, vector<1x16xf32>,
        %parallel_loop3A_1201 = vector.shape_cast %parallel_loop3A_1200 : vector<1x16xf32> to vector<16xf32>
        %parallel_loop3A_1202 = vector.shape_cast %parallel_loop3A_1197 : vector<16xf32> to vector<1x16xf32>
        tpu.vector_store %arg34[%parallel_loop3A_1198, %parallel_loop3A_1199], %parallel_loop3A_1202 {strides = array<i32>} : memref<8x160xf32, #tpu.memory_space<vmem>>, vector<1x16xf32>,
        %parallel_loop3A_1203 = arith.index_cast %parallel_loop3A_329 : i32 to index
        %parallel_loop3A_1204 = arith.constant 1264 : index
        %parallel_loop3A_1205 = tpu.vector_load %arg14[%parallel_loop3A_1203, %parallel_loop3A_1204] {strides = array<i32>} : memref<8x1664xf32, #tpu.memory_space<vmem>>, vector<1x16xf32>,
        %parallel_loop3A_1206 = vector.shape_cast %parallel_loop3A_1205 : vector<1x16xf32> to vector<16xf32>
        %parallel_loop3A_1207 = arith.index_cast %parallel_loop3A_329 : i32 to index
        %parallel_loop3A_1208 = arith.constant 112 : index
        %parallel_loop3A_1209 = tpu.vector_load %arg34[%parallel_loop3A_1207, %parallel_loop3A_1208] {strides = array<i32>} : memref<8x160xf32, #tpu.memory_space<vmem>>, vector<1x16xf32>,
        %parallel_loop3A_1210 = vector.shape_cast %parallel_loop3A_1209 : vector<1x16xf32> to vector<16xf32>
        %parallel_loop3A_1211 = vector.shape_cast %parallel_loop3A_1206 : vector<16xf32> to vector<1x16xf32>
        tpu.vector_store %arg34[%parallel_loop3A_1207, %parallel_loop3A_1208], %parallel_loop3A_1211 {strides = array<i32>} : memref<8x160xf32, #tpu.memory_space<vmem>>, vector<1x16xf32>,
        %parallel_loop3A_1212 = arith.index_cast %parallel_loop3A_329 : i32 to index
        %parallel_loop3A_1213 = arith.constant 1568 : index
        %parallel_loop3A_1214 = tpu.vector_load %arg14[%parallel_loop3A_1212, %parallel_loop3A_1213] {strides = array<i32>} : memref<8x1664xf32, #tpu.memory_space<vmem>>, vector<1x16xf32>,
        %parallel_loop3A_1215 = vector.shape_cast %parallel_loop3A_1214 : vector<1x16xf32> to vector<16xf32>
        %parallel_loop3A_1216 = arith.index_cast %parallel_loop3A_329 : i32 to index
        %parallel_loop3A_1217 = arith.constant 128 : index
        %parallel_loop3A_1218 = tpu.vector_load %arg34[%parallel_loop3A_1216, %parallel_loop3A_1217] {strides = array<i32>} : memref<8x160xf32, #tpu.memory_space<vmem>>, vector<1x16xf32>,
        %parallel_loop3A_1219 = vector.shape_cast %parallel_loop3A_1218 : vector<1x16xf32> to vector<16xf32>
        %parallel_loop3A_1220 = vector.shape_cast %parallel_loop3A_1215 : vector<16xf32> to vector<1x16xf32>
        tpu.vector_store %arg34[%parallel_loop3A_1216, %parallel_loop3A_1217], %parallel_loop3A_1220 {strides = array<i32>} : memref<8x160xf32, #tpu.memory_space<vmem>>, vector<1x16xf32>,
        %parallel_loop3A_1221 = arith.index_cast %parallel_loop3A_329 : i32 to index
        %parallel_loop3A_1222 = arith.constant 1584 : index
        %parallel_loop3A_1223 = tpu.vector_load %arg14[%parallel_loop3A_1221, %parallel_loop3A_1222] {strides = array<i32>} : memref<8x1664xf32, #tpu.memory_space<vmem>>, vector<1x16xf32>,
        %parallel_loop3A_1224 = vector.shape_cast %parallel_loop3A_1223 : vector<1x16xf32> to vector<16xf32>
        %parallel_loop3A_1225 = arith.index_cast %parallel_loop3A_329 : i32 to index
        %parallel_loop3A_1226 = arith.constant 144 : index
        %parallel_loop3A_1227 = tpu.vector_load %arg34[%parallel_loop3A_1225, %parallel_loop3A_1226] {strides = array<i32>} : memref<8x160xf32, #tpu.memory_space<vmem>>, vector<1x16xf32>,
        %parallel_loop3A_1228 = vector.shape_cast %parallel_loop3A_1227 : vector<1x16xf32> to vector<16xf32>
        %parallel_loop3A_1229 = vector.shape_cast %parallel_loop3A_1224 : vector<16xf32> to vector<1x16xf32>
        tpu.vector_store %arg34[%parallel_loop3A_1225, %parallel_loop3A_1226], %parallel_loop3A_1229 {strides = array<i32>} : memref<8x160xf32, #tpu.memory_space<vmem>>, vector<1x16xf32>,
      } {sc.loop_unroll_factor = 2 : i64, sc.parallel_access}
      %mul3A_251 = arith.constant 8 : i32
      %mul3A_252 = arith.muli %add3A_235, %mul3A_251 : i32
      %add3A_253 = arith.addi %mul3A_2, %mul3A_252 : i32
      %dma_start3A_254 = arith.constant 0 : i32
      %dma_start3A_255 = tpu.memref_slice %arg3[%add3A_253, %dma_start3A_254] : memref<16384x160xf32, #tpu.memory_space<hbm>> -> memref<8x160xf32, #tpu.memory_space<hbm>>
      %dma_start3A_256 = arith.constant 0 : i32
      %dma_start3A_257 = tpu.memref_slice %arg3[%add3A_253, %dma_start3A_256] : memref<16384x160xf32, #tpu.memory_space<hbm>> -> memref<8x160xf32, #tpu.memory_space<hbm>>
      tpu.enqueue_dma source(%arg25 : memref<8x160xf32, #tpu.memory_space<vmem>>) target(%dma_start3A_257 : memref<8x160xf32, #tpu.memory_space<hbm>>) target_semaphore(%arg38 : memref<!tpu.dma_semaphore, #tpu.memory_space<semaphore_mem>>)
      %mul3A_258 = arith.constant 8 : i32
      %mul3A_259 = arith.muli %add3A_235, %mul3A_258 : i32
      %add3A_260 = arith.addi %mul3A_2, %mul3A_259 : i32
      %dma_start3A_261 = arith.constant 0 : i32
      %dma_start3A_262 = tpu.memref_slice %arg4[%add3A_260, %dma_start3A_261] : memref<16384x160xf32, #tpu.memory_space<hbm>> -> memref<8x160xf32, #tpu.memory_space<hbm>>
      %dma_start3A_263 = arith.constant 0 : i32
      %dma_start3A_264 = tpu.memref_slice %arg4[%add3A_260, %dma_start3A_263] : memref<16384x160xf32, #tpu.memory_space<hbm>> -> memref<8x160xf32, #tpu.memory_space<hbm>>
      tpu.enqueue_dma source(%arg26 : memref<8x160xf32, #tpu.memory_space<vmem>>) target(%dma_start3A_264 : memref<8x160xf32, #tpu.memory_space<hbm>>) target_semaphore(%arg38 : memref<!tpu.dma_semaphore, #tpu.memory_space<semaphore_mem>>)
      %mul3A_265 = arith.constant 8 : i32
      %mul3A_266 = arith.muli %add3A_235, %mul3A_265 : i32
      %add3A_267 = arith.addi %mul3A_2, %mul3A_266 : i32
      %dma_start3A_268 = arith.constant 0 : i32
      %dma_start3A_269 = tpu.memref_slice %arg5[%add3A_267, %dma_start3A_268] : memref<16384x160xf32, #tpu.memory_space<hbm>> -> memref<8x160xf32, #tpu.memory_space<hbm>>
      %dma_start3A_270 = arith.constant 0 : i32
      %dma_start3A_271 = tpu.memref_slice %arg5[%add3A_267, %dma_start3A_270] : memref<16384x160xf32, #tpu.memory_space<hbm>> -> memref<8x160xf32, #tpu.memory_space<hbm>>
      tpu.enqueue_dma source(%arg27 : memref<8x160xf32, #tpu.memory_space<vmem>>) target(%dma_start3A_271 : memref<8x160xf32, #tpu.memory_space<hbm>>) target_semaphore(%arg38 : memref<!tpu.dma_semaphore, #tpu.memory_space<semaphore_mem>>)
      %mul3A_272 = arith.constant 8 : i32
      %mul3A_273 = arith.muli %add3A_235, %mul3A_272 : i32
      %add3A_274 = arith.addi %mul3A_2, %mul3A_273 : i32
      %dma_start3A_275 = arith.constant 0 : i32
      %dma_start3A_276 = tpu.memref_slice %arg6[%add3A_274, %dma_start3A_275] : memref<16384x160xf32, #tpu.memory_space<hbm>> -> memref<8x160xf32, #tpu.memory_space<hbm>>
      %dma_start3A_277 = arith.constant 0 : i32
      %dma_start3A_278 = tpu.memref_slice %arg6[%add3A_274, %dma_start3A_277] : memref<16384x160xf32, #tpu.memory_space<hbm>> -> memref<8x160xf32, #tpu.memory_space<hbm>>
      tpu.enqueue_dma source(%arg28 : memref<8x160xf32, #tpu.memory_space<vmem>>) target(%dma_start3A_278 : memref<8x160xf32, #tpu.memory_space<hbm>>) target_semaphore(%arg38 : memref<!tpu.dma_semaphore, #tpu.memory_space<semaphore_mem>>)
      %mul3A_279 = arith.constant 8 : i32
      %mul3A_280 = arith.muli %add3A_235, %mul3A_279 : i32
      %add3A_281 = arith.addi %mul3A_2, %mul3A_280 : i32
      %dma_start3A_282 = arith.constant 0 : i32
      %dma_start3A_283 = tpu.memref_slice %arg7[%add3A_281, %dma_start3A_282] : memref<16384x160xf32, #tpu.memory_space<hbm>> -> memref<8x160xf32, #tpu.memory_space<hbm>>
      %dma_start3A_284 = arith.constant 0 : i32
      %dma_start3A_285 = tpu.memref_slice %arg7[%add3A_281, %dma_start3A_284] : memref<16384x160xf32, #tpu.memory_space<hbm>> -> memref<8x160xf32, #tpu.memory_space<hbm>>
      tpu.enqueue_dma source(%arg29 : memref<8x160xf32, #tpu.memory_space<vmem>>) target(%dma_start3A_285 : memref<8x160xf32, #tpu.memory_space<hbm>>) target_semaphore(%arg38 : memref<!tpu.dma_semaphore, #tpu.memory_space<semaphore_mem>>)
      %mul3A_286 = arith.constant 8 : i32
      %mul3A_287 = arith.muli %add3A_235, %mul3A_286 : i32
      %add3A_288 = arith.addi %mul3A_2, %mul3A_287 : i32
      %dma_start3A_289 = arith.constant 0 : i32
      %dma_start3A_290 = tpu.memref_slice %arg8[%add3A_288, %dma_start3A_289] : memref<16384x160xf32, #tpu.memory_space<hbm>> -> memref<8x160xf32, #tpu.memory_space<hbm>>
      %dma_start3A_291 = arith.constant 0 : i32
      %dma_start3A_292 = tpu.memref_slice %arg8[%add3A_288, %dma_start3A_291] : memref<16384x160xf32, #tpu.memory_space<hbm>> -> memref<8x160xf32, #tpu.memory_space<hbm>>
      tpu.enqueue_dma source(%arg30 : memref<8x160xf32, #tpu.memory_space<vmem>>) target(%dma_start3A_292 : memref<8x160xf32, #tpu.memory_space<hbm>>) target_semaphore(%arg38 : memref<!tpu.dma_semaphore, #tpu.memory_space<semaphore_mem>>)
      %mul3A_293 = arith.constant 8 : i32
      %mul3A_294 = arith.muli %add3A_235, %mul3A_293 : i32
      %add3A_295 = arith.addi %mul3A_2, %mul3A_294 : i32
      %dma_start3A_296 = arith.constant 0 : i32
      %dma_start3A_297 = tpu.memref_slice %arg9[%add3A_295, %dma_start3A_296] : memref<16384x160xf32, #tpu.memory_space<hbm>> -> memref<8x160xf32, #tpu.memory_space<hbm>>
      %dma_start3A_298 = arith.constant 0 : i32
      %dma_start3A_299 = tpu.memref_slice %arg9[%add3A_295, %dma_start3A_298] : memref<16384x160xf32, #tpu.memory_space<hbm>> -> memref<8x160xf32, #tpu.memory_space<hbm>>
      tpu.enqueue_dma source(%arg31 : memref<8x160xf32, #tpu.memory_space<vmem>>) target(%dma_start3A_299 : memref<8x160xf32, #tpu.memory_space<hbm>>) target_semaphore(%arg38 : memref<!tpu.dma_semaphore, #tpu.memory_space<semaphore_mem>>)
      %mul3A_300 = arith.constant 8 : i32
      %mul3A_301 = arith.muli %add3A_235, %mul3A_300 : i32
      %add3A_302 = arith.addi %mul3A_2, %mul3A_301 : i32
      %dma_start3A_303 = arith.constant 0 : i32
      %dma_start3A_304 = tpu.memref_slice %arg10[%add3A_302, %dma_start3A_303] : memref<16384x160xf32, #tpu.memory_space<hbm>> -> memref<8x160xf32, #tpu.memory_space<hbm>>
      %dma_start3A_305 = arith.constant 0 : i32
      %dma_start3A_306 = tpu.memref_slice %arg10[%add3A_302, %dma_start3A_305] : memref<16384x160xf32, #tpu.memory_space<hbm>> -> memref<8x160xf32, #tpu.memory_space<hbm>>
      tpu.enqueue_dma source(%arg32 : memref<8x160xf32, #tpu.memory_space<vmem>>) target(%dma_start3A_306 : memref<8x160xf32, #tpu.memory_space<hbm>>) target_semaphore(%arg38 : memref<!tpu.dma_semaphore, #tpu.memory_space<semaphore_mem>>)
      %mul3A_307 = arith.constant 8 : i32
      %mul3A_308 = arith.muli %add3A_235, %mul3A_307 : i32
      %add3A_309 = arith.addi %mul3A_2, %mul3A_308 : i32
      %dma_start3A_310 = arith.constant 0 : i32
      %dma_start3A_311 = tpu.memref_slice %arg11[%add3A_309, %dma_start3A_310] : memref<16384x160xf32, #tpu.memory_space<hbm>> -> memref<8x160xf32, #tpu.memory_space<hbm>>
      %dma_start3A_312 = arith.constant 0 : i32
      %dma_start3A_313 = tpu.memref_slice %arg11[%add3A_309, %dma_start3A_312] : memref<16384x160xf32, #tpu.memory_space<hbm>> -> memref<8x160xf32, #tpu.memory_space<hbm>>
      tpu.enqueue_dma source(%arg33 : memref<8x160xf32, #tpu.memory_space<vmem>>) target(%dma_start3A_313 : memref<8x160xf32, #tpu.memory_space<hbm>>) target_semaphore(%arg38 : memref<!tpu.dma_semaphore, #tpu.memory_space<semaphore_mem>>)
      %mul3A_314 = arith.constant 8 : i32
      %mul3A_315 = arith.muli %add3A_235, %mul3A_314 : i32
      %add3A_316 = arith.addi %mul3A_2, %mul3A_315 : i32
      %dma_start3A_317 = arith.constant 0 : i32
      %dma_start3A_318 = tpu.memref_slice %arg12[%add3A_316, %dma_start3A_317] : memref<16384x160xf32, #tpu.memory_space<hbm>> -> memref<8x160xf32, #tpu.memory_space<hbm>>
      %dma_start3A_319 = arith.constant 0 : i32
      %dma_start3A_320 = tpu.memref_slice %arg12[%add3A_316, %dma_start3A_319] : memref<16384x160xf32, #tpu.memory_space<hbm>> -> memref<8x160xf32, #tpu.memory_space<hbm>>
      tpu.enqueue_dma source(%arg34 : memref<8x160xf32, #tpu.memory_space<vmem>>) target(%dma_start3A_320 : memref<8x160xf32, #tpu.memory_space<hbm>>) target_semaphore(%arg38 : memref<!tpu.dma_semaphore, #tpu.memory_space<semaphore_mem>>)
      %add3A_321 = arith.constant 2 : i32
      %add3A_322 = arith.addi %add3A_235, %add3A_321 : i32
      %lt3A_323 = arith.constant 64 : i32
      %lt3A_324 = arith.cmpi slt, %add3A_322, %lt3A_323 : i32
      %convert_element_type3A_325 = arith.extui %lt3A_324 : i1 to i32
      %cond3A_326 = arith.constant 0 : i32
      %cond3A_327 = arith.cmpi ne, %convert_element_type3A_325, %cond3A_326 : i32
      scf.if %cond3A_327 {
        %add3A_329 = arith.constant 2 : i32
        %add3A_330 = arith.addi %add3A_235, %add3A_329 : i32
        %mul3A_331 = arith.constant 8 : i32
        %mul3A_332 = arith.muli %add3A_330, %mul3A_331 : i32
        %add3A_333 = arith.addi %mul3A_2, %mul3A_332 : i32
        %dma_start3A_334 = arith.constant 0 : i32
        %dma_start3A_335 = tpu.memref_slice %arg2[%add3A_333, %dma_start3A_334] : memref<16384x3200xf32, #tpu.memory_space<hbm>> -> memref<8x1664xf32, #tpu.memory_space<hbm>>
        %dma_start3A_336 = arith.constant 0 : i32
        %dma_start3A_337 = tpu.memref_slice %arg2[%add3A_333, %dma_start3A_336] : memref<16384x3200xf32, #tpu.memory_space<hbm>> -> memref<8x1664xf32, #tpu.memory_space<hbm>>
        tpu.enqueue_dma source(%dma_start3A_337 : memref<8x1664xf32, #tpu.memory_space<hbm>>) target(%arg14 : memref<8x1664xf32, #tpu.memory_space<vmem>>) target_semaphore(%arg36 : memref<!tpu.dma_semaphore, #tpu.memory_space<semaphore_mem>>)
      } else {
      }
      %scan3A_328 = arith.constant 0 : i32
      scf.yield %scan3A_328 : i32
    }
    %scan3A_19 = arith.constant 32 : i32
    %add3A_20 = arith.constant 496 : i32
    %add3A_21 = arith.addi %mul3A_2, %add3A_20 : i32
    %dma_wait3A = arith.constant 0 : i32
    %dma_wait3A_22 = tpu.memref_slice %arg3[%add3A_21, %dma_wait3A] : memref<16384x160xf32, #tpu.memory_space<hbm>> -> memref<8x160xf32, #tpu.memory_space<hbm>>
    %dma_wait3A_23 = arith.constant 0 : i32
    %dma_wait3A_24 = tpu.memref_slice %arg3[%add3A_21, %dma_wait3A_23] : memref<16384x160xf32, #tpu.memory_space<hbm>> -> memref<8x160xf32, #tpu.memory_space<hbm>>
    tpu.wait_dma2 semaphore(%arg37 : memref<!tpu.dma_semaphore, #tpu.memory_space<semaphore_mem>>) src(%arg15 : memref<8x160xf32, #tpu.memory_space<vmem>>) dst(%dma_wait3A_24 : memref<8x160xf32, #tpu.memory_space<hbm>>)
    %add3A_25 = arith.constant 496 : i32
    %add3A_26 = arith.addi %mul3A_2, %add3A_25 : i32
    %dma_wait3A_27 = arith.constant 0 : i32
    %dma_wait3A_28 = tpu.memref_slice %arg4[%add3A_26, %dma_wait3A_27] : memref<16384x160xf32, #tpu.memory_space<hbm>> -> memref<8x160xf32, #tpu.memory_space<hbm>>
    %dma_wait3A_29 = arith.constant 0 : i32
    %dma_wait3A_30 = tpu.memref_slice %arg4[%add3A_26, %dma_wait3A_29] : memref<16384x160xf32, #tpu.memory_space<hbm>> -> memref<8x160xf32, #tpu.memory_space<hbm>>
    tpu.wait_dma2 semaphore(%arg37 : memref<!tpu.dma_semaphore, #tpu.memory_space<semaphore_mem>>) src(%arg16 : memref<8x160xf32, #tpu.memory_space<vmem>>) dst(%dma_wait3A_30 : memref<8x160xf32, #tpu.memory_space<hbm>>)
    %add3A_31 = arith.constant 496 : i32
    %add3A_32 = arith.addi %mul3A_2, %add3A_31 : i32
    %dma_wait3A_33 = arith.constant 0 : i32
    %dma_wait3A_34 = tpu.memref_slice %arg5[%add3A_32, %dma_wait3A_33] : memref<16384x160xf32, #tpu.memory_space<hbm>> -> memref<8x160xf32, #tpu.memory_space<hbm>>
    %dma_wait3A_35 = arith.constant 0 : i32
    %dma_wait3A_36 = tpu.memref_slice %arg5[%add3A_32, %dma_wait3A_35] : memref<16384x160xf32, #tpu.memory_space<hbm>> -> memref<8x160xf32, #tpu.memory_space<hbm>>
    tpu.wait_dma2 semaphore(%arg37 : memref<!tpu.dma_semaphore, #tpu.memory_space<semaphore_mem>>) src(%arg17 : memref<8x160xf32, #tpu.memory_space<vmem>>) dst(%dma_wait3A_36 : memref<8x160xf32, #tpu.memory_space<hbm>>)
    %add3A_37 = arith.constant 496 : i32
    %add3A_38 = arith.addi %mul3A_2, %add3A_37 : i32
    %dma_wait3A_39 = arith.constant 0 : i32
    %dma_wait3A_40 = tpu.memref_slice %arg6[%add3A_38, %dma_wait3A_39] : memref<16384x160xf32, #tpu.memory_space<hbm>> -> memref<8x160xf32, #tpu.memory_space<hbm>>
    %dma_wait3A_41 = arith.constant 0 : i32
    %dma_wait3A_42 = tpu.memref_slice %arg6[%add3A_38, %dma_wait3A_41] : memref<16384x160xf32, #tpu.memory_space<hbm>> -> memref<8x160xf32, #tpu.memory_space<hbm>>
    tpu.wait_dma2 semaphore(%arg37 : memref<!tpu.dma_semaphore, #tpu.memory_space<semaphore_mem>>) src(%arg18 : memref<8x160xf32, #tpu.memory_space<vmem>>) dst(%dma_wait3A_42 : memref<8x160xf32, #tpu.memory_space<hbm>>)
    %add3A_43 = arith.constant 496 : i32
    %add3A_44 = arith.addi %mul3A_2, %add3A_43 : i32
    %dma_wait3A_45 = arith.constant 0 : i32
    %dma_wait3A_46 = tpu.memref_slice %arg7[%add3A_44, %dma_wait3A_45] : memref<16384x160xf32, #tpu.memory_space<hbm>> -> memref<8x160xf32, #tpu.memory_space<hbm>>
    %dma_wait3A_47 = arith.constant 0 : i32
    %dma_wait3A_48 = tpu.memref_slice %arg7[%add3A_44, %dma_wait3A_47] : memref<16384x160xf32, #tpu.memory_space<hbm>> -> memref<8x160xf32, #tpu.memory_space<hbm>>
    tpu.wait_dma2 semaphore(%arg37 : memref<!tpu.dma_semaphore, #tpu.memory_space<semaphore_mem>>) src(%arg19 : memref<8x160xf32, #tpu.memory_space<vmem>>) dst(%dma_wait3A_48 : memref<8x160xf32, #tpu.memory_space<hbm>>)
    %add3A_49 = arith.constant 496 : i32
    %add3A_50 = arith.addi %mul3A_2, %add3A_49 : i32
    %dma_wait3A_51 = arith.constant 0 : i32
    %dma_wait3A_52 = tpu.memref_slice %arg8[%add3A_50, %dma_wait3A_51] : memref<16384x160xf32, #tpu.memory_space<hbm>> -> memref<8x160xf32, #tpu.memory_space<hbm>>
    %dma_wait3A_53 = arith.constant 0 : i32
    %dma_wait3A_54 = tpu.memref_slice %arg8[%add3A_50, %dma_wait3A_53] : memref<16384x160xf32, #tpu.memory_space<hbm>> -> memref<8x160xf32, #tpu.memory_space<hbm>>
    tpu.wait_dma2 semaphore(%arg37 : memref<!tpu.dma_semaphore, #tpu.memory_space<semaphore_mem>>) src(%arg20 : memref<8x160xf32, #tpu.memory_space<vmem>>) dst(%dma_wait3A_54 : memref<8x160xf32, #tpu.memory_space<hbm>>)
    %add3A_55 = arith.constant 496 : i32
    %add3A_56 = arith.addi %mul3A_2, %add3A_55 : i32
    %dma_wait3A_57 = arith.constant 0 : i32
    %dma_wait3A_58 = tpu.memref_slice %arg9[%add3A_56, %dma_wait3A_57] : memref<16384x160xf32, #tpu.memory_space<hbm>> -> memref<8x160xf32, #tpu.memory_space<hbm>>
    %dma_wait3A_59 = arith.constant 0 : i32
    %dma_wait3A_60 = tpu.memref_slice %arg9[%add3A_56, %dma_wait3A_59] : memref<16384x160xf32, #tpu.memory_space<hbm>> -> memref<8x160xf32, #tpu.memory_space<hbm>>
    tpu.wait_dma2 semaphore(%arg37 : memref<!tpu.dma_semaphore, #tpu.memory_space<semaphore_mem>>) src(%arg21 : memref<8x160xf32, #tpu.memory_space<vmem>>) dst(%dma_wait3A_60 : memref<8x160xf32, #tpu.memory_space<hbm>>)
    %add3A_61 = arith.constant 496 : i32
    %add3A_62 = arith.addi %mul3A_2, %add3A_61 : i32
    %dma_wait3A_63 = arith.constant 0 : i32
    %dma_wait3A_64 = tpu.memref_slice %arg10[%add3A_62, %dma_wait3A_63] : memref<16384x160xf32, #tpu.memory_space<hbm>> -> memref<8x160xf32, #tpu.memory_space<hbm>>
    %dma_wait3A_65 = arith.constant 0 : i32
    %dma_wait3A_66 = tpu.memref_slice %arg10[%add3A_62, %dma_wait3A_65] : memref<16384x160xf32, #tpu.memory_space<hbm>> -> memref<8x160xf32, #tpu.memory_space<hbm>>
    tpu.wait_dma2 semaphore(%arg37 : memref<!tpu.dma_semaphore, #tpu.memory_space<semaphore_mem>>) src(%arg22 : memref<8x160xf32, #tpu.memory_space<vmem>>) dst(%dma_wait3A_66 : memref<8x160xf32, #tpu.memory_space<hbm>>)
    %add3A_67 = arith.constant 496 : i32
    %add3A_68 = arith.addi %mul3A_2, %add3A_67 : i32
    %dma_wait3A_69 = arith.constant 0 : i32
    %dma_wait3A_70 = tpu.memref_slice %arg11[%add3A_68, %dma_wait3A_69] : memref<16384x160xf32, #tpu.memory_space<hbm>> -> memref<8x160xf32, #tpu.memory_space<hbm>>
    %dma_wait3A_71 = arith.constant 0 : i32
    %dma_wait3A_72 = tpu.memref_slice %arg11[%add3A_68, %dma_wait3A_71] : memref<16384x160xf32, #tpu.memory_space<hbm>> -> memref<8x160xf32, #tpu.memory_space<hbm>>
    tpu.wait_dma2 semaphore(%arg37 : memref<!tpu.dma_semaphore, #tpu.memory_space<semaphore_mem>>) src(%arg23 : memref<8x160xf32, #tpu.memory_space<vmem>>) dst(%dma_wait3A_72 : memref<8x160xf32, #tpu.memory_space<hbm>>)
    %add3A_73 = arith.constant 496 : i32
    %add3A_74 = arith.addi %mul3A_2, %add3A_73 : i32
    %dma_wait3A_75 = arith.constant 0 : i32
    %dma_wait3A_76 = tpu.memref_slice %arg12[%add3A_74, %dma_wait3A_75] : memref<16384x160xf32, #tpu.memory_space<hbm>> -> memref<8x160xf32, #tpu.memory_space<hbm>>
    %dma_wait3A_77 = arith.constant 0 : i32
    %dma_wait3A_78 = tpu.memref_slice %arg12[%add3A_74, %dma_wait3A_77] : memref<16384x160xf32, #tpu.memory_space<hbm>> -> memref<8x160xf32, #tpu.memory_space<hbm>>
    tpu.wait_dma2 semaphore(%arg37 : memref<!tpu.dma_semaphore, #tpu.memory_space<semaphore_mem>>) src(%arg24 : memref<8x160xf32, #tpu.memory_space<vmem>>) dst(%dma_wait3A_78 : memref<8x160xf32, #tpu.memory_space<hbm>>)
    %add3A_79 = arith.constant 504 : i32
    %add3A_80 = arith.addi %mul3A_2, %add3A_79 : i32
    %dma_wait3A_81 = arith.constant 0 : i32
    %dma_wait3A_82 = tpu.memref_slice %arg3[%add3A_80, %dma_wait3A_81] : memref<16384x160xf32, #tpu.memory_space<hbm>> -> memref<8x160xf32, #tpu.memory_space<hbm>>
    %dma_wait3A_83 = arith.constant 0 : i32
    %dma_wait3A_84 = tpu.memref_slice %arg3[%add3A_80, %dma_wait3A_83] : memref<16384x160xf32, #tpu.memory_space<hbm>> -> memref<8x160xf32, #tpu.memory_space<hbm>>
    tpu.wait_dma2 semaphore(%arg38 : memref<!tpu.dma_semaphore, #tpu.memory_space<semaphore_mem>>) src(%arg25 : memref<8x160xf32, #tpu.memory_space<vmem>>) dst(%dma_wait3A_84 : memref<8x160xf32, #tpu.memory_space<hbm>>)
    %add3A_85 = arith.constant 504 : i32
    %add3A_86 = arith.addi %mul3A_2, %add3A_85 : i32
    %dma_wait3A_87 = arith.constant 0 : i32
    %dma_wait3A_88 = tpu.memref_slice %arg4[%add3A_86, %dma_wait3A_87] : memref<16384x160xf32, #tpu.memory_space<hbm>> -> memref<8x160xf32, #tpu.memory_space<hbm>>
    %dma_wait3A_89 = arith.constant 0 : i32
    %dma_wait3A_90 = tpu.memref_slice %arg4[%add3A_86, %dma_wait3A_89] : memref<16384x160xf32, #tpu.memory_space<hbm>> -> memref<8x160xf32, #tpu.memory_space<hbm>>
    tpu.wait_dma2 semaphore(%arg38 : memref<!tpu.dma_semaphore, #tpu.memory_space<semaphore_mem>>) src(%arg26 : memref<8x160xf32, #tpu.memory_space<vmem>>) dst(%dma_wait3A_90 : memref<8x160xf32, #tpu.memory_space<hbm>>)
    %add3A_91 = arith.constant 504 : i32
    %add3A_92 = arith.addi %mul3A_2, %add3A_91 : i32
    %dma_wait3A_93 = arith.constant 0 : i32
    %dma_wait3A_94 = tpu.memref_slice %arg5[%add3A_92, %dma_wait3A_93] : memref<16384x160xf32, #tpu.memory_space<hbm>> -> memref<8x160xf32, #tpu.memory_space<hbm>>
    %dma_wait3A_95 = arith.constant 0 : i32
    %dma_wait3A_96 = tpu.memref_slice %arg5[%add3A_92, %dma_wait3A_95] : memref<16384x160xf32, #tpu.memory_space<hbm>> -> memref<8x160xf32, #tpu.memory_space<hbm>>
    tpu.wait_dma2 semaphore(%arg38 : memref<!tpu.dma_semaphore, #tpu.memory_space<semaphore_mem>>) src(%arg27 : memref<8x160xf32, #tpu.memory_space<vmem>>) dst(%dma_wait3A_96 : memref<8x160xf32, #tpu.memory_space<hbm>>)
    %add3A_97 = arith.constant 504 : i32
    %add3A_98 = arith.addi %mul3A_2, %add3A_97 : i32
    %dma_wait3A_99 = arith.constant 0 : i32
    %dma_wait3A_100 = tpu.memref_slice %arg6[%add3A_98, %dma_wait3A_99] : memref<16384x160xf32, #tpu.memory_space<hbm>> -> memref<8x160xf32, #tpu.memory_space<hbm>>
    %dma_wait3A_101 = arith.constant 0 : i32
    %dma_wait3A_102 = tpu.memref_slice %arg6[%add3A_98, %dma_wait3A_101] : memref<16384x160xf32, #tpu.memory_space<hbm>> -> memref<8x160xf32, #tpu.memory_space<hbm>>
    tpu.wait_dma2 semaphore(%arg38 : memref<!tpu.dma_semaphore, #tpu.memory_space<semaphore_mem>>) src(%arg28 : memref<8x160xf32, #tpu.memory_space<vmem>>) dst(%dma_wait3A_102 : memref<8x160xf32, #tpu.memory_space<hbm>>)
    %add3A_103 = arith.constant 504 : i32
    %add3A_104 = arith.addi %mul3A_2, %add3A_103 : i32
    %dma_wait3A_105 = arith.constant 0 : i32
    %dma_wait3A_106 = tpu.memref_slice %arg7[%add3A_104, %dma_wait3A_105] : memref<16384x160xf32, #tpu.memory_space<hbm>> -> memref<8x160xf32, #tpu.memory_space<hbm>>
    %dma_wait3A_107 = arith.constant 0 : i32
    %dma_wait3A_108 = tpu.memref_slice %arg7[%add3A_104, %dma_wait3A_107] : memref<16384x160xf32, #tpu.memory_space<hbm>> -> memref<8x160xf32, #tpu.memory_space<hbm>>
    tpu.wait_dma2 semaphore(%arg38 : memref<!tpu.dma_semaphore, #tpu.memory_space<semaphore_mem>>) src(%arg29 : memref<8x160xf32, #tpu.memory_space<vmem>>) dst(%dma_wait3A_108 : memref<8x160xf32, #tpu.memory_space<hbm>>)
    %add3A_109 = arith.constant 504 : i32
    %add3A_110 = arith.addi %mul3A_2, %add3A_109 : i32
    %dma_wait3A_111 = arith.constant 0 : i32
    %dma_wait3A_112 = tpu.memref_slice %arg8[%add3A_110, %dma_wait3A_111] : memref<16384x160xf32, #tpu.memory_space<hbm>> -> memref<8x160xf32, #tpu.memory_space<hbm>>
    %dma_wait3A_113 = arith.constant 0 : i32
    %dma_wait3A_114 = tpu.memref_slice %arg8[%add3A_110, %dma_wait3A_113] : memref<16384x160xf32, #tpu.memory_space<hbm>> -> memref<8x160xf32, #tpu.memory_space<hbm>>
    tpu.wait_dma2 semaphore(%arg38 : memref<!tpu.dma_semaphore, #tpu.memory_space<semaphore_mem>>) src(%arg30 : memref<8x160xf32, #tpu.memory_space<vmem>>) dst(%dma_wait3A_114 : memref<8x160xf32, #tpu.memory_space<hbm>>)
    %add3A_115 = arith.constant 504 : i32
    %add3A_116 = arith.addi %mul3A_2, %add3A_115 : i32
    %dma_wait3A_117 = arith.constant 0 : i32
    %dma_wait3A_118 = tpu.memref_slice %arg9[%add3A_116, %dma_wait3A_117] : memref<16384x160xf32, #tpu.memory_space<hbm>> -> memref<8x160xf32, #tpu.memory_space<hbm>>
    %dma_wait3A_119 = arith.constant 0 : i32
    %dma_wait3A_120 = tpu.memref_slice %arg9[%add3A_116, %dma_wait3A_119] : memref<16384x160xf32, #tpu.memory_space<hbm>> -> memref<8x160xf32, #tpu.memory_space<hbm>>
    tpu.wait_dma2 semaphore(%arg38 : memref<!tpu.dma_semaphore, #tpu.memory_space<semaphore_mem>>) src(%arg31 : memref<8x160xf32, #tpu.memory_space<vmem>>) dst(%dma_wait3A_120 : memref<8x160xf32, #tpu.memory_space<hbm>>)
    %add3A_121 = arith.constant 504 : i32
    %add3A_122 = arith.addi %mul3A_2, %add3A_121 : i32
    %dma_wait3A_123 = arith.constant 0 : i32
    %dma_wait3A_124 = tpu.memref_slice %arg10[%add3A_122, %dma_wait3A_123] : memref<16384x160xf32, #tpu.memory_space<hbm>> -> memref<8x160xf32, #tpu.memory_space<hbm>>
    %dma_wait3A_125 = arith.constant 0 : i32
    %dma_wait3A_126 = tpu.memref_slice %arg10[%add3A_122, %dma_wait3A_125] : memref<16384x160xf32, #tpu.memory_space<hbm>> -> memref<8x160xf32, #tpu.memory_space<hbm>>
    tpu.wait_dma2 semaphore(%arg38 : memref<!tpu.dma_semaphore, #tpu.memory_space<semaphore_mem>>) src(%arg32 : memref<8x160xf32, #tpu.memory_space<vmem>>) dst(%dma_wait3A_126 : memref<8x160xf32, #tpu.memory_space<hbm>>)
    %add3A_127 = arith.constant 504 : i32
    %add3A_128 = arith.addi %mul3A_2, %add3A_127 : i32
    %dma_wait3A_129 = arith.constant 0 : i32
    %dma_wait3A_130 = tpu.memref_slice %arg11[%add3A_128, %dma_wait3A_129] : memref<16384x160xf32, #tpu.memory_space<hbm>> -> memref<8x160xf32, #tpu.memory_space<hbm>>
    %dma_wait3A_131 = arith.constant 0 : i32
    %dma_wait3A_132 = tpu.memref_slice %arg11[%add3A_128, %dma_wait3A_131] : memref<16384x160xf32, #tpu.memory_space<hbm>> -> memref<8x160xf32, #tpu.memory_space<hbm>>
    tpu.wait_dma2 semaphore(%arg38 : memref<!tpu.dma_semaphore, #tpu.memory_space<semaphore_mem>>) src(%arg33 : memref<8x160xf32, #tpu.memory_space<vmem>>) dst(%dma_wait3A_132 : memref<8x160xf32, #tpu.memory_space<hbm>>)
    %add3A_133 = arith.constant 504 : i32
    %add3A_134 = arith.addi %mul3A_2, %add3A_133 : i32
    %dma_wait3A_135 = arith.constant 0 : i32
    %dma_wait3A_136 = tpu.memref_slice %arg12[%add3A_134, %dma_wait3A_135] : memref<16384x160xf32, #tpu.memory_space<hbm>> -> memref<8x160xf32, #tpu.memory_space<hbm>>
    %dma_wait3A_137 = arith.constant 0 : i32
    %dma_wait3A_138 = tpu.memref_slice %arg12[%add3A_134, %dma_wait3A_137] : memref<16384x160xf32, #tpu.memory_space<hbm>> -> memref<8x160xf32, #tpu.memory_space<hbm>>
    tpu.wait_dma2 semaphore(%arg38 : memref<!tpu.dma_semaphore, #tpu.memory_space<semaphore_mem>>) src(%arg34 : memref<8x160xf32, #tpu.memory_space<vmem>>) dst(%dma_wait3A_138 : memref<8x160xf32, #tpu.memory_space<hbm>>)
    return
  }
}

</mosaic_0001>

<sc_bundles>
// kernel: kernel.3.cloned.1.call-start
scs
__scs_entry_jumppad:
0x0: {  	(pc) =	sbr.rel $0x88, $3  }
0x1: {  	(tag) =	ssettag $0x0;
	lr =	simm.s32 $0x1  }
0x2: {  	[smem:$0x3FA0] =	sst lr;
	_ =	strace $0xD0000000  }
0x3: {  	_ = 	snop  }
0x4: {  	_ = 	snop  }
0x5: {  	_ = 	snop  }
0x6: {  	_ = 	snop  }
0x7: {  	_ = 	snop  }
__scs_overlays_trampoline_lowered:
0x8: {  	[smem:$0x3FAF] =	sst s0  }
0x9: {  	[smem:$0x3FB0] =	sst s1  }
0xa: {  	[smem:$0x3FB1] =	sst s2  }
0xb: {  	[smem:$0x3FB2] =	sst s3  }
0xc: {  	[smem:$0x3FB3] =	sst s4  }
0xd: {  	[smem:$0x3FB4] =	sst s5  }
0xe: {  	[smem:$0x3FB5] =	sst s6  }
0xf: {  	[smem:$0x3FB6] =	sst s7  }
0x10: {  	[smem:$0x3FB7] =	sst s8  }
0x11: {  	[smem:$0x3FB8] =	sst s9;
	s0 =	simm.s32 @!p0 $0x0  }
0x12: {  	s1 =	sld [smem:$0x3F9E];
	s0 =	simm.s32 @p0 $0x1  }
0x13: {  	[smem:$0x3FB9] =	sst s0;
	s0 =	simm.s32 @!p1 $0x0  }
0x14: {  	s2 =	sld [smem:$0x3F9D];
	s0 =	simm.s32 @p1 $0x1  }
0x15: {  	[smem:$0x3FBA] =	sst s0;
	s0 =	simm.s32 @!p2 $0x0  }
0x16: {  	s3 =	sld [smem:$0x3FDB];
	s0 =	simm.s32 @p2 $0x1  }
0x17: {  	s4 =	simm.s32 $0x1BF5;
	[smem:$0x3FBC] =	sst s0  }
0x18: {  	s0 =	sld [smem:$0x3F9F];
	_ =	swait.ge [sflag:s4], $0x0  }
0x19: {  	s7 =	sld [smem:$0x3FA0]  }
0x1a: {  	s8 =	sadd.s32 $0xFFFFE003, lr  }
0x1b: {  	s9 =	sadd.s32 $0xFFFFFEF7, lr;
	s5 =	simm.s32 $0xFFFFFFFF;
	p2 =	slt.u32 s8, $0xFFFFF086  }
0x1c: {  	p1 =	slt.u32 s9, $0xF7A;
	s5 =	simm.s32 @!p2 $0x0  }
0x1d: {  	s5 =	simm.s32 @p1 $0x1;
	p0 =	seq.s32 s7, s2  }
0x1e: {  	s7 =	smul.u32 @!p0 $0xF7A, s2;
	p2 =	seq.s32 @!p0 s5, $0x0  }
0x1f: {  	s9 =	smul.u32 $0xF7A, s1;
	s8 =	simm.s32 @!p0 $0x1BF5;
	p2 =	por !p2, p0  }
0x20: {  	[sflag:s8] =	ssyncset.s32 @!p0 $0xFFFFF086;
	s6 =	sadd.s32 @!p0 s3, s7;
	s7 =	simm.s32 @!p0 $0x108  }
0x21: {  	s3 =	sadd.s32 s3, s9;
	s6 =	sadd.s32 @!p0 $0x88, s6;
	s7 =	simm.s32 @p2 $0x1082  }
0x22: {  	[simem:s7], [sflag:s8] =	dma.local @!p0 [hbm:s6], $0xF7A  }
0x23: {  	s9 =	sor.u32 $0xD0000000, s2;
	s6 =	simm.s32 $0x108;
	_ =	swait.ge @!p0 [sflag:s8], $0x0  }
0x24: {  	s3 =	sadd.s32 $0x88, s3;
	s6 =	simm.s32 @!p1 $0x1082;
	[sflag:s4] =	ssyncset.s32 $0xFFFFF086  }
0x25: {  	[simem:s6], [sflag:s4] =	dma.local [hbm:s3], $0xF7A  }
0x26: {  	[smem:$0x3FA0] =	sst s1;
	(tag) =	ssettag s2;
	_ =	strace s9  }
0x27: {  	s1 =	sld [smem:$0x3FB0]  }
0x28: {  	s2 =	sld [smem:$0x3FB1]  }
0x29: {  	s4 =	sld [smem:$0x3FB3]  }
0x2a: {  	p0 =	seq.s32 s5, $0x0;
	s5 =	sld [smem:$0x3FB4]  }
0x2b: {  	s6 =	sld [smem:$0x3FB5]  }
0x2c: {  	s7 =	sld [smem:$0x3FB6]  }
0x2d: {  	s3 =	simm.s32 $0x108;
	s8 =	sld [smem:$0x3FB7]  }
0x2e: {  	s3 =	simm.s32 @!p0 $0x1082;
	s9 =	sld [smem:$0x3FB8]  }
0x2f: {  	lr =	sadd.s32 s0, s3;
	s0 =	sld [smem:$0x3FAF]  }
0x30: {  	s3 =	sld [smem:$0x3FB2]  }
0x31: {  	[smem:$0x3FBB] =	sst s10  }
0x32: {  	s10 =	sld [smem:$0x3FB9];
	_ =	sdelay $0x3  }
0x33: {  	p0 =	seq.s32 s10, $0x1;
	s10 =	sld [smem:$0x3FBB];
	_ =	sdelay $0x3  }
0x34: {  	[smem:$0x3FBB] =	sst s10  }
0x35: {  	s10 =	sld [smem:$0x3FBA];
	_ =	sdelay $0x3  }
0x36: {  	p1 =	seq.s32 s10, $0x1;
	s10 =	sld [smem:$0x3FBB];
	_ =	sdelay $0x3  }
0x37: {  	[smem:$0x3FBB] =	sst s10  }
0x38: {  	s10 =	sld [smem:$0x3FBC]  }
0x39: {  	_ = 	snop;
	(pc) =	sbr.ind lr, $3  }
0x3a: {  	_ = 	snop  }
0x3b: {  	_ = 	snop  }
0x3c: {  	p2 =	seq.s32 s10, $0x1;
	s10 =	sld [smem:$0x3FBB]  }
0x3d: {  	_ =	shalt  }
0x3e: {  	_ =	shalt  }
0x3f: {  	_ =	shalt  }
0x40: {  	_ =	shalt  }
0x41: {  	_ =	shalt  }
0x42: {  	_ =	shalt  }
0x43: {  	_ =	shalt  }
0x44: {  	_ =	shalt  }
0x45: {  	_ =	shalt  }
0x46: {  	_ =	shalt  }
0x47: {  	_ =	shalt  }
0x48: {  	_ =	shalt  }
0x49: {  	_ =	shalt  }
0x4a: {  	_ =	shalt  }
0x4b: {  	_ =	shalt  }
0x4c: {  	_ =	shalt  }
0x4d: {  	_ =	shalt  }
0x4e: {  	_ =	shalt  }
0x4f: {  	_ =	shalt  }
0x50: {  	_ =	shalt  }
0x51: {  	_ =	shalt  }
0x52: {  	_ =	shalt  }
0x53: {  	_ =	shalt  }
0x54: {  	_ =	shalt  }
0x55: {  	_ =	shalt  }
0x56: {  	_ =	shalt  }
0x57: {  	_ =	shalt  }
0x58: {  	_ =	shalt  }
0x59: {  	_ =	shalt  }
0x5a: {  	_ =	shalt  }
0x5b: {  	_ =	shalt  }
0x5c: {  	_ =	shalt  }
0x5d: {  	_ =	shalt  }
0x5e: {  	_ =	shalt  }
0x5f: {  	_ =	shalt  }
0x60: {  	_ =	shalt  }
0x61: {  	_ =	shalt  }
0x62: {  	_ =	shalt  }
0x63: {  	_ =	shalt  }
0x64: {  	_ =	shalt  }
0x65: {  	_ =	shalt  }
0x66: {  	_ =	shalt  }
0x67: {  	_ =	shalt  }
0x68: {  	_ =	shalt  }
0x69: {  	_ =	shalt  }
0x6a: {  	_ =	shalt  }
0x6b: {  	_ =	shalt  }
0x6c: {  	_ =	shalt  }
0x6d: {  	_ =	shalt  }
0x6e: {  	_ =	shalt  }
0x6f: {  	_ =	shalt  }
0x70: {  	_ =	shalt  }
0x71: {  	_ =	shalt  }
0x72: {  	_ =	shalt  }
0x73: {  	_ =	shalt  }
0x74: {  	_ =	shalt  }
0x75: {  	_ =	shalt  }
0x76: {  	_ =	shalt  }
0x77: {  	_ =	shalt  }
0x78: {  	_ =	shalt  }
0x79: {  	_ =	shalt  }
0x7a: {  	_ =	shalt  }
0x7b: {  	_ =	shalt  }
0x7c: {  	_ =	shalt  }
0x7d: {  	_ =	shalt  }
0x7e: {  	_ =	shalt  }
0x7f: {  	_ =	shalt  }
0x80: {  	_ =	shalt  }
0x81: {  	_ =	shalt  }
0x82: {  	_ =	shalt  }
0x83: {  	_ =	shalt  }
0x84: {  	_ =	shalt  }
0x85: {  	_ =	shalt  }
0x86: {  	_ =	shalt  }
0x87: {  	_ =	shalt  }
.Lfunc_end0:
.L_simem_size_0:
called_computation_lowered:
.L_overlay_start_0:
0x88: {  	s2 =	sld [smem:$0x3FD9]  }
0x89: {  	s3 =	sld [smem:$0x3FFE];
	_ =	sdelay $0x1  }
0x8a: {  	s1 =	srdreg.scid  }
0x8b: {  	s0 =	sand.u32 $0x1, s1  }
0x8c: {  	s17 =	sshll.u32 s0, $0xA;
	s2 =	sadd.s32 s3, s2  }
0x8d: {  	s2 =	sadd.s32 s2, s17  }
0x8e: {  	[smem:$0x3FC7] =	sst s2  }
0x8f: {  	_ = 	snop  }
0x90: {  	s2 =	sld [smem:$0x3FC9];
	(tm) =	ssettm $0x1  }
0x91: {  	s18 =	sld [smem:$0x3FFB];
	_ =	sdelay $0x3  }
0x92: {  	_ =	strace s18  }
0x93: {  	s3 =	sld [smem:$0x3FFC];
	_ =	sdelay $0x3  }
0x94: {  	_ =	strace s3  }
0x95: {  	s3 =	sld [smem:$0x3FFD];
	_ =	sdelay $0x3  }
0x96: {  	_ =	strace s3  }
0x97: {  	_ =	strace $0x8FFFFFFF  }
0x98: {  	s19 =	sld [smem:$0x3FDB];
	_ =	sdelay $0x1  }
0x99: {  	s4 =	simm.s32 $_scs_section_size  }
0x9a: {  	s5 =	simm.s32 $_size__tile_overlayer_lowered;
	s6 =	simm.s32 $_tile_overlayer_lowered  }
0x9b: {  	s22 =	simm.s32 $0x1BFF;
	s21 =	sshll.u32 s6, $0x1;
	s3 =	sadd.s32 s4, s19  }
0x9c: {  	s7 =	simm.s32 $0x0;
	s20 =	sshll.u32 s5, $0x1;
	s5 =	sadd.s32 s21, s3  }
0x9d: {  	[timem:s7], [sflag:s22] =	dma.local [hbm:s5], s20  }
0x9e: {  	_ =	swait.ge [sflag:s22], s20  }
0x9f: {  	s4 =	ssub.s32 $0x0, s20;
	[sflag:s22] =	ssyncset.done $0x0  }
0xa0: {  	[sflag:s22] =	ssyncadd.s32 s4;
	_ =	sdelay $0x1  }
0xa1: {  	s23 =	simm.s32 $0x1B8B  }
0xa2: {  	_ =	swait.ge [sflag:s23], $0x1  }
0xa3: {  	[sflag:s23] =	ssyncset.done $0x0  }
0xa4: {  	s25 =	simm.s32 $0x1B8E;
	s24 =	sld [smem:$0x3FFE];
	[sflag:s23] =	ssyncadd.s32 $0xFFFFFFFF  }
0xa5: {  	s26 =	simm.s32 $execute0_lowered;
	[smem:$0x3FD2] =	sst s25  }
0xa6: {  	s5 =	sshll.u32 s26, $0x1;
	_ =	strace $0x80000046;
	[dreg:$0x1] =	wrdreg $0xFFFFFFFF  }
0xa7: {  	s28 =	simm.s32 $_size_execute0_lowered;
	s3 =	sadd.s32 s3, s5;
	[dreg:$0x0] =	wrdreg $0x0  }
0xa8: {  	s5 =	sshll.u32 s28, $0x1;
	[dreg:$0x2] =	wrdreg s3  }
0xa9: {  	[dreg:$0x3] =	wrdreg s5  }
0xaa: {  	[dreg:$0x4] =	wrdreg $0xC0  }
0xab: {  	_ =	task [dreg:s7], $0x5FFFF  }
0xac: {  	[dreg:$0x1] =	wrdreg $0xFFFFFFFF  }
0xad: {  	[dreg:$0x0] =	wrdreg $0x60  }
0xae: {  	[dreg:$0x2] =	wrdreg s2  }
0xaf: {  	[dreg:$0x3] =	wrdreg s24  }
0xb0: {  	[dreg:$0x4] =	wrdreg $0x9  }
0xb1: {  	_ =	task.clear_ibuf [dreg:s7], $0x5FFFF;
	_ =	strace $0x90000046  }
0xb2: {  	s29 =	simm.s32 $0x9;
	_ =	strace $0x80000048  }
0xb3: {  	_ =	swait.ge [sflag:s29], $0x1  }
0xb4: {  	[sflag:s29] =	ssyncadd.s32 $0xFFFFFFFF  }
0xb5: {  	_ =	strace $0x90000048  }
0xb6: {  	_ =	sfence  }
0xb7: {  	s30 =	sld [smem:$0x0];
	_ =	sdelay $0x2  }
0xb8: {  	s31 =	sshll.u32 s1, $0xD;
	s1 =	sshrl.u32 s1, $0x2  }
0xb9: {  	s3 =	sand.u32 $0x4000, s31;
	s1 =	sadd.s32 s1, s30  }
0xba: {  	s0 =	sor.u32 s3, s0;
	s1 =	sshll.u32 s1, $0x11  }
0xbb: {  	s0 =	sor.u32 s1, s0  }
0xbc: {  	s0 =	sadd.s32 $0x8F2B, s0  }
0xbd: {  	[sflag:s0] =	ssyncadd.remote.s32 $0x1  }
0xbe: {  	_ =	sfence.sel $0xFFFF  }
0xbf: {  	[dreg:$0x0] =	wrdreg $0xFFFFFFFF;
	(pc) =	sbr.abs _section_cstart, $3  }
0xc0: {  	[dreg:$0x1] =	wrdreg $0xFFFFFFFF  }
0xc1: {  	_ =	task.clear_ibuf [dreg:s7], $0x2FFFF;
	_ =	strace $0x9FFFFFFF  }
0xc2: {  	(tm) =	ssettm $0x7FFFFFFF  }
0xc3: {  	_ =	shalt  }
tec
execute0_lowered:
.L_overlay_start_1:
0x0: {  	(tag) =	ssettag $0x1  }
0x1: {  	s1 =	rddreg [dreg:$0x0]  }
0x2: {  	s0 =	rddreg [dreg:$0x1];
	s3 =	simm.s32 $0x0;
	s2 =	srdreg.scid  }
0x3: {  	s5 =	stileid.u32;
	s22 =	simm.s32 $0x1;
	s23 =	simm.s32 $0xD000  }
0x4: {  	s24 =	simm.s32 $0xD800;
	s28 =	simm.s32 $0xF000;
	s29 =	simm.s32 $0xF800  }
0x5: {  	s30 =	simm.s32 $0x10000;
	[smem:$0x7FF] =	sst s3;
	s7 =	sshll.u32 s5, $0xA  }
0x6: {  	s19 =	simm.s32 $0x4;
	s5 =	sadd.s32 $0x104800, s0;
	s6 =	sadd.s32 $0x184800, s0  }
0x7: {  	s2 =	sand.u32 $0x1, s2;
	s10 =	sadd.s32 $0x304800, s0;
	s11 =	sadd.s32 $0x384800, s0  }
0x8: {  	s4 =	sadd.s32 $0x4800, s0;
	s12 =	sadd.s32 $0x404800, s0;
	s13 =	sadd.s32 $0x484800, s0  }
0x9: {  	s9 =	sadd.s32 $0x84800, s0;
	_ =	strace $0x80000047;
	s8 =	sshll.u32 s2, $0x9  }
0xa: {  	s2 =	ssub.s32 $0x2, s2;
	s14 =	sor.u32 s8, s7;
	s7 =	sadd.s32 $0x204800, s0  }
0xb: {  	s8 =	sadd.s32 $0x284800, s0;
	s25 =	sshrl.u32 s2, $0x1;
	s15 =	sshrl.u32 s14, $0x3  }
0xc: {  	s0 =	ssub.s32 s2, s25;
	s25 =	simm.s32 $0xE000;
	s16 =	smul.u32 $0xC80, s15  }
.Ltmp0:
0xd: {  	s2 =	simm.s32 $0x0;
	s31 =	sor.u32 $0x2, s15;
	(pc) =	sbr.rel .LBB2_1-.Ltmp0, $4  }
0xe: {  	s18 =	sor.u32 $0x3, s15;
	s0 =	smax.u32 s0, $0x1;
	[dreg:$0x5] =	wrdreg s31  }
0xf: {  	s15 =	simm.s32 $0x2;
	[dreg:$0x6] =	wrdreg s0;
	s16 =	sadd.s32 s1, s16  }
0x10: {  	[dreg:$0x3] =	wrdreg s16;
	s26 =	sadd.s32 $0xC80, s16;
	s16 =	sshll.u32 s14, $0x5  }
0x11: {  	[dreg:$0x4] =	wrdreg s26;
	s20 =	sor.u32 $0x100, s16;
	s26 =	simm.s32 $0xE800  }
.LBB2_12:
0x12: {  	s0 =	simm.s32 $0x3  }
0x13: {  	_ =	swait.ge [sflag:s0], $0x800  }
0x14: {  	[sflag:s0] =	ssyncset.done $0x0  }
0x15: {  	[sflag:s0] =	ssyncadd.s32 $0xFFFFF800  }
0x16: {  	_ =	swait.ge [sflag:s0], $0x800  }
0x17: {  	[sflag:s0] =	ssyncset.done $0x0  }
0x18: {  	[sflag:s0] =	ssyncadd.s32 $0xFFFFF800  }
0x19: {  	_ =	swait.ge [sflag:s0], $0x800  }
0x1a: {  	[sflag:s0] =	ssyncset.done $0x0  }
0x1b: {  	[sflag:s0] =	ssyncadd.s32 $0xFFFFF800  }
0x1c: {  	_ =	swait.ge [sflag:s0], $0x800  }
0x1d: {  	[sflag:s0] =	ssyncset.done $0x0  }
0x1e: {  	[sflag:s0] =	ssyncadd.s32 $0xFFFFF800  }
0x1f: {  	_ =	swait.ge [sflag:s0], $0x800  }
0x20: {  	[sflag:s0] =	ssyncset.done $0x0  }
0x21: {  	[sflag:s0] =	ssyncadd.s32 $0xFFFFF800  }
0x22: {  	_ =	swait.ge [sflag:s0], $0x800  }
0x23: {  	[sflag:s0] =	ssyncset.done $0x0  }
0x24: {  	[sflag:s0] =	ssyncadd.s32 $0xFFFFF800  }
0x25: {  	_ =	swait.ge [sflag:s0], $0x800  }
0x26: {  	[sflag:s0] =	ssyncset.done $0x0  }
0x27: {  	[sflag:s0] =	ssyncadd.s32 $0xFFFFF800  }
0x28: {  	_ =	swait.ge [sflag:s0], $0x800  }
0x29: {  	[sflag:s0] =	ssyncset.done $0x0  }
0x2a: {  	[sflag:s0] =	ssyncadd.s32 $0xFFFFF800  }
0x2b: {  	_ =	swait.ge [sflag:s0], $0x800  }
0x2c: {  	[sflag:s0] =	ssyncset.done $0x0  }
0x2d: {  	[sflag:s0] =	ssyncadd.s32 $0xFFFFF800  }
0x2e: {  	_ =	swait.ge [sflag:s0], $0x800  }
0x2f: {  	[sflag:s0] =	ssyncset.done $0x0  }
0x30: {  	[sflag:s0] =	ssyncadd.s32 $0xFFFFF800  }
0x31: {  	_ =	swait.ge [sflag:s19], $0x800  }
0x32: {  	[sflag:s19] =	ssyncset.done $0x0  }
0x33: {  	[sflag:s19] =	ssyncadd.s32 $0xFFFFF800  }
0x34: {  	_ =	swait.ge [sflag:s19], $0x800  }
0x35: {  	[sflag:s19] =	ssyncset.done $0x0  }
0x36: {  	[sflag:s19] =	ssyncadd.s32 $0xFFFFF800  }
0x37: {  	_ =	swait.ge [sflag:s19], $0x800  }
0x38: {  	[sflag:s19] =	ssyncset.done $0x0  }
0x39: {  	[sflag:s19] =	ssyncadd.s32 $0xFFFFF800  }
0x3a: {  	_ =	swait.ge [sflag:s19], $0x800  }
0x3b: {  	[sflag:s19] =	ssyncset.done $0x0  }
0x3c: {  	[sflag:s19] =	ssyncadd.s32 $0xFFFFF800  }
0x3d: {  	_ =	swait.ge [sflag:s19], $0x800  }
0x3e: {  	[sflag:s19] =	ssyncset.done $0x0  }
0x3f: {  	[sflag:s19] =	ssyncadd.s32 $0xFFFFF800  }
0x40: {  	_ =	swait.ge [sflag:s19], $0x800  }
0x41: {  	[sflag:s19] =	ssyncset.done $0x0  }
0x42: {  	[sflag:s19] =	ssyncadd.s32 $0xFFFFF800  }
0x43: {  	_ =	swait.ge [sflag:s19], $0x800  }
0x44: {  	[sflag:s19] =	ssyncset.done $0x0  }
0x45: {  	[sflag:s19] =	ssyncadd.s32 $0xFFFFF800  }
0x46: {  	_ =	swait.ge [sflag:s19], $0x800  }
0x47: {  	[sflag:s19] =	ssyncset.done $0x0  }
0x48: {  	[sflag:s19] =	ssyncadd.s32 $0xFFFFF800  }
0x49: {  	_ =	swait.ge [sflag:s19], $0x800  }
0x4a: {  	[sflag:s19] =	ssyncset.done $0x0  }
0x4b: {  	[sflag:s19] =	ssyncadd.s32 $0xFFFFF800  }
0x4c: {  	_ =	swait.ge [sflag:s19], $0x800  }
0x4d: {  	s2 =	rddreg [dreg:$0x7]  }
0x4e: {  	s31 =	rddreg [dreg:$0x6];
	s2 =	sadd.s32 $0x1, s2  }
0x4f: {  	p0 =	sne.s32 s2, s31  }
.Ltmp1:
0x50: {  	_ = 	snop;
	(pc) =	sbr.rel @!p0 .LBB2_13-.Ltmp1, $3  }
0x51: {  	_ =	sdelay $0x1  }
0x52: {  	[sflag:s19] =	ssyncset.done $0x0  }
0x53: {  	[sflag:s19] =	ssyncadd.s32 $0xFFFFF800  }
.LBB2_1:
0x54: {  	[dreg:$0x7] =	wrdreg s2  }
0x55: {  	s0 =	rddreg [dreg:$0x3]  }
0x56: {  	[tilespmem:s3], [sflag:$0x1] =	stream.linear.gather [hbm4b:s0+s3], $0x3400, $0x38;
	[tilespmem:$0x10800] =	vst v63  }
0x57: {  	s17 =	rddreg [dreg:$0x4];
	s21 =	simm.s32 $0x3400;
	s31 =	simm.s32 $0x0  }
0x58: {  	[tilespmem:s21], [sflag:$0x2] =	stream.linear.gather [hbm4b:s17+s3], $0x3400, $0x38;
	[tilespmem:$0x10800] =	vst v63  }
.LBB2_2:
0x59: {  	_ =	swait.ge [sflag:s22], $0x3400  }
0x5a: {  	p0 =	seq.s32 s31, $0x0;
	[sflag:s22] =	ssyncset.done $0x0  }
0x5b: {  	s2 =	simm.s32 @!p0 $0x3;
	[sflag:s22] =	ssyncadd.s32 $0xFFFFCC00  }
0x5c: {  	_ =	swait.ge @!p0 [sflag:s2], $0x800  }
0x5d: {  	[sflag:s2] =	ssyncset.done @!p0 $0x0  }
0x5e: {  	[sflag:s2] =	ssyncadd.s32 @!p0 $0xFFFFF800  }
0x5f: {  	_ =	swait.ge @!p0 [sflag:s2], $0x800  }
0x60: {  	[sflag:s2] =	ssyncset.done @!p0 $0x0  }
0x61: {  	[sflag:s2] =	ssyncadd.s32 @!p0 $0xFFFFF800  }
0x62: {  	_ =	swait.ge @!p0 [sflag:s2], $0x800  }
0x63: {  	[sflag:s2] =	ssyncset.done @!p0 $0x0  }
0x64: {  	[sflag:s2] =	ssyncadd.s32 @!p0 $0xFFFFF800  }
0x65: {  	_ =	swait.ge @!p0 [sflag:s2], $0x800  }
0x66: {  	[sflag:s2] =	ssyncset.done @!p0 $0x0  }
0x67: {  	[sflag:s2] =	ssyncadd.s32 @!p0 $0xFFFFF800  }
0x68: {  	_ =	swait.ge @!p0 [sflag:s2], $0x800  }
0x69: {  	[sflag:s2] =	ssyncset.done @!p0 $0x0  }
0x6a: {  	[sflag:s2] =	ssyncadd.s32 @!p0 $0xFFFFF800  }
0x6b: {  	_ =	swait.ge @!p0 [sflag:s2], $0x800  }
0x6c: {  	[sflag:s2] =	ssyncset.done @!p0 $0x0  }
0x6d: {  	[sflag:s2] =	ssyncadd.s32 @!p0 $0xFFFFF800  }
0x6e: {  	_ =	swait.ge @!p0 [sflag:s2], $0x800  }
0x6f: {  	[sflag:s2] =	ssyncset.done @!p0 $0x0  }
0x70: {  	[sflag:s2] =	ssyncadd.s32 @!p0 $0xFFFFF800  }
0x71: {  	_ =	swait.ge @!p0 [sflag:s2], $0x800  }
0x72: {  	[sflag:s2] =	ssyncset.done @!p0 $0x0  }
0x73: {  	[sflag:s2] =	ssyncadd.s32 @!p0 $0xFFFFF800  }
0x74: {  	_ =	swait.ge @!p0 [sflag:s2], $0x800  }
0x75: {  	[sflag:s2] =	ssyncset.done @!p0 $0x0  }
0x76: {  	[sflag:s2] =	ssyncadd.s32 @!p0 $0xFFFFF800  }
0x77: {  	_ =	swait.ge @!p0 [sflag:s2], $0x800  }
0x78: {  	[sflag:s2] =	ssyncset.done @!p0 $0x0  }
0x79: {  	s0 =	sshll.u32 s31, $0x1;
	[sflag:s2] =	ssyncadd.s32 @!p0 $0xFFFFF800;
	s2 =	simm.s32 $0x0  }
.LBB2_3:
0x7a: {  	s14 =	sshll.u32 s2, $0x7  }
0x7b: {  	v0 =	vld [tilespmem:s14+$0x0]  }
0x7c: {  	v1 =	vld [tilespmem:s14+$0x10]  }
0x7d: {  	v2 =	vld [tilespmem:s14+$0x840]  }
0x7e: {  	v3 =	vld [tilespmem:s14+$0x850]  }
0x7f: {  	v4 =	vld [tilespmem:s14+$0x1400]  }
0x80: {  	v46 =	vld [tilespmem:s14+$0x1410];
	[tilespmem:s14+$0x6800] =	vst v0  }
0x81: {  	v47 =	vld [tilespmem:s14+$0x1C40];
	[tilespmem:s14+$0x6810] =	vst v1  }
0x82: {  	v48 =	vld [tilespmem:s14+$0x1C50];
	[tilespmem:s14+$0x6820] =	vst v2  }
0x83: {  	v49 =	vld [tilespmem:s14+$0x2800];
	[tilespmem:s14+$0x6830] =	vst v3  }
0x84: {  	v50 =	vld [tilespmem:s14+$0x2810];
	[tilespmem:s14+$0x6840] =	vst v4  }
0x85: {  	v51 =	vld [tilespmem:s14+$0x20];
	[tilespmem:s14+$0x6850] =	vst v46  }
0x86: {  	v52 =	vld [tilespmem:s14+$0x30];
	[tilespmem:s14+$0x6860] =	vst v47  }
0x87: {  	v53 =	vld [tilespmem:s14+$0x860];
	[tilespmem:s14+$0x6870] =	vst v48  }
0x88: {  	v54 =	vld [tilespmem:s14+$0x870];
	[tilespmem:s14+$0x6C00] =	vst v49  }
0x89: {  	v55 =	vld [tilespmem:s14+$0x1420];
	[tilespmem:s14+$0x6C10] =	vst v50  }
0x8a: {  	v56 =	vld [tilespmem:s14+$0x1430];
	[tilespmem:s14+$0x7000] =	vst v51  }
0x8b: {  	v57 =	vld [tilespmem:s14+$0x1C60];
	[tilespmem:s14+$0x7010] =	vst v52  }
0x8c: {  	v58 =	vld [tilespmem:s14+$0x1C70];
	[tilespmem:s14+$0x7020] =	vst v53  }
0x8d: {  	v59 =	vld [tilespmem:s14+$0x2820];
	[tilespmem:s14+$0x7030] =	vst v54  }
0x8e: {  	v60 =	vld [tilespmem:s14+$0x2830];
	[tilespmem:s14+$0x7040] =	vst v55  }
0x8f: {  	v61 =	vld [tilespmem:s14+$0x40];
	[tilespmem:s14+$0x7050] =	vst v56  }
0x90: {  	v62 =	vld [tilespmem:s14+$0x50];
	[tilespmem:s14+$0x7060] =	vst v57  }
0x91: {  	v63 =	vld [tilespmem:s14+$0xC00];
	[tilespmem:s14+$0x7070] =	vst v58  }
0x92: {  	v8 =	vld [tilespmem:s14+$0xC10];
	[tilespmem:s14+$0x7400] =	vst v59  }
0x93: {  	v9 =	vld [tilespmem:s14+$0x1440];
	[tilespmem:s14+$0x7410] =	vst v60  }
0x94: {  	v10 =	vld [tilespmem:s14+$0x1450];
	[tilespmem:s14+$0x7800] =	vst v61  }
0x95: {  	v11 =	vld [tilespmem:s14+$0x2000];
	[tilespmem:s14+$0x7810] =	vst v62  }
0x96: {  	v12 =	vld [tilespmem:s14+$0x2010];
	[tilespmem:s14+$0x7820] =	vst v63  }
0x97: {  	v13 =	vld [tilespmem:s14+$0x2840];
	[tilespmem:s14+$0x7830] =	vst v8  }
0x98: {  	v14 =	vld [tilespmem:s14+$0x2850];
	[tilespmem:s14+$0x7840] =	vst v9  }
0x99: {  	v15 =	vld [tilespmem:s14+$0x60];
	[tilespmem:s14+$0x7850] =	vst v10  }
0x9a: {  	v16 =	vld [tilespmem:s14+$0x70];
	[tilespmem:s14+$0x7860] =	vst v11  }
0x9b: {  	v17 =	vld [tilespmem:s14+$0xC20];
	[tilespmem:s14+$0x7870] =	vst v12  }
0x9c: {  	v18 =	vld [tilespmem:s14+$0xC30];
	[tilespmem:s14+$0x7C00] =	vst v13  }
0x9d: {  	v19 =	vld [tilespmem:s14+$0x1460];
	[tilespmem:s14+$0x7C10] =	vst v14  }
0x9e: {  	v20 =	vld [tilespmem:s14+$0x1470];
	[tilespmem:s14+$0x8000] =	vst v15  }
0x9f: {  	v21 =	vld [tilespmem:s14+$0x2020];
	[tilespmem:s14+$0x8010] =	vst v16  }
0xa0: {  	v22 =	vld [tilespmem:s14+$0x2030];
	[tilespmem:s14+$0x8020] =	vst v17  }
0xa1: {  	v23 =	vld [tilespmem:s14+$0x2860];
	[tilespmem:s14+$0x8030] =	vst v18  }
0xa2: {  	v24 =	vld [tilespmem:s14+$0x2870];
	[tilespmem:s14+$0x8040] =	vst v19  }
0xa3: {  	[tilespmem:s14+$0x8050] =	vst v20  }
0xa4: {  	[tilespmem:s14+$0x8060] =	vst v21  }
0xa5: {  	v26 =	vld [tilespmem:s14+$0xC40];
	[tilespmem:s14+$0x8070] =	vst v22  }
0xa6: {  	s21 =	sor.u32 $0x80, s14;
	v27 =	vld [tilespmem:s14+$0xC50];
	[tilespmem:s14+$0x8400] =	vst v23  }
0xa7: {  	s17 =	sor.u32 $0x400, s14;
	v25 =	vld [tilespmem:s21+$0x0];
	[tilespmem:s14+$0x8410] =	vst v24  }
0xa8: {  	v0 =	vld [tilespmem:s17+$0x0]  }
0xa9: {  	v28 =	vld [tilespmem:s14+$0x1800]  }
0xaa: {  	v29 =	vld [tilespmem:s14+$0x8C0]  }
0xab: {  	v37 =	vld [tilespmem:s14+$0x1810]  }
0xac: {  	v38 =	vld [tilespmem:s14+$0x2040];
	[tilespmem:s14+$0x6880] =	vst v25  }
0xad: {  	v39 =	vld [tilespmem:s14+$0x2050];
	s21 =	sor.u32 $0x410, s14;
	[tilespmem:s14+$0x8800] =	vst v0  }
0xae: {  	v0 =	vld [tilespmem:s21+$0x0];
	[tilespmem:s14+$0x8820] =	vst v26  }
0xaf: {  	v40 =	vld [tilespmem:s14+$0x2C00];
	[tilespmem:s14+$0x8830] =	vst v27  }
0xb0: {  	v41 =	vld [tilespmem:s14+$0x2C10];
	[tilespmem:s14+$0x8840] =	vst v28  }
0xb1: {  	v30 =	vld [tilespmem:s14+$0x8D0];
	[tilespmem:s14+$0x8850] =	vst v37  }
0xb2: {  	v31 =	vld [tilespmem:s14+$0x1480];
	[tilespmem:s14+$0x8860] =	vst v38  }
0xb3: {  	v32 =	vld [tilespmem:s14+$0x1490];
	[tilespmem:s14+$0x8870] =	vst v39  }
0xb4: {  	v33 =	vld [tilespmem:s14+$0x1CC0];
	[tilespmem:s14+$0x8C00] =	vst v40  }
0xb5: {  	v34 =	vld [tilespmem:s14+$0x1CD0];
	s21 =	sor.u32 $0x90, s14;
	[tilespmem:s14+$0x8C10] =	vst v41  }
0xb6: {  	v1 =	vld [tilespmem:s21+$0x0];
	[tilespmem:s14+$0x68A0] =	vst v29  }
0xb7: {  	v35 =	vld [tilespmem:s14+$0x2880];
	[tilespmem:s14+$0x68B0] =	vst v30  }
0xb8: {  	v36 =	vld [tilespmem:s14+$0x2890];
	[tilespmem:s14+$0x68C0] =	vst v31  }
0xb9: {  	[tilespmem:s14+$0x68D0] =	vst v32  }
0xba: {  	[tilespmem:s14+$0x68E0] =	vst v33  }
0xbb: {  	[tilespmem:s14+$0x68F0] =	vst v34  }
0xbc: {  	[tilespmem:s14+$0x6C80] =	vst v35  }
0xbd: {  	v44 =	vld [tilespmem:s14+$0x8E0];
	[tilespmem:s14+$0x6C90] =	vst v36  }
0xbe: {  	v45 =	vld [tilespmem:s14+$0x8F0];
	s21 =	sor.u32 $0xA0, s14;
	[tilespmem:s14+$0x6890] =	vst v1  }
0xbf: {  	[tilespmem:s14+$0x8810] =	vst v0;
	v42 =	vld [tilespmem:s21+$0x0];
	s21 =	sor.u32 $0x420, s14  }
0xc0: {  	v0 =	vld [tilespmem:s21+$0x0]  }
0xc1: {  	v46 =	vld [tilespmem:s14+$0x14A0]  }
0xc2: {  	v47 =	vld [tilespmem:s14+$0x14B0]  }
0xc3: {  	v48 =	vld [tilespmem:s14+$0x1CE0]  }
0xc4: {  	v49 =	vld [tilespmem:s14+$0x1CF0];
	[tilespmem:s14+$0x7080] =	vst v42  }
0xc5: {  	v50 =	vld [tilespmem:s14+$0x28A0];
	s21 =	sor.u32 $0xB0, s14;
	[tilespmem:s14+$0x9000] =	vst v0  }
0xc6: {  	v43 =	vld [tilespmem:s21+$0x0];
	[tilespmem:s14+$0x70A0] =	vst v44  }
0xc7: {  	v51 =	vld [tilespmem:s14+$0x28B0];
	[tilespmem:s14+$0x70B0] =	vst v45  }
0xc8: {  	v53 =	vld [tilespmem:s14+$0xC60];
	[tilespmem:s14+$0x70C0] =	vst v46  }
0xc9: {  	v54 =	vld [tilespmem:s14+$0xC70];
	[tilespmem:s14+$0x70D0] =	vst v47  }
0xca: {  	v55 =	vld [tilespmem:s14+$0x1820];
	[tilespmem:s14+$0x70E0] =	vst v48  }
0xcb: {  	v56 =	vld [tilespmem:s14+$0x1830];
	[tilespmem:s14+$0x70F0] =	vst v49  }
0xcc: {  	v57 =	vld [tilespmem:s14+$0x2060];
	[tilespmem:s14+$0x7480] =	vst v50  }
0xcd: {  	v58 =	vld [tilespmem:s14+$0x2070];
	s21 =	sor.u32 $0x430, s14;
	[tilespmem:s14+$0x7490] =	vst v51  }
0xce: {  	v52 =	vld [tilespmem:s21+$0x0];
	[tilespmem:s14+$0x9020] =	vst v53  }
0xcf: {  	v59 =	vld [tilespmem:s14+$0x2C20];
	[tilespmem:s14+$0x9030] =	vst v54  }
0xd0: {  	v60 =	vld [tilespmem:s14+$0x2C30];
	[tilespmem:s14+$0x9040] =	vst v55  }
0xd1: {  	v62 =	vld [tilespmem:s14+$0xC80];
	[tilespmem:s14+$0x9050] =	vst v56  }
0xd2: {  	v63 =	vld [tilespmem:s14+$0xC90];
	s21 =	sor.u32 $0xC0, s14;
	[tilespmem:s14+$0x7090] =	vst v43  }
0xd3: {  	[tilespmem:s14+$0x9060] =	vst v57;
	v4 =	vld [tilespmem:s21+$0x0]  }
0xd4: {  	v8 =	vld [tilespmem:s14+$0x14C0];
	[tilespmem:s14+$0x9070] =	vst v58  }
0xd5: {  	v9 =	vld [tilespmem:s14+$0x14D0];
	[tilespmem:s14+$0x9400] =	vst v59  }
0xd6: {  	v10 =	vld [tilespmem:s14+$0x2080];
	[tilespmem:s14+$0x9410] =	vst v60  }
0xd7: {  	v11 =	vld [tilespmem:s14+$0x2090];
	[tilespmem:s14+$0x9010] =	vst v52  }
0xd8: {  	v12 =	vld [tilespmem:s14+$0x28C0];
	s21 =	sor.u32 $0xD0, s14;
	[tilespmem:s14+$0x7880] =	vst v4  }
0xd9: {  	v61 =	vld [tilespmem:s21+$0x0];
	[tilespmem:s14+$0x78A0] =	vst v62  }
0xda: {  	v13 =	vld [tilespmem:s14+$0x28D0];
	[tilespmem:s14+$0x78B0] =	vst v63  }
0xdb: {  	v16 =	vld [tilespmem:s14+$0x1000];
	[tilespmem:s14+$0x78C0] =	vst v8  }
0xdc: {  	v17 =	vld [tilespmem:s14+$0x1010];
	s21 =	sor.u32 $0x440, s14;
	[tilespmem:s14+$0x78D0] =	vst v9  }
0xdd: {  	[tilespmem:s14+$0x78E0] =	vst v10;
	v14 =	vld [tilespmem:s21+$0x0]  }
0xde: {  	v18 =	vld [tilespmem:s14+$0x1840];
	[tilespmem:s14+$0x78F0] =	vst v11  }
0xdf: {  	v27 =	vld [tilespmem:s14+$0x1850];
	[tilespmem:s14+$0x7C80] =	vst v12  }
0xe0: {  	v28 =	vld [tilespmem:s14+$0x2400];
	[tilespmem:s14+$0x7C90] =	vst v13  }
0xe1: {  	v29 =	vld [tilespmem:s14+$0x2410];
	s21 =	sor.u32 $0xE0, s14;
	[tilespmem:s14+$0x7890] =	vst v61  }
0xe2: {  	v0 =	vld [tilespmem:s21+$0x0];
	[tilespmem:s14+$0x9800] =	vst v14;
	s21 =	sor.u32 $0x450, s14  }
0xe3: {  	v15 =	vld [tilespmem:s21+$0x0];
	[tilespmem:s14+$0x9820] =	vst v16  }
0xe4: {  	v30 =	vld [tilespmem:s14+$0x2C40];
	[tilespmem:s14+$0x9830] =	vst v17  }
0xe5: {  	v31 =	vld [tilespmem:s14+$0x2C50];
	[tilespmem:s14+$0x9840] =	vst v18  }
0xe6: {  	v19 =	vld [tilespmem:s14+$0xCA0];
	[tilespmem:s14+$0x9850] =	vst v27  }
0xe7: {  	v20 =	vld [tilespmem:s14+$0xCB0];
	[tilespmem:s14+$0x9860] =	vst v28  }
0xe8: {  	v21 =	vld [tilespmem:s14+$0x14E0];
	[tilespmem:s14+$0x9870] =	vst v29  }
0xe9: {  	v22 =	vld [tilespmem:s14+$0x14F0];
	[tilespmem:s14+$0x9C00] =	vst v30  }
0xea: {  	v23 =	vld [tilespmem:s14+$0x20A0];
	[tilespmem:s14+$0x9C10] =	vst v31  }
0xeb: {  	v24 =	vld [tilespmem:s14+$0x20B0];
	s21 =	sor.u32 $0xF0, s14;
	[tilespmem:s14+$0x8080] =	vst v0  }
0xec: {  	v0 =	vld [tilespmem:s21+$0x0];
	[tilespmem:s14+$0x80A0] =	vst v19  }
0xed: {  	v25 =	vld [tilespmem:s14+$0x28E0];
	[tilespmem:s14+$0x80B0] =	vst v20  }
0xee: {  	v26 =	vld [tilespmem:s14+$0x28F0];
	[tilespmem:s14+$0x80C0] =	vst v21  }
0xef: {  	[tilespmem:s14+$0x80D0] =	vst v22  }
0xf0: {  	[tilespmem:s14+$0x80E0] =	vst v23  }
0xf1: {  	[tilespmem:s14+$0x80F0] =	vst v24  }
0xf2: {  	[tilespmem:s14+$0x8480] =	vst v25  }
0xf3: {  	v37 =	vld [tilespmem:s14+$0x1890];
	[tilespmem:s14+$0x8490] =	vst v26  }
0xf4: {  	v38 =	vld [tilespmem:s14+$0x20C0];
	s21 =	sor.u32 $0x480, s14;
	[tilespmem:s14+$0x8090] =	vst v0  }
0xf5: {  	[tilespmem:s14+$0x9810] =	vst v15;
	v32 =	vld [tilespmem:s21+$0x0];
	s21 =	sor.u32 $0x460, s14  }
0xf6: {  	v0 =	vld [tilespmem:s21+$0x0]  }
0xf7: {  	v34 =	vld [tilespmem:s14+$0xCC0]  }
0xf8: {  	v35 =	vld [tilespmem:s14+$0xCD0]  }
0xf9: {  	v36 =	vld [tilespmem:s14+$0x1880]  }
0xfa: {  	v39 =	vld [tilespmem:s14+$0x20D0];
	[tilespmem:s14+$0x8880] =	vst v32  }
0xfb: {  	v40 =	vld [tilespmem:s14+$0x2C80];
	s21 =	sor.u32 $0x490, s14;
	[tilespmem:s14+$0xA000] =	vst v0  }
0xfc: {  	v33 =	vld [tilespmem:s21+$0x0];
	[tilespmem:s14+$0x88A0] =	vst v34  }
0xfd: {  	v41 =	vld [tilespmem:s14+$0x2C90];
	[tilespmem:s14+$0x88B0] =	vst v35  }
0xfe: {  	v44 =	vld [tilespmem:s14+$0x1030];
	[tilespmem:s14+$0x88C0] =	vst v36  }
0xff: {  	v43 =	vld [tilespmem:s14+$0x1020];
	[tilespmem:s14+$0x88D0] =	vst v37  }
0x100: {  	v45 =	vld [tilespmem:s14+$0x1860];
	[tilespmem:s14+$0x88E0] =	vst v38  }
0x101: {  	v46 =	vld [tilespmem:s14+$0x1870];
	[tilespmem:s14+$0x88F0] =	vst v39  }
0x102: {  	v47 =	vld [tilespmem:s14+$0x2420];
	[tilespmem:s14+$0x8C80] =	vst v40  }
0x103: {  	v48 =	vld [tilespmem:s14+$0x2430];
	s21 =	sor.u32 $0x470, s14;
	[tilespmem:s14+$0x8C90] =	vst v41  }
0x104: {  	v42 =	vld [tilespmem:s21+$0x0];
	[tilespmem:s14+$0xA020] =	vst v43  }
0x105: {  	v49 =	vld [tilespmem:s14+$0x2C60];
	[tilespmem:s14+$0xA030] =	vst v44  }
0x106: {  	v50 =	vld [tilespmem:s14+$0x2C70];
	[tilespmem:s14+$0xA040] =	vst v45  }
0x107: {  	v60 =	vld [tilespmem:s14+$0x800];
	[tilespmem:s14+$0xA050] =	vst v46  }
0x108: {  	v61 =	vld [tilespmem:s14+$0x810];
	[tilespmem:s14+$0xA060] =	vst v47  }
0x109: {  	v62 =	vld [tilespmem:s14+$0x1040];
	[tilespmem:s14+$0xA070] =	vst v48  }
0x10a: {  	v63 =	vld [tilespmem:s14+$0x1050];
	[tilespmem:s14+$0xA400] =	vst v49  }
0x10b: {  	v8 =	vld [tilespmem:s14+$0x1C00];
	[tilespmem:s14+$0xA410] =	vst v50  }
0x10c: {  	v10 =	vld [tilespmem:s14+$0x1C10];
	[tilespmem:s14+$0xA800] =	vst v60  }
0x10d: {  	v53 =	vld [tilespmem:s14+$0xCF0];
	[tilespmem:s14+$0xA810] =	vst v61  }
0x10e: {  	v11 =	vld [tilespmem:s14+$0x2440];
	[tilespmem:s14+$0xA820] =	vst v62  }
0x10f: {  	v12 =	vld [tilespmem:s14+$0x2450];
	[tilespmem:s14+$0xA830] =	vst v63  }
0x110: {  	v13 =	vld [tilespmem:s14+$0x3000];
	[tilespmem:s14+$0xA840] =	vst v8  }
0x111: {  	v14 =	vld [tilespmem:s14+$0x3010];
	[tilespmem:s14+$0xA850] =	vst v10  }
0x112: {  	v24 =	vld [tilespmem:s14+$0x820];
	s21 =	sor.u32 $0x4A0, s14;
	[tilespmem:s14+$0x8890] =	vst v33  }
0x113: {  	[tilespmem:s14+$0xA860] =	vst v11;
	v4 =	vld [tilespmem:s21+$0x0]  }
0x114: {  	v52 =	vld [tilespmem:s14+$0xCE0];
	[tilespmem:s14+$0xA870] =	vst v12  }
0x115: {  	v54 =	vld [tilespmem:s14+$0x18A0];
	[tilespmem:s14+$0xAC00] =	vst v13  }
0x116: {  	v55 =	vld [tilespmem:s14+$0x18B0];
	[tilespmem:s14+$0xAC10] =	vst v14  }
0x117: {  	v56 =	vld [tilespmem:s14+$0x20E0];
	[tilespmem:s14+$0xB000] =	vst v24  }
0x118: {  	v57 =	vld [tilespmem:s14+$0x20F0];
	s21 =	sor.u32 $0x4B0, s14;
	[tilespmem:s14+$0x9080] =	vst v4  }
0x119: {  	v51 =	vld [tilespmem:s21+$0x0];
	[tilespmem:s14+$0x90A0] =	vst v52  }
0x11a: {  	v58 =	vld [tilespmem:s14+$0x2CA0];
	[tilespmem:s14+$0x90B0] =	vst v53  }
0x11b: {  	v59 =	vld [tilespmem:s14+$0x2CB0];
	[tilespmem:s14+$0x90C0] =	vst v54  }
0x11c: {  	v16 =	vld [tilespmem:s14+$0x1080];
	[tilespmem:s14+$0x90D0] =	vst v55  }
0x11d: {  	v25 =	vld [tilespmem:s14+$0x830];
	[tilespmem:s14+$0x90E0] =	vst v56  }
0x11e: {  	v26 =	vld [tilespmem:s14+$0x1060];
	[tilespmem:s14+$0x90F0] =	vst v57  }
0x11f: {  	v27 =	vld [tilespmem:s14+$0x1070];
	[tilespmem:s14+$0x9480] =	vst v58  }
0x120: {  	v28 =	vld [tilespmem:s14+$0x1C20];
	[tilespmem:s14+$0x9490] =	vst v59  }
0x121: {  	v30 =	vld [tilespmem:s14+$0x1C30];
	s21 =	sor.u32 $0x4C0, s14;
	[tilespmem:s14+$0x9090] =	vst v51  }
0x122: {  	[tilespmem:s14+$0xB010] =	vst v25;
	v9 =	vld [tilespmem:s21+$0x0]  }
0x123: {  	v17 =	vld [tilespmem:s14+$0x1090];
	[tilespmem:s14+$0xB020] =	vst v26  }
0x124: {  	v18 =	vld [tilespmem:s14+$0x18C0];
	[tilespmem:s14+$0xB030] =	vst v27  }
0x125: {  	v19 =	vld [tilespmem:s14+$0x18D0];
	[tilespmem:s14+$0xB040] =	vst v28  }
0x126: {  	v20 =	vld [tilespmem:s14+$0x2480];
	[tilespmem:s14+$0xB050] =	vst v30  }
0x127: {  	v21 =	vld [tilespmem:s14+$0x2490];
	s21 =	sor.u32 $0x4D0, s14;
	[tilespmem:s14+$0x9880] =	vst v9  }
0x128: {  	v15 =	vld [tilespmem:s21+$0x0];
	[tilespmem:s14+$0x98A0] =	vst v16  }
0x129: {  	v22 =	vld [tilespmem:s14+$0x2CC0];
	[tilespmem:s14+$0x98B0] =	vst v17  }
0x12a: {  	v23 =	vld [tilespmem:s14+$0x2CD0];
	[tilespmem:s14+$0x98C0] =	vst v18  }
0x12b: {  	[tilespmem:s14+$0x98D0] =	vst v19  }
0x12c: {  	v31 =	vld [tilespmem:s14+$0x2460];
	[tilespmem:s14+$0x98E0] =	vst v20  }
0x12d: {  	v32 =	vld [tilespmem:s14+$0x2470];
	[tilespmem:s14+$0x98F0] =	vst v21  }
0x12e: {  	v34 =	vld [tilespmem:s14+$0x3030];
	[tilespmem:s14+$0x9C80] =	vst v22  }
0x12f: {  	v36 =	vld [tilespmem:s14+$0x10A0];
	[tilespmem:s14+$0x9C90] =	vst v23  }
0x130: {  	v33 =	vld [tilespmem:s14+$0x3020];
	s21 =	sor.u32 $0x4E0, s14;
	[tilespmem:s14+$0x9890] =	vst v15  }
0x131: {  	[tilespmem:s14+$0xB060] =	vst v31;
	v29 =	vld [tilespmem:s21+$0x0]  }
0x132: {  	v37 =	vld [tilespmem:s14+$0x10B0];
	[tilespmem:s14+$0xB070] =	vst v32  }
0x133: {  	v38 =	vld [tilespmem:s14+$0x18E0];
	[tilespmem:s14+$0xB410] =	vst v34  }
0x134: {  	v39 =	vld [tilespmem:s14+$0x18F0];
	[tilespmem:s14+$0xA010] =	vst v42  }
0x135: {  	v40 =	vld [tilespmem:s14+$0x24A0];
	[tilespmem:s14+$0xB400] =	vst v33  }
0x136: {  	v41 =	vld [tilespmem:s14+$0x24B0];
	s21 =	sor.u32 $0x4F0, s14;
	[tilespmem:s14+$0xA080] =	vst v29  }
0x137: {  	v35 =	vld [tilespmem:s21+$0x0];
	[tilespmem:s14+$0xA0A0] =	vst v36  }
0x138: {  	v42 =	vld [tilespmem:s14+$0x2CE0];
	[tilespmem:s14+$0xA0B0] =	vst v37  }
0x139: {  	v43 =	vld [tilespmem:s14+$0x2CF0];
	[tilespmem:s14+$0xA0C0] =	vst v38  }
0x13a: {  	v44 =	vld [tilespmem:s14+$0x880];
	[tilespmem:s14+$0xA0D0] =	vst v39  }
0x13b: {  	v45 =	vld [tilespmem:s14+$0x890];
	[tilespmem:s14+$0xA0E0] =	vst v40  }
0x13c: {  	v46 =	vld [tilespmem:s14+$0x10C0];
	[tilespmem:s14+$0xA0F0] =	vst v41  }
0x13d: {  	v47 =	vld [tilespmem:s14+$0x10D0];
	[tilespmem:s14+$0xA480] =	vst v42  }
0x13e: {  	v48 =	vld [tilespmem:s14+$0x1C80];
	[tilespmem:s14+$0xA490] =	vst v43  }
0x13f: {  	v49 =	vld [tilespmem:s14+$0x1C90];
	[tilespmem:s14+$0xA880] =	vst v44  }
0x140: {  	v50 =	vld [tilespmem:s14+$0x24C0];
	[tilespmem:s14+$0xA890] =	vst v45  }
0x141: {  	v51 =	vld [tilespmem:s14+$0x24D0];
	[tilespmem:s14+$0xA8A0] =	vst v46  }
0x142: {  	v52 =	vld [tilespmem:s14+$0x3080];
	[tilespmem:s14+$0xA8B0] =	vst v47  }
0x143: {  	v53 =	vld [tilespmem:s14+$0x3090];
	[tilespmem:s14+$0xA8C0] =	vst v48  }
0x144: {  	v54 =	vld [tilespmem:s14+$0x8A0];
	[tilespmem:s14+$0xA8D0] =	vst v49  }
0x145: {  	v55 =	vld [tilespmem:s14+$0x8B0];
	[tilespmem:s14+$0xA8E0] =	vst v50  }
0x146: {  	v56 =	vld [tilespmem:s14+$0x10E0];
	[tilespmem:s14+$0xA8F0] =	vst v51  }
0x147: {  	v57 =	vld [tilespmem:s14+$0x10F0];
	[tilespmem:s14+$0xAC80] =	vst v52  }
0x148: {  	v58 =	vld [tilespmem:s14+$0x1CA0];
	[tilespmem:s14+$0xAC90] =	vst v53  }
0x149: {  	v59 =	vld [tilespmem:s14+$0x1CB0];
	[tilespmem:s14+$0xB080] =	vst v54  }
0x14a: {  	v60 =	vld [tilespmem:s14+$0x24E0];
	[tilespmem:s14+$0xB090] =	vst v55  }
0x14b: {  	v61 =	vld [tilespmem:s14+$0x24F0];
	[tilespmem:s14+$0xB0A0] =	vst v56  }
0x14c: {  	v62 =	vld [tilespmem:s14+$0x30A0];
	[tilespmem:s14+$0xB0B0] =	vst v57  }
0x14d: {  	v63 =	vld [tilespmem:s14+$0x30B0];
	[tilespmem:s14+$0xB0C0] =	vst v58  }
0x14e: {  	p1 =	slt.u32 s2, $0x6;
	[tilespmem:s14+$0xB0D0] =	vst v59  }
.Ltmp2:
0x14f: {  	[tilespmem:s14+$0xB0E0] =	vst v60;
	(pc) =	sbr.rel @p1 .LBB2_3-.Ltmp2, $4  }
0x150: {  	[tilespmem:s14+$0xB0F0] =	vst v61  }
0x151: {  	[tilespmem:s14+$0xB480] =	vst v62  }
0x152: {  	s21 =	sadd.s32 $0x2, s2;
	[tilespmem:s14+$0xB490] =	vst v63  }
0x153: {  	s2 =	smov.u32 s21;
	[tilespmem:s14+$0xA090] =	vst v35  }
0x154: {  	s2 =	sshll.u32 s31, $0x9  }
0x155: {  	s14 =	sadd.s32 s16, s2  }
0x156: {  	s21 =	simm.s32 $0x6800;
	s17 =	sadd.s32 s4, s14  }
0x157: {  	[hbm4b:s17+s3] =	stream.linear.scatter [tilespmem:s21], [sflag:$0x3], $0x800, $0x38;
	[tilespmem:$0x10800] =	vst v63  }
0x158: {  	s17 =	sadd.s32 s9, s14;
	s21 =	simm.s32 $0x7000  }
0x159: {  	[hbm4b:s17+s3] =	stream.linear.scatter [tilespmem:s21], [sflag:$0x3], $0x800, $0x38;
	[tilespmem:$0x10800] =	vst v63  }
0x15a: {  	s17 =	sadd.s32 s5, s14;
	s21 =	simm.s32 $0x7800  }
0x15b: {  	[hbm4b:s17+s3] =	stream.linear.scatter [tilespmem:s21], [sflag:$0x3], $0x800, $0x38;
	[tilespmem:$0x10800] =	vst v63  }
0x15c: {  	s17 =	sadd.s32 s6, s14;
	s21 =	simm.s32 $0x8000  }
0x15d: {  	[hbm4b:s17+s3] =	stream.linear.scatter [tilespmem:s21], [sflag:$0x3], $0x800, $0x38;
	[tilespmem:$0x10800] =	vst v63  }
0x15e: {  	s17 =	sadd.s32 s7, s14;
	s21 =	simm.s32 $0x8800  }
0x15f: {  	[hbm4b:s17+s3] =	stream.linear.scatter [tilespmem:s21], [sflag:$0x3], $0x800, $0x38;
	[tilespmem:$0x10800] =	vst v63  }
0x160: {  	s17 =	sadd.s32 s8, s14;
	s21 =	simm.s32 $0x9000  }
0x161: {  	[hbm4b:s17+s3] =	stream.linear.scatter [tilespmem:s21], [sflag:$0x3], $0x800, $0x38;
	[tilespmem:$0x10800] =	vst v63  }
0x162: {  	s17 =	sadd.s32 s10, s14;
	s21 =	simm.s32 $0x9800  }
0x163: {  	[hbm4b:s17+s3] =	stream.linear.scatter [tilespmem:s21], [sflag:$0x3], $0x800, $0x38;
	[tilespmem:$0x10800] =	vst v63  }
0x164: {  	p1 =	sne.s32 s31, $0x1F;
	s17 =	sadd.s32 s11, s14;
	s21 =	simm.s32 $0xA000  }
0x165: {  	[hbm4b:s17+s3] =	stream.linear.scatter [tilespmem:s21], [sflag:$0x3], $0x800, $0x38;
	[tilespmem:$0x10800] =	vst v63  }
.Ltmp3:
0x166: {  	_ = 	snop;
	(pc) =	sbr.rel @p1 .LBB2_6-.Ltmp3, $4  }
0x167: {  	s17 =	sadd.s32 s12, s14;
	s21 =	simm.s32 $0xA800  }
0x168: {  	[hbm4b:s17+s3] =	stream.linear.scatter [tilespmem:s21], [sflag:$0x3], $0x800, $0x38;
	[tilespmem:$0x10800] =	vst v63  }
0x169: {  	s14 =	sadd.s32 s13, s14;
	s21 =	simm.s32 $0xB000  }
0x16a: {  	[hbm4b:s14+s3] =	stream.linear.scatter [tilespmem:s21], [sflag:$0x3], $0x800, $0x38;
	[tilespmem:$0x10800] =	vst v63  }
.Ltmp4:
0x16b: {  	(pc) =	sbr.rel .LBB2_7-.Ltmp4, $4  }
0x16c: {  	_ = 	snop  }
0x16d: {  	_ =	swait.ge [sflag:s15], $0x3400  }
0x16e: {  	[sflag:s15] =	ssyncset.done $0x0  }
0x16f: {  	[sflag:s15] =	ssyncadd.s32 $0xFFFFCC00  }
.LBB2_6:
0x170: {  	s14 =	rddreg [dreg:$0x5]  }
0x171: {  	s14 =	sadd.s32 s0, s14  }
0x172: {  	s14 =	smul.u32 $0xC80, s14;
	_ =	sdelay $0x1  }
.Ltmp5:
0x173: {  	s14 =	sadd.s32 s1, s14;
	(pc) =	sbr.rel @p0 .LBB2_8-.Ltmp5, $4  }
0x174: {  	[tilespmem:s3], [sflag:$0x1] =	stream.linear.gather [hbm4b:s14+s3], $0x3400, $0x38;
	[tilespmem:$0x10800] =	vst v63  }
0x175: {  	_ =	swait.ge [sflag:s15], $0x3400  }
0x176: {  	[sflag:s15] =	ssyncset.done $0x0  }
0x177: {  	[sflag:s15] =	ssyncadd.s32 $0xFFFFCC00  }
.LBB2_7:
0x178: {  	_ =	swait.ge [sflag:s19], $0x800  }
0x179: {  	[sflag:s19] =	ssyncset.done $0x0  }
0x17a: {  	[sflag:s19] =	ssyncadd.s32 $0xFFFFF800  }
0x17b: {  	_ =	swait.ge [sflag:s19], $0x800  }
0x17c: {  	[sflag:s19] =	ssyncset.done $0x0  }
0x17d: {  	[sflag:s19] =	ssyncadd.s32 $0xFFFFF800  }
0x17e: {  	_ =	swait.ge [sflag:s19], $0x800  }
0x17f: {  	[sflag:s19] =	ssyncset.done $0x0  }
0x180: {  	[sflag:s19] =	ssyncadd.s32 $0xFFFFF800  }
0x181: {  	_ =	swait.ge [sflag:s19], $0x800  }
0x182: {  	[sflag:s19] =	ssyncset.done $0x0  }
0x183: {  	[sflag:s19] =	ssyncadd.s32 $0xFFFFF800  }
0x184: {  	_ =	swait.ge [sflag:s19], $0x800  }
0x185: {  	[sflag:s19] =	ssyncset.done $0x0  }
0x186: {  	[sflag:s19] =	ssyncadd.s32 $0xFFFFF800  }
0x187: {  	_ =	swait.ge [sflag:s19], $0x800  }
0x188: {  	[sflag:s19] =	ssyncset.done $0x0  }
0x189: {  	[sflag:s19] =	ssyncadd.s32 $0xFFFFF800  }
0x18a: {  	_ =	swait.ge [sflag:s19], $0x800  }
0x18b: {  	[sflag:s19] =	ssyncset.done $0x0  }
0x18c: {  	[sflag:s19] =	ssyncadd.s32 $0xFFFFF800  }
0x18d: {  	_ =	swait.ge [sflag:s19], $0x800  }
0x18e: {  	[sflag:s19] =	ssyncset.done $0x0  }
0x18f: {  	[sflag:s19] =	ssyncadd.s32 $0xFFFFF800  }
0x190: {  	_ =	swait.ge [sflag:s19], $0x800  }
0x191: {  	[sflag:s19] =	ssyncset.done $0x0  }
0x192: {  	[sflag:s19] =	ssyncadd.s32 $0xFFFFF800  }
0x193: {  	_ =	swait.ge [sflag:s19], $0x800  }
0x194: {  	[sflag:s19] =	ssyncset.done $0x0  }
0x195: {  	[sflag:s19] =	ssyncadd.s32 $0xFFFFF800  }
.LBB2_8:
0x196: {  	s14 =	simm.s32 $0x0  }
0x197: {  	v0 =	vld [tilespmem:s14+$0x3400]  }
0x198: {  	v1 =	vld [tilespmem:s14+$0x3410]  }
0x199: {  	v2 =	vld [tilespmem:s14+$0x3C40]  }
0x19a: {  	v3 =	vld [tilespmem:s14+$0x3C50]  }
0x19b: {  	v4 =	vld [tilespmem:s14+$0x4800]  }
0x19c: {  	v5 =	vld [tilespmem:s14+$0x64B0]  }
0x19d: {  	v6 =	vld [tilespmem:s14+$0x3490];
	[tilespmem:s14+$0xB800] =	vst v0  }
0x19e: {  	v7 =	vld [tilespmem:s14+$0x3CC0];
	[tilespmem:s14+$0xB810] =	vst v1  }
0x19f: {  	v8 =	vld [tilespmem:s14+$0x3CD0];
	[tilespmem:s14+$0xB820] =	vst v2  }
0x1a0: {  	v45 =	vld [tilespmem:s14+$0x4820];
	[tilespmem:s14+$0xB830] =	vst v3  }
0x1a1: {  	v46 =	vld [tilespmem:s14+$0x3CE0];
	[tilespmem:s14+$0xB840] =	vst v4  }
0x1a2: {  	v47 =	vld [tilespmem:s14+$0x4010];
	[tilespmem:s14+$0x10490] =	vst v5  }
0x1a3: {  	v48 =	vld [tilespmem:s14+$0x34D0];
	[tilespmem:s14+$0xB890] =	vst v6  }
0x1a4: {  	v49 =	vld [tilespmem:s14+$0x4020];
	[tilespmem:s14+$0xB8A0] =	vst v7  }
0x1a5: {  	v50 =	vld [tilespmem:s14+$0x34E0];
	[tilespmem:s14+$0xB8B0] =	vst v8  }
0x1a6: {  	v51 =	vld [tilespmem:s14+$0x3810];
	[tilespmem:s14+$0xC040] =	vst v45  }
0x1a7: {  	v52 =	vld [tilespmem:s14+$0x5CF0];
	[tilespmem:s14+$0xC0A0] =	vst v46  }
0x1a8: {  	v53 =	vld [tilespmem:s14+$0x3820];
	[tilespmem:s14+$0xC830] =	vst v47  }
0x1a9: {  	v54 =	vld [tilespmem:s14+$0x6080];
	[tilespmem:s14+$0xC890] =	vst v48  }
0x1aa: {  	v55 =	vld [tilespmem:s14+$0x6030];
	[tilespmem:s14+$0xD020] =	vst v49  }
0x1ab: {  	v56 =	vld [tilespmem:s14+$0x54F0];
	[tilespmem:s14+$0xD080] =	vst v50  }
0x1ac: {  	v57 =	vld [tilespmem:s14+$0x6040];
	[tilespmem:s14+$0xD810] =	vst v51  }
0x1ad: {  	v58 =	vld [tilespmem:s14+$0x5880];
	[tilespmem:s14+$0xD490] =	vst v52  }
0x1ae: {  	v0 =	vld [tilespmem:s14+$0x4810];
	[tilespmem:s14+$0xE000] =	vst v53  }
0x1af: {  	v1 =	vld [tilespmem:s14+$0x5040];
	[tilespmem:s14+$0xDC80] =	vst v54  }
0x1b0: {  	v5 =	vld [tilespmem:s14+$0x3480];
	[tilespmem:s14+$0xE410] =	vst v55  }
0x1b1: {  	v2 =	vld [tilespmem:s14+$0x5050];
	[tilespmem:s14+$0xE0F0] =	vst v56  }
0x1b2: {  	v3 =	vld [tilespmem:s14+$0x5C00];
	[tilespmem:s14+$0xEC00] =	vst v57  }
0x1b3: {  	v4 =	vld [tilespmem:s14+$0x5C10];
	[tilespmem:s14+$0xB850] =	vst v0  }
0x1b4: {  	v6 =	vld [tilespmem:s14+$0x3C60];
	[tilespmem:s14+$0xB860] =	vst v1  }
0x1b5: {  	v7 =	vld [tilespmem:s14+$0x3C70];
	[tilespmem:s14+$0xB880] =	vst v5  }
0x1b6: {  	v0 =	vld [tilespmem:s14+$0x3420];
	[tilespmem:s14+$0xB870] =	vst v2  }
0x1b7: {  	v1 =	vld [tilespmem:s14+$0x4880];
	[tilespmem:s14+$0xBC00] =	vst v3  }
0x1b8: {  	v5 =	vld [tilespmem:s14+$0x3430];
	[tilespmem:s14+$0xBC10] =	vst v4  }
0x1b9: {  	v2 =	vld [tilespmem:s14+$0x4890];
	[tilespmem:s14+$0xC020] =	vst v6  }
0x1ba: {  	v3 =	vld [tilespmem:s14+$0x50C0];
	[tilespmem:s14+$0xC030] =	vst v7  }
0x1bb: {  	v4 =	vld [tilespmem:s14+$0x50D0];
	[tilespmem:s14+$0xE8E0] =	vst v58  }
0x1bc: {  	v6 =	vld [tilespmem:s14+$0x34A0];
	[tilespmem:s14+$0xC000] =	vst v0  }
0x1bd: {  	v7 =	vld [tilespmem:s14+$0x34B0];
	[tilespmem:s14+$0xB8C0] =	vst v1  }
0x1be: {  	v59 =	vld [tilespmem:s14+$0x5830];
	[tilespmem:s14+$0xC010] =	vst v5  }
0x1bf: {  	v0 =	vld [tilespmem:s14+$0x5C80];
	[tilespmem:s14+$0xB8D0] =	vst v2  }
0x1c0: {  	v1 =	vld [tilespmem:s14+$0x4830];
	[tilespmem:s14+$0xB8E0] =	vst v3  }
0x1c1: {  	v5 =	vld [tilespmem:s14+$0x5C90];
	[tilespmem:s14+$0xB8F0] =	vst v4  }
0x1c2: {  	v2 =	vld [tilespmem:s14+$0x5060];
	[tilespmem:s14+$0xC080] =	vst v6  }
0x1c3: {  	v3 =	vld [tilespmem:s14+$0x5070];
	[tilespmem:s14+$0xC090] =	vst v7  }
0x1c4: {  	v4 =	vld [tilespmem:s14+$0x5C20];
	[tilespmem:s14+$0xF070] =	vst v59  }
0x1c5: {  	v6 =	vld [tilespmem:s14+$0x3450];
	[tilespmem:s14+$0xBC80] =	vst v0  }
0x1c6: {  	v7 =	vld [tilespmem:s14+$0x4000];
	[tilespmem:s14+$0xC050] =	vst v1  }
0x1c7: {  	v60 =	vld [tilespmem:s14+$0x4CF0];
	[tilespmem:s14+$0xBC90] =	vst v5  }
0x1c8: {  	v0 =	vld [tilespmem:s14+$0x5C30];
	[tilespmem:s14+$0xC060] =	vst v2  }
0x1c9: {  	v1 =	vld [tilespmem:s14+$0x3CF0];
	[tilespmem:s14+$0xC070] =	vst v3  }
0x1ca: {  	v5 =	vld [tilespmem:s14+$0x3440];
	[tilespmem:s14+$0xC400] =	vst v4  }
0x1cb: {  	v2 =	vld [tilespmem:s14+$0x48A0];
	[tilespmem:s14+$0xC810] =	vst v6  }
0x1cc: {  	v3 =	vld [tilespmem:s14+$0x48B0];
	[tilespmem:s14+$0xC820] =	vst v7  }
0x1cd: {  	v4 =	vld [tilespmem:s14+$0x50E0];
	[tilespmem:s14+$0xF0D0] =	vst v60  }
0x1ce: {  	v6 =	vld [tilespmem:s14+$0x5CB0];
	[tilespmem:s14+$0xC410] =	vst v0  }
0x1cf: {  	v7 =	vld [tilespmem:s14+$0x34C0];
	[tilespmem:s14+$0xC0B0] =	vst v1  }
0x1d0: {  	v61 =	vld [tilespmem:s14+$0x5840];
	[tilespmem:s14+$0xC800] =	vst v5  }
0x1d1: {  	v0 =	vld [tilespmem:s14+$0x50F0];
	[tilespmem:s14+$0xC0C0] =	vst v2  }
0x1d2: {  	v1 =	vld [tilespmem:s14+$0x4840];
	[tilespmem:s14+$0xC0D0] =	vst v3  }
0x1d3: {  	v5 =	vld [tilespmem:s14+$0x5CA0];
	[tilespmem:s14+$0xC0E0] =	vst v4  }
0x1d4: {  	v2 =	vld [tilespmem:s14+$0x4850];
	[tilespmem:s14+$0xC490] =	vst v6  }
0x1d5: {  	v3 =	vld [tilespmem:s14+$0x5400];
	[tilespmem:s14+$0xC880] =	vst v7  }
0x1d6: {  	v4 =	vld [tilespmem:s14+$0x5410];
	[tilespmem:s14+$0xF860] =	vst v61  }
0x1d7: {  	v6 =	vld [tilespmem:s14+$0x3460];
	[tilespmem:s14+$0xC0F0] =	vst v0  }
0x1d8: {  	v7 =	vld [tilespmem:s14+$0x3470];
	[tilespmem:s14+$0xC840] =	vst v1  }
0x1d9: {  	v62 =	vld [tilespmem:s14+$0x5080];
	[tilespmem:s14+$0xC480] =	vst v5  }
0x1da: {  	v0 =	vld [tilespmem:s14+$0x5C40];
	[tilespmem:s14+$0xC850] =	vst v2  }
0x1db: {  	v1 =	vld [tilespmem:s14+$0x4080];
	[tilespmem:s14+$0xC860] =	vst v3  }
0x1dc: {  	v5 =	vld [tilespmem:s14+$0x5C50];
	[tilespmem:s14+$0xC870] =	vst v4  }
0x1dd: {  	v2 =	vld [tilespmem:s14+$0x4090];
	[tilespmem:s14+$0xD000] =	vst v6  }
0x1de: {  	v3 =	vld [tilespmem:s14+$0x48C0];
	[tilespmem:s14+$0xD010] =	vst v7  }
0x1df: {  	v4 =	vld [tilespmem:s14+$0x48D0];
	[tilespmem:s14+$0xF8C0] =	vst v62  }
0x1e0: {  	v6 =	vld [tilespmem:s14+$0x5CC0];
	[tilespmem:s14+$0xCC00] =	vst v0  }
0x1e1: {  	v7 =	vld [tilespmem:s14+$0x5CD0];
	[tilespmem:s14+$0xC8A0] =	vst v1  }
0x1e2: {  	v63 =	vld [tilespmem:s14+$0x5030];
	[tilespmem:s14+$0xCC10] =	vst v5  }
0x1e3: {  	v9 =	vld [tilespmem:s14+$0x6490];
	[tilespmem:s14+$0xC8B0] =	vst v2  }
0x1e4: {  	v0 =	vld [tilespmem:s14+$0x5480];
	[tilespmem:s14+$0xC8C0] =	vst v3  }
0x1e5: {  	v1 =	vld [tilespmem:s14+$0x4030];
	[tilespmem:s14+$0xC8D0] =	vst v4  }
0x1e6: {  	v5 =	vld [tilespmem:s14+$0x5490];
	[tilespmem:s14+$0xCC80] =	vst v6  }
0x1e7: {  	v2 =	vld [tilespmem:s14+$0x4860];
	[tilespmem:s14+$0xCC90] =	vst v7  }
0x1e8: {  	v3 =	vld [tilespmem:s14+$0x4870];
	[tilespmem:s14+$0x10050] =	vst v63  }
0x1e9: {  	[tilespmem:s14+$0xFC90] =	vst v9  }
0x1ea: {  	v4 =	vld [tilespmem:s14+$0x5420];
	[tilespmem:s14+$0xC8E0] =	vst v0  }
0x1eb: {  	v6 =	vld [tilespmem:s14+$0x5C70];
	[tilespmem:s14+$0xD030] =	vst v1  }
0x1ec: {  	v7 =	vld [tilespmem:s14+$0x3800];
	[tilespmem:s14+$0xC8F0] =	vst v5  }
0x1ed: {  	v0 =	vld [tilespmem:s14+$0x5430];
	[tilespmem:s14+$0xD040] =	vst v2  }
0x1ee: {  	v1 =	vld [tilespmem:s14+$0x34F0];
	[tilespmem:s14+$0xD050] =	vst v3  }
0x1ef: {  	v5 =	vld [tilespmem:s14+$0x5C60];
	[tilespmem:s14+$0xD060] =	vst v4  }
0x1f0: {  	v2 =	vld [tilespmem:s14+$0x40A0];
	[tilespmem:s14+$0xD410] =	vst v6  }
0x1f1: {  	v3 =	vld [tilespmem:s14+$0x40B0];
	[tilespmem:s14+$0xD800] =	vst v7  }
0x1f2: {  	v4 =	vld [tilespmem:s14+$0x48E0];
	[tilespmem:s14+$0xD070] =	vst v0  }
0x1f3: {  	v6 =	vld [tilespmem:s14+$0x54B0];
	[tilespmem:s14+$0xD090] =	vst v1  }
0x1f4: {  	v7 =	vld [tilespmem:s14+$0x5CE0];
	[tilespmem:s14+$0xD400] =	vst v5  }
0x1f5: {  	v0 =	vld [tilespmem:s14+$0x48F0];
	[tilespmem:s14+$0xD0A0] =	vst v2  }
0x1f6: {  	v1 =	vld [tilespmem:s14+$0x4040];
	[tilespmem:s14+$0xD0B0] =	vst v3  }
0x1f7: {  	v5 =	vld [tilespmem:s14+$0x54A0];
	[tilespmem:s14+$0xD0C0] =	vst v4  }
0x1f8: {  	v2 =	vld [tilespmem:s14+$0x4050];
	[tilespmem:s14+$0xD0F0] =	vst v6  }
0x1f9: {  	v3 =	vld [tilespmem:s14+$0x4C00];
	[tilespmem:s14+$0xD480] =	vst v7  }
0x1fa: {  	v4 =	vld [tilespmem:s14+$0x4C10];
	[tilespmem:s14+$0xD0D0] =	vst v0  }
0x1fb: {  	v6 =	vld [tilespmem:s14+$0x6000];
	[tilespmem:s14+$0xD820] =	vst v1  }
0x1fc: {  	v7 =	vld [tilespmem:s14+$0x6010];
	[tilespmem:s14+$0xD0E0] =	vst v5  }
0x1fd: {  	v0 =	vld [tilespmem:s14+$0x5440];
	[tilespmem:s14+$0xD830] =	vst v2  }
0x1fe: {  	v1 =	vld [tilespmem:s14+$0x3880];
	[tilespmem:s14+$0xD840] =	vst v3  }
0x1ff: {  	v5 =	vld [tilespmem:s14+$0x5450];
	[tilespmem:s14+$0xD850] =	vst v4  }
0x200: {  	v2 =	vld [tilespmem:s14+$0x3890];
	[tilespmem:s14+$0xDC00] =	vst v6  }
0x201: {  	v3 =	vld [tilespmem:s14+$0x40C0];
	[tilespmem:s14+$0xDC10] =	vst v7  }
0x202: {  	v4 =	vld [tilespmem:s14+$0x40D0];
	[tilespmem:s14+$0xD860] =	vst v0  }
0x203: {  	v6 =	vld [tilespmem:s14+$0x54C0];
	[tilespmem:s14+$0xD880] =	vst v1  }
0x204: {  	v7 =	vld [tilespmem:s14+$0x54D0];
	[tilespmem:s14+$0xD870] =	vst v5  }
0x205: {  	v0 =	vld [tilespmem:s14+$0x4C80];
	[tilespmem:s14+$0xD890] =	vst v2  }
0x206: {  	v1 =	vld [tilespmem:s14+$0x3830];
	[tilespmem:s14+$0xD8A0] =	vst v3  }
0x207: {  	v5 =	vld [tilespmem:s14+$0x4C90];
	[tilespmem:s14+$0xD8B0] =	vst v4  }
0x208: {  	v2 =	vld [tilespmem:s14+$0x4060];
	[tilespmem:s14+$0xD8E0] =	vst v6  }
0x209: {  	v3 =	vld [tilespmem:s14+$0x4070];
	[tilespmem:s14+$0xD8F0] =	vst v7  }
0x20a: {  	v4 =	vld [tilespmem:s14+$0x4C20];
	[tilespmem:s14+$0xD8C0] =	vst v0  }
0x20b: {  	v6 =	vld [tilespmem:s14+$0x5470];
	[tilespmem:s14+$0xE010] =	vst v1  }
0x20c: {  	v7 =	vld [tilespmem:s14+$0x6020];
	[tilespmem:s14+$0xD8D0] =	vst v5  }
0x20d: {  	v0 =	vld [tilespmem:s14+$0x4C30];
	[tilespmem:s14+$0xE020] =	vst v2  }
0x20e: {  	v1 =	vld [tilespmem:s14+$0x6090];
	[tilespmem:s14+$0xE030] =	vst v3  }
0x20f: {  	v5 =	vld [tilespmem:s14+$0x5460];
	[tilespmem:s14+$0xE040] =	vst v4  }
0x210: {  	v2 =	vld [tilespmem:s14+$0x38A0];
	[tilespmem:s14+$0xE070] =	vst v6  }
0x211: {  	v3 =	vld [tilespmem:s14+$0x38B0];
	[tilespmem:s14+$0xE400] =	vst v7  }
0x212: {  	v4 =	vld [tilespmem:s14+$0x40E0];
	[tilespmem:s14+$0xE050] =	vst v0  }
0x213: {  	v6 =	vld [tilespmem:s14+$0x4CB0];
	[tilespmem:s14+$0xDC90] =	vst v1  }
0x214: {  	v7 =	vld [tilespmem:s14+$0x54E0];
	[tilespmem:s14+$0xE060] =	vst v5  }
0x215: {  	v0 =	vld [tilespmem:s14+$0x40F0];
	[tilespmem:s14+$0xE080] =	vst v2  }
0x216: {  	v1 =	vld [tilespmem:s14+$0x3840];
	[tilespmem:s14+$0xE090] =	vst v3  }
0x217: {  	v5 =	vld [tilespmem:s14+$0x4CA0];
	[tilespmem:s14+$0xE0A0] =	vst v4  }
0x218: {  	v2 =	vld [tilespmem:s14+$0x3850];
	[tilespmem:s14+$0xE0D0] =	vst v6  }
0x219: {  	v3 =	vld [tilespmem:s14+$0x4400];
	[tilespmem:s14+$0xE0E0] =	vst v7  }
0x21a: {  	v4 =	vld [tilespmem:s14+$0x4410];
	[tilespmem:s14+$0xE0B0] =	vst v0  }
0x21b: {  	v6 =	vld [tilespmem:s14+$0x5800];
	[tilespmem:s14+$0xE800] =	vst v1  }
0x21c: {  	v7 =	vld [tilespmem:s14+$0x5810];
	[tilespmem:s14+$0xE0C0] =	vst v5  }
0x21d: {  	v0 =	vld [tilespmem:s14+$0x4C40];
	[tilespmem:s14+$0xE810] =	vst v2  }
0x21e: {  	v1 =	vld [tilespmem:s14+$0x60A0];
	[tilespmem:s14+$0xE820] =	vst v3  }
0x21f: {  	v5 =	vld [tilespmem:s14+$0x4C50];
	[tilespmem:s14+$0xE830] =	vst v4  }
0x220: {  	v2 =	vld [tilespmem:s14+$0x60B0];
	[tilespmem:s14+$0xE860] =	vst v6  }
0x221: {  	v3 =	vld [tilespmem:s14+$0x38C0];
	[tilespmem:s14+$0xE870] =	vst v7  }
0x222: {  	v4 =	vld [tilespmem:s14+$0x38D0];
	[tilespmem:s14+$0xE840] =	vst v0  }
0x223: {  	v6 =	vld [tilespmem:s14+$0x4CC0];
	[tilespmem:s14+$0xE480] =	vst v1  }
0x224: {  	v7 =	vld [tilespmem:s14+$0x4CD0];
	[tilespmem:s14+$0xE850] =	vst v5  }
0x225: {  	v0 =	vld [tilespmem:s14+$0x4480];
	[tilespmem:s14+$0xE490] =	vst v2  }
0x226: {  	v1 =	vld [tilespmem:s14+$0x6050];
	[tilespmem:s14+$0xE880] =	vst v3  }
0x227: {  	v5 =	vld [tilespmem:s14+$0x4490];
	[tilespmem:s14+$0xE890] =	vst v4  }
0x228: {  	v2 =	vld [tilespmem:s14+$0x3860];
	[tilespmem:s14+$0xE8C0] =	vst v6  }
0x229: {  	v3 =	vld [tilespmem:s14+$0x3870];
	[tilespmem:s14+$0xE8D0] =	vst v7  }
0x22a: {  	v4 =	vld [tilespmem:s14+$0x4420];
	[tilespmem:s14+$0xE8A0] =	vst v0  }
0x22b: {  	v6 =	vld [tilespmem:s14+$0x4C70];
	[tilespmem:s14+$0xEC10] =	vst v1  }
0x22c: {  	v7 =	vld [tilespmem:s14+$0x5820];
	[tilespmem:s14+$0xE8B0] =	vst v5  }
0x22d: {  	v0 =	vld [tilespmem:s14+$0x4430];
	[tilespmem:s14+$0xF000] =	vst v2  }
0x22e: {  	v1 =	vld [tilespmem:s14+$0x5890];
	[tilespmem:s14+$0xF010] =	vst v3  }
0x22f: {  	v5 =	vld [tilespmem:s14+$0x4C60];
	[tilespmem:s14+$0xF020] =	vst v4  }
0x230: {  	v2 =	vld [tilespmem:s14+$0x60C0];
	[tilespmem:s14+$0xF050] =	vst v6  }
0x231: {  	v3 =	vld [tilespmem:s14+$0x60D0];
	[tilespmem:s14+$0xF060] =	vst v7  }
0x232: {  	v4 =	vld [tilespmem:s14+$0x38E0];
	[tilespmem:s14+$0xF030] =	vst v0  }
0x233: {  	v6 =	vld [tilespmem:s14+$0x44B0];
	[tilespmem:s14+$0xE8F0] =	vst v1  }
0x234: {  	v7 =	vld [tilespmem:s14+$0x4CE0];
	[tilespmem:s14+$0xF040] =	vst v5  }
0x235: {  	v0 =	vld [tilespmem:s14+$0x38F0];
	[tilespmem:s14+$0xEC80] =	vst v2  }
0x236: {  	v1 =	vld [tilespmem:s14+$0x6060];
	[tilespmem:s14+$0xEC90] =	vst v3  }
0x237: {  	v5 =	vld [tilespmem:s14+$0x44A0];
	[tilespmem:s14+$0xF080] =	vst v4  }
0x238: {  	v2 =	vld [tilespmem:s14+$0x6070];
	[tilespmem:s14+$0xF0B0] =	vst v6  }
0x239: {  	v3 =	vld [tilespmem:s14+$0x3C00];
	[tilespmem:s14+$0xF0C0] =	vst v7  }
0x23a: {  	v4 =	vld [tilespmem:s14+$0x3C10];
	[tilespmem:s14+$0xF090] =	vst v0  }
0x23b: {  	v6 =	vld [tilespmem:s14+$0x5000];
	[tilespmem:s14+$0xF400] =	vst v1  }
0x23c: {  	v7 =	vld [tilespmem:s14+$0x5010];
	[tilespmem:s14+$0xF0A0] =	vst v5  }
0x23d: {  	v0 =	vld [tilespmem:s14+$0x4440];
	[tilespmem:s14+$0xF410] =	vst v2  }
0x23e: {  	v1 =	vld [tilespmem:s14+$0x58A0];
	[tilespmem:s14+$0xF800] =	vst v3  }
0x23f: {  	v5 =	vld [tilespmem:s14+$0x4450];
	[tilespmem:s14+$0xF810] =	vst v4  }
0x240: {  	v2 =	vld [tilespmem:s14+$0x58B0];
	[tilespmem:s14+$0xF840] =	vst v6  }
0x241: {  	v3 =	vld [tilespmem:s14+$0x60E0];
	[tilespmem:s14+$0xF850] =	vst v7  }
0x242: {  	v4 =	vld [tilespmem:s14+$0x60F0];
	[tilespmem:s14+$0xF820] =	vst v0  }
0x243: {  	v6 =	vld [tilespmem:s14+$0x44C0];
	[tilespmem:s14+$0xF0E0] =	vst v1  }
0x244: {  	v7 =	vld [tilespmem:s14+$0x44D0];
	[tilespmem:s14+$0xF830] =	vst v5  }
0x245: {  	v0 =	vld [tilespmem:s14+$0x3C80];
	[tilespmem:s14+$0xF0F0] =	vst v2  }
0x246: {  	v1 =	vld [tilespmem:s14+$0x5850];
	[tilespmem:s14+$0xF480] =	vst v3  }
0x247: {  	v5 =	vld [tilespmem:s14+$0x3C90];
	[tilespmem:s14+$0xF490] =	vst v4  }
0x248: {  	v2 =	vld [tilespmem:s14+$0x6400];
	[tilespmem:s14+$0xF8A0] =	vst v6  }
0x249: {  	v3 =	vld [tilespmem:s14+$0x6410];
	[tilespmem:s14+$0xF8B0] =	vst v7  }
0x24a: {  	v4 =	vld [tilespmem:s14+$0x3C20];
	[tilespmem:s14+$0xF880] =	vst v0  }
0x24b: {  	v6 =	vld [tilespmem:s14+$0x4470];
	[tilespmem:s14+$0xF870] =	vst v1  }
0x24c: {  	v7 =	vld [tilespmem:s14+$0x5020];
	[tilespmem:s14+$0xF890] =	vst v5  }
0x24d: {  	v0 =	vld [tilespmem:s14+$0x3C30];
	[tilespmem:s14+$0xFC00] =	vst v2  }
0x24e: {  	v1 =	vld [tilespmem:s14+$0x5090];
	[tilespmem:s14+$0xFC10] =	vst v3  }
0x24f: {  	v5 =	vld [tilespmem:s14+$0x4460];
	[tilespmem:s14+$0x10000] =	vst v4  }
0x250: {  	v2 =	vld [tilespmem:s14+$0x58C0];
	[tilespmem:s14+$0x10030] =	vst v6  }
0x251: {  	v3 =	vld [tilespmem:s14+$0x58D0];
	[tilespmem:s14+$0x10040] =	vst v7  }
0x252: {  	v4 =	vld [tilespmem:s14+$0x6480];
	[tilespmem:s14+$0x10010] =	vst v0  }
0x253: {  	v6 =	vld [tilespmem:s14+$0x3CB0];
	[tilespmem:s14+$0xF8D0] =	vst v1  }
0x254: {  	v7 =	vld [tilespmem:s14+$0x44E0];
	[tilespmem:s14+$0x10020] =	vst v5  }
0x255: {  	v1 =	vld [tilespmem:s14+$0x5860];
	[tilespmem:s14+$0xF8E0] =	vst v2  }
0x256: {  	v5 =	vld [tilespmem:s14+$0x3CA0];
	[tilespmem:s14+$0xF8F0] =	vst v3  }
0x257: {  	v2 =	vld [tilespmem:s14+$0x5870];
	[tilespmem:s14+$0xFC80] =	vst v4  }
0x258: {  	v3 =	vld [tilespmem:s14+$0x6420];
	[tilespmem:s14+$0x10090] =	vst v6  }
0x259: {  	v4 =	vld [tilespmem:s14+$0x6430];
	[tilespmem:s14+$0x100A0] =	vst v7  }
0x25a: {  	v0 =	vld [tilespmem:s14+$0x44F0];
	[tilespmem:s14+$0x10060] =	vst v1  }
0x25b: {  	v1 =	vld [tilespmem:s14+$0x50A0];
	[tilespmem:s14+$0x10080] =	vst v5  }
0x25c: {  	[tilespmem:s14+$0x10070] =	vst v2;
	v2 =	vld [tilespmem:s14+$0x50B0]  }
0x25d: {  	[tilespmem:s14+$0x10400] =	vst v3;
	v3 =	vld [tilespmem:s14+$0x58E0]  }
0x25e: {  	s17 =	simm.s32 $0x2;
	[tilespmem:s14+$0x10410] =	vst v4;
	v4 =	vld [tilespmem:s14+$0x58F0]  }
.LBB2_9:
0x25f: {  	s21 =	sshll.u32 s17, $0x7;
	p0 =	slt.u32 s17, $0x6;
	[tilespmem:s14+$0x100B0] =	vst v0;
	v0 =	vld [tilespmem:s14+$0x64A0]  }
0x260: {  	v5 =	vld [tilespmem:s21+$0x64B0];
	[tilespmem:s14+$0x100C0] =	vst v1  }
0x261: {  	v1 =	vld [tilespmem:s21+$0x3400];
	[tilespmem:s14+$0x100D0] =	vst v2  }
0x262: {  	v2 =	vld [tilespmem:s21+$0x3410];
	[tilespmem:s14+$0x100E0] =	vst v3  }
0x263: {  	v3 =	vld [tilespmem:s21+$0x3C40];
	[tilespmem:s14+$0x100F0] =	vst v4  }
0x264: {  	v4 =	vld [tilespmem:s21+$0x3C50];
	[tilespmem:s14+$0x10480] =	vst v0;
	s14 =	smov.u32 s21  }
0x265: {  	v0 =	vld [tilespmem:s14+$0x4800];
	[tilespmem:s14+$0x10490] =	vst v5  }
0x266: {  	[tilespmem:s14+$0xB800] =	vst v1;
	v1 =	vld [tilespmem:s14+$0x4810]  }
0x267: {  	[tilespmem:s14+$0xB810] =	vst v2;
	v2 =	vld [tilespmem:s14+$0x5040]  }
0x268: {  	[tilespmem:s14+$0xB820] =	vst v3;
	v3 =	vld [tilespmem:s14+$0x5050]  }
0x269: {  	[tilespmem:s14+$0xB830] =	vst v4;
	v4 =	vld [tilespmem:s14+$0x5C00]  }
0x26a: {  	[tilespmem:s14+$0xB840] =	vst v0;
	v0 =	vld [tilespmem:s14+$0x5C10]  }
0x26b: {  	[tilespmem:s14+$0xB850] =	vst v1;
	v1 =	vld [tilespmem:s14+$0x3420]  }
0x26c: {  	[tilespmem:s14+$0xB860] =	vst v2;
	v2 =	vld [tilespmem:s14+$0x3430]  }
0x26d: {  	[tilespmem:s14+$0xB870] =	vst v3;
	v3 =	vld [tilespmem:s14+$0x3C60]  }
0x26e: {  	[tilespmem:s14+$0xBC00] =	vst v4;
	v4 =	vld [tilespmem:s14+$0x3C70]  }
0x26f: {  	[tilespmem:s14+$0xBC10] =	vst v0;
	v0 =	vld [tilespmem:s14+$0x4820]  }
0x270: {  	[tilespmem:s14+$0xC000] =	vst v1;
	v1 =	vld [tilespmem:s14+$0x4830]  }
0x271: {  	[tilespmem:s14+$0xC010] =	vst v2;
	v2 =	vld [tilespmem:s14+$0x5060]  }
0x272: {  	[tilespmem:s14+$0xC020] =	vst v3;
	v3 =	vld [tilespmem:s14+$0x5070]  }
0x273: {  	[tilespmem:s14+$0xC030] =	vst v4;
	v4 =	vld [tilespmem:s14+$0x5C20]  }
0x274: {  	[tilespmem:s14+$0xC040] =	vst v0;
	v0 =	vld [tilespmem:s14+$0x5C30]  }
0x275: {  	[tilespmem:s14+$0xC050] =	vst v1;
	v1 =	vld [tilespmem:s14+$0x3440]  }
0x276: {  	[tilespmem:s14+$0xC060] =	vst v2;
	v2 =	vld [tilespmem:s14+$0x3450]  }
0x277: {  	[tilespmem:s14+$0xC070] =	vst v3;
	v3 =	vld [tilespmem:s14+$0x4000]  }
0x278: {  	[tilespmem:s14+$0xC400] =	vst v4;
	v4 =	vld [tilespmem:s14+$0x4010]  }
0x279: {  	[tilespmem:s14+$0xC410] =	vst v0;
	v0 =	vld [tilespmem:s14+$0x4840]  }
0x27a: {  	[tilespmem:s14+$0xC800] =	vst v1;
	v1 =	vld [tilespmem:s14+$0x4850]  }
0x27b: {  	[tilespmem:s14+$0xC810] =	vst v2;
	v2 =	vld [tilespmem:s14+$0x5400]  }
0x27c: {  	[tilespmem:s14+$0xC820] =	vst v3;
	v3 =	vld [tilespmem:s14+$0x5410]  }
0x27d: {  	[tilespmem:s14+$0xC830] =	vst v4;
	v4 =	vld [tilespmem:s14+$0x5C40]  }
0x27e: {  	[tilespmem:s14+$0xC840] =	vst v0;
	v0 =	vld [tilespmem:s14+$0x5C50]  }
0x27f: {  	[tilespmem:s14+$0xC850] =	vst v1;
	v1 =	vld [tilespmem:s14+$0x3460]  }
0x280: {  	[tilespmem:s14+$0xC860] =	vst v2;
	v2 =	vld [tilespmem:s14+$0x3470]  }
0x281: {  	[tilespmem:s14+$0xC870] =	vst v3;
	v3 =	vld [tilespmem:s14+$0x4020]  }
0x282: {  	[tilespmem:s14+$0xCC00] =	vst v4;
	v4 =	vld [tilespmem:s14+$0x4030]  }
0x283: {  	[tilespmem:s14+$0xCC10] =	vst v0;
	v0 =	vld [tilespmem:s14+$0x4860]  }
0x284: {  	[tilespmem:s14+$0xD000] =	vst v1;
	v1 =	vld [tilespmem:s14+$0x4870]  }
0x285: {  	[tilespmem:s14+$0xD010] =	vst v2;
	v2 =	vld [tilespmem:s14+$0x5420]  }
0x286: {  	[tilespmem:s14+$0xD020] =	vst v3;
	v3 =	vld [tilespmem:s14+$0x5430]  }
0x287: {  	[tilespmem:s14+$0xD030] =	vst v4;
	v4 =	vld [tilespmem:s14+$0x5C60]  }
0x288: {  	[tilespmem:s14+$0xD040] =	vst v0;
	v0 =	vld [tilespmem:s14+$0x5C70]  }
0x289: {  	[tilespmem:s14+$0xD050] =	vst v1;
	v1 =	vld [tilespmem:s14+$0x3800]  }
0x28a: {  	[tilespmem:s14+$0xD060] =	vst v2;
	v2 =	vld [tilespmem:s14+$0x3810]  }
0x28b: {  	[tilespmem:s14+$0xD070] =	vst v3;
	v3 =	vld [tilespmem:s14+$0x4040]  }
0x28c: {  	[tilespmem:s14+$0xD400] =	vst v4;
	v4 =	vld [tilespmem:s14+$0x4050]  }
0x28d: {  	[tilespmem:s14+$0xD410] =	vst v0;
	v0 =	vld [tilespmem:s14+$0x4C00]  }
0x28e: {  	[tilespmem:s14+$0xD800] =	vst v1;
	v1 =	vld [tilespmem:s14+$0x4C10]  }
0x28f: {  	[tilespmem:s14+$0xD810] =	vst v2;
	v2 =	vld [tilespmem:s14+$0x5440]  }
0x290: {  	[tilespmem:s14+$0xD820] =	vst v3;
	v3 =	vld [tilespmem:s14+$0x5450]  }
0x291: {  	[tilespmem:s14+$0xD830] =	vst v4;
	v4 =	vld [tilespmem:s14+$0x6000]  }
0x292: {  	[tilespmem:s14+$0xD840] =	vst v0;
	v0 =	vld [tilespmem:s14+$0x6010]  }
0x293: {  	[tilespmem:s14+$0xD850] =	vst v1;
	v1 =	vld [tilespmem:s14+$0x3820]  }
0x294: {  	[tilespmem:s14+$0xD860] =	vst v2;
	v2 =	vld [tilespmem:s14+$0x3830]  }
0x295: {  	[tilespmem:s14+$0xD870] =	vst v3;
	v3 =	vld [tilespmem:s14+$0x4060]  }
0x296: {  	[tilespmem:s14+$0xDC00] =	vst v4;
	v4 =	vld [tilespmem:s14+$0x4070]  }
0x297: {  	[tilespmem:s14+$0xDC10] =	vst v0;
	v0 =	vld [tilespmem:s14+$0x4C20]  }
0x298: {  	[tilespmem:s14+$0xE000] =	vst v1;
	v1 =	vld [tilespmem:s14+$0x4C30]  }
0x299: {  	[tilespmem:s14+$0xE010] =	vst v2;
	v2 =	vld [tilespmem:s14+$0x5460]  }
0x29a: {  	[tilespmem:s14+$0xE020] =	vst v3;
	v3 =	vld [tilespmem:s14+$0x5470]  }
0x29b: {  	[tilespmem:s14+$0xE030] =	vst v4;
	v4 =	vld [tilespmem:s14+$0x6020]  }
0x29c: {  	[tilespmem:s14+$0xE040] =	vst v0;
	v0 =	vld [tilespmem:s14+$0x6030]  }
0x29d: {  	[tilespmem:s14+$0xE050] =	vst v1;
	v1 =	vld [tilespmem:s14+$0x3840]  }
0x29e: {  	[tilespmem:s14+$0xE060] =	vst v2;
	v2 =	vld [tilespmem:s14+$0x3850]  }
0x29f: {  	[tilespmem:s14+$0xE070] =	vst v3;
	v3 =	vld [tilespmem:s14+$0x4400]  }
0x2a0: {  	[tilespmem:s14+$0xE400] =	vst v4;
	v4 =	vld [tilespmem:s14+$0x4410]  }
0x2a1: {  	[tilespmem:s14+$0xE410] =	vst v0;
	v0 =	vld [tilespmem:s14+$0x4C40]  }
0x2a2: {  	[tilespmem:s14+$0xE800] =	vst v1;
	v1 =	vld [tilespmem:s14+$0x4C50]  }
0x2a3: {  	[tilespmem:s14+$0xE810] =	vst v2;
	v2 =	vld [tilespmem:s14+$0x5800]  }
0x2a4: {  	[tilespmem:s14+$0xE820] =	vst v3;
	v3 =	vld [tilespmem:s14+$0x5810]  }
0x2a5: {  	[tilespmem:s14+$0xE830] =	vst v4;
	v4 =	vld [tilespmem:s14+$0x6040]  }
0x2a6: {  	[tilespmem:s14+$0xE840] =	vst v0;
	v0 =	vld [tilespmem:s14+$0x6050]  }
0x2a7: {  	[tilespmem:s14+$0xE850] =	vst v1;
	v1 =	vld [tilespmem:s14+$0x3860]  }
0x2a8: {  	[tilespmem:s14+$0xE860] =	vst v2;
	v2 =	vld [tilespmem:s14+$0x3870]  }
0x2a9: {  	[tilespmem:s14+$0xE870] =	vst v3;
	v3 =	vld [tilespmem:s14+$0x4420]  }
0x2aa: {  	[tilespmem:s14+$0xEC00] =	vst v4;
	v4 =	vld [tilespmem:s14+$0x4430]  }
0x2ab: {  	[tilespmem:s14+$0xEC10] =	vst v0;
	v0 =	vld [tilespmem:s14+$0x4C60]  }
0x2ac: {  	[tilespmem:s14+$0xF000] =	vst v1;
	v1 =	vld [tilespmem:s14+$0x4C70]  }
0x2ad: {  	[tilespmem:s14+$0xF010] =	vst v2;
	v2 =	vld [tilespmem:s14+$0x5820]  }
0x2ae: {  	[tilespmem:s14+$0xF020] =	vst v3;
	v3 =	vld [tilespmem:s14+$0x5830]  }
0x2af: {  	[tilespmem:s14+$0xF030] =	vst v4;
	v4 =	vld [tilespmem:s14+$0x6060]  }
0x2b0: {  	[tilespmem:s14+$0xF040] =	vst v0;
	v0 =	vld [tilespmem:s14+$0x6070]  }
0x2b1: {  	[tilespmem:s14+$0xF050] =	vst v1;
	v1 =	vld [tilespmem:s14+$0x3C00]  }
0x2b2: {  	[tilespmem:s14+$0xF060] =	vst v2;
	v2 =	vld [tilespmem:s14+$0x3C10]  }
0x2b3: {  	[tilespmem:s14+$0xF070] =	vst v3;
	v3 =	vld [tilespmem:s14+$0x4440]  }
0x2b4: {  	[tilespmem:s14+$0xF400] =	vst v4;
	v4 =	vld [tilespmem:s14+$0x4450]  }
0x2b5: {  	[tilespmem:s14+$0xF410] =	vst v0;
	v0 =	vld [tilespmem:s14+$0x5000]  }
0x2b6: {  	[tilespmem:s14+$0xF800] =	vst v1;
	v1 =	vld [tilespmem:s14+$0x5010]  }
0x2b7: {  	[tilespmem:s14+$0xF810] =	vst v2;
	v2 =	vld [tilespmem:s14+$0x5840]  }
0x2b8: {  	[tilespmem:s14+$0xF820] =	vst v3;
	v3 =	vld [tilespmem:s14+$0x5850]  }
0x2b9: {  	[tilespmem:s14+$0xF830] =	vst v4;
	v4 =	vld [tilespmem:s14+$0x6400]  }
0x2ba: {  	[tilespmem:s14+$0xF840] =	vst v0;
	v0 =	vld [tilespmem:s14+$0x6410]  }
0x2bb: {  	[tilespmem:s14+$0xF850] =	vst v1;
	v1 =	vld [tilespmem:s14+$0x3C20]  }
0x2bc: {  	[tilespmem:s14+$0xF860] =	vst v2;
	v2 =	vld [tilespmem:s14+$0x3C30]  }
0x2bd: {  	[tilespmem:s14+$0xF870] =	vst v3;
	v3 =	vld [tilespmem:s14+$0x4460]  }
0x2be: {  	[tilespmem:s14+$0xFC00] =	vst v4;
	v4 =	vld [tilespmem:s14+$0x4470]  }
0x2bf: {  	[tilespmem:s14+$0xFC10] =	vst v0;
	v0 =	vld [tilespmem:s14+$0x5020]  }
0x2c0: {  	[tilespmem:s14+$0x10000] =	vst v1;
	v1 =	vld [tilespmem:s14+$0x5030]  }
0x2c1: {  	[tilespmem:s14+$0x10010] =	vst v2;
	v2 =	vld [tilespmem:s14+$0x5860]  }
0x2c2: {  	[tilespmem:s14+$0x10020] =	vst v3;
	v3 =	vld [tilespmem:s14+$0x5870]  }
0x2c3: {  	[tilespmem:s14+$0x10030] =	vst v4;
	v4 =	vld [tilespmem:s14+$0x6420]  }
0x2c4: {  	[tilespmem:s14+$0x10040] =	vst v0;
	v0 =	vld [tilespmem:s14+$0x6430]  }
0x2c5: {  	[tilespmem:s14+$0x10050] =	vst v1;
	v1 =	vld [tilespmem:s14+$0x3480]  }
0x2c6: {  	[tilespmem:s14+$0x10060] =	vst v2;
	v2 =	vld [tilespmem:s14+$0x3490]  }
0x2c7: {  	[tilespmem:s14+$0x10070] =	vst v3;
	v3 =	vld [tilespmem:s14+$0x3CC0]  }
0x2c8: {  	[tilespmem:s14+$0x10400] =	vst v4;
	v4 =	vld [tilespmem:s14+$0x3CD0]  }
0x2c9: {  	[tilespmem:s14+$0x10410] =	vst v0;
	v0 =	vld [tilespmem:s14+$0x4880]  }
0x2ca: {  	[tilespmem:s14+$0xB880] =	vst v1;
	v1 =	vld [tilespmem:s14+$0x4890]  }
0x2cb: {  	[tilespmem:s14+$0xB890] =	vst v2;
	v2 =	vld [tilespmem:s14+$0x50C0]  }
0x2cc: {  	[tilespmem:s14+$0xB8A0] =	vst v3;
	v3 =	vld [tilespmem:s14+$0x50D0]  }
0x2cd: {  	[tilespmem:s14+$0xB8B0] =	vst v4;
	v4 =	vld [tilespmem:s14+$0x5C80]  }
0x2ce: {  	[tilespmem:s14+$0xB8C0] =	vst v0;
	v0 =	vld [tilespmem:s14+$0x5C90]  }
0x2cf: {  	[tilespmem:s14+$0xB8D0] =	vst v1;
	v1 =	vld [tilespmem:s14+$0x34A0]  }
0x2d0: {  	[tilespmem:s14+$0xB8E0] =	vst v2;
	v2 =	vld [tilespmem:s14+$0x34B0]  }
0x2d1: {  	[tilespmem:s14+$0xB8F0] =	vst v3;
	v3 =	vld [tilespmem:s14+$0x3CE0]  }
0x2d2: {  	[tilespmem:s14+$0xBC80] =	vst v4;
	v4 =	vld [tilespmem:s14+$0x3CF0]  }
0x2d3: {  	[tilespmem:s14+$0xBC90] =	vst v0;
	v0 =	vld [tilespmem:s14+$0x48A0]  }
0x2d4: {  	[tilespmem:s14+$0xC080] =	vst v1;
	v1 =	vld [tilespmem:s14+$0x48B0]  }
0x2d5: {  	[tilespmem:s14+$0xC090] =	vst v2;
	v2 =	vld [tilespmem:s14+$0x50E0]  }
0x2d6: {  	[tilespmem:s14+$0xC0A0] =	vst v3;
	v3 =	vld [tilespmem:s14+$0x50F0]  }
0x2d7: {  	[tilespmem:s14+$0xC0B0] =	vst v4;
	v4 =	vld [tilespmem:s14+$0x5CA0]  }
0x2d8: {  	[tilespmem:s14+$0xC0C0] =	vst v0;
	v0 =	vld [tilespmem:s14+$0x5CB0]  }
0x2d9: {  	[tilespmem:s14+$0xC0D0] =	vst v1;
	v1 =	vld [tilespmem:s14+$0x34C0]  }
0x2da: {  	[tilespmem:s14+$0xC0E0] =	vst v2;
	v2 =	vld [tilespmem:s14+$0x34D0]  }
0x2db: {  	[tilespmem:s14+$0xC0F0] =	vst v3;
	v3 =	vld [tilespmem:s14+$0x4080]  }
0x2dc: {  	[tilespmem:s14+$0xC480] =	vst v4;
	v4 =	vld [tilespmem:s14+$0x4090]  }
0x2dd: {  	[tilespmem:s14+$0xC490] =	vst v0;
	v0 =	vld [tilespmem:s14+$0x48C0]  }
0x2de: {  	[tilespmem:s14+$0xC880] =	vst v1;
	v1 =	vld [tilespmem:s14+$0x48D0]  }
0x2df: {  	[tilespmem:s14+$0xC890] =	vst v2;
	v2 =	vld [tilespmem:s14+$0x5480]  }
0x2e0: {  	[tilespmem:s14+$0xC8A0] =	vst v3;
	v3 =	vld [tilespmem:s14+$0x5490]  }
0x2e1: {  	[tilespmem:s14+$0xC8B0] =	vst v4;
	v4 =	vld [tilespmem:s14+$0x5CC0]  }
0x2e2: {  	[tilespmem:s14+$0xC8C0] =	vst v0;
	v0 =	vld [tilespmem:s14+$0x5CD0]  }
0x2e3: {  	[tilespmem:s14+$0xC8D0] =	vst v1;
	v1 =	vld [tilespmem:s14+$0x34E0]  }
0x2e4: {  	[tilespmem:s14+$0xC8E0] =	vst v2;
	v2 =	vld [tilespmem:s14+$0x34F0]  }
0x2e5: {  	[tilespmem:s14+$0xC8F0] =	vst v3;
	v3 =	vld [tilespmem:s14+$0x40A0]  }
0x2e6: {  	[tilespmem:s14+$0xCC80] =	vst v4;
	v4 =	vld [tilespmem:s14+$0x40B0]  }
0x2e7: {  	[tilespmem:s14+$0xCC90] =	vst v0;
	v0 =	vld [tilespmem:s14+$0x48E0]  }
0x2e8: {  	[tilespmem:s14+$0xD080] =	vst v1;
	v1 =	vld [tilespmem:s14+$0x48F0]  }
0x2e9: {  	[tilespmem:s14+$0xD090] =	vst v2;
	v2 =	vld [tilespmem:s14+$0x54A0]  }
0x2ea: {  	[tilespmem:s14+$0xD0A0] =	vst v3;
	v3 =	vld [tilespmem:s14+$0x54B0]  }
0x2eb: {  	[tilespmem:s14+$0xD0B0] =	vst v4;
	v4 =	vld [tilespmem:s14+$0x5CE0]  }
0x2ec: {  	[tilespmem:s14+$0xD0C0] =	vst v0;
	v0 =	vld [tilespmem:s14+$0x5CF0]  }
0x2ed: {  	[tilespmem:s14+$0xD0D0] =	vst v1;
	v1 =	vld [tilespmem:s14+$0x3880]  }
0x2ee: {  	[tilespmem:s14+$0xD0E0] =	vst v2;
	v2 =	vld [tilespmem:s14+$0x3890]  }
0x2ef: {  	[tilespmem:s14+$0xD0F0] =	vst v3;
	v3 =	vld [tilespmem:s14+$0x40C0]  }
0x2f0: {  	[tilespmem:s14+$0xD480] =	vst v4;
	v4 =	vld [tilespmem:s14+$0x40D0]  }
0x2f1: {  	[tilespmem:s14+$0xD490] =	vst v0;
	v0 =	vld [tilespmem:s14+$0x4C80]  }
0x2f2: {  	[tilespmem:s14+$0xD880] =	vst v1;
	v1 =	vld [tilespmem:s14+$0x4C90]  }
0x2f3: {  	[tilespmem:s14+$0xD890] =	vst v2;
	v2 =	vld [tilespmem:s14+$0x54C0]  }
0x2f4: {  	[tilespmem:s14+$0xD8A0] =	vst v3;
	v3 =	vld [tilespmem:s14+$0x54D0]  }
0x2f5: {  	[tilespmem:s14+$0xD8B0] =	vst v4;
	v4 =	vld [tilespmem:s14+$0x6080]  }
0x2f6: {  	[tilespmem:s14+$0xD8C0] =	vst v0;
	v0 =	vld [tilespmem:s14+$0x6090]  }
0x2f7: {  	[tilespmem:s14+$0xD8D0] =	vst v1;
	v1 =	vld [tilespmem:s14+$0x38A0]  }
0x2f8: {  	[tilespmem:s14+$0xD8E0] =	vst v2;
	v2 =	vld [tilespmem:s14+$0x38B0]  }
0x2f9: {  	[tilespmem:s14+$0xD8F0] =	vst v3;
	v3 =	vld [tilespmem:s14+$0x40E0]  }
0x2fa: {  	[tilespmem:s14+$0xDC80] =	vst v4;
	v4 =	vld [tilespmem:s14+$0x40F0]  }
0x2fb: {  	[tilespmem:s14+$0xDC90] =	vst v0;
	v0 =	vld [tilespmem:s14+$0x4CA0]  }
0x2fc: {  	[tilespmem:s14+$0xE080] =	vst v1;
	v1 =	vld [tilespmem:s14+$0x4CB0]  }
0x2fd: {  	[tilespmem:s14+$0xE090] =	vst v2;
	v2 =	vld [tilespmem:s14+$0x54E0]  }
0x2fe: {  	[tilespmem:s14+$0xE0A0] =	vst v3;
	v3 =	vld [tilespmem:s14+$0x54F0]  }
0x2ff: {  	[tilespmem:s14+$0xE0B0] =	vst v4;
	v4 =	vld [tilespmem:s14+$0x60A0]  }
0x300: {  	[tilespmem:s14+$0xE0C0] =	vst v0;
	v0 =	vld [tilespmem:s14+$0x60B0]  }
0x301: {  	[tilespmem:s14+$0xE0D0] =	vst v1;
	v1 =	vld [tilespmem:s14+$0x38C0]  }
0x302: {  	[tilespmem:s14+$0xE0E0] =	vst v2;
	v2 =	vld [tilespmem:s14+$0x38D0]  }
0x303: {  	[tilespmem:s14+$0xE0F0] =	vst v3;
	v3 =	vld [tilespmem:s14+$0x4480]  }
0x304: {  	[tilespmem:s14+$0xE480] =	vst v4;
	v4 =	vld [tilespmem:s14+$0x4490]  }
0x305: {  	[tilespmem:s14+$0xE490] =	vst v0;
	v0 =	vld [tilespmem:s14+$0x4CC0]  }
0x306: {  	[tilespmem:s14+$0xE880] =	vst v1;
	v1 =	vld [tilespmem:s14+$0x4CD0]  }
0x307: {  	[tilespmem:s14+$0xE890] =	vst v2;
	v2 =	vld [tilespmem:s14+$0x5880]  }
0x308: {  	[tilespmem:s14+$0xE8A0] =	vst v3;
	v3 =	vld [tilespmem:s14+$0x5890]  }
0x309: {  	[tilespmem:s14+$0xE8B0] =	vst v4;
	v4 =	vld [tilespmem:s14+$0x60C0]  }
0x30a: {  	[tilespmem:s14+$0xE8C0] =	vst v0;
	v0 =	vld [tilespmem:s14+$0x60D0]  }
0x30b: {  	[tilespmem:s14+$0xE8D0] =	vst v1;
	v1 =	vld [tilespmem:s14+$0x38E0]  }
0x30c: {  	[tilespmem:s14+$0xE8E0] =	vst v2;
	v2 =	vld [tilespmem:s14+$0x38F0]  }
0x30d: {  	[tilespmem:s14+$0xE8F0] =	vst v3;
	v3 =	vld [tilespmem:s14+$0x44A0]  }
0x30e: {  	[tilespmem:s14+$0xEC80] =	vst v4;
	v4 =	vld [tilespmem:s14+$0x44B0]  }
0x30f: {  	[tilespmem:s14+$0xEC90] =	vst v0;
	v0 =	vld [tilespmem:s14+$0x4CE0]  }
0x310: {  	[tilespmem:s14+$0xF080] =	vst v1;
	v1 =	vld [tilespmem:s14+$0x4CF0]  }
0x311: {  	[tilespmem:s14+$0xF090] =	vst v2;
	v2 =	vld [tilespmem:s14+$0x58A0]  }
0x312: {  	[tilespmem:s14+$0xF0A0] =	vst v3;
	v3 =	vld [tilespmem:s14+$0x58B0]  }
0x313: {  	[tilespmem:s14+$0xF0B0] =	vst v4;
	v4 =	vld [tilespmem:s14+$0x60E0]  }
0x314: {  	[tilespmem:s14+$0xF0C0] =	vst v0;
	v0 =	vld [tilespmem:s14+$0x60F0]  }
0x315: {  	[tilespmem:s14+$0xF0D0] =	vst v1;
	v1 =	vld [tilespmem:s14+$0x3C80]  }
0x316: {  	[tilespmem:s14+$0xF0E0] =	vst v2;
	v2 =	vld [tilespmem:s14+$0x3C90]  }
0x317: {  	[tilespmem:s14+$0xF0F0] =	vst v3;
	v3 =	vld [tilespmem:s14+$0x44C0]  }
0x318: {  	[tilespmem:s14+$0xF480] =	vst v4;
	v4 =	vld [tilespmem:s14+$0x44D0]  }
0x319: {  	[tilespmem:s14+$0xF490] =	vst v0;
	v0 =	vld [tilespmem:s14+$0x5080]  }
0x31a: {  	[tilespmem:s14+$0xF880] =	vst v1;
	v1 =	vld [tilespmem:s14+$0x5090]  }
0x31b: {  	[tilespmem:s14+$0xF890] =	vst v2;
	v2 =	vld [tilespmem:s14+$0x58C0]  }
0x31c: {  	[tilespmem:s14+$0xF8A0] =	vst v3;
	v3 =	vld [tilespmem:s14+$0x58D0]  }
0x31d: {  	[tilespmem:s14+$0xF8B0] =	vst v4;
	v4 =	vld [tilespmem:s14+$0x6480]  }
0x31e: {  	[tilespmem:s14+$0xF8C0] =	vst v0;
	v5 =	vld [tilespmem:s14+$0x6490]  }
0x31f: {  	[tilespmem:s14+$0xF8D0] =	vst v1;
	v6 =	vld [tilespmem:s14+$0x3CA0]  }
0x320: {  	[tilespmem:s14+$0xF8E0] =	vst v2;
	v7 =	vld [tilespmem:s14+$0x3CB0]  }
0x321: {  	[tilespmem:s14+$0xF8F0] =	vst v3;
	v8 =	vld [tilespmem:s14+$0x44E0]  }
.Ltmp6:
0x322: {  	[tilespmem:s14+$0xFC80] =	vst v4;
	v0 =	vld [tilespmem:s14+$0x44F0];
	(pc) =	sbr.rel @p0 .LBB2_9-.Ltmp6, $4  }
0x323: {  	[tilespmem:s14+$0xFC90] =	vst v5;
	v1 =	vld [tilespmem:s14+$0x50A0]  }
0x324: {  	[tilespmem:s14+$0x10080] =	vst v6;
	v2 =	vld [tilespmem:s14+$0x50B0]  }
0x325: {  	[tilespmem:s14+$0x10090] =	vst v7;
	v3 =	vld [tilespmem:s14+$0x58E0]  }
0x326: {  	s17 =	sadd.s32 $0x2, s17;
	[tilespmem:s14+$0x100A0] =	vst v8;
	v4 =	vld [tilespmem:s14+$0x58F0]  }
0x327: {  	[tilespmem:s14+$0x100B0] =	vst v0;
	v63 =	vld [tilespmem:s14+$0x64A0]  }
0x328: {  	[tilespmem:s14+$0x100C0] =	vst v1  }
0x329: {  	[tilespmem:s14+$0x100D0] =	vst v2  }
0x32a: {  	[tilespmem:s14+$0x100E0] =	vst v3  }
0x32b: {  	s2 =	sadd.s32 s20, s2;
	[tilespmem:s14+$0x100F0] =	vst v4  }
0x32c: {  	s17 =	simm.s32 $0xB800;
	s21 =	sadd.s32 s4, s2;
	[tilespmem:s14+$0x10480] =	vst v63  }
0x32d: {  	[hbm4b:s21+s3] =	stream.linear.scatter [tilespmem:s17], [sflag:$0x4], $0x800, $0x38;
	[tilespmem:$0x10800] =	vst v63  }
0x32e: {  	s17 =	sadd.s32 s9, s2;
	s21 =	simm.s32 $0xC000  }
0x32f: {  	[hbm4b:s17+s3] =	stream.linear.scatter [tilespmem:s21], [sflag:$0x4], $0x800, $0x38;
	[tilespmem:$0x10800] =	vst v63  }
0x330: {  	s17 =	sadd.s32 s5, s2;
	s21 =	simm.s32 $0xC800  }
0x331: {  	[hbm4b:s17+s3] =	stream.linear.scatter [tilespmem:s21], [sflag:$0x4], $0x800, $0x38;
	[tilespmem:$0x10800] =	vst v63  }
0x332: {  	s17 =	sadd.s32 s6, s2  }
0x333: {  	[hbm4b:s17+s3] =	stream.linear.scatter [tilespmem:s23], [sflag:$0x4], $0x800, $0x38;
	[tilespmem:$0x10800] =	vst v63  }
0x334: {  	s21 =	sadd.s32 s7, s2  }
0x335: {  	[hbm4b:s21+s3] =	stream.linear.scatter [tilespmem:s24], [sflag:$0x4], $0x800, $0x38;
	[tilespmem:$0x10800] =	vst v63  }
0x336: {  	s17 =	sadd.s32 s8, s2  }
0x337: {  	[hbm4b:s17+s3] =	stream.linear.scatter [tilespmem:s25], [sflag:$0x4], $0x800, $0x38;
	[tilespmem:$0x10800] =	vst v63  }
0x338: {  	s21 =	sadd.s32 s10, s2  }
0x339: {  	[hbm4b:s21+s3] =	stream.linear.scatter [tilespmem:s26], [sflag:$0x4], $0x800, $0x38;
	[tilespmem:$0x10800] =	vst v63  }
0x33a: {  	p0 =	seq.s32 s31, $0x1F;
	s17 =	sadd.s32 s11, s2  }
0x33b: {  	[hbm4b:s17+s3] =	stream.linear.scatter [tilespmem:s28], [sflag:$0x4], $0x800, $0x38;
	[tilespmem:$0x10800] =	vst v63  }
.Ltmp7:
0x33c: {  	_ = 	snop;
	(pc) =	sbr.rel @p0 .LBB2_12-.Ltmp7, $4  }
0x33d: {  	s21 =	sadd.s32 s12, s2  }
0x33e: {  	[hbm4b:s21+s3] =	stream.linear.scatter [tilespmem:s29], [sflag:$0x4], $0x800, $0x38;
	[tilespmem:$0x10800] =	vst v63  }
0x33f: {  	s2 =	sadd.s32 s13, s2  }
0x340: {  	[hbm4b:s2+s3] =	stream.linear.scatter [tilespmem:s30], [sflag:$0x4], $0x800, $0x38;
	[tilespmem:$0x10800] =	vst v63  }
.Ltmp8:
0x341: {  	s0 =	sadd.s32 s0, s18;
	(pc) =	sbr.rel .LBB2_2-.Ltmp8, $3  }
0x342: {  	s0 =	smul.u32 $0xC80, s0;
	_ =	sdelay $0x1  }
0x343: {  	s2 =	simm.s32 $0x3400;
	s31 =	sadd.s32 $0x1, s31;
	s0 =	sadd.s32 s1, s0  }
0x344: {  	[tilespmem:s2], [sflag:$0x2] =	stream.linear.gather [hbm4b:s0+s3], $0x3400, $0x38;
	[tilespmem:$0x10800] =	vst v63  }
.LBB2_13:
0x345: {  	_ =	sfence.sel $0x180000  }
0x346: {  	[bflag:$0x0] =	sbarrier.arrive $0xFFFF  }
0x347: {  	_ =	strace $0x90000047  }
0x348: {  	s0 =	stileid.u32;
	[bflag:$0x2] =	sbarrier.arrive $0xFFFF  }
0x349: {  	p0 =	sne.s32 s0, $0x0;
	s0 =	rddreg [dreg:$0x2]  }
0x34a: {  	s0 =	sadd.s32 @!p0 $0x100000, s0  }
0x34b: {  	[sflag:s0] =	ssyncadd.tile.s32 @!p0 $0x1;
	_ =	shalt  }
.Lfunc_end2:
_tile_overlayer_lowered:
.L_overlay_start_2:
0x34c: {  	(tag) =	ssettag $0x2  }
0x34d: {  	s0 =	rddreg [dreg:$0x0];
	s2 =	stileid.u32  }
0x34e: {  	s1 =	rddreg [dreg:$0x1];
	p0 =	sne.s32 s2, $0x0  }
0x34f: {  	s3 =	rddreg [dreg:$0x2];
	[bflag:$0x3] =	sbarrier.arrive $0xFFFF;
	s2 =	simm.s32 @!p0 $0x1C05  }
0x350: {  	[timem:s3], [sflag:s2] =	dma.local @!p0 [hbm:s0], s1  }
0x351: {  	s0 =	simm.s32 @!p0 $0x5  }
0x352: {  	_ =	swait.ge @!p0 [sflag:s0], s1  }
0x353: {  	s1 =	ssub.s32 @!p0 $0x0, s1;
	[sflag:s0] =	ssyncset.done @!p0 $0x0  }
0x354: {  	[sflag:s0] =	ssyncadd.s32 @!p0 s1  }
0x355: {  	[bflag:$0x3] =	sbarrier.arrive $0xFFFF  }
0x356: {  	_ =	shalt  }

</sc_bundles>
